<compile_context>
chip_gen: v7x
topology: tpu7x:2x2x1
jax: 0.10.2.dev20260603
libtpu: 0.0.44.dev20260713+nightly
codegen_flags: <defaults>
</compile_context>

<pallas_src>
import functools

import jax
import jax.numpy as jnp
from jax import lax
from jax.experimental import pallas as pl
from jax.experimental.pallas import tpu as pltpu
from jax.experimental.pallas import tpu_sc as plsc

N = 10000
E = 160000
H = 256
G = 64
P = 32
MAX_Z = 101
NBT = 5
L = 2

NP = 10240
NB = NP // 256
HH = H // 2
NSUB = 16
EPC = 128
CHUNKS = 80
EPAD = NSUB * CHUNKS * EPC
RPS = NP // NSUB
DUMMY_DST = N + 128

_HIGH = lax.Precision.HIGHEST


def _dot(a, b):
  return jnp.dot(a, b, preferred_element_type=jnp.float32)


def _dot_t(a, b):
  return lax.dot_general(a, b, (((0,), (0,)), ((), ())),
                         preferred_element_type=jnp.float32, precision=_HIGH)




def _ytab_part(nh, be, w, b, y0_ref, y1_ref):
  e5 = _dot(be, w) + b[0:1]
  for t in range(NBT):
    y = jax.nn.relu(nh + e5[t:t + 1])
    y0_ref[t] = y[:, :HH]
    y1_ref[t] = y[:, HH:]


def _mlp_part(nh_ref, a0_ref, a1_ref, w1_ref, b1_ref, w2_ref, b2_ref, g_ref,
              lb_ref):
  ag = jnp.concatenate([a0_ref[...], a1_ref[...]], axis=-1)
  h = nh_ref[...] + ag
  t1 = jax.nn.relu(_dot(h, w1_ref[...]) + b1_ref[0:1])
  t2 = _dot(t1, w2_ref[...]) + b2_ref[0:1]
  mu = jnp.mean(t2, axis=-1, keepdims=True)
  var = jnp.mean((t2 - mu) ** 2, axis=-1, keepdims=True)
  hn = (t2 - mu) / jnp.sqrt(var + 1e-5) * g_ref[0:1] + lb_ref[0:1]
  return jax.nn.relu(hn)


_YTAB_SPECS = [
    pl.BlockSpec((8, H), lambda i: (0, 0)),
    pl.BlockSpec((H, H), lambda i: (0, 0)),
    pl.BlockSpec((8, H), lambda i: (0, 0)),
]
_YTAB_OUT_SPECS = [
    pl.BlockSpec((NBT, 256, HH), lambda i: (0, i, 0)),
    pl.BlockSpec((NBT, 256, HH), lambda i: (0, i, 0)),
]
_YTAB_OUT_SHAPES = [
    jax.ShapeDtypeStruct((NBT, NP, HH), jnp.float32),
    jax.ShapeDtypeStruct((NBT, NP, HH), jnp.float32),
]


def _inityt_body(z_ref, x_ref, ae_ref, wx_ref, bx_ref, be_ref, w_ref, b_ref,
                 nh_ref, y0_ref, y1_ref):
  ohT = (lax.broadcasted_iota(jnp.int32, (128, 256), 0)
         == z_ref[0]).astype(jnp.float32)
  nh = _dot_t(ohT, ae_ref[...]) + _dot(x_ref[...], wx_ref[...]) + bx_ref[0:1]
  nh = jax.nn.relu(nh)
  nh_ref[...] = nh
  _ytab_part(nh, be_ref[...], w_ref[...], b_ref[...], y0_ref, y1_ref)


def _inityt_call(z3, xp, aep, wxp, bx8, bep, w, b8):
  return pl.pallas_call(
      _inityt_body,
      grid=(NB,),
      in_specs=[
          pl.BlockSpec((1, 1, 256), lambda i: (i, 0, 0)),
          pl.BlockSpec((256, 128), lambda i: (i, 0)),
          pl.BlockSpec((128, H), lambda i: (0, 0)),
          pl.BlockSpec((128, H), lambda i: (0, 0)),
          pl.BlockSpec((8, H), lambda i: (0, 0)),
      ] + _YTAB_SPECS,
      out_specs=[pl.BlockSpec((256, H), lambda i: (i, 0))] + _YTAB_OUT_SPECS,
      out_shape=[jax.ShapeDtypeStruct((NP, H), jnp.float32)]
      + _YTAB_OUT_SHAPES,
  )(z3, xp, aep, wxp, bx8, bep, w, b8)


_MLP_SPECS = [
    pl.BlockSpec((256, H), lambda i: (i, 0)),
    pl.BlockSpec((256, HH), lambda i: (i, 0)),
    pl.BlockSpec((256, HH), lambda i: (i, 0)),
    pl.BlockSpec((H, H), lambda i: (0, 0)),
    pl.BlockSpec((8, H), lambda i: (0, 0)),
    pl.BlockSpec((H, H), lambda i: (0, 0)),
    pl.BlockSpec((8, H), lambda i: (0, 0)),
    pl.BlockSpec((8, H), lambda i: (0, 0)),
    pl.BlockSpec((8, H), lambda i: (0, 0)),
]


def _mlpyt_body(nh_ref, a0_ref, a1_ref, w1_ref, b1_ref, w2_ref, b2_ref,
                g_ref, lb_ref, be_ref, w_ref, b_ref, nh_o, y0_ref, y1_ref):
  nh = _mlp_part(nh_ref, a0_ref, a1_ref, w1_ref, b1_ref, w2_ref, b2_ref,
                 g_ref, lb_ref)
  nh_o[...] = nh
  _ytab_part(nh, be_ref[...], w_ref[...], b_ref[...], y0_ref, y1_ref)


def _mlpyt_call(node_h, a0, a1, w1, b18, w2, b28, g8, lb8, bep, w, b8):
  return pl.pallas_call(
      _mlpyt_body,
      grid=(NB,),
      in_specs=_MLP_SPECS + _YTAB_SPECS,
      out_specs=[pl.BlockSpec((256, H), lambda i: (i, 0))] + _YTAB_OUT_SPECS,
      out_shape=[jax.ShapeDtypeStruct((NP, H), jnp.float32)]
      + _YTAB_OUT_SHAPES,
  )(node_h, a0, a1, w1, b18, w2, b28, g8, lb8, bep, w, b8)


def _ctx_body(pp_ref, w1_ref, b1_ref, w2_ref, b2_ref, wh_ref, o_ref):
  c1 = jax.nn.relu(_dot(pp_ref[...], w1_ref[...]) + b1_ref[0:1])
  ctx = _dot(c1, w2_ref[...]) + b2_ref[0:1]
  o_ref[...] = _dot(ctx, wh_ref[...])


def _ctx_call(pp, wp1p, bp18, wp2, bp28, wh1b):
  return pl.pallas_call(
      _ctx_body,
      grid=(),
      out_shape=jax.ShapeDtypeStruct((G, H), jnp.float32),
  )(pp, wp1p, bp18, wp2, bp28, wh1b)


def _mlphead_body(nh_ref, a0_ref, a1_ref, w1_ref, b1_ref, w2_ref, b2_ref,
                  g_ref, lb_ref, b3_ref, cw_ref, wh1_ref, bh1_ref, wh2_ref,
                  bh2_ref, o_ref):
  nh = _mlp_part(nh_ref, a0_ref, a1_ref, w1_ref, b1_ref, w2_ref, b2_ref,
                 g_ref, lb_ref)
  ohT = (lax.broadcasted_iota(jnp.int32, (128, 256), 0)
         == b3_ref[0]).astype(jnp.float32)
  f = jax.nn.relu(_dot(nh, wh1_ref[...]) + _dot_t(ohT, cw_ref[...])
                  + bh1_ref[0:1])
  o_ref[...] = _dot(f, wh2_ref[...]) + bh2_ref[0:1]


def _mlphead_call(node_h, a0, a1, w1, b18, w2, b28, g8, lb8, b3, cwp, wh1a,
                  bh18, wh2p, bh28):
  full = lambda i: (0, 0)
  return pl.pallas_call(
      _mlphead_body,
      grid=(NB,),
      in_specs=_MLP_SPECS + [
          pl.BlockSpec((1, 1, 256), lambda i: (i, 0, 0)),
          pl.BlockSpec((128, H), full),
          pl.BlockSpec((H, H), full),
          pl.BlockSpec((8, H), full),
          pl.BlockSpec((H, 128), full),
          pl.BlockSpec((8, 128), full),
      ],
      out_specs=pl.BlockSpec((256, 128), lambda i: (i, 0)),
      out_shape=jax.ShapeDtypeStruct((NP, 128), jnp.float32),
  )(node_h, a0, a1, w1, b18, w2, b28, g8, lb8, b3, cwp, wh1a, bh18, wh2p,
    bh28)




HCH = CHUNKS // 2


def _sc_half(y_hbm, gidx_hbm, dst_hbm, zer_hbm, out_hbm,
             idx_v, dst_v, rows0_v, rows1_v, acc_sh, gs0, gs1, ss0, ss1, s):

  def gather(j, buf, sem):
    pltpu.async_copy(y_hbm.at[idx_v.at[j]], buf, sem)

  def scatter(j, buf, sem):
    pltpu.async_copy(buf, acc_sh.at[dst_v.at[j]], sem, add=True)

  def gather_wait(j, buf, sem):
    pltpu.make_async_copy(y_hbm.at[idx_v.at[j]], buf, sem).wait()

  def scatter_wait(j, buf, sem):
    pltpu.make_async_copy(buf, acc_sh.at[dst_v.at[j]], sem).wait()

  pltpu.sync_copy(gidx_hbm.at[s].at[pl.ds(0, HCH), :], idx_v)
  pltpu.sync_copy(dst_hbm.at[s].at[pl.ds(0, HCH), :], dst_v)
  gather(0, rows0_v, gs0)
  zslc = rows1_v.at[pl.ds(0, 64), :]
  pltpu.sync_copy(zer_hbm, zslc)
  for i in range(RPS // 64):
    pltpu.sync_copy(zslc, acc_sh.at[pl.ds(s * RPS + i * 64, 64), :])
  plsc.subcore_barrier()

  for h in range(2):

    def body(k, _):
      j0 = 2 * k
      j1 = j0 + 1

      @pl.when(k > 0)
      def _():
        scatter_wait(j1 - 2, rows1_v, ss1)

      gather(j1, rows1_v, gs1)
      gather_wait(j0, rows0_v, gs0)
      scatter(j0, rows0_v, ss0)

      @pl.when(k < HCH // 2 - 1)
      def _():
        scatter_wait(j0, rows0_v, ss0)
        gather(j0 + 2, rows0_v, gs0)

      gather_wait(j1, rows1_v, gs1)
      scatter(j1, rows1_v, ss1)
      return 0

    lax.fori_loop(0, HCH // 2, body, 0)
    scatter_wait(HCH - 2, rows0_v, ss0)
    scatter_wait(HCH - 1, rows1_v, ss1)
    if h == 0:
      pltpu.sync_copy(gidx_hbm.at[s].at[pl.ds(HCH, HCH), :], idx_v)
      pltpu.sync_copy(dst_hbm.at[s].at[pl.ds(HCH, HCH), :], dst_v)
      gather(0, rows0_v, gs0)

  plsc.subcore_barrier()
  pltpu.sync_copy(acc_sh.at[pl.ds(s * RPS, RPS), :],
                  out_hbm.at[pl.ds(s * RPS, RPS), :])


def _sc_body(y0_hbm, y1_hbm, gidx_hbm, dst_hbm, zer_hbm, out0_hbm, out1_hbm,
             idx_v, dst_v, rows0_v, rows1_v, acc_sh, gs0, gs1, ss0, ss1):
  c = lax.axis_index("c")
  s = lax.axis_index("s")
  args = (gidx_hbm, dst_hbm, zer_hbm)
  scratch = (idx_v, dst_v, rows0_v, rows1_v, acc_sh, gs0, gs1, ss0, ss1)

  @pl.when(c == 0)
  def _():
    _sc_half(y0_hbm, *args, out0_hbm, *scratch, s)

  @pl.when(c == 1)
  def _():
    _sc_half(y1_hbm, *args, out1_hbm, *scratch, s)


@functools.cache
def _sc_aggregate_fn():
  return pl.kernel(
      _sc_body,
      out_type=[jax.ShapeDtypeStruct((NP, HH), jnp.float32),
                jax.ShapeDtypeStruct((NP, HH), jnp.float32)],
      mesh=plsc.VectorSubcoreMesh(core_axis_name="c", subcore_axis_name="s",
                                  num_cores=2, num_subcores=NSUB),
      scratch_types=[
          pltpu.VMEM((HCH, EPC), jnp.int32),
          pltpu.VMEM((HCH, EPC), jnp.int32),
          pltpu.VMEM((EPC, HH), jnp.float32),
          pltpu.VMEM((EPC, HH), jnp.float32),
          pltpu.VMEM_SHARED((NP, HH), jnp.float32),
          pltpu.SemaphoreType.DMA,
          pltpu.SemaphoreType.DMA,
          pltpu.SemaphoreType.DMA,
          pltpu.SemaphoreType.DMA,
      ],
  )


def _sc_aggregate(y0, y1, gidx3, dst3, zer):
  return _sc_aggregate_fn()(y0, y1, gidx3, dst3, zer)




def _b8(v, w=H):
  return jnp.broadcast_to(jnp.reshape(v, (1, -1)), (8, w))


@jax.jit
def _run(z, x, edge_index, edge_type, batch, props, atom_emb, bond_emb, Wx,
         bx, lin_W, lin_b, mlp_W1, mlp_b1, mlp_W2, mlp_b2, ln_g, ln_b, Wp1,
         bp1, Wp2, bp2, Wh1, bh1, Wh2, bh2):
  f32 = jnp.float32
  zc = jnp.clip(z, 0, MAX_Z - 1).astype(jnp.int32)
  z3 = jnp.pad(zc, (0, NP - N)).reshape(NB, 1, 256)
  xp = jnp.pad(x.astype(f32), ((0, NP - N), (0, 122)))
  aep = jnp.pad(atom_emb.astype(f32), ((0, 128 - MAX_Z), (0, 0)))
  wxp = jnp.pad(Wx.astype(f32), ((0, 122), (0, 0)))

  srci = edge_index[0].astype(jnp.int32)
  dsti = edge_index[1].astype(jnp.int32)
  et = jnp.clip(edge_type, 0, NBT - 1).astype(jnp.int32)
  gidx = et * NP + srci
  gidx3 = jnp.pad(gidx, (0, EPAD - E)).reshape(NSUB, CHUNKS, EPC)
  dst3 = jnp.pad(dsti, (0, EPAD - E),
                 constant_values=DUMMY_DST).reshape(NSUB, CHUNKS, EPC)
  zer = jnp.zeros((64, HH), f32)

  bep = jnp.pad(bond_emb.astype(f32), ((0, 8 - NBT), (0, 0)))
  mw = lambda l: (mlp_W1[l], _b8(mlp_b1[l]), mlp_W2[l], _b8(mlp_b2[l]),
                  _b8(ln_g[l]), _b8(ln_b[l]))

  node_h, y0, y1 = _inityt_call(z3, xp, aep, wxp, _b8(bx), bep, lin_W[0],
                                _b8(lin_b[0]))
  a0, a1 = _sc_aggregate(y0.reshape(NBT * NP, HH), y1.reshape(NBT * NP, HH),
                         gidx3, dst3, zer)
  node_h, y0, y1 = _mlpyt_call(node_h, a0, a1, *mw(0), bep, lin_W[1],
                               _b8(lin_b[1]))
  a0, a1 = _sc_aggregate(y0.reshape(NBT * NP, HH), y1.reshape(NBT * NP, HH),
                         gidx3, dst3, zer)

  pp = jnp.pad(props.astype(f32), ((0, 0), (0, 128 - P)))
  wp1p = jnp.pad(Wp1.astype(f32), ((0, 128 - P), (0, 0)))
  ctxw = _ctx_call(pp, wp1p, _b8(bp1), Wp2, _b8(bp2), Wh1[H:])
  cwp = jnp.pad(ctxw, ((0, 128 - G), (0, 0)))
  b3 = jnp.pad(batch.astype(jnp.int32), (0, NP - N)).reshape(NB, 1, 256)
  wh2p = jnp.pad(Wh2.astype(f32), ((0, 0), (0, 124)))
  bh2p = jnp.pad(bh2.astype(f32), (0, 124))
  out = _mlphead_call(node_h, a0, a1, *mw(1), b3, cwp, Wh1[:H], _b8(bh1),
                      wh2p, _b8(bh2p, 128))
  return out[:N, :4]


def kernel(z, x, edge_index, edge_type, batch, props, atom_emb, bond_emb, Wx,
           bx, lin_W, lin_b, mlp_W1, mlp_b1, mlp_W2, mlp_b2, ln_g, ln_b, Wp1,
           bp1, Wp2, bp2, Wh1, bh1, Wh2, bh2):
  return _run(z, x, edge_index, edge_type, batch, props, atom_emb, bond_emb,
              Wx, bx, lin_W, lin_b, mlp_W1, mlp_b1, mlp_W2, mlp_b2, ln_g,
              ln_b, Wp1, bp1, Wp2, bp2, Wh1, bh1, Wh2, bh2)

# --- scband reference (transcript-rebuilt; emitter-appended) ---
"""Pipeline reference for scband-simple-ginop-model-20890720928402 (READ-ONLY COPY).

The authoritative reference and input builder live on the scoring server;
editing this copy changes nothing except your own understanding.
"""

import jax, jax.numpy as jnp
import numpy as np

N = 10000
E = 160000
H = 256
G = 64
P = 32
MAX_Z = 101
NBT = 5
L = 2

def setup_inputs(seed: int = 0):
    key = jax.random.key(seed)
    ks = jax.random.split(key, 20)
    s = 0.05
    inp = {}
    inp["z"] = jax.random.randint(ks[0], (N,), 0, MAX_Z)
    inp["x"] = jax.random.normal(ks[1], (N, 6), dtype=jnp.float32)
    inp["edge_index"] = jax.random.randint(ks[2], (2, E), 0, N)
    inp["edge_type"] = jax.random.randint(ks[3], (E,), 0, NBT)
    inp["batch"] = jnp.sort(jax.random.randint(ks[4], (N,), 0, G))
    inp["props"] = jax.random.normal(ks[5], (G, P), dtype=jnp.float32)
    inp["atom_emb"] = jax.random.normal(ks[6], (MAX_Z, H), dtype=jnp.float32) * s
    inp["bond_emb"] = jax.random.normal(ks[7], (NBT, H), dtype=jnp.float32) * s
    inp["Wx"] = jax.random.normal(ks[8], (6, H), dtype=jnp.float32) * s
    inp["bx"] = jnp.zeros((H,), dtype=jnp.float32)
    inp["lin_W"] = jax.random.normal(ks[9], (L, H, H), dtype=jnp.float32) * s
    inp["lin_b"] = jnp.zeros((L, H), dtype=jnp.float32)
    inp["mlp_W1"] = jax.random.normal(ks[10], (L, H, H), dtype=jnp.float32) * s
    inp["mlp_b1"] = jnp.zeros((L, H), dtype=jnp.float32)
    inp["mlp_W2"] = jax.random.normal(ks[11], (L, H, H), dtype=jnp.float32) * s
    inp["mlp_b2"] = jnp.zeros((L, H), dtype=jnp.float32)
    inp["ln_g"] = jnp.ones((L, H), dtype=jnp.float32)
    inp["ln_b"] = jnp.zeros((L, H), dtype=jnp.float32)
    inp["Wp1"] = jax.random.normal(ks[12], (P, H), dtype=jnp.float32) * s
    inp["bp1"] = jnp.zeros((H,), dtype=jnp.float32)
    inp["Wp2"] = jax.random.normal(ks[13], (H, H), dtype=jnp.float32) * s
    inp["bp2"] = jnp.zeros((H,), dtype=jnp.float32)
    inp["Wh1"] = jax.random.normal(ks[14], (2 * H, H), dtype=jnp.float32) * s
    inp["bh1"] = jnp.zeros((H,), dtype=jnp.float32)
    inp["Wh2"] = jax.random.normal(ks[15], (H, 4), dtype=jnp.float32) * s
    inp["bh2"] = jnp.zeros((4,), dtype=jnp.float32)
    return inp

def _layer_norm(h, g, b, eps=1e-5):
    mu = jnp.mean(h, axis=-1, keepdims=True)
    var = jnp.mean((h - mu) ** 2, axis=-1, keepdims=True)
    return (h - mu) / jnp.sqrt(var + eps) * g + b

def reference(z, x, edge_index, edge_type, batch, props, atom_emb, bond_emb, Wx, bx, lin_W, lin_b, mlp_W1, mlp_b1, mlp_W2, mlp_b2, ln_g, ln_b, Wp1, bp1, Wp2, bp2, Wh1, bh1, Wh2, bh2):
    zc = jnp.clip(z, 0, atom_emb.shape[0] - 1)
    node_h = atom_emb[zc] + x @ Wx + bx
    node_h = jax.nn.relu(node_h)
    etc = jnp.clip(edge_type, 0, bond_emb.shape[0] - 1)
    edge_h = bond_emb[etc]
    src = edge_index[0]
    dst = edge_index[1]
    eps_gin = 0.0
    for l in range(lin_W.shape[0]):
        e = edge_h @ lin_W[l] + lin_b[l]
        msg = jax.nn.relu(node_h[src] + e)
        aggr = jax.ops.segment_sum(msg, dst, num_segments=node_h.shape[0])
        h = (1.0 + eps_gin) * node_h + aggr
        h = jax.nn.relu(h @ mlp_W1[l] + mlp_b1[l]) @ mlp_W2[l] + mlp_b2[l]
        h = _layer_norm(h, ln_g[l], ln_b[l])
        node_h = jax.nn.relu(h)
    ctx = jax.nn.relu(props @ Wp1 + bp1) @ Wp2 + bp2
    feat = jnp.concatenate([node_h, ctx[batch]], axis=-1)
    return jax.nn.relu(feat @ Wh1 + bh1) @ Wh2 + bh2

if __name__ == "__main__":
    import jax
    _d = setup_inputs()
    print(jax.jit(kernel)(*tuple(_d.values())))

</pallas_src>

<mosaic_0001>
#map = affine_map<(d0, d1) -> (0, 0)>
#map1 = affine_map<(d0, d1) -> (0, 0, 0)>
module attributes {stable_mosaic.version = 14 : i64} {
  func.func @_sc_body(%arg0: i32, %arg1: i32, %arg2: memref<51200x128xf32, #tpu.memory_space<hbm>>, %arg3: memref<51200x128xf32, #tpu.memory_space<hbm>>, %arg4: memref<16x80x128xi32, #tpu.memory_space<hbm>>, %arg5: memref<16x80x128xi32, #tpu.memory_space<hbm>>, %arg6: memref<64x128xf32, #tpu.memory_space<hbm>>, %arg7: memref<10240x128xf32, #tpu.memory_space<hbm>>, %arg8: memref<10240x128xf32, #tpu.memory_space<hbm>>, %arg9: memref<40x128xi32, #tpu.memory_space<vmem>>, %arg10: memref<40x128xi32, #tpu.memory_space<vmem>>, %arg11: memref<128x128xf32, #tpu.memory_space<vmem>>, %arg12: memref<128x128xf32, #tpu.memory_space<vmem>>, %arg13: memref<10240x128xf32, #tpu.memory_space<vmem_shared>>, %arg14: memref<!tpu.dma_semaphore, #tpu.memory_space<semaphore_mem>>, %arg15: memref<!tpu.dma_semaphore, #tpu.memory_space<semaphore_mem>>, %arg16: memref<!tpu.dma_semaphore, #tpu.memory_space<semaphore_mem>>, %arg17: memref<!tpu.dma_semaphore, #tpu.memory_space<semaphore_mem>>) attributes {dimension_semantics = [#tpu.dimension_semantics<core_parallel>, #tpu.dimension_semantics<subcore_parallel>], iteration_bounds = array<i64: 2, 16>, scalar_prefetch = 0 : i64, scratch_operands = 9 : i64, tpu.core_type = #tpu.core_type<sc_vector_subcore>, window_params = [{transform_indices = #map}, {transform_indices = #map}, {transform_indices = #map1}, {transform_indices = #map1}, {transform_indices = #map}, {transform_indices = #map}, {transform_indices = #map}]} {
    %eq3A = arith.constant 0 : i32
    %eq3A_0 = arith.cmpi eq, %arg0, %eq3A : i32
    %convert_element_type3A = arith.extui %eq3A_0 : i1 to i32
    %cond3A = arith.constant 0 : i32
    %cond3A_1 = arith.cmpi ne, %convert_element_type3A, %cond3A : i32
    scf.if %cond3A_1 {
      "tpu.region"() ({
        %run_scoped3A = tpu.sem_alloc : memref<!tpu.dma_semaphore, #tpu.memory_space<semaphore_mem>>
        %dma_start3A_103 = arith.constant 0 : i32
        %dma_start3A_104 = arith.constant 0 : i32
        %dma_start3A_105 = tpu.memref_slice %arg4[%arg1, %dma_start3A_103, %dma_start3A_104] : memref<16x80x128xi32, #tpu.memory_space<hbm>> -> memref<1x80x128xi32, #tpu.memory_space<hbm>>
        %dma_start3A_106 = tpu.memref_squeeze %dma_start3A_105 : memref<1x80x128xi32, #tpu.memory_space<hbm>> -> memref<80x128xi32, #tpu.memory_space<hbm>>
        %dma_start3A_107 = arith.constant 0 : i32
        %dma_start3A_108 = arith.constant 0 : i32
        %dma_start3A_109 = tpu.memref_slice %dma_start3A_106[%dma_start3A_107, %dma_start3A_108] : memref<80x128xi32, #tpu.memory_space<hbm>> -> memref<40x128xi32, #tpu.memory_space<hbm>>
        %dma_start3A_110 = arith.constant 0 : i32
        %dma_start3A_111 = arith.constant 0 : i32
        %dma_start3A_112 = tpu.memref_slice %arg4[%arg1, %dma_start3A_110, %dma_start3A_111] : memref<16x80x128xi32, #tpu.memory_space<hbm>> -> memref<1x80x128xi32, #tpu.memory_space<hbm>>
        %dma_start3A_113 = tpu.memref_squeeze %dma_start3A_112 : memref<1x80x128xi32, #tpu.memory_space<hbm>> -> memref<80x128xi32, #tpu.memory_space<hbm>>
        %dma_start3A_114 = arith.constant 0 : i32
        %dma_start3A_115 = arith.constant 0 : i32
        %dma_start3A_116 = tpu.memref_slice %dma_start3A_113[%dma_start3A_114, %dma_start3A_115] : memref<80x128xi32, #tpu.memory_space<hbm>> -> memref<40x128xi32, #tpu.memory_space<hbm>>
        tpu.enqueue_dma source(%dma_start3A_116 : memref<40x128xi32, #tpu.memory_space<hbm>>) target(%arg9 : memref<40x128xi32, #tpu.memory_space<vmem>>) target_semaphore(%run_scoped3A : memref<!tpu.dma_semaphore, #tpu.memory_space<semaphore_mem>>)
        %dma_wait3A_117 = arith.constant 0 : i32
        %dma_wait3A_118 = arith.constant 0 : i32
        %dma_wait3A_119 = tpu.memref_slice %arg4[%arg1, %dma_wait3A_117, %dma_wait3A_118] : memref<16x80x128xi32, #tpu.memory_space<hbm>> -> memref<1x80x128xi32, #tpu.memory_space<hbm>>
        %dma_wait3A_120 = tpu.memref_squeeze %dma_wait3A_119 : memref<1x80x128xi32, #tpu.memory_space<hbm>> -> memref<80x128xi32, #tpu.memory_space<hbm>>
        %dma_wait3A_121 = arith.constant 0 : i32
        %dma_wait3A_122 = arith.constant 0 : i32
        %dma_wait3A_123 = tpu.memref_slice %dma_wait3A_120[%dma_wait3A_121, %dma_wait3A_122] : memref<80x128xi32, #tpu.memory_space<hbm>> -> memref<40x128xi32, #tpu.memory_space<hbm>>
        %dma_wait3A_124 = arith.constant 0 : i32
        %dma_wait3A_125 = arith.constant 0 : i32
        %dma_wait3A_126 = tpu.memref_slice %arg4[%arg1, %dma_wait3A_124, %dma_wait3A_125] : memref<16x80x128xi32, #tpu.memory_space<hbm>> -> memref<1x80x128xi32, #tpu.memory_space<hbm>>
        %dma_wait3A_127 = tpu.memref_squeeze %dma_wait3A_126 : memref<1x80x128xi32, #tpu.memory_space<hbm>> -> memref<80x128xi32, #tpu.memory_space<hbm>>
        %dma_wait3A_128 = arith.constant 0 : i32
        %dma_wait3A_129 = arith.constant 0 : i32
        %dma_wait3A_130 = tpu.memref_slice %dma_wait3A_127[%dma_wait3A_128, %dma_wait3A_129] : memref<80x128xi32, #tpu.memory_space<hbm>> -> memref<40x128xi32, #tpu.memory_space<hbm>>
        tpu.wait_dma2 semaphore(%run_scoped3A : memref<!tpu.dma_semaphore, #tpu.memory_space<semaphore_mem>>) src(%dma_wait3A_130 : memref<40x128xi32, #tpu.memory_space<hbm>>) dst(%arg9 : memref<40x128xi32, #tpu.memory_space<vmem>>)
        tpu.yield
      }) : () -> ()
      "tpu.region"() ({
        %run_scoped3A = tpu.sem_alloc : memref<!tpu.dma_semaphore, #tpu.memory_space<semaphore_mem>>
        %dma_start3A_103 = arith.constant 0 : i32
        %dma_start3A_104 = arith.constant 0 : i32
        %dma_start3A_105 = tpu.memref_slice %arg5[%arg1, %dma_start3A_103, %dma_start3A_104] : memref<16x80x128xi32, #tpu.memory_space<hbm>> -> memref<1x80x128xi32, #tpu.memory_space<hbm>>
        %dma_start3A_106 = tpu.memref_squeeze %dma_start3A_105 : memref<1x80x128xi32, #tpu.memory_space<hbm>> -> memref<80x128xi32, #tpu.memory_space<hbm>>
        %dma_start3A_107 = arith.constant 0 : i32
        %dma_start3A_108 = arith.constant 0 : i32
        %dma_start3A_109 = tpu.memref_slice %dma_start3A_106[%dma_start3A_107, %dma_start3A_108] : memref<80x128xi32, #tpu.memory_space<hbm>> -> memref<40x128xi32, #tpu.memory_space<hbm>>
        %dma_start3A_110 = arith.constant 0 : i32
        %dma_start3A_111 = arith.constant 0 : i32
        %dma_start3A_112 = tpu.memref_slice %arg5[%arg1, %dma_start3A_110, %dma_start3A_111] : memref<16x80x128xi32, #tpu.memory_space<hbm>> -> memref<1x80x128xi32, #tpu.memory_space<hbm>>
        %dma_start3A_113 = tpu.memref_squeeze %dma_start3A_112 : memref<1x80x128xi32, #tpu.memory_space<hbm>> -> memref<80x128xi32, #tpu.memory_space<hbm>>
        %dma_start3A_114 = arith.constant 0 : i32
        %dma_start3A_115 = arith.constant 0 : i32
        %dma_start3A_116 = tpu.memref_slice %dma_start3A_113[%dma_start3A_114, %dma_start3A_115] : memref<80x128xi32, #tpu.memory_space<hbm>> -> memref<40x128xi32, #tpu.memory_space<hbm>>
        tpu.enqueue_dma source(%dma_start3A_116 : memref<40x128xi32, #tpu.memory_space<hbm>>) target(%arg10 : memref<40x128xi32, #tpu.memory_space<vmem>>) target_semaphore(%run_scoped3A : memref<!tpu.dma_semaphore, #tpu.memory_space<semaphore_mem>>)
        %dma_wait3A_117 = arith.constant 0 : i32
        %dma_wait3A_118 = arith.constant 0 : i32
        %dma_wait3A_119 = tpu.memref_slice %arg5[%arg1, %dma_wait3A_117, %dma_wait3A_118] : memref<16x80x128xi32, #tpu.memory_space<hbm>> -> memref<1x80x128xi32, #tpu.memory_space<hbm>>
        %dma_wait3A_120 = tpu.memref_squeeze %dma_wait3A_119 : memref<1x80x128xi32, #tpu.memory_space<hbm>> -> memref<80x128xi32, #tpu.memory_space<hbm>>
        %dma_wait3A_121 = arith.constant 0 : i32
        %dma_wait3A_122 = arith.constant 0 : i32
        %dma_wait3A_123 = tpu.memref_slice %dma_wait3A_120[%dma_wait3A_121, %dma_wait3A_122] : memref<80x128xi32, #tpu.memory_space<hbm>> -> memref<40x128xi32, #tpu.memory_space<hbm>>
        %dma_wait3A_124 = arith.constant 0 : i32
        %dma_wait3A_125 = arith.constant 0 : i32
        %dma_wait3A_126 = tpu.memref_slice %arg5[%arg1, %dma_wait3A_124, %dma_wait3A_125] : memref<16x80x128xi32, #tpu.memory_space<hbm>> -> memref<1x80x128xi32, #tpu.memory_space<hbm>>
        %dma_wait3A_127 = tpu.memref_squeeze %dma_wait3A_126 : memref<1x80x128xi32, #tpu.memory_space<hbm>> -> memref<80x128xi32, #tpu.memory_space<hbm>>
        %dma_wait3A_128 = arith.constant 0 : i32
        %dma_wait3A_129 = arith.constant 0 : i32
        %dma_wait3A_130 = tpu.memref_slice %dma_wait3A_127[%dma_wait3A_128, %dma_wait3A_129] : memref<80x128xi32, #tpu.memory_space<hbm>> -> memref<40x128xi32, #tpu.memory_space<hbm>>
        tpu.wait_dma2 semaphore(%run_scoped3A : memref<!tpu.dma_semaphore, #tpu.memory_space<semaphore_mem>>) src(%dma_wait3A_130 : memref<40x128xi32, #tpu.memory_space<hbm>>) dst(%arg10 : memref<40x128xi32, #tpu.memory_space<vmem>>)
        tpu.yield
      }) : () -> ()
      %dma_start3A = arith.constant 0 : i32
      %dma_start3A_7 = arith.constant 0 : i32
      %dma_start3A_8 = tpu.memref_slice %arg9[%dma_start3A, %dma_start3A_7] : memref<40x128xi32, #tpu.memory_space<vmem>> -> memref<1x128xi32, #tpu.memory_space<vmem>>
      %dma_start3A_9 = tpu.memref_squeeze %dma_start3A_8 : memref<1x128xi32, #tpu.memory_space<vmem>> -> memref<128xi32, #tpu.memory_space<vmem>>
      %dma_start3A_10 = arith.constant 0 : i32
      %dma_start3A_11 = arith.constant 0 : i32
      %dma_start3A_12 = tpu.memref_slice %arg2[%dma_start3A_10, %dma_start3A_11] : memref<51200x128xf32, #tpu.memory_space<hbm>> -> memref<51200x128xf32, #tpu.memory_space<hbm>>
      tpu.enqueue_indirect_dma source(%dma_start3A_12 : memref<51200x128xf32, #tpu.memory_space<hbm>>) target(%arg11 : memref<128x128xf32, #tpu.memory_space<vmem>>) offsets(%dma_start3A_9 : memref<128xi32, #tpu.memory_space<vmem>>) semaphore(%arg14 : memref<!tpu.dma_semaphore, #tpu.memory_space<semaphore_mem>>)
      "tpu.region"() ({
        %run_scoped3A = tpu.sem_alloc : memref<!tpu.dma_semaphore, #tpu.memory_space<semaphore_mem>>
        %dma_start3A_103 = arith.constant 0 : i32
        %dma_start3A_104 = arith.constant 0 : i32
        %dma_start3A_105 = tpu.memref_slice %arg12[%dma_start3A_103, %dma_start3A_104] : memref<128x128xf32, #tpu.memory_space<vmem>> -> memref<64x128xf32, #tpu.memory_space<vmem>>
        %dma_start3A_106 = arith.constant 0 : i32
        %dma_start3A_107 = arith.constant 0 : i32
        %dma_start3A_108 = tpu.memref_slice %arg12[%dma_start3A_106, %dma_start3A_107] : memref<128x128xf32, #tpu.memory_space<vmem>> -> memref<64x128xf32, #tpu.memory_space<vmem>>
        tpu.enqueue_dma source(%arg6 : memref<64x128xf32, #tpu.memory_space<hbm>>) target(%dma_start3A_108 : memref<64x128xf32, #tpu.memory_space<vmem>>) target_semaphore(%run_scoped3A : memref<!tpu.dma_semaphore, #tpu.memory_space<semaphore_mem>>)
        %dma_wait3A_109 = arith.constant 0 : i32
        %dma_wait3A_110 = arith.constant 0 : i32
        %dma_wait3A_111 = tpu.memref_slice %arg12[%dma_wait3A_109, %dma_wait3A_110] : memref<128x128xf32, #tpu.memory_space<vmem>> -> memref<64x128xf32, #tpu.memory_space<vmem>>
        %dma_wait3A_112 = arith.constant 0 : i32
        %dma_wait3A_113 = arith.constant 0 : i32
        %dma_wait3A_114 = tpu.memref_slice %arg12[%dma_wait3A_112, %dma_wait3A_113] : memref<128x128xf32, #tpu.memory_space<vmem>> -> memref<64x128xf32, #tpu.memory_space<vmem>>
        tpu.wait_dma2 semaphore(%run_scoped3A : memref<!tpu.dma_semaphore, #tpu.memory_space<semaphore_mem>>) src(%arg6 : memref<64x128xf32, #tpu.memory_space<hbm>>) dst(%dma_wait3A_114 : memref<64x128xf32, #tpu.memory_space<vmem>>)
        tpu.yield
      }) : () -> ()
      %mul3A = arith.constant 640 : i32
      %mul3A_13 = arith.muli %arg1, %mul3A : i32
      %add3A = arith.constant 0 : i32
      %add3A_14 = arith.addi %mul3A_13, %add3A : i32
      "tpu.region"() ({
        %run_scoped3A = tpu.sem_alloc : memref<!tpu.dma_semaphore, #tpu.memory_space<semaphore_mem>>
        %dma_start3A_103 = arith.constant 0 : i32
        %dma_start3A_104 = arith.constant 0 : i32
        %dma_start3A_105 = tpu.memref_slice %arg12[%dma_start3A_103, %dma_start3A_104] : memref<128x128xf32, #tpu.memory_space<vmem>> -> memref<64x128xf32, #tpu.memory_space<vmem>>
        %dma_start3A_106 = arith.constant 0 : i32
        %dma_start3A_107 = tpu.memref_slice %arg13[%add3A_14, %dma_start3A_106] : memref<10240x128xf32, #tpu.memory_space<vmem_shared>> -> memref<64x128xf32, #tpu.memory_space<vmem_shared>>
        %dma_start3A_108 = arith.constant 0 : i32
        %dma_start3A_109 = tpu.memref_slice %arg13[%add3A_14, %dma_start3A_108] : memref<10240x128xf32, #tpu.memory_space<vmem_shared>> -> memref<64x128xf32, #tpu.memory_space<vmem_shared>>
        %dma_start3A_110 = arith.constant 0 : i32
        %dma_start3A_111 = arith.constant 0 : i32
        %dma_start3A_112 = tpu.memref_slice %arg12[%dma_start3A_110, %dma_start3A_111] : memref<128x128xf32, #tpu.memory_space<vmem>> -> memref<64x128xf32, #tpu.memory_space<vmem>>
        tpu.enqueue_dma source(%dma_start3A_112 : memref<64x128xf32, #tpu.memory_space<vmem>>) target(%dma_start3A_109 : memref<64x128xf32, #tpu.memory_space<vmem_shared>>) target_semaphore(%run_scoped3A : memref<!tpu.dma_semaphore, #tpu.memory_space<semaphore_mem>>)
        %dma_wait3A_113 = arith.constant 0 : i32
        %dma_wait3A_114 = arith.constant 0 : i32
        %dma_wait3A_115 = tpu.memref_slice %arg12[%dma_wait3A_113, %dma_wait3A_114] : memref<128x128xf32, #tpu.memory_space<vmem>> -> memref<64x128xf32, #tpu.memory_space<vmem>>
        %dma_wait3A_116 = arith.constant 0 : i32
        %dma_wait3A_117 = tpu.memref_slice %arg13[%add3A_14, %dma_wait3A_116] : memref<10240x128xf32, #tpu.memory_space<vmem_shared>> -> memref<64x128xf32, #tpu.memory_space<vmem_shared>>
        %dma_wait3A_118 = arith.constant 0 : i32
        %dma_wait3A_119 = tpu.memref_slice %arg13[%add3A_14, %dma_wait3A_118] : memref<10240x128xf32, #tpu.memory_space<vmem_shared>> -> memref<64x128xf32, #tpu.memory_space<vmem_shared>>
        %dma_wait3A_120 = arith.constant 0 : i32
        %dma_wait3A_121 = arith.constant 0 : i32
        %dma_wait3A_122 = tpu.memref_slice %arg12[%dma_wait3A_120, %dma_wait3A_121] : memref<128x128xf32, #tpu.memory_space<vmem>> -> memref<64x128xf32, #tpu.memory_space<vmem>>
        tpu.wait_dma2 semaphore(%run_scoped3A : memref<!tpu.dma_semaphore, #tpu.memory_space<semaphore_mem>>) src(%dma_wait3A_122 : memref<64x128xf32, #tpu.memory_space<vmem>>) dst(%dma_wait3A_119 : memref<64x128xf32, #tpu.memory_space<vmem_shared>>)
        tpu.yield
      }) : () -> ()
      %mul3A_15 = arith.constant 640 : i32
      %mul3A_16 = arith.muli %arg1, %mul3A_15 : i32
      %add3A_17 = arith.constant 64 : i32
      %add3A_18 = arith.addi %mul3A_16, %add3A_17 : i32
      "tpu.region"() ({
        %run_scoped3A = tpu.sem_alloc : memref<!tpu.dma_semaphore, #tpu.memory_space<semaphore_mem>>
        %dma_start3A_103 = arith.constant 0 : i32
        %dma_start3A_104 = arith.constant 0 : i32
        %dma_start3A_105 = tpu.memref_slice %arg12[%dma_start3A_103, %dma_start3A_104] : memref<128x128xf32, #tpu.memory_space<vmem>> -> memref<64x128xf32, #tpu.memory_space<vmem>>
        %dma_start3A_106 = arith.constant 0 : i32
        %dma_start3A_107 = tpu.memref_slice %arg13[%add3A_18, %dma_start3A_106] : memref<10240x128xf32, #tpu.memory_space<vmem_shared>> -> memref<64x128xf32, #tpu.memory_space<vmem_shared>>
        %dma_start3A_108 = arith.constant 0 : i32
        %dma_start3A_109 = tpu.memref_slice %arg13[%add3A_18, %dma_start3A_108] : memref<10240x128xf32, #tpu.memory_space<vmem_shared>> -> memref<64x128xf32, #tpu.memory_space<vmem_shared>>
        %dma_start3A_110 = arith.constant 0 : i32
        %dma_start3A_111 = arith.constant 0 : i32
        %dma_start3A_112 = tpu.memref_slice %arg12[%dma_start3A_110, %dma_start3A_111] : memref<128x128xf32, #tpu.memory_space<vmem>> -> memref<64x128xf32, #tpu.memory_space<vmem>>
        tpu.enqueue_dma source(%dma_start3A_112 : memref<64x128xf32, #tpu.memory_space<vmem>>) target(%dma_start3A_109 : memref<64x128xf32, #tpu.memory_space<vmem_shared>>) target_semaphore(%run_scoped3A : memref<!tpu.dma_semaphore, #tpu.memory_space<semaphore_mem>>)
        %dma_wait3A_113 = arith.constant 0 : i32
        %dma_wait3A_114 = arith.constant 0 : i32
        %dma_wait3A_115 = tpu.memref_slice %arg12[%dma_wait3A_113, %dma_wait3A_114] : memref<128x128xf32, #tpu.memory_space<vmem>> -> memref<64x128xf32, #tpu.memory_space<vmem>>
        %dma_wait3A_116 = arith.constant 0 : i32
        %dma_wait3A_117 = tpu.memref_slice %arg13[%add3A_18, %dma_wait3A_116] : memref<10240x128xf32, #tpu.memory_space<vmem_shared>> -> memref<64x128xf32, #tpu.memory_space<vmem_shared>>
        %dma_wait3A_118 = arith.constant 0 : i32
        %dma_wait3A_119 = tpu.memref_slice %arg13[%add3A_18, %dma_wait3A_118] : memref<10240x128xf32, #tpu.memory_space<vmem_shared>> -> memref<64x128xf32, #tpu.memory_space<vmem_shared>>
        %dma_wait3A_120 = arith.constant 0 : i32
        %dma_wait3A_121 = arith.constant 0 : i32
        %dma_wait3A_122 = tpu.memref_slice %arg12[%dma_wait3A_120, %dma_wait3A_121] : memref<128x128xf32, #tpu.memory_space<vmem>> -> memref<64x128xf32, #tpu.memory_space<vmem>>
        tpu.wait_dma2 semaphore(%run_scoped3A : memref<!tpu.dma_semaphore, #tpu.memory_space<semaphore_mem>>) src(%dma_wait3A_122 : memref<64x128xf32, #tpu.memory_space<vmem>>) dst(%dma_wait3A_119 : memref<64x128xf32, #tpu.memory_space<vmem_shared>>)
        tpu.yield
      }) : () -> ()
      %mul3A_19 = arith.constant 640 : i32
      %mul3A_20 = arith.muli %arg1, %mul3A_19 : i32
      %add3A_21 = arith.constant 128 : i32
      %add3A_22 = arith.addi %mul3A_20, %add3A_21 : i32
      "tpu.region"() ({
        %run_scoped3A = tpu.sem_alloc : memref<!tpu.dma_semaphore, #tpu.memory_space<semaphore_mem>>
        %dma_start3A_103 = arith.constant 0 : i32
        %dma_start3A_104 = arith.constant 0 : i32
        %dma_start3A_105 = tpu.memref_slice %arg12[%dma_start3A_103, %dma_start3A_104] : memref<128x128xf32, #tpu.memory_space<vmem>> -> memref<64x128xf32, #tpu.memory_space<vmem>>
        %dma_start3A_106 = arith.constant 0 : i32
        %dma_start3A_107 = tpu.memref_slice %arg13[%add3A_22, %dma_start3A_106] : memref<10240x128xf32, #tpu.memory_space<vmem_shared>> -> memref<64x128xf32, #tpu.memory_space<vmem_shared>>
        %dma_start3A_108 = arith.constant 0 : i32
        %dma_start3A_109 = tpu.memref_slice %arg13[%add3A_22, %dma_start3A_108] : memref<10240x128xf32, #tpu.memory_space<vmem_shared>> -> memref<64x128xf32, #tpu.memory_space<vmem_shared>>
        %dma_start3A_110 = arith.constant 0 : i32
        %dma_start3A_111 = arith.constant 0 : i32
        %dma_start3A_112 = tpu.memref_slice %arg12[%dma_start3A_110, %dma_start3A_111] : memref<128x128xf32, #tpu.memory_space<vmem>> -> memref<64x128xf32, #tpu.memory_space<vmem>>
        tpu.enqueue_dma source(%dma_start3A_112 : memref<64x128xf32, #tpu.memory_space<vmem>>) target(%dma_start3A_109 : memref<64x128xf32, #tpu.memory_space<vmem_shared>>) target_semaphore(%run_scoped3A : memref<!tpu.dma_semaphore, #tpu.memory_space<semaphore_mem>>)
        %dma_wait3A_113 = arith.constant 0 : i32
        %dma_wait3A_114 = arith.constant 0 : i32
        %dma_wait3A_115 = tpu.memref_slice %arg12[%dma_wait3A_113, %dma_wait3A_114] : memref<128x128xf32, #tpu.memory_space<vmem>> -> memref<64x128xf32, #tpu.memory_space<vmem>>
        %dma_wait3A_116 = arith.constant 0 : i32
        %dma_wait3A_117 = tpu.memref_slice %arg13[%add3A_22, %dma_wait3A_116] : memref<10240x128xf32, #tpu.memory_space<vmem_shared>> -> memref<64x128xf32, #tpu.memory_space<vmem_shared>>
        %dma_wait3A_118 = arith.constant 0 : i32
        %dma_wait3A_119 = tpu.memref_slice %arg13[%add3A_22, %dma_wait3A_118] : memref<10240x128xf32, #tpu.memory_space<vmem_shared>> -> memref<64x128xf32, #tpu.memory_space<vmem_shared>>
        %dma_wait3A_120 = arith.constant 0 : i32
        %dma_wait3A_121 = arith.constant 0 : i32
        %dma_wait3A_122 = tpu.memref_slice %arg12[%dma_wait3A_120, %dma_wait3A_121] : memref<128x128xf32, #tpu.memory_space<vmem>> -> memref<64x128xf32, #tpu.memory_space<vmem>>
        tpu.wait_dma2 semaphore(%run_scoped3A : memref<!tpu.dma_semaphore, #tpu.memory_space<semaphore_mem>>) src(%dma_wait3A_122 : memref<64x128xf32, #tpu.memory_space<vmem>>) dst(%dma_wait3A_119 : memref<64x128xf32, #tpu.memory_space<vmem_shared>>)
        tpu.yield
      }) : () -> ()
      %mul3A_23 = arith.constant 640 : i32
      %mul3A_24 = arith.muli %arg1, %mul3A_23 : i32
      %add3A_25 = arith.constant 192 : i32
      %add3A_26 = arith.addi %mul3A_24, %add3A_25 : i32
      "tpu.region"() ({
        %run_scoped3A = tpu.sem_alloc : memref<!tpu.dma_semaphore, #tpu.memory_space<semaphore_mem>>
        %dma_start3A_103 = arith.constant 0 : i32
        %dma_start3A_104 = arith.constant 0 : i32
        %dma_start3A_105 = tpu.memref_slice %arg12[%dma_start3A_103, %dma_start3A_104] : memref<128x128xf32, #tpu.memory_space<vmem>> -> memref<64x128xf32, #tpu.memory_space<vmem>>
        %dma_start3A_106 = arith.constant 0 : i32
        %dma_start3A_107 = tpu.memref_slice %arg13[%add3A_26, %dma_start3A_106] : memref<10240x128xf32, #tpu.memory_space<vmem_shared>> -> memref<64x128xf32, #tpu.memory_space<vmem_shared>>
        %dma_start3A_108 = arith.constant 0 : i32
        %dma_start3A_109 = tpu.memref_slice %arg13[%add3A_26, %dma_start3A_108] : memref<10240x128xf32, #tpu.memory_space<vmem_shared>> -> memref<64x128xf32, #tpu.memory_space<vmem_shared>>
        %dma_start3A_110 = arith.constant 0 : i32
        %dma_start3A_111 = arith.constant 0 : i32
        %dma_start3A_112 = tpu.memref_slice %arg12[%dma_start3A_110, %dma_start3A_111] : memref<128x128xf32, #tpu.memory_space<vmem>> -> memref<64x128xf32, #tpu.memory_space<vmem>>
        tpu.enqueue_dma source(%dma_start3A_112 : memref<64x128xf32, #tpu.memory_space<vmem>>) target(%dma_start3A_109 : memref<64x128xf32, #tpu.memory_space<vmem_shared>>) target_semaphore(%run_scoped3A : memref<!tpu.dma_semaphore, #tpu.memory_space<semaphore_mem>>)
        %dma_wait3A_113 = arith.constant 0 : i32
        %dma_wait3A_114 = arith.constant 0 : i32
        %dma_wait3A_115 = tpu.memref_slice %arg12[%dma_wait3A_113, %dma_wait3A_114] : memref<128x128xf32, #tpu.memory_space<vmem>> -> memref<64x128xf32, #tpu.memory_space<vmem>>
        %dma_wait3A_116 = arith.constant 0 : i32
        %dma_wait3A_117 = tpu.memref_slice %arg13[%add3A_26, %dma_wait3A_116] : memref<10240x128xf32, #tpu.memory_space<vmem_shared>> -> memref<64x128xf32, #tpu.memory_space<vmem_shared>>
        %dma_wait3A_118 = arith.constant 0 : i32
        %dma_wait3A_119 = tpu.memref_slice %arg13[%add3A_26, %dma_wait3A_118] : memref<10240x128xf32, #tpu.memory_space<vmem_shared>> -> memref<64x128xf32, #tpu.memory_space<vmem_shared>>
        %dma_wait3A_120 = arith.constant 0 : i32
        %dma_wait3A_121 = arith.constant 0 : i32
        %dma_wait3A_122 = tpu.memref_slice %arg12[%dma_wait3A_120, %dma_wait3A_121] : memref<128x128xf32, #tpu.memory_space<vmem>> -> memref<64x128xf32, #tpu.memory_space<vmem>>
        tpu.wait_dma2 semaphore(%run_scoped3A : memref<!tpu.dma_semaphore, #tpu.memory_space<semaphore_mem>>) src(%dma_wait3A_122 : memref<64x128xf32, #tpu.memory_space<vmem>>) dst(%dma_wait3A_119 : memref<64x128xf32, #tpu.memory_space<vmem_shared>>)
        tpu.yield
      }) : () -> ()
      %mul3A_27 = arith.constant 640 : i32
      %mul3A_28 = arith.muli %arg1, %mul3A_27 : i32
      %add3A_29 = arith.constant 256 : i32
      %add3A_30 = arith.addi %mul3A_28, %add3A_29 : i32
      "tpu.region"() ({
        %run_scoped3A = tpu.sem_alloc : memref<!tpu.dma_semaphore, #tpu.memory_space<semaphore_mem>>
        %dma_start3A_103 = arith.constant 0 : i32
        %dma_start3A_104 = arith.constant 0 : i32
        %dma_start3A_105 = tpu.memref_slice %arg12[%dma_start3A_103, %dma_start3A_104] : memref<128x128xf32, #tpu.memory_space<vmem>> -> memref<64x128xf32, #tpu.memory_space<vmem>>
        %dma_start3A_106 = arith.constant 0 : i32
        %dma_start3A_107 = tpu.memref_slice %arg13[%add3A_30, %dma_start3A_106] : memref<10240x128xf32, #tpu.memory_space<vmem_shared>> -> memref<64x128xf32, #tpu.memory_space<vmem_shared>>
        %dma_start3A_108 = arith.constant 0 : i32
        %dma_start3A_109 = tpu.memref_slice %arg13[%add3A_30, %dma_start3A_108] : memref<10240x128xf32, #tpu.memory_space<vmem_shared>> -> memref<64x128xf32, #tpu.memory_space<vmem_shared>>
        %dma_start3A_110 = arith.constant 0 : i32
        %dma_start3A_111 = arith.constant 0 : i32
        %dma_start3A_112 = tpu.memref_slice %arg12[%dma_start3A_110, %dma_start3A_111] : memref<128x128xf32, #tpu.memory_space<vmem>> -> memref<64x128xf32, #tpu.memory_space<vmem>>
        tpu.enqueue_dma source(%dma_start3A_112 : memref<64x128xf32, #tpu.memory_space<vmem>>) target(%dma_start3A_109 : memref<64x128xf32, #tpu.memory_space<vmem_shared>>) target_semaphore(%run_scoped3A : memref<!tpu.dma_semaphore, #tpu.memory_space<semaphore_mem>>)
        %dma_wait3A_113 = arith.constant 0 : i32
        %dma_wait3A_114 = arith.constant 0 : i32
        %dma_wait3A_115 = tpu.memref_slice %arg12[%dma_wait3A_113, %dma_wait3A_114] : memref<128x128xf32, #tpu.memory_space<vmem>> -> memref<64x128xf32, #tpu.memory_space<vmem>>
        %dma_wait3A_116 = arith.constant 0 : i32
        %dma_wait3A_117 = tpu.memref_slice %arg13[%add3A_30, %dma_wait3A_116] : memref<10240x128xf32, #tpu.memory_space<vmem_shared>> -> memref<64x128xf32, #tpu.memory_space<vmem_shared>>
        %dma_wait3A_118 = arith.constant 0 : i32
        %dma_wait3A_119 = tpu.memref_slice %arg13[%add3A_30, %dma_wait3A_118] : memref<10240x128xf32, #tpu.memory_space<vmem_shared>> -> memref<64x128xf32, #tpu.memory_space<vmem_shared>>
        %dma_wait3A_120 = arith.constant 0 : i32
        %dma_wait3A_121 = arith.constant 0 : i32
        %dma_wait3A_122 = tpu.memref_slice %arg12[%dma_wait3A_120, %dma_wait3A_121] : memref<128x128xf32, #tpu.memory_space<vmem>> -> memref<64x128xf32, #tpu.memory_space<vmem>>
        tpu.wait_dma2 semaphore(%run_scoped3A : memref<!tpu.dma_semaphore, #tpu.memory_space<semaphore_mem>>) src(%dma_wait3A_122 : memref<64x128xf32, #tpu.memory_space<vmem>>) dst(%dma_wait3A_119 : memref<64x128xf32, #tpu.memory_space<vmem_shared>>)
        tpu.yield
      }) : () -> ()
      %mul3A_31 = arith.constant 640 : i32
      %mul3A_32 = arith.muli %arg1, %mul3A_31 : i32
      %add3A_33 = arith.constant 320 : i32
      %add3A_34 = arith.addi %mul3A_32, %add3A_33 : i32
      "tpu.region"() ({
        %run_scoped3A = tpu.sem_alloc : memref<!tpu.dma_semaphore, #tpu.memory_space<semaphore_mem>>
        %dma_start3A_103 = arith.constant 0 : i32
        %dma_start3A_104 = arith.constant 0 : i32
        %dma_start3A_105 = tpu.memref_slice %arg12[%dma_start3A_103, %dma_start3A_104] : memref<128x128xf32, #tpu.memory_space<vmem>> -> memref<64x128xf32, #tpu.memory_space<vmem>>
        %dma_start3A_106 = arith.constant 0 : i32
        %dma_start3A_107 = tpu.memref_slice %arg13[%add3A_34, %dma_start3A_106] : memref<10240x128xf32, #tpu.memory_space<vmem_shared>> -> memref<64x128xf32, #tpu.memory_space<vmem_shared>>
        %dma_start3A_108 = arith.constant 0 : i32
        %dma_start3A_109 = tpu.memref_slice %arg13[%add3A_34, %dma_start3A_108] : memref<10240x128xf32, #tpu.memory_space<vmem_shared>> -> memref<64x128xf32, #tpu.memory_space<vmem_shared>>
        %dma_start3A_110 = arith.constant 0 : i32
        %dma_start3A_111 = arith.constant 0 : i32
        %dma_start3A_112 = tpu.memref_slice %arg12[%dma_start3A_110, %dma_start3A_111] : memref<128x128xf32, #tpu.memory_space<vmem>> -> memref<64x128xf32, #tpu.memory_space<vmem>>
        tpu.enqueue_dma source(%dma_start3A_112 : memref<64x128xf32, #tpu.memory_space<vmem>>) target(%dma_start3A_109 : memref<64x128xf32, #tpu.memory_space<vmem_shared>>) target_semaphore(%run_scoped3A : memref<!tpu.dma_semaphore, #tpu.memory_space<semaphore_mem>>)
        %dma_wait3A_113 = arith.constant 0 : i32
        %dma_wait3A_114 = arith.constant 0 : i32
        %dma_wait3A_115 = tpu.memref_slice %arg12[%dma_wait3A_113, %dma_wait3A_114] : memref<128x128xf32, #tpu.memory_space<vmem>> -> memref<64x128xf32, #tpu.memory_space<vmem>>
        %dma_wait3A_116 = arith.constant 0 : i32
        %dma_wait3A_117 = tpu.memref_slice %arg13[%add3A_34, %dma_wait3A_116] : memref<10240x128xf32, #tpu.memory_space<vmem_shared>> -> memref<64x128xf32, #tpu.memory_space<vmem_shared>>
        %dma_wait3A_118 = arith.constant 0 : i32
        %dma_wait3A_119 = tpu.memref_slice %arg13[%add3A_34, %dma_wait3A_118] : memref<10240x128xf32, #tpu.memory_space<vmem_shared>> -> memref<64x128xf32, #tpu.memory_space<vmem_shared>>
        %dma_wait3A_120 = arith.constant 0 : i32
        %dma_wait3A_121 = arith.constant 0 : i32
        %dma_wait3A_122 = tpu.memref_slice %arg12[%dma_wait3A_120, %dma_wait3A_121] : memref<128x128xf32, #tpu.memory_space<vmem>> -> memref<64x128xf32, #tpu.memory_space<vmem>>
        tpu.wait_dma2 semaphore(%run_scoped3A : memref<!tpu.dma_semaphore, #tpu.memory_space<semaphore_mem>>) src(%dma_wait3A_122 : memref<64x128xf32, #tpu.memory_space<vmem>>) dst(%dma_wait3A_119 : memref<64x128xf32, #tpu.memory_space<vmem_shared>>)
        tpu.yield
      }) : () -> ()
      %mul3A_35 = arith.constant 640 : i32
      %mul3A_36 = arith.muli %arg1, %mul3A_35 : i32
      %add3A_37 = arith.constant 384 : i32
      %add3A_38 = arith.addi %mul3A_36, %add3A_37 : i32
      "tpu.region"() ({
        %run_scoped3A = tpu.sem_alloc : memref<!tpu.dma_semaphore, #tpu.memory_space<semaphore_mem>>
        %dma_start3A_103 = arith.constant 0 : i32
        %dma_start3A_104 = arith.constant 0 : i32
        %dma_start3A_105 = tpu.memref_slice %arg12[%dma_start3A_103, %dma_start3A_104] : memref<128x128xf32, #tpu.memory_space<vmem>> -> memref<64x128xf32, #tpu.memory_space<vmem>>
        %dma_start3A_106 = arith.constant 0 : i32
        %dma_start3A_107 = tpu.memref_slice %arg13[%add3A_38, %dma_start3A_106] : memref<10240x128xf32, #tpu.memory_space<vmem_shared>> -> memref<64x128xf32, #tpu.memory_space<vmem_shared>>
        %dma_start3A_108 = arith.constant 0 : i32
        %dma_start3A_109 = tpu.memref_slice %arg13[%add3A_38, %dma_start3A_108] : memref<10240x128xf32, #tpu.memory_space<vmem_shared>> -> memref<64x128xf32, #tpu.memory_space<vmem_shared>>
        %dma_start3A_110 = arith.constant 0 : i32
        %dma_start3A_111 = arith.constant 0 : i32
        %dma_start3A_112 = tpu.memref_slice %arg12[%dma_start3A_110, %dma_start3A_111] : memref<128x128xf32, #tpu.memory_space<vmem>> -> memref<64x128xf32, #tpu.memory_space<vmem>>
        tpu.enqueue_dma source(%dma_start3A_112 : memref<64x128xf32, #tpu.memory_space<vmem>>) target(%dma_start3A_109 : memref<64x128xf32, #tpu.memory_space<vmem_shared>>) target_semaphore(%run_scoped3A : memref<!tpu.dma_semaphore, #tpu.memory_space<semaphore_mem>>)
        %dma_wait3A_113 = arith.constant 0 : i32
        %dma_wait3A_114 = arith.constant 0 : i32
        %dma_wait3A_115 = tpu.memref_slice %arg12[%dma_wait3A_113, %dma_wait3A_114] : memref<128x128xf32, #tpu.memory_space<vmem>> -> memref<64x128xf32, #tpu.memory_space<vmem>>
        %dma_wait3A_116 = arith.constant 0 : i32
        %dma_wait3A_117 = tpu.memref_slice %arg13[%add3A_38, %dma_wait3A_116] : memref<10240x128xf32, #tpu.memory_space<vmem_shared>> -> memref<64x128xf32, #tpu.memory_space<vmem_shared>>
        %dma_wait3A_118 = arith.constant 0 : i32
        %dma_wait3A_119 = tpu.memref_slice %arg13[%add3A_38, %dma_wait3A_118] : memref<10240x128xf32, #tpu.memory_space<vmem_shared>> -> memref<64x128xf32, #tpu.memory_space<vmem_shared>>
        %dma_wait3A_120 = arith.constant 0 : i32
        %dma_wait3A_121 = arith.constant 0 : i32
        %dma_wait3A_122 = tpu.memref_slice %arg12[%dma_wait3A_120, %dma_wait3A_121] : memref<128x128xf32, #tpu.memory_space<vmem>> -> memref<64x128xf32, #tpu.memory_space<vmem>>
        tpu.wait_dma2 semaphore(%run_scoped3A : memref<!tpu.dma_semaphore, #tpu.memory_space<semaphore_mem>>) src(%dma_wait3A_122 : memref<64x128xf32, #tpu.memory_space<vmem>>) dst(%dma_wait3A_119 : memref<64x128xf32, #tpu.memory_space<vmem_shared>>)
        tpu.yield
      }) : () -> ()
      %mul3A_39 = arith.constant 640 : i32
      %mul3A_40 = arith.muli %arg1, %mul3A_39 : i32
      %add3A_41 = arith.constant 448 : i32
      %add3A_42 = arith.addi %mul3A_40, %add3A_41 : i32
      "tpu.region"() ({
        %run_scoped3A = tpu.sem_alloc : memref<!tpu.dma_semaphore, #tpu.memory_space<semaphore_mem>>
        %dma_start3A_103 = arith.constant 0 : i32
        %dma_start3A_104 = arith.constant 0 : i32
        %dma_start3A_105 = tpu.memref_slice %arg12[%dma_start3A_103, %dma_start3A_104] : memref<128x128xf32, #tpu.memory_space<vmem>> -> memref<64x128xf32, #tpu.memory_space<vmem>>
        %dma_start3A_106 = arith.constant 0 : i32
        %dma_start3A_107 = tpu.memref_slice %arg13[%add3A_42, %dma_start3A_106] : memref<10240x128xf32, #tpu.memory_space<vmem_shared>> -> memref<64x128xf32, #tpu.memory_space<vmem_shared>>
        %dma_start3A_108 = arith.constant 0 : i32
        %dma_start3A_109 = tpu.memref_slice %arg13[%add3A_42, %dma_start3A_108] : memref<10240x128xf32, #tpu.memory_space<vmem_shared>> -> memref<64x128xf32, #tpu.memory_space<vmem_shared>>
        %dma_start3A_110 = arith.constant 0 : i32
        %dma_start3A_111 = arith.constant 0 : i32
        %dma_start3A_112 = tpu.memref_slice %arg12[%dma_start3A_110, %dma_start3A_111] : memref<128x128xf32, #tpu.memory_space<vmem>> -> memref<64x128xf32, #tpu.memory_space<vmem>>
        tpu.enqueue_dma source(%dma_start3A_112 : memref<64x128xf32, #tpu.memory_space<vmem>>) target(%dma_start3A_109 : memref<64x128xf32, #tpu.memory_space<vmem_shared>>) target_semaphore(%run_scoped3A : memref<!tpu.dma_semaphore, #tpu.memory_space<semaphore_mem>>)
        %dma_wait3A_113 = arith.constant 0 : i32
        %dma_wait3A_114 = arith.constant 0 : i32
        %dma_wait3A_115 = tpu.memref_slice %arg12[%dma_wait3A_113, %dma_wait3A_114] : memref<128x128xf32, #tpu.memory_space<vmem>> -> memref<64x128xf32, #tpu.memory_space<vmem>>
        %dma_wait3A_116 = arith.constant 0 : i32
        %dma_wait3A_117 = tpu.memref_slice %arg13[%add3A_42, %dma_wait3A_116] : memref<10240x128xf32, #tpu.memory_space<vmem_shared>> -> memref<64x128xf32, #tpu.memory_space<vmem_shared>>
        %dma_wait3A_118 = arith.constant 0 : i32
        %dma_wait3A_119 = tpu.memref_slice %arg13[%add3A_42, %dma_wait3A_118] : memref<10240x128xf32, #tpu.memory_space<vmem_shared>> -> memref<64x128xf32, #tpu.memory_space<vmem_shared>>
        %dma_wait3A_120 = arith.constant 0 : i32
        %dma_wait3A_121 = arith.constant 0 : i32
        %dma_wait3A_122 = tpu.memref_slice %arg12[%dma_wait3A_120, %dma_wait3A_121] : memref<128x128xf32, #tpu.memory_space<vmem>> -> memref<64x128xf32, #tpu.memory_space<vmem>>
        tpu.wait_dma2 semaphore(%run_scoped3A : memref<!tpu.dma_semaphore, #tpu.memory_space<semaphore_mem>>) src(%dma_wait3A_122 : memref<64x128xf32, #tpu.memory_space<vmem>>) dst(%dma_wait3A_119 : memref<64x128xf32, #tpu.memory_space<vmem_shared>>)
        tpu.yield
      }) : () -> ()
      %mul3A_43 = arith.constant 640 : i32
      %mul3A_44 = arith.muli %arg1, %mul3A_43 : i32
      %add3A_45 = arith.constant 512 : i32
      %add3A_46 = arith.addi %mul3A_44, %add3A_45 : i32
      "tpu.region"() ({
        %run_scoped3A = tpu.sem_alloc : memref<!tpu.dma_semaphore, #tpu.memory_space<semaphore_mem>>
        %dma_start3A_103 = arith.constant 0 : i32
        %dma_start3A_104 = arith.constant 0 : i32
        %dma_start3A_105 = tpu.memref_slice %arg12[%dma_start3A_103, %dma_start3A_104] : memref<128x128xf32, #tpu.memory_space<vmem>> -> memref<64x128xf32, #tpu.memory_space<vmem>>
        %dma_start3A_106 = arith.constant 0 : i32
        %dma_start3A_107 = tpu.memref_slice %arg13[%add3A_46, %dma_start3A_106] : memref<10240x128xf32, #tpu.memory_space<vmem_shared>> -> memref<64x128xf32, #tpu.memory_space<vmem_shared>>
        %dma_start3A_108 = arith.constant 0 : i32
        %dma_start3A_109 = tpu.memref_slice %arg13[%add3A_46, %dma_start3A_108] : memref<10240x128xf32, #tpu.memory_space<vmem_shared>> -> memref<64x128xf32, #tpu.memory_space<vmem_shared>>
        %dma_start3A_110 = arith.constant 0 : i32
        %dma_start3A_111 = arith.constant 0 : i32
        %dma_start3A_112 = tpu.memref_slice %arg12[%dma_start3A_110, %dma_start3A_111] : memref<128x128xf32, #tpu.memory_space<vmem>> -> memref<64x128xf32, #tpu.memory_space<vmem>>
        tpu.enqueue_dma source(%dma_start3A_112 : memref<64x128xf32, #tpu.memory_space<vmem>>) target(%dma_start3A_109 : memref<64x128xf32, #tpu.memory_space<vmem_shared>>) target_semaphore(%run_scoped3A : memref<!tpu.dma_semaphore, #tpu.memory_space<semaphore_mem>>)
        %dma_wait3A_113 = arith.constant 0 : i32
        %dma_wait3A_114 = arith.constant 0 : i32
        %dma_wait3A_115 = tpu.memref_slice %arg12[%dma_wait3A_113, %dma_wait3A_114] : memref<128x128xf32, #tpu.memory_space<vmem>> -> memref<64x128xf32, #tpu.memory_space<vmem>>
        %dma_wait3A_116 = arith.constant 0 : i32
        %dma_wait3A_117 = tpu.memref_slice %arg13[%add3A_46, %dma_wait3A_116] : memref<10240x128xf32, #tpu.memory_space<vmem_shared>> -> memref<64x128xf32, #tpu.memory_space<vmem_shared>>
        %dma_wait3A_118 = arith.constant 0 : i32
        %dma_wait3A_119 = tpu.memref_slice %arg13[%add3A_46, %dma_wait3A_118] : memref<10240x128xf32, #tpu.memory_space<vmem_shared>> -> memref<64x128xf32, #tpu.memory_space<vmem_shared>>
        %dma_wait3A_120 = arith.constant 0 : i32
        %dma_wait3A_121 = arith.constant 0 : i32
        %dma_wait3A_122 = tpu.memref_slice %arg12[%dma_wait3A_120, %dma_wait3A_121] : memref<128x128xf32, #tpu.memory_space<vmem>> -> memref<64x128xf32, #tpu.memory_space<vmem>>
        tpu.wait_dma2 semaphore(%run_scoped3A : memref<!tpu.dma_semaphore, #tpu.memory_space<semaphore_mem>>) src(%dma_wait3A_122 : memref<64x128xf32, #tpu.memory_space<vmem>>) dst(%dma_wait3A_119 : memref<64x128xf32, #tpu.memory_space<vmem_shared>>)
        tpu.yield
      }) : () -> ()
      %mul3A_47 = arith.constant 640 : i32
      %mul3A_48 = arith.muli %arg1, %mul3A_47 : i32
      %add3A_49 = arith.constant 576 : i32
      %add3A_50 = arith.addi %mul3A_48, %add3A_49 : i32
      "tpu.region"() ({
        %run_scoped3A = tpu.sem_alloc : memref<!tpu.dma_semaphore, #tpu.memory_space<semaphore_mem>>
        %dma_start3A_103 = arith.constant 0 : i32
        %dma_start3A_104 = arith.constant 0 : i32
        %dma_start3A_105 = tpu.memref_slice %arg12[%dma_start3A_103, %dma_start3A_104] : memref<128x128xf32, #tpu.memory_space<vmem>> -> memref<64x128xf32, #tpu.memory_space<vmem>>
        %dma_start3A_106 = arith.constant 0 : i32
        %dma_start3A_107 = tpu.memref_slice %arg13[%add3A_50, %dma_start3A_106] : memref<10240x128xf32, #tpu.memory_space<vmem_shared>> -> memref<64x128xf32, #tpu.memory_space<vmem_shared>>
        %dma_start3A_108 = arith.constant 0 : i32
        %dma_start3A_109 = tpu.memref_slice %arg13[%add3A_50, %dma_start3A_108] : memref<10240x128xf32, #tpu.memory_space<vmem_shared>> -> memref<64x128xf32, #tpu.memory_space<vmem_shared>>
        %dma_start3A_110 = arith.constant 0 : i32
        %dma_start3A_111 = arith.constant 0 : i32
        %dma_start3A_112 = tpu.memref_slice %arg12[%dma_start3A_110, %dma_start3A_111] : memref<128x128xf32, #tpu.memory_space<vmem>> -> memref<64x128xf32, #tpu.memory_space<vmem>>
        tpu.enqueue_dma source(%dma_start3A_112 : memref<64x128xf32, #tpu.memory_space<vmem>>) target(%dma_start3A_109 : memref<64x128xf32, #tpu.memory_space<vmem_shared>>) target_semaphore(%run_scoped3A : memref<!tpu.dma_semaphore, #tpu.memory_space<semaphore_mem>>)
        %dma_wait3A_113 = arith.constant 0 : i32
        %dma_wait3A_114 = arith.constant 0 : i32
        %dma_wait3A_115 = tpu.memref_slice %arg12[%dma_wait3A_113, %dma_wait3A_114] : memref<128x128xf32, #tpu.memory_space<vmem>> -> memref<64x128xf32, #tpu.memory_space<vmem>>
        %dma_wait3A_116 = arith.constant 0 : i32
        %dma_wait3A_117 = tpu.memref_slice %arg13[%add3A_50, %dma_wait3A_116] : memref<10240x128xf32, #tpu.memory_space<vmem_shared>> -> memref<64x128xf32, #tpu.memory_space<vmem_shared>>
        %dma_wait3A_118 = arith.constant 0 : i32
        %dma_wait3A_119 = tpu.memref_slice %arg13[%add3A_50, %dma_wait3A_118] : memref<10240x128xf32, #tpu.memory_space<vmem_shared>> -> memref<64x128xf32, #tpu.memory_space<vmem_shared>>
        %dma_wait3A_120 = arith.constant 0 : i32
        %dma_wait3A_121 = arith.constant 0 : i32
        %dma_wait3A_122 = tpu.memref_slice %arg12[%dma_wait3A_120, %dma_wait3A_121] : memref<128x128xf32, #tpu.memory_space<vmem>> -> memref<64x128xf32, #tpu.memory_space<vmem>>
        tpu.wait_dma2 semaphore(%run_scoped3A : memref<!tpu.dma_semaphore, #tpu.memory_space<semaphore_mem>>) src(%dma_wait3A_122 : memref<64x128xf32, #tpu.memory_space<vmem>>) dst(%dma_wait3A_119 : memref<64x128xf32, #tpu.memory_space<vmem_shared>>)
        tpu.yield
      }) : () -> ()
      %barrier3A = arith.constant 0 : index
      tpu.barrier barrier_id(%barrier3A)
      %scan3A = arith.constant 0 : i32
      %scan3A_51 = arith.constant 0 : i32
      %scan3A_52 = arith.constant 20 : i32
      %scan3A_53 = arith.addi %scan3A_51, %scan3A_52 : i32
      %scan3A_54 = arith.constant 1 : i32
      %scan3A_55 = scf.for %scan3A_103 = %scan3A_51 to %scan3A_53 step %scan3A_54 iter_args(%scan3A_104 = %scan3A) -> (i32)  : i32 {
        %mul3A_105 = arith.constant 2 : i32
        %mul3A_106 = arith.muli %mul3A_105, %scan3A_103 : i32
        %add3A_107 = arith.constant 1 : i32
        %add3A_108 = arith.addi %mul3A_106, %add3A_107 : i32
        %gt3A = arith.constant 0 : i32
        %gt3A_109 = arith.cmpi sgt, %scan3A_103, %gt3A : i32
        %convert_element_type3A_110 = arith.extui %gt3A_109 : i1 to i32
        %cond3A_111 = arith.constant 0 : i32
        %cond3A_112 = arith.cmpi ne, %convert_element_type3A_110, %cond3A_111 : i32
        scf.if %cond3A_112 {
          %sub3A = arith.constant 2 : i32
          %sub3A_148 = arith.subi %add3A_108, %sub3A : i32
          %dma_wait3A_149 = arith.constant 0 : i32
          %dma_wait3A_150 = tpu.memref_slice %arg10[%sub3A_148, %dma_wait3A_149] : memref<40x128xi32, #tpu.memory_space<vmem>> -> memref<1x128xi32, #tpu.memory_space<vmem>>
          %dma_wait3A_151 = tpu.memref_squeeze %dma_wait3A_150 : memref<1x128xi32, #tpu.memory_space<vmem>> -> memref<128xi32, #tpu.memory_space<vmem>>
          %dma_wait3A_152 = arith.constant 0 : i32
          %dma_wait3A_153 = arith.constant 0 : i32
          %dma_wait3A_154 = tpu.memref_slice %arg13[%dma_wait3A_152, %dma_wait3A_153] : memref<10240x128xf32, #tpu.memory_space<vmem_shared>> -> memref<10240x128xf32, #tpu.memory_space<vmem_shared>>
          tpu.wait_indirect_dma semaphore(%arg17 : memref<!tpu.dma_semaphore, #tpu.memory_space<semaphore_mem>>) src(%arg12 : memref<128x128xf32, #tpu.memory_space<vmem>>) dst(%dma_wait3A_154 : memref<10240x128xf32, #tpu.memory_space<vmem_shared>>)
        } else {
        }
        %dma_start3A_113 = arith.constant 0 : i32
        %dma_start3A_114 = tpu.memref_slice %arg9[%add3A_108, %dma_start3A_113] : memref<40x128xi32, #tpu.memory_space<vmem>> -> memref<1x128xi32, #tpu.memory_space<vmem>>
        %dma_start3A_115 = tpu.memref_squeeze %dma_start3A_114 : memref<1x128xi32, #tpu.memory_space<vmem>> -> memref<128xi32, #tpu.memory_space<vmem>>
        %dma_start3A_116 = arith.constant 0 : i32
        %dma_start3A_117 = arith.constant 0 : i32
        %dma_start3A_118 = tpu.memref_slice %arg2[%dma_start3A_116, %dma_start3A_117] : memref<51200x128xf32, #tpu.memory_space<hbm>> -> memref<51200x128xf32, #tpu.memory_space<hbm>>
        tpu.enqueue_indirect_dma source(%dma_start3A_118 : memref<51200x128xf32, #tpu.memory_space<hbm>>) target(%arg12 : memref<128x128xf32, #tpu.memory_space<vmem>>) offsets(%dma_start3A_115 : memref<128xi32, #tpu.memory_space<vmem>>) semaphore(%arg15 : memref<!tpu.dma_semaphore, #tpu.memory_space<semaphore_mem>>)
        %dma_wait3A_119 = arith.constant 0 : i32
        %dma_wait3A_120 = tpu.memref_slice %arg9[%mul3A_106, %dma_wait3A_119] : memref<40x128xi32, #tpu.memory_space<vmem>> -> memref<1x128xi32, #tpu.memory_space<vmem>>
        %dma_wait3A_121 = tpu.memref_squeeze %dma_wait3A_120 : memref<1x128xi32, #tpu.memory_space<vmem>> -> memref<128xi32, #tpu.memory_space<vmem>>
        %dma_wait3A_122 = arith.constant 0 : i32
        %dma_wait3A_123 = arith.constant 0 : i32
        %dma_wait3A_124 = tpu.memref_slice %arg2[%dma_wait3A_122, %dma_wait3A_123] : memref<51200x128xf32, #tpu.memory_space<hbm>> -> memref<51200x128xf32, #tpu.memory_space<hbm>>
        tpu.wait_indirect_dma semaphore(%arg14 : memref<!tpu.dma_semaphore, #tpu.memory_space<semaphore_mem>>) src(%dma_wait3A_124 : memref<51200x128xf32, #tpu.memory_space<hbm>>) dst(%arg11 : memref<128x128xf32, #tpu.memory_space<vmem>>)
        %dma_start3A_125 = arith.constant 0 : i32
        %dma_start3A_126 = tpu.memref_slice %arg10[%mul3A_106, %dma_start3A_125] : memref<40x128xi32, #tpu.memory_space<vmem>> -> memref<1x128xi32, #tpu.memory_space<vmem>>
        %dma_start3A_127 = tpu.memref_squeeze %dma_start3A_126 : memref<1x128xi32, #tpu.memory_space<vmem>> -> memref<128xi32, #tpu.memory_space<vmem>>
        %dma_start3A_128 = arith.constant 0 : i32
        %dma_start3A_129 = arith.constant 0 : i32
        %dma_start3A_130 = tpu.memref_slice %arg13[%dma_start3A_128, %dma_start3A_129] : memref<10240x128xf32, #tpu.memory_space<vmem_shared>> -> memref<10240x128xf32, #tpu.memory_space<vmem_shared>>
        tpu.enqueue_indirect_dma source(%arg11 : memref<128x128xf32, #tpu.memory_space<vmem>>) target(%dma_start3A_130 : memref<10240x128xf32, #tpu.memory_space<vmem_shared>>) offsets(%dma_start3A_127 : memref<128xi32, #tpu.memory_space<vmem>>) semaphore(%arg16 : memref<!tpu.dma_semaphore, #tpu.memory_space<semaphore_mem>>) {add = true}
        %lt3A = arith.constant 19 : i32
        %lt3A_131 = arith.cmpi slt, %scan3A_103, %lt3A : i32
        %convert_element_type3A_132 = arith.extui %lt3A_131 : i1 to i32
        %cond3A_133 = arith.constant 0 : i32
        %cond3A_134 = arith.cmpi ne, %convert_element_type3A_132, %cond3A_133 : i32
        scf.if %cond3A_134 {
          %dma_wait3A_148 = arith.constant 0 : i32
          %dma_wait3A_149 = tpu.memref_slice %arg10[%mul3A_106, %dma_wait3A_148] : memref<40x128xi32, #tpu.memory_space<vmem>> -> memref<1x128xi32, #tpu.memory_space<vmem>>
          %dma_wait3A_150 = tpu.memref_squeeze %dma_wait3A_149 : memref<1x128xi32, #tpu.memory_space<vmem>> -> memref<128xi32, #tpu.memory_space<vmem>>
          %dma_wait3A_151 = arith.constant 0 : i32
          %dma_wait3A_152 = arith.constant 0 : i32
          %dma_wait3A_153 = tpu.memref_slice %arg13[%dma_wait3A_151, %dma_wait3A_152] : memref<10240x128xf32, #tpu.memory_space<vmem_shared>> -> memref<10240x128xf32, #tpu.memory_space<vmem_shared>>
          tpu.wait_indirect_dma semaphore(%arg16 : memref<!tpu.dma_semaphore, #tpu.memory_space<semaphore_mem>>) src(%arg11 : memref<128x128xf32, #tpu.memory_space<vmem>>) dst(%dma_wait3A_153 : memref<10240x128xf32, #tpu.memory_space<vmem_shared>>)
          %add3A_154 = arith.constant 2 : i32
          %add3A_155 = arith.addi %mul3A_106, %add3A_154 : i32
          %dma_start3A_156 = arith.constant 0 : i32
          %dma_start3A_157 = tpu.memref_slice %arg9[%add3A_155, %dma_start3A_156] : memref<40x128xi32, #tpu.memory_space<vmem>> -> memref<1x128xi32, #tpu.memory_space<vmem>>
          %dma_start3A_158 = tpu.memref_squeeze %dma_start3A_157 : memref<1x128xi32, #tpu.memory_space<vmem>> -> memref<128xi32, #tpu.memory_space<vmem>>
          %dma_start3A_159 = arith.constant 0 : i32
          %dma_start3A_160 = arith.constant 0 : i32
          %dma_start3A_161 = tpu.memref_slice %arg2[%dma_start3A_159, %dma_start3A_160] : memref<51200x128xf32, #tpu.memory_space<hbm>> -> memref<51200x128xf32, #tpu.memory_space<hbm>>
          tpu.enqueue_indirect_dma source(%dma_start3A_161 : memref<51200x128xf32, #tpu.memory_space<hbm>>) target(%arg11 : memref<128x128xf32, #tpu.memory_space<vmem>>) offsets(%dma_start3A_158 : memref<128xi32, #tpu.memory_space<vmem>>) semaphore(%arg14 : memref<!tpu.dma_semaphore, #tpu.memory_space<semaphore_mem>>)
        } else {
        }
        %dma_wait3A_135 = arith.constant 0 : i32
        %dma_wait3A_136 = tpu.memref_slice %arg9[%add3A_108, %dma_wait3A_135] : memref<40x128xi32, #tpu.memory_space<vmem>> -> memref<1x128xi32, #tpu.memory_space<vmem>>
        %dma_wait3A_137 = tpu.memref_squeeze %dma_wait3A_136 : memref<1x128xi32, #tpu.memory_space<vmem>> -> memref<128xi32, #tpu.memory_space<vmem>>
        %dma_wait3A_138 = arith.constant 0 : i32
        %dma_wait3A_139 = arith.constant 0 : i32
        %dma_wait3A_140 = tpu.memref_slice %arg2[%dma_wait3A_138, %dma_wait3A_139] : memref<51200x128xf32, #tpu.memory_space<hbm>> -> memref<51200x128xf32, #tpu.memory_space<hbm>>
        tpu.wait_indirect_dma semaphore(%arg15 : memref<!tpu.dma_semaphore, #tpu.memory_space<semaphore_mem>>) src(%dma_wait3A_140 : memref<51200x128xf32, #tpu.memory_space<hbm>>) dst(%arg12 : memref<128x128xf32, #tpu.memory_space<vmem>>)
        %dma_start3A_141 = arith.constant 0 : i32
        %dma_start3A_142 = tpu.memref_slice %arg10[%add3A_108, %dma_start3A_141] : memref<40x128xi32, #tpu.memory_space<vmem>> -> memref<1x128xi32, #tpu.memory_space<vmem>>
        %dma_start3A_143 = tpu.memref_squeeze %dma_start3A_142 : memref<1x128xi32, #tpu.memory_space<vmem>> -> memref<128xi32, #tpu.memory_space<vmem>>
        %dma_start3A_144 = arith.constant 0 : i32
        %dma_start3A_145 = arith.constant 0 : i32
        %dma_start3A_146 = tpu.memref_slice %arg13[%dma_start3A_144, %dma_start3A_145] : memref<10240x128xf32, #tpu.memory_space<vmem_shared>> -> memref<10240x128xf32, #tpu.memory_space<vmem_shared>>
        tpu.enqueue_indirect_dma source(%arg12 : memref<128x128xf32, #tpu.memory_space<vmem>>) target(%dma_start3A_146 : memref<10240x128xf32, #tpu.memory_space<vmem_shared>>) offsets(%dma_start3A_143 : memref<128xi32, #tpu.memory_space<vmem>>) semaphore(%arg17 : memref<!tpu.dma_semaphore, #tpu.memory_space<semaphore_mem>>) {add = true}
        %scan3A_147 = arith.constant 0 : i32
        scf.yield %scan3A_147 : i32
      }
      %scan3A_56 = arith.constant 20 : i32
      %dma_wait3A = arith.constant 38 : i32
      %dma_wait3A_57 = arith.constant 0 : i32
      %dma_wait3A_58 = tpu.memref_slice %arg10[%dma_wait3A, %dma_wait3A_57] : memref<40x128xi32, #tpu.memory_space<vmem>> -> memref<1x128xi32, #tpu.memory_space<vmem>>
      %dma_wait3A_59 = tpu.memref_squeeze %dma_wait3A_58 : memref<1x128xi32, #tpu.memory_space<vmem>> -> memref<128xi32, #tpu.memory_space<vmem>>
      %dma_wait3A_60 = arith.constant 0 : i32
      %dma_wait3A_61 = arith.constant 0 : i32
      %dma_wait3A_62 = tpu.memref_slice %arg13[%dma_wait3A_60, %dma_wait3A_61] : memref<10240x128xf32, #tpu.memory_space<vmem_shared>> -> memref<10240x128xf32, #tpu.memory_space<vmem_shared>>
      tpu.wait_indirect_dma semaphore(%arg16 : memref<!tpu.dma_semaphore, #tpu.memory_space<semaphore_mem>>) src(%arg11 : memref<128x128xf32, #tpu.memory_space<vmem>>) dst(%dma_wait3A_62 : memref<10240x128xf32, #tpu.memory_space<vmem_shared>>)
      %dma_wait3A_63 = arith.constant 39 : i32
      %dma_wait3A_64 = arith.constant 0 : i32
      %dma_wait3A_65 = tpu.memref_slice %arg10[%dma_wait3A_63, %dma_wait3A_64] : memref<40x128xi32, #tpu.memory_space<vmem>> -> memref<1x128xi32, #tpu.memory_space<vmem>>
      %dma_wait3A_66 = tpu.memref_squeeze %dma_wait3A_65 : memref<1x128xi32, #tpu.memory_space<vmem>> -> memref<128xi32, #tpu.memory_space<vmem>>
      %dma_wait3A_67 = arith.constant 0 : i32
      %dma_wait3A_68 = arith.constant 0 : i32
      %dma_wait3A_69 = tpu.memref_slice %arg13[%dma_wait3A_67, %dma_wait3A_68] : memref<10240x128xf32, #tpu.memory_space<vmem_shared>> -> memref<10240x128xf32, #tpu.memory_space<vmem_shared>>
      tpu.wait_indirect_dma semaphore(%arg17 : memref<!tpu.dma_semaphore, #tpu.memory_space<semaphore_mem>>) src(%arg12 : memref<128x128xf32, #tpu.memory_space<vmem>>) dst(%dma_wait3A_69 : memref<10240x128xf32, #tpu.memory_space<vmem_shared>>)
      "tpu.region"() ({
        %run_scoped3A = tpu.sem_alloc : memref<!tpu.dma_semaphore, #tpu.memory_space<semaphore_mem>>
        %dma_start3A_103 = arith.constant 0 : i32
        %dma_start3A_104 = arith.constant 0 : i32
        %dma_start3A_105 = tpu.memref_slice %arg4[%arg1, %dma_start3A_103, %dma_start3A_104] : memref<16x80x128xi32, #tpu.memory_space<hbm>> -> memref<1x80x128xi32, #tpu.memory_space<hbm>>
        %dma_start3A_106 = tpu.memref_squeeze %dma_start3A_105 : memref<1x80x128xi32, #tpu.memory_space<hbm>> -> memref<80x128xi32, #tpu.memory_space<hbm>>
        %dma_start3A_107 = arith.constant 40 : i32
        %dma_start3A_108 = arith.constant 0 : i32
        %dma_start3A_109 = tpu.memref_slice %dma_start3A_106[%dma_start3A_107, %dma_start3A_108] : memref<80x128xi32, #tpu.memory_space<hbm>> -> memref<40x128xi32, #tpu.memory_space<hbm>>
        %dma_start3A_110 = arith.constant 0 : i32
        %dma_start3A_111 = arith.constant 0 : i32
        %dma_start3A_112 = tpu.memref_slice %arg4[%arg1, %dma_start3A_110, %dma_start3A_111] : memref<16x80x128xi32, #tpu.memory_space<hbm>> -> memref<1x80x128xi32, #tpu.memory_space<hbm>>
        %dma_start3A_113 = tpu.memref_squeeze %dma_start3A_112 : memref<1x80x128xi32, #tpu.memory_space<hbm>> -> memref<80x128xi32, #tpu.memory_space<hbm>>
        %dma_start3A_114 = arith.constant 40 : i32
        %dma_start3A_115 = arith.constant 0 : i32
        %dma_start3A_116 = tpu.memref_slice %dma_start3A_113[%dma_start3A_114, %dma_start3A_115] : memref<80x128xi32, #tpu.memory_space<hbm>> -> memref<40x128xi32, #tpu.memory_space<hbm>>
        tpu.enqueue_dma source(%dma_start3A_116 : memref<40x128xi32, #tpu.memory_space<hbm>>) target(%arg9 : memref<40x128xi32, #tpu.memory_space<vmem>>) target_semaphore(%run_scoped3A : memref<!tpu.dma_semaphore, #tpu.memory_space<semaphore_mem>>)
        %dma_wait3A_117 = arith.constant 0 : i32
        %dma_wait3A_118 = arith.constant 0 : i32
        %dma_wait3A_119 = tpu.memref_slice %arg4[%arg1, %dma_wait3A_117, %dma_wait3A_118] : memref<16x80x128xi32, #tpu.memory_space<hbm>> -> memref<1x80x128xi32, #tpu.memory_space<hbm>>
        %dma_wait3A_120 = tpu.memref_squeeze %dma_wait3A_119 : memref<1x80x128xi32, #tpu.memory_space<hbm>> -> memref<80x128xi32, #tpu.memory_space<hbm>>
        %dma_wait3A_121 = arith.constant 40 : i32
        %dma_wait3A_122 = arith.constant 0 : i32
        %dma_wait3A_123 = tpu.memref_slice %dma_wait3A_120[%dma_wait3A_121, %dma_wait3A_122] : memref<80x128xi32, #tpu.memory_space<hbm>> -> memref<40x128xi32, #tpu.memory_space<hbm>>
        %dma_wait3A_124 = arith.constant 0 : i32
        %dma_wait3A_125 = arith.constant 0 : i32
        %dma_wait3A_126 = tpu.memref_slice %arg4[%arg1, %dma_wait3A_124, %dma_wait3A_125] : memref<16x80x128xi32, #tpu.memory_space<hbm>> -> memref<1x80x128xi32, #tpu.memory_space<hbm>>
        %dma_wait3A_127 = tpu.memref_squeeze %dma_wait3A_126 : memref<1x80x128xi32, #tpu.memory_space<hbm>> -> memref<80x128xi32, #tpu.memory_space<hbm>>
        %dma_wait3A_128 = arith.constant 40 : i32
        %dma_wait3A_129 = arith.constant 0 : i32
        %dma_wait3A_130 = tpu.memref_slice %dma_wait3A_127[%dma_wait3A_128, %dma_wait3A_129] : memref<80x128xi32, #tpu.memory_space<hbm>> -> memref<40x128xi32, #tpu.memory_space<hbm>>
        tpu.wait_dma2 semaphore(%run_scoped3A : memref<!tpu.dma_semaphore, #tpu.memory_space<semaphore_mem>>) src(%dma_wait3A_130 : memref<40x128xi32, #tpu.memory_space<hbm>>) dst(%arg9 : memref<40x128xi32, #tpu.memory_space<vmem>>)
        tpu.yield
      }) : () -> ()
      "tpu.region"() ({
        %run_scoped3A = tpu.sem_alloc : memref<!tpu.dma_semaphore, #tpu.memory_space<semaphore_mem>>
        %dma_start3A_103 = arith.constant 0 : i32
        %dma_start3A_104 = arith.constant 0 : i32
        %dma_start3A_105 = tpu.memref_slice %arg5[%arg1, %dma_start3A_103, %dma_start3A_104] : memref<16x80x128xi32, #tpu.memory_space<hbm>> -> memref<1x80x128xi32, #tpu.memory_space<hbm>>
        %dma_start3A_106 = tpu.memref_squeeze %dma_start3A_105 : memref<1x80x128xi32, #tpu.memory_space<hbm>> -> memref<80x128xi32, #tpu.memory_space<hbm>>
        %dma_start3A_107 = arith.constant 40 : i32
        %dma_start3A_108 = arith.constant 0 : i32
        %dma_start3A_109 = tpu.memref_slice %dma_start3A_106[%dma_start3A_107, %dma_start3A_108] : memref<80x128xi32, #tpu.memory_space<hbm>> -> memref<40x128xi32, #tpu.memory_space<hbm>>
        %dma_start3A_110 = arith.constant 0 : i32
        %dma_start3A_111 = arith.constant 0 : i32
        %dma_start3A_112 = tpu.memref_slice %arg5[%arg1, %dma_start3A_110, %dma_start3A_111] : memref<16x80x128xi32, #tpu.memory_space<hbm>> -> memref<1x80x128xi32, #tpu.memory_space<hbm>>
        %dma_start3A_113 = tpu.memref_squeeze %dma_start3A_112 : memref<1x80x128xi32, #tpu.memory_space<hbm>> -> memref<80x128xi32, #tpu.memory_space<hbm>>
        %dma_start3A_114 = arith.constant 40 : i32
        %dma_start3A_115 = arith.constant 0 : i32
        %dma_start3A_116 = tpu.memref_slice %dma_start3A_113[%dma_start3A_114, %dma_start3A_115] : memref<80x128xi32, #tpu.memory_space<hbm>> -> memref<40x128xi32, #tpu.memory_space<hbm>>
        tpu.enqueue_dma source(%dma_start3A_116 : memref<40x128xi32, #tpu.memory_space<hbm>>) target(%arg10 : memref<40x128xi32, #tpu.memory_space<vmem>>) target_semaphore(%run_scoped3A : memref<!tpu.dma_semaphore, #tpu.memory_space<semaphore_mem>>)
        %dma_wait3A_117 = arith.constant 0 : i32
        %dma_wait3A_118 = arith.constant 0 : i32
        %dma_wait3A_119 = tpu.memref_slice %arg5[%arg1, %dma_wait3A_117, %dma_wait3A_118] : memref<16x80x128xi32, #tpu.memory_space<hbm>> -> memref<1x80x128xi32, #tpu.memory_space<hbm>>
        %dma_wait3A_120 = tpu.memref_squeeze %dma_wait3A_119 : memref<1x80x128xi32, #tpu.memory_space<hbm>> -> memref<80x128xi32, #tpu.memory_space<hbm>>
        %dma_wait3A_121 = arith.constant 40 : i32
        %dma_wait3A_122 = arith.constant 0 : i32
        %dma_wait3A_123 = tpu.memref_slice %dma_wait3A_120[%dma_wait3A_121, %dma_wait3A_122] : memref<80x128xi32, #tpu.memory_space<hbm>> -> memref<40x128xi32, #tpu.memory_space<hbm>>
        %dma_wait3A_124 = arith.constant 0 : i32
        %dma_wait3A_125 = arith.constant 0 : i32
        %dma_wait3A_126 = tpu.memref_slice %arg5[%arg1, %dma_wait3A_124, %dma_wait3A_125] : memref<16x80x128xi32, #tpu.memory_space<hbm>> -> memref<1x80x128xi32, #tpu.memory_space<hbm>>
        %dma_wait3A_127 = tpu.memref_squeeze %dma_wait3A_126 : memref<1x80x128xi32, #tpu.memory_space<hbm>> -> memref<80x128xi32, #tpu.memory_space<hbm>>
        %dma_wait3A_128 = arith.constant 40 : i32
        %dma_wait3A_129 = arith.constant 0 : i32
        %dma_wait3A_130 = tpu.memref_slice %dma_wait3A_127[%dma_wait3A_128, %dma_wait3A_129] : memref<80x128xi32, #tpu.memory_space<hbm>> -> memref<40x128xi32, #tpu.memory_space<hbm>>
        tpu.wait_dma2 semaphore(%run_scoped3A : memref<!tpu.dma_semaphore, #tpu.memory_space<semaphore_mem>>) src(%dma_wait3A_130 : memref<40x128xi32, #tpu.memory_space<hbm>>) dst(%arg10 : memref<40x128xi32, #tpu.memory_space<vmem>>)
        tpu.yield
      }) : () -> ()
      %dma_start3A_70 = arith.constant 0 : i32
      %dma_start3A_71 = arith.constant 0 : i32
      %dma_start3A_72 = tpu.memref_slice %arg9[%dma_start3A_70, %dma_start3A_71] : memref<40x128xi32, #tpu.memory_space<vmem>> -> memref<1x128xi32, #tpu.memory_space<vmem>>
      %dma_start3A_73 = tpu.memref_squeeze %dma_start3A_72 : memref<1x128xi32, #tpu.memory_space<vmem>> -> memref<128xi32, #tpu.memory_space<vmem>>
      %dma_start3A_74 = arith.constant 0 : i32
      %dma_start3A_75 = arith.constant 0 : i32
      %dma_start3A_76 = tpu.memref_slice %arg2[%dma_start3A_74, %dma_start3A_75] : memref<51200x128xf32, #tpu.memory_space<hbm>> -> memref<51200x128xf32, #tpu.memory_space<hbm>>
      tpu.enqueue_indirect_dma source(%dma_start3A_76 : memref<51200x128xf32, #tpu.memory_space<hbm>>) target(%arg11 : memref<128x128xf32, #tpu.memory_space<vmem>>) offsets(%dma_start3A_73 : memref<128xi32, #tpu.memory_space<vmem>>) semaphore(%arg14 : memref<!tpu.dma_semaphore, #tpu.memory_space<semaphore_mem>>)
      %scan3A_77 = arith.constant 0 : i32
      %scan3A_78 = arith.constant 0 : i32
      %scan3A_79 = arith.constant 20 : i32
      %scan3A_80 = arith.addi %scan3A_78, %scan3A_79 : i32
      %scan3A_81 = arith.constant 1 : i32
      %scan3A_82 = scf.for %scan3A_103 = %scan3A_78 to %scan3A_80 step %scan3A_81 iter_args(%scan3A_104 = %scan3A_77) -> (i32)  : i32 {
        %mul3A_105 = arith.constant 2 : i32
        %mul3A_106 = arith.muli %mul3A_105, %scan3A_103 : i32
        %add3A_107 = arith.constant 1 : i32
        %add3A_108 = arith.addi %mul3A_106, %add3A_107 : i32
        %gt3A = arith.constant 0 : i32
        %gt3A_109 = arith.cmpi sgt, %scan3A_103, %gt3A : i32
        %convert_element_type3A_110 = arith.extui %gt3A_109 : i1 to i32
        %cond3A_111 = arith.constant 0 : i32
        %cond3A_112 = arith.cmpi ne, %convert_element_type3A_110, %cond3A_111 : i32
        scf.if %cond3A_112 {
          %sub3A = arith.constant 2 : i32
          %sub3A_148 = arith.subi %add3A_108, %sub3A : i32
          %dma_wait3A_149 = arith.constant 0 : i32
          %dma_wait3A_150 = tpu.memref_slice %arg10[%sub3A_148, %dma_wait3A_149] : memref<40x128xi32, #tpu.memory_space<vmem>> -> memref<1x128xi32, #tpu.memory_space<vmem>>
          %dma_wait3A_151 = tpu.memref_squeeze %dma_wait3A_150 : memref<1x128xi32, #tpu.memory_space<vmem>> -> memref<128xi32, #tpu.memory_space<vmem>>
          %dma_wait3A_152 = arith.constant 0 : i32
          %dma_wait3A_153 = arith.constant 0 : i32
          %dma_wait3A_154 = tpu.memref_slice %arg13[%dma_wait3A_152, %dma_wait3A_153] : memref<10240x128xf32, #tpu.memory_space<vmem_shared>> -> memref<10240x128xf32, #tpu.memory_space<vmem_shared>>
          tpu.wait_indirect_dma semaphore(%arg17 : memref<!tpu.dma_semaphore, #tpu.memory_space<semaphore_mem>>) src(%arg12 : memref<128x128xf32, #tpu.memory_space<vmem>>) dst(%dma_wait3A_154 : memref<10240x128xf32, #tpu.memory_space<vmem_shared>>)
        } else {
        }
        %dma_start3A_113 = arith.constant 0 : i32
        %dma_start3A_114 = tpu.memref_slice %arg9[%add3A_108, %dma_start3A_113] : memref<40x128xi32, #tpu.memory_space<vmem>> -> memref<1x128xi32, #tpu.memory_space<vmem>>
        %dma_start3A_115 = tpu.memref_squeeze %dma_start3A_114 : memref<1x128xi32, #tpu.memory_space<vmem>> -> memref<128xi32, #tpu.memory_space<vmem>>
        %dma_start3A_116 = arith.constant 0 : i32
        %dma_start3A_117 = arith.constant 0 : i32
        %dma_start3A_118 = tpu.memref_slice %arg2[%dma_start3A_116, %dma_start3A_117] : memref<51200x128xf32, #tpu.memory_space<hbm>> -> memref<51200x128xf32, #tpu.memory_space<hbm>>
        tpu.enqueue_indirect_dma source(%dma_start3A_118 : memref<51200x128xf32, #tpu.memory_space<hbm>>) target(%arg12 : memref<128x128xf32, #tpu.memory_space<vmem>>) offsets(%dma_start3A_115 : memref<128xi32, #tpu.memory_space<vmem>>) semaphore(%arg15 : memref<!tpu.dma_semaphore, #tpu.memory_space<semaphore_mem>>)
        %dma_wait3A_119 = arith.constant 0 : i32
        %dma_wait3A_120 = tpu.memref_slice %arg9[%mul3A_106, %dma_wait3A_119] : memref<40x128xi32, #tpu.memory_space<vmem>> -> memref<1x128xi32, #tpu.memory_space<vmem>>
        %dma_wait3A_121 = tpu.memref_squeeze %dma_wait3A_120 : memref<1x128xi32, #tpu.memory_space<vmem>> -> memref<128xi32, #tpu.memory_space<vmem>>
        %dma_wait3A_122 = arith.constant 0 : i32
        %dma_wait3A_123 = arith.constant 0 : i32
        %dma_wait3A_124 = tpu.memref_slice %arg2[%dma_wait3A_122, %dma_wait3A_123] : memref<51200x128xf32, #tpu.memory_space<hbm>> -> memref<51200x128xf32, #tpu.memory_space<hbm>>
        tpu.wait_indirect_dma semaphore(%arg14 : memref<!tpu.dma_semaphore, #tpu.memory_space<semaphore_mem>>) src(%dma_wait3A_124 : memref<51200x128xf32, #tpu.memory_space<hbm>>) dst(%arg11 : memref<128x128xf32, #tpu.memory_space<vmem>>)
        %dma_start3A_125 = arith.constant 0 : i32
        %dma_start3A_126 = tpu.memref_slice %arg10[%mul3A_106, %dma_start3A_125] : memref<40x128xi32, #tpu.memory_space<vmem>> -> memref<1x128xi32, #tpu.memory_space<vmem>>
        %dma_start3A_127 = tpu.memref_squeeze %dma_start3A_126 : memref<1x128xi32, #tpu.memory_space<vmem>> -> memref<128xi32, #tpu.memory_space<vmem>>
        %dma_start3A_128 = arith.constant 0 : i32
        %dma_start3A_129 = arith.constant 0 : i32
        %dma_start3A_130 = tpu.memref_slice %arg13[%dma_start3A_128, %dma_start3A_129] : memref<10240x128xf32, #tpu.memory_space<vmem_shared>> -> memref<10240x128xf32, #tpu.memory_space<vmem_shared>>
        tpu.enqueue_indirect_dma source(%arg11 : memref<128x128xf32, #tpu.memory_space<vmem>>) target(%dma_start3A_130 : memref<10240x128xf32, #tpu.memory_space<vmem_shared>>) offsets(%dma_start3A_127 : memref<128xi32, #tpu.memory_space<vmem>>) semaphore(%arg16 : memref<!tpu.dma_semaphore, #tpu.memory_space<semaphore_mem>>) {add = true}
        %lt3A = arith.constant 19 : i32
        %lt3A_131 = arith.cmpi slt, %scan3A_103, %lt3A : i32
        %convert_element_type3A_132 = arith.extui %lt3A_131 : i1 to i32
        %cond3A_133 = arith.constant 0 : i32
        %cond3A_134 = arith.cmpi ne, %convert_element_type3A_132, %cond3A_133 : i32
        scf.if %cond3A_134 {
          %dma_wait3A_148 = arith.constant 0 : i32
          %dma_wait3A_149 = tpu.memref_slice %arg10[%mul3A_106, %dma_wait3A_148] : memref<40x128xi32, #tpu.memory_space<vmem>> -> memref<1x128xi32, #tpu.memory_space<vmem>>
          %dma_wait3A_150 = tpu.memref_squeeze %dma_wait3A_149 : memref<1x128xi32, #tpu.memory_space<vmem>> -> memref<128xi32, #tpu.memory_space<vmem>>
          %dma_wait3A_151 = arith.constant 0 : i32
          %dma_wait3A_152 = arith.constant 0 : i32
          %dma_wait3A_153 = tpu.memref_slice %arg13[%dma_wait3A_151, %dma_wait3A_152] : memref<10240x128xf32, #tpu.memory_space<vmem_shared>> -> memref<10240x128xf32, #tpu.memory_space<vmem_shared>>
          tpu.wait_indirect_dma semaphore(%arg16 : memref<!tpu.dma_semaphore, #tpu.memory_space<semaphore_mem>>) src(%arg11 : memref<128x128xf32, #tpu.memory_space<vmem>>) dst(%dma_wait3A_153 : memref<10240x128xf32, #tpu.memory_space<vmem_shared>>)
          %add3A_154 = arith.constant 2 : i32
          %add3A_155 = arith.addi %mul3A_106, %add3A_154 : i32
          %dma_start3A_156 = arith.constant 0 : i32
          %dma_start3A_157 = tpu.memref_slice %arg9[%add3A_155, %dma_start3A_156] : memref<40x128xi32, #tpu.memory_space<vmem>> -> memref<1x128xi32, #tpu.memory_space<vmem>>
          %dma_start3A_158 = tpu.memref_squeeze %dma_start3A_157 : memref<1x128xi32, #tpu.memory_space<vmem>> -> memref<128xi32, #tpu.memory_space<vmem>>
          %dma_start3A_159 = arith.constant 0 : i32
          %dma_start3A_160 = arith.constant 0 : i32
          %dma_start3A_161 = tpu.memref_slice %arg2[%dma_start3A_159, %dma_start3A_160] : memref<51200x128xf32, #tpu.memory_space<hbm>> -> memref<51200x128xf32, #tpu.memory_space<hbm>>
          tpu.enqueue_indirect_dma source(%dma_start3A_161 : memref<51200x128xf32, #tpu.memory_space<hbm>>) target(%arg11 : memref<128x128xf32, #tpu.memory_space<vmem>>) offsets(%dma_start3A_158 : memref<128xi32, #tpu.memory_space<vmem>>) semaphore(%arg14 : memref<!tpu.dma_semaphore, #tpu.memory_space<semaphore_mem>>)
        } else {
        }
        %dma_wait3A_135 = arith.constant 0 : i32
        %dma_wait3A_136 = tpu.memref_slice %arg9[%add3A_108, %dma_wait3A_135] : memref<40x128xi32, #tpu.memory_space<vmem>> -> memref<1x128xi32, #tpu.memory_space<vmem>>
        %dma_wait3A_137 = tpu.memref_squeeze %dma_wait3A_136 : memref<1x128xi32, #tpu.memory_space<vmem>> -> memref<128xi32, #tpu.memory_space<vmem>>
        %dma_wait3A_138 = arith.constant 0 : i32
        %dma_wait3A_139 = arith.constant 0 : i32
        %dma_wait3A_140 = tpu.memref_slice %arg2[%dma_wait3A_138, %dma_wait3A_139] : memref<51200x128xf32, #tpu.memory_space<hbm>> -> memref<51200x128xf32, #tpu.memory_space<hbm>>
        tpu.wait_indirect_dma semaphore(%arg15 : memref<!tpu.dma_semaphore, #tpu.memory_space<semaphore_mem>>) src(%dma_wait3A_140 : memref<51200x128xf32, #tpu.memory_space<hbm>>) dst(%arg12 : memref<128x128xf32, #tpu.memory_space<vmem>>)
        %dma_start3A_141 = arith.constant 0 : i32
        %dma_start3A_142 = tpu.memref_slice %arg10[%add3A_108, %dma_start3A_141] : memref<40x128xi32, #tpu.memory_space<vmem>> -> memref<1x128xi32, #tpu.memory_space<vmem>>
        %dma_start3A_143 = tpu.memref_squeeze %dma_start3A_142 : memref<1x128xi32, #tpu.memory_space<vmem>> -> memref<128xi32, #tpu.memory_space<vmem>>
        %dma_start3A_144 = arith.constant 0 : i32
        %dma_start3A_145 = arith.constant 0 : i32
        %dma_start3A_146 = tpu.memref_slice %arg13[%dma_start3A_144, %dma_start3A_145] : memref<10240x128xf32, #tpu.memory_space<vmem_shared>> -> memref<10240x128xf32, #tpu.memory_space<vmem_shared>>
        tpu.enqueue_indirect_dma source(%arg12 : memref<128x128xf32, #tpu.memory_space<vmem>>) target(%dma_start3A_146 : memref<10240x128xf32, #tpu.memory_space<vmem_shared>>) offsets(%dma_start3A_143 : memref<128xi32, #tpu.memory_space<vmem>>) semaphore(%arg17 : memref<!tpu.dma_semaphore, #tpu.memory_space<semaphore_mem>>) {add = true}
        %scan3A_147 = arith.constant 0 : i32
        scf.yield %scan3A_147 : i32
      }
      %scan3A_83 = arith.constant 20 : i32
      %dma_wait3A_84 = arith.constant 38 : i32
      %dma_wait3A_85 = arith.constant 0 : i32
      %dma_wait3A_86 = tpu.memref_slice %arg10[%dma_wait3A_84, %dma_wait3A_85] : memref<40x128xi32, #tpu.memory_space<vmem>> -> memref<1x128xi32, #tpu.memory_space<vmem>>
      %dma_wait3A_87 = tpu.memref_squeeze %dma_wait3A_86 : memref<1x128xi32, #tpu.memory_space<vmem>> -> memref<128xi32, #tpu.memory_space<vmem>>
      %dma_wait3A_88 = arith.constant 0 : i32
      %dma_wait3A_89 = arith.constant 0 : i32
      %dma_wait3A_90 = tpu.memref_slice %arg13[%dma_wait3A_88, %dma_wait3A_89] : memref<10240x128xf32, #tpu.memory_space<vmem_shared>> -> memref<10240x128xf32, #tpu.memory_space<vmem_shared>>
      tpu.wait_indirect_dma semaphore(%arg16 : memref<!tpu.dma_semaphore, #tpu.memory_space<semaphore_mem>>) src(%arg11 : memref<128x128xf32, #tpu.memory_space<vmem>>) dst(%dma_wait3A_90 : memref<10240x128xf32, #tpu.memory_space<vmem_shared>>)
      %dma_wait3A_91 = arith.constant 39 : i32
      %dma_wait3A_92 = arith.constant 0 : i32
      %dma_wait3A_93 = tpu.memref_slice %arg10[%dma_wait3A_91, %dma_wait3A_92] : memref<40x128xi32, #tpu.memory_space<vmem>> -> memref<1x128xi32, #tpu.memory_space<vmem>>
      %dma_wait3A_94 = tpu.memref_squeeze %dma_wait3A_93 : memref<1x128xi32, #tpu.memory_space<vmem>> -> memref<128xi32, #tpu.memory_space<vmem>>
      %dma_wait3A_95 = arith.constant 0 : i32
      %dma_wait3A_96 = arith.constant 0 : i32
      %dma_wait3A_97 = tpu.memref_slice %arg13[%dma_wait3A_95, %dma_wait3A_96] : memref<10240x128xf32, #tpu.memory_space<vmem_shared>> -> memref<10240x128xf32, #tpu.memory_space<vmem_shared>>
      tpu.wait_indirect_dma semaphore(%arg17 : memref<!tpu.dma_semaphore, #tpu.memory_space<semaphore_mem>>) src(%arg12 : memref<128x128xf32, #tpu.memory_space<vmem>>) dst(%dma_wait3A_97 : memref<10240x128xf32, #tpu.memory_space<vmem_shared>>)
      %barrier3A_98 = arith.constant 0 : index
      tpu.barrier barrier_id(%barrier3A_98)
      %mul3A_99 = arith.constant 640 : i32
      %mul3A_100 = arith.muli %arg1, %mul3A_99 : i32
      %mul3A_101 = arith.constant 640 : i32
      %mul3A_102 = arith.muli %arg1, %mul3A_101 : i32
      "tpu.region"() ({
        %run_scoped3A = tpu.sem_alloc : memref<!tpu.dma_semaphore, #tpu.memory_space<semaphore_mem>>
        %dma_start3A_103 = arith.constant 0 : i32
        %dma_start3A_104 = tpu.memref_slice %arg7[%mul3A_102, %dma_start3A_103] : memref<10240x128xf32, #tpu.memory_space<hbm>> -> memref<640x128xf32, #tpu.memory_space<hbm>>
        %dma_start3A_105 = arith.constant 0 : i32
        %dma_start3A_106 = tpu.memref_slice %arg13[%mul3A_100, %dma_start3A_105] : memref<10240x128xf32, #tpu.memory_space<vmem_shared>> -> memref<640x128xf32, #tpu.memory_space<vmem_shared>>
        tpu.enqueue_dma source(%dma_start3A_106 : memref<640x128xf32, #tpu.memory_space<vmem_shared>>) target(%dma_start3A_104 : memref<640x128xf32, #tpu.memory_space<hbm>>) target_semaphore(%run_scoped3A : memref<!tpu.dma_semaphore, #tpu.memory_space<semaphore_mem>>)
        %dma_wait3A_107 = arith.constant 0 : i32
        %dma_wait3A_108 = tpu.memref_slice %arg7[%mul3A_102, %dma_wait3A_107] : memref<10240x128xf32, #tpu.memory_space<hbm>> -> memref<640x128xf32, #tpu.memory_space<hbm>>
        %dma_wait3A_109 = arith.constant 0 : i32
        %dma_wait3A_110 = tpu.memref_slice %arg13[%mul3A_100, %dma_wait3A_109] : memref<10240x128xf32, #tpu.memory_space<vmem_shared>> -> memref<640x128xf32, #tpu.memory_space<vmem_shared>>
        tpu.wait_dma2 semaphore(%run_scoped3A : memref<!tpu.dma_semaphore, #tpu.memory_space<semaphore_mem>>) src(%dma_wait3A_110 : memref<640x128xf32, #tpu.memory_space<vmem_shared>>) dst(%dma_wait3A_108 : memref<640x128xf32, #tpu.memory_space<hbm>>)
        tpu.yield
      }) : () -> ()
    } else {
    }
    %eq3A_2 = arith.constant 1 : i32
    %eq3A_3 = arith.cmpi eq, %arg0, %eq3A_2 : i32
    %convert_element_type3A_4 = arith.extui %eq3A_3 : i1 to i32
    %cond3A_5 = arith.constant 0 : i32
    %cond3A_6 = arith.cmpi ne, %convert_element_type3A_4, %cond3A_5 : i32
    scf.if %cond3A_6 {
      "tpu.region"() ({
        %run_scoped3A = tpu.sem_alloc : memref<!tpu.dma_semaphore, #tpu.memory_space<semaphore_mem>>
        %dma_start3A_103 = arith.constant 0 : i32
        %dma_start3A_104 = arith.constant 0 : i32
        %dma_start3A_105 = tpu.memref_slice %arg4[%arg1, %dma_start3A_103, %dma_start3A_104] : memref<16x80x128xi32, #tpu.memory_space<hbm>> -> memref<1x80x128xi32, #tpu.memory_space<hbm>>
        %dma_start3A_106 = tpu.memref_squeeze %dma_start3A_105 : memref<1x80x128xi32, #tpu.memory_space<hbm>> -> memref<80x128xi32, #tpu.memory_space<hbm>>
        %dma_start3A_107 = arith.constant 0 : i32
        %dma_start3A_108 = arith.constant 0 : i32
        %dma_start3A_109 = tpu.memref_slice %dma_start3A_106[%dma_start3A_107, %dma_start3A_108] : memref<80x128xi32, #tpu.memory_space<hbm>> -> memref<40x128xi32, #tpu.memory_space<hbm>>
        %dma_start3A_110 = arith.constant 0 : i32
        %dma_start3A_111 = arith.constant 0 : i32
        %dma_start3A_112 = tpu.memref_slice %arg4[%arg1, %dma_start3A_110, %dma_start3A_111] : memref<16x80x128xi32, #tpu.memory_space<hbm>> -> memref<1x80x128xi32, #tpu.memory_space<hbm>>
        %dma_start3A_113 = tpu.memref_squeeze %dma_start3A_112 : memref<1x80x128xi32, #tpu.memory_space<hbm>> -> memref<80x128xi32, #tpu.memory_space<hbm>>
        %dma_start3A_114 = arith.constant 0 : i32
        %dma_start3A_115 = arith.constant 0 : i32
        %dma_start3A_116 = tpu.memref_slice %dma_start3A_113[%dma_start3A_114, %dma_start3A_115] : memref<80x128xi32, #tpu.memory_space<hbm>> -> memref<40x128xi32, #tpu.memory_space<hbm>>
        tpu.enqueue_dma source(%dma_start3A_116 : memref<40x128xi32, #tpu.memory_space<hbm>>) target(%arg9 : memref<40x128xi32, #tpu.memory_space<vmem>>) target_semaphore(%run_scoped3A : memref<!tpu.dma_semaphore, #tpu.memory_space<semaphore_mem>>)
        %dma_wait3A_117 = arith.constant 0 : i32
        %dma_wait3A_118 = arith.constant 0 : i32
        %dma_wait3A_119 = tpu.memref_slice %arg4[%arg1, %dma_wait3A_117, %dma_wait3A_118] : memref<16x80x128xi32, #tpu.memory_space<hbm>> -> memref<1x80x128xi32, #tpu.memory_space<hbm>>
        %dma_wait3A_120 = tpu.memref_squeeze %dma_wait3A_119 : memref<1x80x128xi32, #tpu.memory_space<hbm>> -> memref<80x128xi32, #tpu.memory_space<hbm>>
        %dma_wait3A_121 = arith.constant 0 : i32
        %dma_wait3A_122 = arith.constant 0 : i32
        %dma_wait3A_123 = tpu.memref_slice %dma_wait3A_120[%dma_wait3A_121, %dma_wait3A_122] : memref<80x128xi32, #tpu.memory_space<hbm>> -> memref<40x128xi32, #tpu.memory_space<hbm>>
        %dma_wait3A_124 = arith.constant 0 : i32
        %dma_wait3A_125 = arith.constant 0 : i32
        %dma_wait3A_126 = tpu.memref_slice %arg4[%arg1, %dma_wait3A_124, %dma_wait3A_125] : memref<16x80x128xi32, #tpu.memory_space<hbm>> -> memref<1x80x128xi32, #tpu.memory_space<hbm>>
        %dma_wait3A_127 = tpu.memref_squeeze %dma_wait3A_126 : memref<1x80x128xi32, #tpu.memory_space<hbm>> -> memref<80x128xi32, #tpu.memory_space<hbm>>
        %dma_wait3A_128 = arith.constant 0 : i32
        %dma_wait3A_129 = arith.constant 0 : i32
        %dma_wait3A_130 = tpu.memref_slice %dma_wait3A_127[%dma_wait3A_128, %dma_wait3A_129] : memref<80x128xi32, #tpu.memory_space<hbm>> -> memref<40x128xi32, #tpu.memory_space<hbm>>
        tpu.wait_dma2 semaphore(%run_scoped3A : memref<!tpu.dma_semaphore, #tpu.memory_space<semaphore_mem>>) src(%dma_wait3A_130 : memref<40x128xi32, #tpu.memory_space<hbm>>) dst(%arg9 : memref<40x128xi32, #tpu.memory_space<vmem>>)
        tpu.yield
      }) : () -> ()
      "tpu.region"() ({
        %run_scoped3A = tpu.sem_alloc : memref<!tpu.dma_semaphore, #tpu.memory_space<semaphore_mem>>
        %dma_start3A_103 = arith.constant 0 : i32
        %dma_start3A_104 = arith.constant 0 : i32
        %dma_start3A_105 = tpu.memref_slice %arg5[%arg1, %dma_start3A_103, %dma_start3A_104] : memref<16x80x128xi32, #tpu.memory_space<hbm>> -> memref<1x80x128xi32, #tpu.memory_space<hbm>>
        %dma_start3A_106 = tpu.memref_squeeze %dma_start3A_105 : memref<1x80x128xi32, #tpu.memory_space<hbm>> -> memref<80x128xi32, #tpu.memory_space<hbm>>
        %dma_start3A_107 = arith.constant 0 : i32
        %dma_start3A_108 = arith.constant 0 : i32
        %dma_start3A_109 = tpu.memref_slice %dma_start3A_106[%dma_start3A_107, %dma_start3A_108] : memref<80x128xi32, #tpu.memory_space<hbm>> -> memref<40x128xi32, #tpu.memory_space<hbm>>
        %dma_start3A_110 = arith.constant 0 : i32
        %dma_start3A_111 = arith.constant 0 : i32
        %dma_start3A_112 = tpu.memref_slice %arg5[%arg1, %dma_start3A_110, %dma_start3A_111] : memref<16x80x128xi32, #tpu.memory_space<hbm>> -> memref<1x80x128xi32, #tpu.memory_space<hbm>>
        %dma_start3A_113 = tpu.memref_squeeze %dma_start3A_112 : memref<1x80x128xi32, #tpu.memory_space<hbm>> -> memref<80x128xi32, #tpu.memory_space<hbm>>
        %dma_start3A_114 = arith.constant 0 : i32
        %dma_start3A_115 = arith.constant 0 : i32
        %dma_start3A_116 = tpu.memref_slice %dma_start3A_113[%dma_start3A_114, %dma_start3A_115] : memref<80x128xi32, #tpu.memory_space<hbm>> -> memref<40x128xi32, #tpu.memory_space<hbm>>
        tpu.enqueue_dma source(%dma_start3A_116 : memref<40x128xi32, #tpu.memory_space<hbm>>) target(%arg10 : memref<40x128xi32, #tpu.memory_space<vmem>>) target_semaphore(%run_scoped3A : memref<!tpu.dma_semaphore, #tpu.memory_space<semaphore_mem>>)
        %dma_wait3A_117 = arith.constant 0 : i32
        %dma_wait3A_118 = arith.constant 0 : i32
        %dma_wait3A_119 = tpu.memref_slice %arg5[%arg1, %dma_wait3A_117, %dma_wait3A_118] : memref<16x80x128xi32, #tpu.memory_space<hbm>> -> memref<1x80x128xi32, #tpu.memory_space<hbm>>
        %dma_wait3A_120 = tpu.memref_squeeze %dma_wait3A_119 : memref<1x80x128xi32, #tpu.memory_space<hbm>> -> memref<80x128xi32, #tpu.memory_space<hbm>>
        %dma_wait3A_121 = arith.constant 0 : i32
        %dma_wait3A_122 = arith.constant 0 : i32
        %dma_wait3A_123 = tpu.memref_slice %dma_wait3A_120[%dma_wait3A_121, %dma_wait3A_122] : memref<80x128xi32, #tpu.memory_space<hbm>> -> memref<40x128xi32, #tpu.memory_space<hbm>>
        %dma_wait3A_124 = arith.constant 0 : i32
        %dma_wait3A_125 = arith.constant 0 : i32
        %dma_wait3A_126 = tpu.memref_slice %arg5[%arg1, %dma_wait3A_124, %dma_wait3A_125] : memref<16x80x128xi32, #tpu.memory_space<hbm>> -> memref<1x80x128xi32, #tpu.memory_space<hbm>>
        %dma_wait3A_127 = tpu.memref_squeeze %dma_wait3A_126 : memref<1x80x128xi32, #tpu.memory_space<hbm>> -> memref<80x128xi32, #tpu.memory_space<hbm>>
        %dma_wait3A_128 = arith.constant 0 : i32
        %dma_wait3A_129 = arith.constant 0 : i32
        %dma_wait3A_130 = tpu.memref_slice %dma_wait3A_127[%dma_wait3A_128, %dma_wait3A_129] : memref<80x128xi32, #tpu.memory_space<hbm>> -> memref<40x128xi32, #tpu.memory_space<hbm>>
        tpu.wait_dma2 semaphore(%run_scoped3A : memref<!tpu.dma_semaphore, #tpu.memory_space<semaphore_mem>>) src(%dma_wait3A_130 : memref<40x128xi32, #tpu.memory_space<hbm>>) dst(%arg10 : memref<40x128xi32, #tpu.memory_space<vmem>>)
        tpu.yield
      }) : () -> ()
      %dma_start3A = arith.constant 0 : i32
      %dma_start3A_7 = arith.constant 0 : i32
      %dma_start3A_8 = tpu.memref_slice %arg9[%dma_start3A, %dma_start3A_7] : memref<40x128xi32, #tpu.memory_space<vmem>> -> memref<1x128xi32, #tpu.memory_space<vmem>>
      %dma_start3A_9 = tpu.memref_squeeze %dma_start3A_8 : memref<1x128xi32, #tpu.memory_space<vmem>> -> memref<128xi32, #tpu.memory_space<vmem>>
      %dma_start3A_10 = arith.constant 0 : i32
      %dma_start3A_11 = arith.constant 0 : i32
      %dma_start3A_12 = tpu.memref_slice %arg3[%dma_start3A_10, %dma_start3A_11] : memref<51200x128xf32, #tpu.memory_space<hbm>> -> memref<51200x128xf32, #tpu.memory_space<hbm>>
      tpu.enqueue_indirect_dma source(%dma_start3A_12 : memref<51200x128xf32, #tpu.memory_space<hbm>>) target(%arg11 : memref<128x128xf32, #tpu.memory_space<vmem>>) offsets(%dma_start3A_9 : memref<128xi32, #tpu.memory_space<vmem>>) semaphore(%arg14 : memref<!tpu.dma_semaphore, #tpu.memory_space<semaphore_mem>>)
      "tpu.region"() ({
        %run_scoped3A = tpu.sem_alloc : memref<!tpu.dma_semaphore, #tpu.memory_space<semaphore_mem>>
        %dma_start3A_103 = arith.constant 0 : i32
        %dma_start3A_104 = arith.constant 0 : i32
        %dma_start3A_105 = tpu.memref_slice %arg12[%dma_start3A_103, %dma_start3A_104] : memref<128x128xf32, #tpu.memory_space<vmem>> -> memref<64x128xf32, #tpu.memory_space<vmem>>
        %dma_start3A_106 = arith.constant 0 : i32
        %dma_start3A_107 = arith.constant 0 : i32
        %dma_start3A_108 = tpu.memref_slice %arg12[%dma_start3A_106, %dma_start3A_107] : memref<128x128xf32, #tpu.memory_space<vmem>> -> memref<64x128xf32, #tpu.memory_space<vmem>>
        tpu.enqueue_dma source(%arg6 : memref<64x128xf32, #tpu.memory_space<hbm>>) target(%dma_start3A_108 : memref<64x128xf32, #tpu.memory_space<vmem>>) target_semaphore(%run_scoped3A : memref<!tpu.dma_semaphore, #tpu.memory_space<semaphore_mem>>)
        %dma_wait3A_109 = arith.constant 0 : i32
        %dma_wait3A_110 = arith.constant 0 : i32
        %dma_wait3A_111 = tpu.memref_slice %arg12[%dma_wait3A_109, %dma_wait3A_110] : memref<128x128xf32, #tpu.memory_space<vmem>> -> memref<64x128xf32, #tpu.memory_space<vmem>>
        %dma_wait3A_112 = arith.constant 0 : i32
        %dma_wait3A_113 = arith.constant 0 : i32
        %dma_wait3A_114 = tpu.memref_slice %arg12[%dma_wait3A_112, %dma_wait3A_113] : memref<128x128xf32, #tpu.memory_space<vmem>> -> memref<64x128xf32, #tpu.memory_space<vmem>>
        tpu.wait_dma2 semaphore(%run_scoped3A : memref<!tpu.dma_semaphore, #tpu.memory_space<semaphore_mem>>) src(%arg6 : memref<64x128xf32, #tpu.memory_space<hbm>>) dst(%dma_wait3A_114 : memref<64x128xf32, #tpu.memory_space<vmem>>)
        tpu.yield
      }) : () -> ()
      %mul3A = arith.constant 640 : i32
      %mul3A_13 = arith.muli %arg1, %mul3A : i32
      %add3A = arith.constant 0 : i32
      %add3A_14 = arith.addi %mul3A_13, %add3A : i32
      "tpu.region"() ({
        %run_scoped3A = tpu.sem_alloc : memref<!tpu.dma_semaphore, #tpu.memory_space<semaphore_mem>>
        %dma_start3A_103 = arith.constant 0 : i32
        %dma_start3A_104 = arith.constant 0 : i32
        %dma_start3A_105 = tpu.memref_slice %arg12[%dma_start3A_103, %dma_start3A_104] : memref<128x128xf32, #tpu.memory_space<vmem>> -> memref<64x128xf32, #tpu.memory_space<vmem>>
        %dma_start3A_106 = arith.constant 0 : i32
        %dma_start3A_107 = tpu.memref_slice %arg13[%add3A_14, %dma_start3A_106] : memref<10240x128xf32, #tpu.memory_space<vmem_shared>> -> memref<64x128xf32, #tpu.memory_space<vmem_shared>>
        %dma_start3A_108 = arith.constant 0 : i32
        %dma_start3A_109 = tpu.memref_slice %arg13[%add3A_14, %dma_start3A_108] : memref<10240x128xf32, #tpu.memory_space<vmem_shared>> -> memref<64x128xf32, #tpu.memory_space<vmem_shared>>
        %dma_start3A_110 = arith.constant 0 : i32
        %dma_start3A_111 = arith.constant 0 : i32
        %dma_start3A_112 = tpu.memref_slice %arg12[%dma_start3A_110, %dma_start3A_111] : memref<128x128xf32, #tpu.memory_space<vmem>> -> memref<64x128xf32, #tpu.memory_space<vmem>>
        tpu.enqueue_dma source(%dma_start3A_112 : memref<64x128xf32, #tpu.memory_space<vmem>>) target(%dma_start3A_109 : memref<64x128xf32, #tpu.memory_space<vmem_shared>>) target_semaphore(%run_scoped3A : memref<!tpu.dma_semaphore, #tpu.memory_space<semaphore_mem>>)
        %dma_wait3A_113 = arith.constant 0 : i32
        %dma_wait3A_114 = arith.constant 0 : i32
        %dma_wait3A_115 = tpu.memref_slice %arg12[%dma_wait3A_113, %dma_wait3A_114] : memref<128x128xf32, #tpu.memory_space<vmem>> -> memref<64x128xf32, #tpu.memory_space<vmem>>
        %dma_wait3A_116 = arith.constant 0 : i32
        %dma_wait3A_117 = tpu.memref_slice %arg13[%add3A_14, %dma_wait3A_116] : memref<10240x128xf32, #tpu.memory_space<vmem_shared>> -> memref<64x128xf32, #tpu.memory_space<vmem_shared>>
        %dma_wait3A_118 = arith.constant 0 : i32
        %dma_wait3A_119 = tpu.memref_slice %arg13[%add3A_14, %dma_wait3A_118] : memref<10240x128xf32, #tpu.memory_space<vmem_shared>> -> memref<64x128xf32, #tpu.memory_space<vmem_shared>>
        %dma_wait3A_120 = arith.constant 0 : i32
        %dma_wait3A_121 = arith.constant 0 : i32
        %dma_wait3A_122 = tpu.memref_slice %arg12[%dma_wait3A_120, %dma_wait3A_121] : memref<128x128xf32, #tpu.memory_space<vmem>> -> memref<64x128xf32, #tpu.memory_space<vmem>>
        tpu.wait_dma2 semaphore(%run_scoped3A : memref<!tpu.dma_semaphore, #tpu.memory_space<semaphore_mem>>) src(%dma_wait3A_122 : memref<64x128xf32, #tpu.memory_space<vmem>>) dst(%dma_wait3A_119 : memref<64x128xf32, #tpu.memory_space<vmem_shared>>)
        tpu.yield
      }) : () -> ()
      %mul3A_15 = arith.constant 640 : i32
      %mul3A_16 = arith.muli %arg1, %mul3A_15 : i32
      %add3A_17 = arith.constant 64 : i32
      %add3A_18 = arith.addi %mul3A_16, %add3A_17 : i32
      "tpu.region"() ({
        %run_scoped3A = tpu.sem_alloc : memref<!tpu.dma_semaphore, #tpu.memory_space<semaphore_mem>>
        %dma_start3A_103 = arith.constant 0 : i32
        %dma_start3A_104 = arith.constant 0 : i32
        %dma_start3A_105 = tpu.memref_slice %arg12[%dma_start3A_103, %dma_start3A_104] : memref<128x128xf32, #tpu.memory_space<vmem>> -> memref<64x128xf32, #tpu.memory_space<vmem>>
        %dma_start3A_106 = arith.constant 0 : i32
        %dma_start3A_107 = tpu.memref_slice %arg13[%add3A_18, %dma_start3A_106] : memref<10240x128xf32, #tpu.memory_space<vmem_shared>> -> memref<64x128xf32, #tpu.memory_space<vmem_shared>>
        %dma_start3A_108 = arith.constant 0 : i32
        %dma_start3A_109 = tpu.memref_slice %arg13[%add3A_18, %dma_start3A_108] : memref<10240x128xf32, #tpu.memory_space<vmem_shared>> -> memref<64x128xf32, #tpu.memory_space<vmem_shared>>
        %dma_start3A_110 = arith.constant 0 : i32
        %dma_start3A_111 = arith.constant 0 : i32
        %dma_start3A_112 = tpu.memref_slice %arg12[%dma_start3A_110, %dma_start3A_111] : memref<128x128xf32, #tpu.memory_space<vmem>> -> memref<64x128xf32, #tpu.memory_space<vmem>>
        tpu.enqueue_dma source(%dma_start3A_112 : memref<64x128xf32, #tpu.memory_space<vmem>>) target(%dma_start3A_109 : memref<64x128xf32, #tpu.memory_space<vmem_shared>>) target_semaphore(%run_scoped3A : memref<!tpu.dma_semaphore, #tpu.memory_space<semaphore_mem>>)
        %dma_wait3A_113 = arith.constant 0 : i32
        %dma_wait3A_114 = arith.constant 0 : i32
        %dma_wait3A_115 = tpu.memref_slice %arg12[%dma_wait3A_113, %dma_wait3A_114] : memref<128x128xf32, #tpu.memory_space<vmem>> -> memref<64x128xf32, #tpu.memory_space<vmem>>
        %dma_wait3A_116 = arith.constant 0 : i32
        %dma_wait3A_117 = tpu.memref_slice %arg13[%add3A_18, %dma_wait3A_116] : memref<10240x128xf32, #tpu.memory_space<vmem_shared>> -> memref<64x128xf32, #tpu.memory_space<vmem_shared>>
        %dma_wait3A_118 = arith.constant 0 : i32
        %dma_wait3A_119 = tpu.memref_slice %arg13[%add3A_18, %dma_wait3A_118] : memref<10240x128xf32, #tpu.memory_space<vmem_shared>> -> memref<64x128xf32, #tpu.memory_space<vmem_shared>>
        %dma_wait3A_120 = arith.constant 0 : i32
        %dma_wait3A_121 = arith.constant 0 : i32
        %dma_wait3A_122 = tpu.memref_slice %arg12[%dma_wait3A_120, %dma_wait3A_121] : memref<128x128xf32, #tpu.memory_space<vmem>> -> memref<64x128xf32, #tpu.memory_space<vmem>>
        tpu.wait_dma2 semaphore(%run_scoped3A : memref<!tpu.dma_semaphore, #tpu.memory_space<semaphore_mem>>) src(%dma_wait3A_122 : memref<64x128xf32, #tpu.memory_space<vmem>>) dst(%dma_wait3A_119 : memref<64x128xf32, #tpu.memory_space<vmem_shared>>)
        tpu.yield
      }) : () -> ()
      %mul3A_19 = arith.constant 640 : i32
      %mul3A_20 = arith.muli %arg1, %mul3A_19 : i32
      %add3A_21 = arith.constant 128 : i32
      %add3A_22 = arith.addi %mul3A_20, %add3A_21 : i32
      "tpu.region"() ({
        %run_scoped3A = tpu.sem_alloc : memref<!tpu.dma_semaphore, #tpu.memory_space<semaphore_mem>>
        %dma_start3A_103 = arith.constant 0 : i32
        %dma_start3A_104 = arith.constant 0 : i32
        %dma_start3A_105 = tpu.memref_slice %arg12[%dma_start3A_103, %dma_start3A_104] : memref<128x128xf32, #tpu.memory_space<vmem>> -> memref<64x128xf32, #tpu.memory_space<vmem>>
        %dma_start3A_106 = arith.constant 0 : i32
        %dma_start3A_107 = tpu.memref_slice %arg13[%add3A_22, %dma_start3A_106] : memref<10240x128xf32, #tpu.memory_space<vmem_shared>> -> memref<64x128xf32, #tpu.memory_space<vmem_shared>>
        %dma_start3A_108 = arith.constant 0 : i32
        %dma_start3A_109 = tpu.memref_slice %arg13[%add3A_22, %dma_start3A_108] : memref<10240x128xf32, #tpu.memory_space<vmem_shared>> -> memref<64x128xf32, #tpu.memory_space<vmem_shared>>
        %dma_start3A_110 = arith.constant 0 : i32
        %dma_start3A_111 = arith.constant 0 : i32
        %dma_start3A_112 = tpu.memref_slice %arg12[%dma_start3A_110, %dma_start3A_111] : memref<128x128xf32, #tpu.memory_space<vmem>> -> memref<64x128xf32, #tpu.memory_space<vmem>>
        tpu.enqueue_dma source(%dma_start3A_112 : memref<64x128xf32, #tpu.memory_space<vmem>>) target(%dma_start3A_109 : memref<64x128xf32, #tpu.memory_space<vmem_shared>>) target_semaphore(%run_scoped3A : memref<!tpu.dma_semaphore, #tpu.memory_space<semaphore_mem>>)
        %dma_wait3A_113 = arith.constant 0 : i32
        %dma_wait3A_114 = arith.constant 0 : i32
        %dma_wait3A_115 = tpu.memref_slice %arg12[%dma_wait3A_113, %dma_wait3A_114] : memref<128x128xf32, #tpu.memory_space<vmem>> -> memref<64x128xf32, #tpu.memory_space<vmem>>
        %dma_wait3A_116 = arith.constant 0 : i32
        %dma_wait3A_117 = tpu.memref_slice %arg13[%add3A_22, %dma_wait3A_116] : memref<10240x128xf32, #tpu.memory_space<vmem_shared>> -> memref<64x128xf32, #tpu.memory_space<vmem_shared>>
        %dma_wait3A_118 = arith.constant 0 : i32
        %dma_wait3A_119 = tpu.memref_slice %arg13[%add3A_22, %dma_wait3A_118] : memref<10240x128xf32, #tpu.memory_space<vmem_shared>> -> memref<64x128xf32, #tpu.memory_space<vmem_shared>>
        %dma_wait3A_120 = arith.constant 0 : i32
        %dma_wait3A_121 = arith.constant 0 : i32
        %dma_wait3A_122 = tpu.memref_slice %arg12[%dma_wait3A_120, %dma_wait3A_121] : memref<128x128xf32, #tpu.memory_space<vmem>> -> memref<64x128xf32, #tpu.memory_space<vmem>>
        tpu.wait_dma2 semaphore(%run_scoped3A : memref<!tpu.dma_semaphore, #tpu.memory_space<semaphore_mem>>) src(%dma_wait3A_122 : memref<64x128xf32, #tpu.memory_space<vmem>>) dst(%dma_wait3A_119 : memref<64x128xf32, #tpu.memory_space<vmem_shared>>)
        tpu.yield
      }) : () -> ()
      %mul3A_23 = arith.constant 640 : i32
      %mul3A_24 = arith.muli %arg1, %mul3A_23 : i32
      %add3A_25 = arith.constant 192 : i32
      %add3A_26 = arith.addi %mul3A_24, %add3A_25 : i32
      "tpu.region"() ({
        %run_scoped3A = tpu.sem_alloc : memref<!tpu.dma_semaphore, #tpu.memory_space<semaphore_mem>>
        %dma_start3A_103 = arith.constant 0 : i32
        %dma_start3A_104 = arith.constant 0 : i32
        %dma_start3A_105 = tpu.memref_slice %arg12[%dma_start3A_103, %dma_start3A_104] : memref<128x128xf32, #tpu.memory_space<vmem>> -> memref<64x128xf32, #tpu.memory_space<vmem>>
        %dma_start3A_106 = arith.constant 0 : i32
        %dma_start3A_107 = tpu.memref_slice %arg13[%add3A_26, %dma_start3A_106] : memref<10240x128xf32, #tpu.memory_space<vmem_shared>> -> memref<64x128xf32, #tpu.memory_space<vmem_shared>>
        %dma_start3A_108 = arith.constant 0 : i32
        %dma_start3A_109 = tpu.memref_slice %arg13[%add3A_26, %dma_start3A_108] : memref<10240x128xf32, #tpu.memory_space<vmem_shared>> -> memref<64x128xf32, #tpu.memory_space<vmem_shared>>
        %dma_start3A_110 = arith.constant 0 : i32
        %dma_start3A_111 = arith.constant 0 : i32
        %dma_start3A_112 = tpu.memref_slice %arg12[%dma_start3A_110, %dma_start3A_111] : memref<128x128xf32, #tpu.memory_space<vmem>> -> memref<64x128xf32, #tpu.memory_space<vmem>>
        tpu.enqueue_dma source(%dma_start3A_112 : memref<64x128xf32, #tpu.memory_space<vmem>>) target(%dma_start3A_109 : memref<64x128xf32, #tpu.memory_space<vmem_shared>>) target_semaphore(%run_scoped3A : memref<!tpu.dma_semaphore, #tpu.memory_space<semaphore_mem>>)
        %dma_wait3A_113 = arith.constant 0 : i32
        %dma_wait3A_114 = arith.constant 0 : i32
        %dma_wait3A_115 = tpu.memref_slice %arg12[%dma_wait3A_113, %dma_wait3A_114] : memref<128x128xf32, #tpu.memory_space<vmem>> -> memref<64x128xf32, #tpu.memory_space<vmem>>
        %dma_wait3A_116 = arith.constant 0 : i32
        %dma_wait3A_117 = tpu.memref_slice %arg13[%add3A_26, %dma_wait3A_116] : memref<10240x128xf32, #tpu.memory_space<vmem_shared>> -> memref<64x128xf32, #tpu.memory_space<vmem_shared>>
        %dma_wait3A_118 = arith.constant 0 : i32
        %dma_wait3A_119 = tpu.memref_slice %arg13[%add3A_26, %dma_wait3A_118] : memref<10240x128xf32, #tpu.memory_space<vmem_shared>> -> memref<64x128xf32, #tpu.memory_space<vmem_shared>>
        %dma_wait3A_120 = arith.constant 0 : i32
        %dma_wait3A_121 = arith.constant 0 : i32
        %dma_wait3A_122 = tpu.memref_slice %arg12[%dma_wait3A_120, %dma_wait3A_121] : memref<128x128xf32, #tpu.memory_space<vmem>> -> memref<64x128xf32, #tpu.memory_space<vmem>>
        tpu.wait_dma2 semaphore(%run_scoped3A : memref<!tpu.dma_semaphore, #tpu.memory_space<semaphore_mem>>) src(%dma_wait3A_122 : memref<64x128xf32, #tpu.memory_space<vmem>>) dst(%dma_wait3A_119 : memref<64x128xf32, #tpu.memory_space<vmem_shared>>)
        tpu.yield
      }) : () -> ()
      %mul3A_27 = arith.constant 640 : i32
      %mul3A_28 = arith.muli %arg1, %mul3A_27 : i32
      %add3A_29 = arith.constant 256 : i32
      %add3A_30 = arith.addi %mul3A_28, %add3A_29 : i32
      "tpu.region"() ({
        %run_scoped3A = tpu.sem_alloc : memref<!tpu.dma_semaphore, #tpu.memory_space<semaphore_mem>>
        %dma_start3A_103 = arith.constant 0 : i32
        %dma_start3A_104 = arith.constant 0 : i32
        %dma_start3A_105 = tpu.memref_slice %arg12[%dma_start3A_103, %dma_start3A_104] : memref<128x128xf32, #tpu.memory_space<vmem>> -> memref<64x128xf32, #tpu.memory_space<vmem>>
        %dma_start3A_106 = arith.constant 0 : i32
        %dma_start3A_107 = tpu.memref_slice %arg13[%add3A_30, %dma_start3A_106] : memref<10240x128xf32, #tpu.memory_space<vmem_shared>> -> memref<64x128xf32, #tpu.memory_space<vmem_shared>>
        %dma_start3A_108 = arith.constant 0 : i32
        %dma_start3A_109 = tpu.memref_slice %arg13[%add3A_30, %dma_start3A_108] : memref<10240x128xf32, #tpu.memory_space<vmem_shared>> -> memref<64x128xf32, #tpu.memory_space<vmem_shared>>
        %dma_start3A_110 = arith.constant 0 : i32
        %dma_start3A_111 = arith.constant 0 : i32
        %dma_start3A_112 = tpu.memref_slice %arg12[%dma_start3A_110, %dma_start3A_111] : memref<128x128xf32, #tpu.memory_space<vmem>> -> memref<64x128xf32, #tpu.memory_space<vmem>>
        tpu.enqueue_dma source(%dma_start3A_112 : memref<64x128xf32, #tpu.memory_space<vmem>>) target(%dma_start3A_109 : memref<64x128xf32, #tpu.memory_space<vmem_shared>>) target_semaphore(%run_scoped3A : memref<!tpu.dma_semaphore, #tpu.memory_space<semaphore_mem>>)
        %dma_wait3A_113 = arith.constant 0 : i32
        %dma_wait3A_114 = arith.constant 0 : i32
        %dma_wait3A_115 = tpu.memref_slice %arg12[%dma_wait3A_113, %dma_wait3A_114] : memref<128x128xf32, #tpu.memory_space<vmem>> -> memref<64x128xf32, #tpu.memory_space<vmem>>
        %dma_wait3A_116 = arith.constant 0 : i32
        %dma_wait3A_117 = tpu.memref_slice %arg13[%add3A_30, %dma_wait3A_116] : memref<10240x128xf32, #tpu.memory_space<vmem_shared>> -> memref<64x128xf32, #tpu.memory_space<vmem_shared>>
        %dma_wait3A_118 = arith.constant 0 : i32
        %dma_wait3A_119 = tpu.memref_slice %arg13[%add3A_30, %dma_wait3A_118] : memref<10240x128xf32, #tpu.memory_space<vmem_shared>> -> memref<64x128xf32, #tpu.memory_space<vmem_shared>>
        %dma_wait3A_120 = arith.constant 0 : i32
        %dma_wait3A_121 = arith.constant 0 : i32
        %dma_wait3A_122 = tpu.memref_slice %arg12[%dma_wait3A_120, %dma_wait3A_121] : memref<128x128xf32, #tpu.memory_space<vmem>> -> memref<64x128xf32, #tpu.memory_space<vmem>>
        tpu.wait_dma2 semaphore(%run_scoped3A : memref<!tpu.dma_semaphore, #tpu.memory_space<semaphore_mem>>) src(%dma_wait3A_122 : memref<64x128xf32, #tpu.memory_space<vmem>>) dst(%dma_wait3A_119 : memref<64x128xf32, #tpu.memory_space<vmem_shared>>)
        tpu.yield
      }) : () -> ()
      %mul3A_31 = arith.constant 640 : i32
      %mul3A_32 = arith.muli %arg1, %mul3A_31 : i32
      %add3A_33 = arith.constant 320 : i32
      %add3A_34 = arith.addi %mul3A_32, %add3A_33 : i32
      "tpu.region"() ({
        %run_scoped3A = tpu.sem_alloc : memref<!tpu.dma_semaphore, #tpu.memory_space<semaphore_mem>>
        %dma_start3A_103 = arith.constant 0 : i32
        %dma_start3A_104 = arith.constant 0 : i32
        %dma_start3A_105 = tpu.memref_slice %arg12[%dma_start3A_103, %dma_start3A_104] : memref<128x128xf32, #tpu.memory_space<vmem>> -> memref<64x128xf32, #tpu.memory_space<vmem>>
        %dma_start3A_106 = arith.constant 0 : i32
        %dma_start3A_107 = tpu.memref_slice %arg13[%add3A_34, %dma_start3A_106] : memref<10240x128xf32, #tpu.memory_space<vmem_shared>> -> memref<64x128xf32, #tpu.memory_space<vmem_shared>>
        %dma_start3A_108 = arith.constant 0 : i32
        %dma_start3A_109 = tpu.memref_slice %arg13[%add3A_34, %dma_start3A_108] : memref<10240x128xf32, #tpu.memory_space<vmem_shared>> -> memref<64x128xf32, #tpu.memory_space<vmem_shared>>
        %dma_start3A_110 = arith.constant 0 : i32
        %dma_start3A_111 = arith.constant 0 : i32
        %dma_start3A_112 = tpu.memref_slice %arg12[%dma_start3A_110, %dma_start3A_111] : memref<128x128xf32, #tpu.memory_space<vmem>> -> memref<64x128xf32, #tpu.memory_space<vmem>>
        tpu.enqueue_dma source(%dma_start3A_112 : memref<64x128xf32, #tpu.memory_space<vmem>>) target(%dma_start3A_109 : memref<64x128xf32, #tpu.memory_space<vmem_shared>>) target_semaphore(%run_scoped3A : memref<!tpu.dma_semaphore, #tpu.memory_space<semaphore_mem>>)
        %dma_wait3A_113 = arith.constant 0 : i32
        %dma_wait3A_114 = arith.constant 0 : i32
        %dma_wait3A_115 = tpu.memref_slice %arg12[%dma_wait3A_113, %dma_wait3A_114] : memref<128x128xf32, #tpu.memory_space<vmem>> -> memref<64x128xf32, #tpu.memory_space<vmem>>
        %dma_wait3A_116 = arith.constant 0 : i32
        %dma_wait3A_117 = tpu.memref_slice %arg13[%add3A_34, %dma_wait3A_116] : memref<10240x128xf32, #tpu.memory_space<vmem_shared>> -> memref<64x128xf32, #tpu.memory_space<vmem_shared>>
        %dma_wait3A_118 = arith.constant 0 : i32
        %dma_wait3A_119 = tpu.memref_slice %arg13[%add3A_34, %dma_wait3A_118] : memref<10240x128xf32, #tpu.memory_space<vmem_shared>> -> memref<64x128xf32, #tpu.memory_space<vmem_shared>>
        %dma_wait3A_120 = arith.constant 0 : i32
        %dma_wait3A_121 = arith.constant 0 : i32
        %dma_wait3A_122 = tpu.memref_slice %arg12[%dma_wait3A_120, %dma_wait3A_121] : memref<128x128xf32, #tpu.memory_space<vmem>> -> memref<64x128xf32, #tpu.memory_space<vmem>>
        tpu.wait_dma2 semaphore(%run_scoped3A : memref<!tpu.dma_semaphore, #tpu.memory_space<semaphore_mem>>) src(%dma_wait3A_122 : memref<64x128xf32, #tpu.memory_space<vmem>>) dst(%dma_wait3A_119 : memref<64x128xf32, #tpu.memory_space<vmem_shared>>)
        tpu.yield
      }) : () -> ()
      %mul3A_35 = arith.constant 640 : i32
      %mul3A_36 = arith.muli %arg1, %mul3A_35 : i32
      %add3A_37 = arith.constant 384 : i32
      %add3A_38 = arith.addi %mul3A_36, %add3A_37 : i32
      "tpu.region"() ({
        %run_scoped3A = tpu.sem_alloc : memref<!tpu.dma_semaphore, #tpu.memory_space<semaphore_mem>>
        %dma_start3A_103 = arith.constant 0 : i32
        %dma_start3A_104 = arith.constant 0 : i32
        %dma_start3A_105 = tpu.memref_slice %arg12[%dma_start3A_103, %dma_start3A_104] : memref<128x128xf32, #tpu.memory_space<vmem>> -> memref<64x128xf32, #tpu.memory_space<vmem>>
        %dma_start3A_106 = arith.constant 0 : i32
        %dma_start3A_107 = tpu.memref_slice %arg13[%add3A_38, %dma_start3A_106] : memref<10240x128xf32, #tpu.memory_space<vmem_shared>> -> memref<64x128xf32, #tpu.memory_space<vmem_shared>>
        %dma_start3A_108 = arith.constant 0 : i32
        %dma_start3A_109 = tpu.memref_slice %arg13[%add3A_38, %dma_start3A_108] : memref<10240x128xf32, #tpu.memory_space<vmem_shared>> -> memref<64x128xf32, #tpu.memory_space<vmem_shared>>
        %dma_start3A_110 = arith.constant 0 : i32
        %dma_start3A_111 = arith.constant 0 : i32
        %dma_start3A_112 = tpu.memref_slice %arg12[%dma_start3A_110, %dma_start3A_111] : memref<128x128xf32, #tpu.memory_space<vmem>> -> memref<64x128xf32, #tpu.memory_space<vmem>>
        tpu.enqueue_dma source(%dma_start3A_112 : memref<64x128xf32, #tpu.memory_space<vmem>>) target(%dma_start3A_109 : memref<64x128xf32, #tpu.memory_space<vmem_shared>>) target_semaphore(%run_scoped3A : memref<!tpu.dma_semaphore, #tpu.memory_space<semaphore_mem>>)
        %dma_wait3A_113 = arith.constant 0 : i32
        %dma_wait3A_114 = arith.constant 0 : i32
        %dma_wait3A_115 = tpu.memref_slice %arg12[%dma_wait3A_113, %dma_wait3A_114] : memref<128x128xf32, #tpu.memory_space<vmem>> -> memref<64x128xf32, #tpu.memory_space<vmem>>
        %dma_wait3A_116 = arith.constant 0 : i32
        %dma_wait3A_117 = tpu.memref_slice %arg13[%add3A_38, %dma_wait3A_116] : memref<10240x128xf32, #tpu.memory_space<vmem_shared>> -> memref<64x128xf32, #tpu.memory_space<vmem_shared>>
        %dma_wait3A_118 = arith.constant 0 : i32
        %dma_wait3A_119 = tpu.memref_slice %arg13[%add3A_38, %dma_wait3A_118] : memref<10240x128xf32, #tpu.memory_space<vmem_shared>> -> memref<64x128xf32, #tpu.memory_space<vmem_shared>>
        %dma_wait3A_120 = arith.constant 0 : i32
        %dma_wait3A_121 = arith.constant 0 : i32
        %dma_wait3A_122 = tpu.memref_slice %arg12[%dma_wait3A_120, %dma_wait3A_121] : memref<128x128xf32, #tpu.memory_space<vmem>> -> memref<64x128xf32, #tpu.memory_space<vmem>>
        tpu.wait_dma2 semaphore(%run_scoped3A : memref<!tpu.dma_semaphore, #tpu.memory_space<semaphore_mem>>) src(%dma_wait3A_122 : memref<64x128xf32, #tpu.memory_space<vmem>>) dst(%dma_wait3A_119 : memref<64x128xf32, #tpu.memory_space<vmem_shared>>)
        tpu.yield
      }) : () -> ()
      %mul3A_39 = arith.constant 640 : i32
      %mul3A_40 = arith.muli %arg1, %mul3A_39 : i32
      %add3A_41 = arith.constant 448 : i32
      %add3A_42 = arith.addi %mul3A_40, %add3A_41 : i32
      "tpu.region"() ({
        %run_scoped3A = tpu.sem_alloc : memref<!tpu.dma_semaphore, #tpu.memory_space<semaphore_mem>>
        %dma_start3A_103 = arith.constant 0 : i32
        %dma_start3A_104 = arith.constant 0 : i32
        %dma_start3A_105 = tpu.memref_slice %arg12[%dma_start3A_103, %dma_start3A_104] : memref<128x128xf32, #tpu.memory_space<vmem>> -> memref<64x128xf32, #tpu.memory_space<vmem>>
        %dma_start3A_106 = arith.constant 0 : i32
        %dma_start3A_107 = tpu.memref_slice %arg13[%add3A_42, %dma_start3A_106] : memref<10240x128xf32, #tpu.memory_space<vmem_shared>> -> memref<64x128xf32, #tpu.memory_space<vmem_shared>>
        %dma_start3A_108 = arith.constant 0 : i32
        %dma_start3A_109 = tpu.memref_slice %arg13[%add3A_42, %dma_start3A_108] : memref<10240x128xf32, #tpu.memory_space<vmem_shared>> -> memref<64x128xf32, #tpu.memory_space<vmem_shared>>
        %dma_start3A_110 = arith.constant 0 : i32
        %dma_start3A_111 = arith.constant 0 : i32
        %dma_start3A_112 = tpu.memref_slice %arg12[%dma_start3A_110, %dma_start3A_111] : memref<128x128xf32, #tpu.memory_space<vmem>> -> memref<64x128xf32, #tpu.memory_space<vmem>>
        tpu.enqueue_dma source(%dma_start3A_112 : memref<64x128xf32, #tpu.memory_space<vmem>>) target(%dma_start3A_109 : memref<64x128xf32, #tpu.memory_space<vmem_shared>>) target_semaphore(%run_scoped3A : memref<!tpu.dma_semaphore, #tpu.memory_space<semaphore_mem>>)
        %dma_wait3A_113 = arith.constant 0 : i32
        %dma_wait3A_114 = arith.constant 0 : i32
        %dma_wait3A_115 = tpu.memref_slice %arg12[%dma_wait3A_113, %dma_wait3A_114] : memref<128x128xf32, #tpu.memory_space<vmem>> -> memref<64x128xf32, #tpu.memory_space<vmem>>
        %dma_wait3A_116 = arith.constant 0 : i32
        %dma_wait3A_117 = tpu.memref_slice %arg13[%add3A_42, %dma_wait3A_116] : memref<10240x128xf32, #tpu.memory_space<vmem_shared>> -> memref<64x128xf32, #tpu.memory_space<vmem_shared>>
        %dma_wait3A_118 = arith.constant 0 : i32
        %dma_wait3A_119 = tpu.memref_slice %arg13[%add3A_42, %dma_wait3A_118] : memref<10240x128xf32, #tpu.memory_space<vmem_shared>> -> memref<64x128xf32, #tpu.memory_space<vmem_shared>>
        %dma_wait3A_120 = arith.constant 0 : i32
        %dma_wait3A_121 = arith.constant 0 : i32
        %dma_wait3A_122 = tpu.memref_slice %arg12[%dma_wait3A_120, %dma_wait3A_121] : memref<128x128xf32, #tpu.memory_space<vmem>> -> memref<64x128xf32, #tpu.memory_space<vmem>>
        tpu.wait_dma2 semaphore(%run_scoped3A : memref<!tpu.dma_semaphore, #tpu.memory_space<semaphore_mem>>) src(%dma_wait3A_122 : memref<64x128xf32, #tpu.memory_space<vmem>>) dst(%dma_wait3A_119 : memref<64x128xf32, #tpu.memory_space<vmem_shared>>)
        tpu.yield
      }) : () -> ()
      %mul3A_43 = arith.constant 640 : i32
      %mul3A_44 = arith.muli %arg1, %mul3A_43 : i32
      %add3A_45 = arith.constant 512 : i32
      %add3A_46 = arith.addi %mul3A_44, %add3A_45 : i32
      "tpu.region"() ({
        %run_scoped3A = tpu.sem_alloc : memref<!tpu.dma_semaphore, #tpu.memory_space<semaphore_mem>>
        %dma_start3A_103 = arith.constant 0 : i32
        %dma_start3A_104 = arith.constant 0 : i32
        %dma_start3A_105 = tpu.memref_slice %arg12[%dma_start3A_103, %dma_start3A_104] : memref<128x128xf32, #tpu.memory_space<vmem>> -> memref<64x128xf32, #tpu.memory_space<vmem>>
        %dma_start3A_106 = arith.constant 0 : i32
        %dma_start3A_107 = tpu.memref_slice %arg13[%add3A_46, %dma_start3A_106] : memref<10240x128xf32, #tpu.memory_space<vmem_shared>> -> memref<64x128xf32, #tpu.memory_space<vmem_shared>>
        %dma_start3A_108 = arith.constant 0 : i32
        %dma_start3A_109 = tpu.memref_slice %arg13[%add3A_46, %dma_start3A_108] : memref<10240x128xf32, #tpu.memory_space<vmem_shared>> -> memref<64x128xf32, #tpu.memory_space<vmem_shared>>
        %dma_start3A_110 = arith.constant 0 : i32
        %dma_start3A_111 = arith.constant 0 : i32
        %dma_start3A_112 = tpu.memref_slice %arg12[%dma_start3A_110, %dma_start3A_111] : memref<128x128xf32, #tpu.memory_space<vmem>> -> memref<64x128xf32, #tpu.memory_space<vmem>>
        tpu.enqueue_dma source(%dma_start3A_112 : memref<64x128xf32, #tpu.memory_space<vmem>>) target(%dma_start3A_109 : memref<64x128xf32, #tpu.memory_space<vmem_shared>>) target_semaphore(%run_scoped3A : memref<!tpu.dma_semaphore, #tpu.memory_space<semaphore_mem>>)
        %dma_wait3A_113 = arith.constant 0 : i32
        %dma_wait3A_114 = arith.constant 0 : i32
        %dma_wait3A_115 = tpu.memref_slice %arg12[%dma_wait3A_113, %dma_wait3A_114] : memref<128x128xf32, #tpu.memory_space<vmem>> -> memref<64x128xf32, #tpu.memory_space<vmem>>
        %dma_wait3A_116 = arith.constant 0 : i32
        %dma_wait3A_117 = tpu.memref_slice %arg13[%add3A_46, %dma_wait3A_116] : memref<10240x128xf32, #tpu.memory_space<vmem_shared>> -> memref<64x128xf32, #tpu.memory_space<vmem_shared>>
        %dma_wait3A_118 = arith.constant 0 : i32
        %dma_wait3A_119 = tpu.memref_slice %arg13[%add3A_46, %dma_wait3A_118] : memref<10240x128xf32, #tpu.memory_space<vmem_shared>> -> memref<64x128xf32, #tpu.memory_space<vmem_shared>>
        %dma_wait3A_120 = arith.constant 0 : i32
        %dma_wait3A_121 = arith.constant 0 : i32
        %dma_wait3A_122 = tpu.memref_slice %arg12[%dma_wait3A_120, %dma_wait3A_121] : memref<128x128xf32, #tpu.memory_space<vmem>> -> memref<64x128xf32, #tpu.memory_space<vmem>>
        tpu.wait_dma2 semaphore(%run_scoped3A : memref<!tpu.dma_semaphore, #tpu.memory_space<semaphore_mem>>) src(%dma_wait3A_122 : memref<64x128xf32, #tpu.memory_space<vmem>>) dst(%dma_wait3A_119 : memref<64x128xf32, #tpu.memory_space<vmem_shared>>)
        tpu.yield
      }) : () -> ()
      %mul3A_47 = arith.constant 640 : i32
      %mul3A_48 = arith.muli %arg1, %mul3A_47 : i32
      %add3A_49 = arith.constant 576 : i32
      %add3A_50 = arith.addi %mul3A_48, %add3A_49 : i32
      "tpu.region"() ({
        %run_scoped3A = tpu.sem_alloc : memref<!tpu.dma_semaphore, #tpu.memory_space<semaphore_mem>>
        %dma_start3A_103 = arith.constant 0 : i32
        %dma_start3A_104 = arith.constant 0 : i32
        %dma_start3A_105 = tpu.memref_slice %arg12[%dma_start3A_103, %dma_start3A_104] : memref<128x128xf32, #tpu.memory_space<vmem>> -> memref<64x128xf32, #tpu.memory_space<vmem>>
        %dma_start3A_106 = arith.constant 0 : i32
        %dma_start3A_107 = tpu.memref_slice %arg13[%add3A_50, %dma_start3A_106] : memref<10240x128xf32, #tpu.memory_space<vmem_shared>> -> memref<64x128xf32, #tpu.memory_space<vmem_shared>>
        %dma_start3A_108 = arith.constant 0 : i32
        %dma_start3A_109 = tpu.memref_slice %arg13[%add3A_50, %dma_start3A_108] : memref<10240x128xf32, #tpu.memory_space<vmem_shared>> -> memref<64x128xf32, #tpu.memory_space<vmem_shared>>
        %dma_start3A_110 = arith.constant 0 : i32
        %dma_start3A_111 = arith.constant 0 : i32
        %dma_start3A_112 = tpu.memref_slice %arg12[%dma_start3A_110, %dma_start3A_111] : memref<128x128xf32, #tpu.memory_space<vmem>> -> memref<64x128xf32, #tpu.memory_space<vmem>>
        tpu.enqueue_dma source(%dma_start3A_112 : memref<64x128xf32, #tpu.memory_space<vmem>>) target(%dma_start3A_109 : memref<64x128xf32, #tpu.memory_space<vmem_shared>>) target_semaphore(%run_scoped3A : memref<!tpu.dma_semaphore, #tpu.memory_space<semaphore_mem>>)
        %dma_wait3A_113 = arith.constant 0 : i32
        %dma_wait3A_114 = arith.constant 0 : i32
        %dma_wait3A_115 = tpu.memref_slice %arg12[%dma_wait3A_113, %dma_wait3A_114] : memref<128x128xf32, #tpu.memory_space<vmem>> -> memref<64x128xf32, #tpu.memory_space<vmem>>
        %dma_wait3A_116 = arith.constant 0 : i32
        %dma_wait3A_117 = tpu.memref_slice %arg13[%add3A_50, %dma_wait3A_116] : memref<10240x128xf32, #tpu.memory_space<vmem_shared>> -> memref<64x128xf32, #tpu.memory_space<vmem_shared>>
        %dma_wait3A_118 = arith.constant 0 : i32
        %dma_wait3A_119 = tpu.memref_slice %arg13[%add3A_50, %dma_wait3A_118] : memref<10240x128xf32, #tpu.memory_space<vmem_shared>> -> memref<64x128xf32, #tpu.memory_space<vmem_shared>>
        %dma_wait3A_120 = arith.constant 0 : i32
        %dma_wait3A_121 = arith.constant 0 : i32
        %dma_wait3A_122 = tpu.memref_slice %arg12[%dma_wait3A_120, %dma_wait3A_121] : memref<128x128xf32, #tpu.memory_space<vmem>> -> memref<64x128xf32, #tpu.memory_space<vmem>>
        tpu.wait_dma2 semaphore(%run_scoped3A : memref<!tpu.dma_semaphore, #tpu.memory_space<semaphore_mem>>) src(%dma_wait3A_122 : memref<64x128xf32, #tpu.memory_space<vmem>>) dst(%dma_wait3A_119 : memref<64x128xf32, #tpu.memory_space<vmem_shared>>)
        tpu.yield
      }) : () -> ()
      %barrier3A = arith.constant 0 : index
      tpu.barrier barrier_id(%barrier3A)
      %scan3A = arith.constant 0 : i32
      %scan3A_51 = arith.constant 0 : i32
      %scan3A_52 = arith.constant 20 : i32
      %scan3A_53 = arith.addi %scan3A_51, %scan3A_52 : i32
      %scan3A_54 = arith.constant 1 : i32
      %scan3A_55 = scf.for %scan3A_103 = %scan3A_51 to %scan3A_53 step %scan3A_54 iter_args(%scan3A_104 = %scan3A) -> (i32)  : i32 {
        %mul3A_105 = arith.constant 2 : i32
        %mul3A_106 = arith.muli %mul3A_105, %scan3A_103 : i32
        %add3A_107 = arith.constant 1 : i32
        %add3A_108 = arith.addi %mul3A_106, %add3A_107 : i32
        %gt3A = arith.constant 0 : i32
        %gt3A_109 = arith.cmpi sgt, %scan3A_103, %gt3A : i32
        %convert_element_type3A_110 = arith.extui %gt3A_109 : i1 to i32
        %cond3A_111 = arith.constant 0 : i32
        %cond3A_112 = arith.cmpi ne, %convert_element_type3A_110, %cond3A_111 : i32
        scf.if %cond3A_112 {
          %sub3A = arith.constant 2 : i32
          %sub3A_148 = arith.subi %add3A_108, %sub3A : i32
          %dma_wait3A_149 = arith.constant 0 : i32
          %dma_wait3A_150 = tpu.memref_slice %arg10[%sub3A_148, %dma_wait3A_149] : memref<40x128xi32, #tpu.memory_space<vmem>> -> memref<1x128xi32, #tpu.memory_space<vmem>>
          %dma_wait3A_151 = tpu.memref_squeeze %dma_wait3A_150 : memref<1x128xi32, #tpu.memory_space<vmem>> -> memref<128xi32, #tpu.memory_space<vmem>>
          %dma_wait3A_152 = arith.constant 0 : i32
          %dma_wait3A_153 = arith.constant 0 : i32
          %dma_wait3A_154 = tpu.memref_slice %arg13[%dma_wait3A_152, %dma_wait3A_153] : memref<10240x128xf32, #tpu.memory_space<vmem_shared>> -> memref<10240x128xf32, #tpu.memory_space<vmem_shared>>
          tpu.wait_indirect_dma semaphore(%arg17 : memref<!tpu.dma_semaphore, #tpu.memory_space<semaphore_mem>>) src(%arg12 : memref<128x128xf32, #tpu.memory_space<vmem>>) dst(%dma_wait3A_154 : memref<10240x128xf32, #tpu.memory_space<vmem_shared>>)
        } else {
        }
        %dma_start3A_113 = arith.constant 0 : i32
        %dma_start3A_114 = tpu.memref_slice %arg9[%add3A_108, %dma_start3A_113] : memref<40x128xi32, #tpu.memory_space<vmem>> -> memref<1x128xi32, #tpu.memory_space<vmem>>
        %dma_start3A_115 = tpu.memref_squeeze %dma_start3A_114 : memref<1x128xi32, #tpu.memory_space<vmem>> -> memref<128xi32, #tpu.memory_space<vmem>>
        %dma_start3A_116 = arith.constant 0 : i32
        %dma_start3A_117 = arith.constant 0 : i32
        %dma_start3A_118 = tpu.memref_slice %arg3[%dma_start3A_116, %dma_start3A_117] : memref<51200x128xf32, #tpu.memory_space<hbm>> -> memref<51200x128xf32, #tpu.memory_space<hbm>>
        tpu.enqueue_indirect_dma source(%dma_start3A_118 : memref<51200x128xf32, #tpu.memory_space<hbm>>) target(%arg12 : memref<128x128xf32, #tpu.memory_space<vmem>>) offsets(%dma_start3A_115 : memref<128xi32, #tpu.memory_space<vmem>>) semaphore(%arg15 : memref<!tpu.dma_semaphore, #tpu.memory_space<semaphore_mem>>)
        %dma_wait3A_119 = arith.constant 0 : i32
        %dma_wait3A_120 = tpu.memref_slice %arg9[%mul3A_106, %dma_wait3A_119] : memref<40x128xi32, #tpu.memory_space<vmem>> -> memref<1x128xi32, #tpu.memory_space<vmem>>
        %dma_wait3A_121 = tpu.memref_squeeze %dma_wait3A_120 : memref<1x128xi32, #tpu.memory_space<vmem>> -> memref<128xi32, #tpu.memory_space<vmem>>
        %dma_wait3A_122 = arith.constant 0 : i32
        %dma_wait3A_123 = arith.constant 0 : i32
        %dma_wait3A_124 = tpu.memref_slice %arg3[%dma_wait3A_122, %dma_wait3A_123] : memref<51200x128xf32, #tpu.memory_space<hbm>> -> memref<51200x128xf32, #tpu.memory_space<hbm>>
        tpu.wait_indirect_dma semaphore(%arg14 : memref<!tpu.dma_semaphore, #tpu.memory_space<semaphore_mem>>) src(%dma_wait3A_124 : memref<51200x128xf32, #tpu.memory_space<hbm>>) dst(%arg11 : memref<128x128xf32, #tpu.memory_space<vmem>>)
        %dma_start3A_125 = arith.constant 0 : i32
        %dma_start3A_126 = tpu.memref_slice %arg10[%mul3A_106, %dma_start3A_125] : memref<40x128xi32, #tpu.memory_space<vmem>> -> memref<1x128xi32, #tpu.memory_space<vmem>>
        %dma_start3A_127 = tpu.memref_squeeze %dma_start3A_126 : memref<1x128xi32, #tpu.memory_space<vmem>> -> memref<128xi32, #tpu.memory_space<vmem>>
        %dma_start3A_128 = arith.constant 0 : i32
        %dma_start3A_129 = arith.constant 0 : i32
        %dma_start3A_130 = tpu.memref_slice %arg13[%dma_start3A_128, %dma_start3A_129] : memref<10240x128xf32, #tpu.memory_space<vmem_shared>> -> memref<10240x128xf32, #tpu.memory_space<vmem_shared>>
        tpu.enqueue_indirect_dma source(%arg11 : memref<128x128xf32, #tpu.memory_space<vmem>>) target(%dma_start3A_130 : memref<10240x128xf32, #tpu.memory_space<vmem_shared>>) offsets(%dma_start3A_127 : memref<128xi32, #tpu.memory_space<vmem>>) semaphore(%arg16 : memref<!tpu.dma_semaphore, #tpu.memory_space<semaphore_mem>>) {add = true}
        %lt3A = arith.constant 19 : i32
        %lt3A_131 = arith.cmpi slt, %scan3A_103, %lt3A : i32
        %convert_element_type3A_132 = arith.extui %lt3A_131 : i1 to i32
        %cond3A_133 = arith.constant 0 : i32
        %cond3A_134 = arith.cmpi ne, %convert_element_type3A_132, %cond3A_133 : i32
        scf.if %cond3A_134 {
          %dma_wait3A_148 = arith.constant 0 : i32
          %dma_wait3A_149 = tpu.memref_slice %arg10[%mul3A_106, %dma_wait3A_148] : memref<40x128xi32, #tpu.memory_space<vmem>> -> memref<1x128xi32, #tpu.memory_space<vmem>>
          %dma_wait3A_150 = tpu.memref_squeeze %dma_wait3A_149 : memref<1x128xi32, #tpu.memory_space<vmem>> -> memref<128xi32, #tpu.memory_space<vmem>>
          %dma_wait3A_151 = arith.constant 0 : i32
          %dma_wait3A_152 = arith.constant 0 : i32
          %dma_wait3A_153 = tpu.memref_slice %arg13[%dma_wait3A_151, %dma_wait3A_152] : memref<10240x128xf32, #tpu.memory_space<vmem_shared>> -> memref<10240x128xf32, #tpu.memory_space<vmem_shared>>
          tpu.wait_indirect_dma semaphore(%arg16 : memref<!tpu.dma_semaphore, #tpu.memory_space<semaphore_mem>>) src(%arg11 : memref<128x128xf32, #tpu.memory_space<vmem>>) dst(%dma_wait3A_153 : memref<10240x128xf32, #tpu.memory_space<vmem_shared>>)
          %add3A_154 = arith.constant 2 : i32
          %add3A_155 = arith.addi %mul3A_106, %add3A_154 : i32
          %dma_start3A_156 = arith.constant 0 : i32
          %dma_start3A_157 = tpu.memref_slice %arg9[%add3A_155, %dma_start3A_156] : memref<40x128xi32, #tpu.memory_space<vmem>> -> memref<1x128xi32, #tpu.memory_space<vmem>>
          %dma_start3A_158 = tpu.memref_squeeze %dma_start3A_157 : memref<1x128xi32, #tpu.memory_space<vmem>> -> memref<128xi32, #tpu.memory_space<vmem>>
          %dma_start3A_159 = arith.constant 0 : i32
          %dma_start3A_160 = arith.constant 0 : i32
          %dma_start3A_161 = tpu.memref_slice %arg3[%dma_start3A_159, %dma_start3A_160] : memref<51200x128xf32, #tpu.memory_space<hbm>> -> memref<51200x128xf32, #tpu.memory_space<hbm>>
          tpu.enqueue_indirect_dma source(%dma_start3A_161 : memref<51200x128xf32, #tpu.memory_space<hbm>>) target(%arg11 : memref<128x128xf32, #tpu.memory_space<vmem>>) offsets(%dma_start3A_158 : memref<128xi32, #tpu.memory_space<vmem>>) semaphore(%arg14 : memref<!tpu.dma_semaphore, #tpu.memory_space<semaphore_mem>>)
        } else {
        }
        %dma_wait3A_135 = arith.constant 0 : i32
        %dma_wait3A_136 = tpu.memref_slice %arg9[%add3A_108, %dma_wait3A_135] : memref<40x128xi32, #tpu.memory_space<vmem>> -> memref<1x128xi32, #tpu.memory_space<vmem>>
        %dma_wait3A_137 = tpu.memref_squeeze %dma_wait3A_136 : memref<1x128xi32, #tpu.memory_space<vmem>> -> memref<128xi32, #tpu.memory_space<vmem>>
        %dma_wait3A_138 = arith.constant 0 : i32
        %dma_wait3A_139 = arith.constant 0 : i32
        %dma_wait3A_140 = tpu.memref_slice %arg3[%dma_wait3A_138, %dma_wait3A_139] : memref<51200x128xf32, #tpu.memory_space<hbm>> -> memref<51200x128xf32, #tpu.memory_space<hbm>>
        tpu.wait_indirect_dma semaphore(%arg15 : memref<!tpu.dma_semaphore, #tpu.memory_space<semaphore_mem>>) src(%dma_wait3A_140 : memref<51200x128xf32, #tpu.memory_space<hbm>>) dst(%arg12 : memref<128x128xf32, #tpu.memory_space<vmem>>)
        %dma_start3A_141 = arith.constant 0 : i32
        %dma_start3A_142 = tpu.memref_slice %arg10[%add3A_108, %dma_start3A_141] : memref<40x128xi32, #tpu.memory_space<vmem>> -> memref<1x128xi32, #tpu.memory_space<vmem>>
        %dma_start3A_143 = tpu.memref_squeeze %dma_start3A_142 : memref<1x128xi32, #tpu.memory_space<vmem>> -> memref<128xi32, #tpu.memory_space<vmem>>
        %dma_start3A_144 = arith.constant 0 : i32
        %dma_start3A_145 = arith.constant 0 : i32
        %dma_start3A_146 = tpu.memref_slice %arg13[%dma_start3A_144, %dma_start3A_145] : memref<10240x128xf32, #tpu.memory_space<vmem_shared>> -> memref<10240x128xf32, #tpu.memory_space<vmem_shared>>
        tpu.enqueue_indirect_dma source(%arg12 : memref<128x128xf32, #tpu.memory_space<vmem>>) target(%dma_start3A_146 : memref<10240x128xf32, #tpu.memory_space<vmem_shared>>) offsets(%dma_start3A_143 : memref<128xi32, #tpu.memory_space<vmem>>) semaphore(%arg17 : memref<!tpu.dma_semaphore, #tpu.memory_space<semaphore_mem>>) {add = true}
        %scan3A_147 = arith.constant 0 : i32
        scf.yield %scan3A_147 : i32
      }
      %scan3A_56 = arith.constant 20 : i32
      %dma_wait3A = arith.constant 38 : i32
      %dma_wait3A_57 = arith.constant 0 : i32
      %dma_wait3A_58 = tpu.memref_slice %arg10[%dma_wait3A, %dma_wait3A_57] : memref<40x128xi32, #tpu.memory_space<vmem>> -> memref<1x128xi32, #tpu.memory_space<vmem>>
      %dma_wait3A_59 = tpu.memref_squeeze %dma_wait3A_58 : memref<1x128xi32, #tpu.memory_space<vmem>> -> memref<128xi32, #tpu.memory_space<vmem>>
      %dma_wait3A_60 = arith.constant 0 : i32
      %dma_wait3A_61 = arith.constant 0 : i32
      %dma_wait3A_62 = tpu.memref_slice %arg13[%dma_wait3A_60, %dma_wait3A_61] : memref<10240x128xf32, #tpu.memory_space<vmem_shared>> -> memref<10240x128xf32, #tpu.memory_space<vmem_shared>>
      tpu.wait_indirect_dma semaphore(%arg16 : memref<!tpu.dma_semaphore, #tpu.memory_space<semaphore_mem>>) src(%arg11 : memref<128x128xf32, #tpu.memory_space<vmem>>) dst(%dma_wait3A_62 : memref<10240x128xf32, #tpu.memory_space<vmem_shared>>)
      %dma_wait3A_63 = arith.constant 39 : i32
      %dma_wait3A_64 = arith.constant 0 : i32
      %dma_wait3A_65 = tpu.memref_slice %arg10[%dma_wait3A_63, %dma_wait3A_64] : memref<40x128xi32, #tpu.memory_space<vmem>> -> memref<1x128xi32, #tpu.memory_space<vmem>>
      %dma_wait3A_66 = tpu.memref_squeeze %dma_wait3A_65 : memref<1x128xi32, #tpu.memory_space<vmem>> -> memref<128xi32, #tpu.memory_space<vmem>>
      %dma_wait3A_67 = arith.constant 0 : i32
      %dma_wait3A_68 = arith.constant 0 : i32
      %dma_wait3A_69 = tpu.memref_slice %arg13[%dma_wait3A_67, %dma_wait3A_68] : memref<10240x128xf32, #tpu.memory_space<vmem_shared>> -> memref<10240x128xf32, #tpu.memory_space<vmem_shared>>
      tpu.wait_indirect_dma semaphore(%arg17 : memref<!tpu.dma_semaphore, #tpu.memory_space<semaphore_mem>>) src(%arg12 : memref<128x128xf32, #tpu.memory_space<vmem>>) dst(%dma_wait3A_69 : memref<10240x128xf32, #tpu.memory_space<vmem_shared>>)
      "tpu.region"() ({
        %run_scoped3A = tpu.sem_alloc : memref<!tpu.dma_semaphore, #tpu.memory_space<semaphore_mem>>
        %dma_start3A_103 = arith.constant 0 : i32
        %dma_start3A_104 = arith.constant 0 : i32
        %dma_start3A_105 = tpu.memref_slice %arg4[%arg1, %dma_start3A_103, %dma_start3A_104] : memref<16x80x128xi32, #tpu.memory_space<hbm>> -> memref<1x80x128xi32, #tpu.memory_space<hbm>>
        %dma_start3A_106 = tpu.memref_squeeze %dma_start3A_105 : memref<1x80x128xi32, #tpu.memory_space<hbm>> -> memref<80x128xi32, #tpu.memory_space<hbm>>
        %dma_start3A_107 = arith.constant 40 : i32
        %dma_start3A_108 = arith.constant 0 : i32
        %dma_start3A_109 = tpu.memref_slice %dma_start3A_106[%dma_start3A_107, %dma_start3A_108] : memref<80x128xi32, #tpu.memory_space<hbm>> -> memref<40x128xi32, #tpu.memory_space<hbm>>
        %dma_start3A_110 = arith.constant 0 : i32
        %dma_start3A_111 = arith.constant 0 : i32
        %dma_start3A_112 = tpu.memref_slice %arg4[%arg1, %dma_start3A_110, %dma_start3A_111] : memref<16x80x128xi32, #tpu.memory_space<hbm>> -> memref<1x80x128xi32, #tpu.memory_space<hbm>>
        %dma_start3A_113 = tpu.memref_squeeze %dma_start3A_112 : memref<1x80x128xi32, #tpu.memory_space<hbm>> -> memref<80x128xi32, #tpu.memory_space<hbm>>
        %dma_start3A_114 = arith.constant 40 : i32
        %dma_start3A_115 = arith.constant 0 : i32
        %dma_start3A_116 = tpu.memref_slice %dma_start3A_113[%dma_start3A_114, %dma_start3A_115] : memref<80x128xi32, #tpu.memory_space<hbm>> -> memref<40x128xi32, #tpu.memory_space<hbm>>
        tpu.enqueue_dma source(%dma_start3A_116 : memref<40x128xi32, #tpu.memory_space<hbm>>) target(%arg9 : memref<40x128xi32, #tpu.memory_space<vmem>>) target_semaphore(%run_scoped3A : memref<!tpu.dma_semaphore, #tpu.memory_space<semaphore_mem>>)
        %dma_wait3A_117 = arith.constant 0 : i32
        %dma_wait3A_118 = arith.constant 0 : i32
        %dma_wait3A_119 = tpu.memref_slice %arg4[%arg1, %dma_wait3A_117, %dma_wait3A_118] : memref<16x80x128xi32, #tpu.memory_space<hbm>> -> memref<1x80x128xi32, #tpu.memory_space<hbm>>
        %dma_wait3A_120 = tpu.memref_squeeze %dma_wait3A_119 : memref<1x80x128xi32, #tpu.memory_space<hbm>> -> memref<80x128xi32, #tpu.memory_space<hbm>>
        %dma_wait3A_121 = arith.constant 40 : i32
        %dma_wait3A_122 = arith.constant 0 : i32
        %dma_wait3A_123 = tpu.memref_slice %dma_wait3A_120[%dma_wait3A_121, %dma_wait3A_122] : memref<80x128xi32, #tpu.memory_space<hbm>> -> memref<40x128xi32, #tpu.memory_space<hbm>>
        %dma_wait3A_124 = arith.constant 0 : i32
        %dma_wait3A_125 = arith.constant 0 : i32
        %dma_wait3A_126 = tpu.memref_slice %arg4[%arg1, %dma_wait3A_124, %dma_wait3A_125] : memref<16x80x128xi32, #tpu.memory_space<hbm>> -> memref<1x80x128xi32, #tpu.memory_space<hbm>>
        %dma_wait3A_127 = tpu.memref_squeeze %dma_wait3A_126 : memref<1x80x128xi32, #tpu.memory_space<hbm>> -> memref<80x128xi32, #tpu.memory_space<hbm>>
        %dma_wait3A_128 = arith.constant 40 : i32
        %dma_wait3A_129 = arith.constant 0 : i32
        %dma_wait3A_130 = tpu.memref_slice %dma_wait3A_127[%dma_wait3A_128, %dma_wait3A_129] : memref<80x128xi32, #tpu.memory_space<hbm>> -> memref<40x128xi32, #tpu.memory_space<hbm>>
        tpu.wait_dma2 semaphore(%run_scoped3A : memref<!tpu.dma_semaphore, #tpu.memory_space<semaphore_mem>>) src(%dma_wait3A_130 : memref<40x128xi32, #tpu.memory_space<hbm>>) dst(%arg9 : memref<40x128xi32, #tpu.memory_space<vmem>>)
        tpu.yield
      }) : () -> ()
      "tpu.region"() ({
        %run_scoped3A = tpu.sem_alloc : memref<!tpu.dma_semaphore, #tpu.memory_space<semaphore_mem>>
        %dma_start3A_103 = arith.constant 0 : i32
        %dma_start3A_104 = arith.constant 0 : i32
        %dma_start3A_105 = tpu.memref_slice %arg5[%arg1, %dma_start3A_103, %dma_start3A_104] : memref<16x80x128xi32, #tpu.memory_space<hbm>> -> memref<1x80x128xi32, #tpu.memory_space<hbm>>
        %dma_start3A_106 = tpu.memref_squeeze %dma_start3A_105 : memref<1x80x128xi32, #tpu.memory_space<hbm>> -> memref<80x128xi32, #tpu.memory_space<hbm>>
        %dma_start3A_107 = arith.constant 40 : i32
        %dma_start3A_108 = arith.constant 0 : i32
        %dma_start3A_109 = tpu.memref_slice %dma_start3A_106[%dma_start3A_107, %dma_start3A_108] : memref<80x128xi32, #tpu.memory_space<hbm>> -> memref<40x128xi32, #tpu.memory_space<hbm>>
        %dma_start3A_110 = arith.constant 0 : i32
        %dma_start3A_111 = arith.constant 0 : i32
        %dma_start3A_112 = tpu.memref_slice %arg5[%arg1, %dma_start3A_110, %dma_start3A_111] : memref<16x80x128xi32, #tpu.memory_space<hbm>> -> memref<1x80x128xi32, #tpu.memory_space<hbm>>
        %dma_start3A_113 = tpu.memref_squeeze %dma_start3A_112 : memref<1x80x128xi32, #tpu.memory_space<hbm>> -> memref<80x128xi32, #tpu.memory_space<hbm>>
        %dma_start3A_114 = arith.constant 40 : i32
        %dma_start3A_115 = arith.constant 0 : i32
        %dma_start3A_116 = tpu.memref_slice %dma_start3A_113[%dma_start3A_114, %dma_start3A_115] : memref<80x128xi32, #tpu.memory_space<hbm>> -> memref<40x128xi32, #tpu.memory_space<hbm>>
        tpu.enqueue_dma source(%dma_start3A_116 : memref<40x128xi32, #tpu.memory_space<hbm>>) target(%arg10 : memref<40x128xi32, #tpu.memory_space<vmem>>) target_semaphore(%run_scoped3A : memref<!tpu.dma_semaphore, #tpu.memory_space<semaphore_mem>>)
        %dma_wait3A_117 = arith.constant 0 : i32
        %dma_wait3A_118 = arith.constant 0 : i32
        %dma_wait3A_119 = tpu.memref_slice %arg5[%arg1, %dma_wait3A_117, %dma_wait3A_118] : memref<16x80x128xi32, #tpu.memory_space<hbm>> -> memref<1x80x128xi32, #tpu.memory_space<hbm>>
        %dma_wait3A_120 = tpu.memref_squeeze %dma_wait3A_119 : memref<1x80x128xi32, #tpu.memory_space<hbm>> -> memref<80x128xi32, #tpu.memory_space<hbm>>
        %dma_wait3A_121 = arith.constant 40 : i32
        %dma_wait3A_122 = arith.constant 0 : i32
        %dma_wait3A_123 = tpu.memref_slice %dma_wait3A_120[%dma_wait3A_121, %dma_wait3A_122] : memref<80x128xi32, #tpu.memory_space<hbm>> -> memref<40x128xi32, #tpu.memory_space<hbm>>
        %dma_wait3A_124 = arith.constant 0 : i32
        %dma_wait3A_125 = arith.constant 0 : i32
        %dma_wait3A_126 = tpu.memref_slice %arg5[%arg1, %dma_wait3A_124, %dma_wait3A_125] : memref<16x80x128xi32, #tpu.memory_space<hbm>> -> memref<1x80x128xi32, #tpu.memory_space<hbm>>
        %dma_wait3A_127 = tpu.memref_squeeze %dma_wait3A_126 : memref<1x80x128xi32, #tpu.memory_space<hbm>> -> memref<80x128xi32, #tpu.memory_space<hbm>>
        %dma_wait3A_128 = arith.constant 40 : i32
        %dma_wait3A_129 = arith.constant 0 : i32
        %dma_wait3A_130 = tpu.memref_slice %dma_wait3A_127[%dma_wait3A_128, %dma_wait3A_129] : memref<80x128xi32, #tpu.memory_space<hbm>> -> memref<40x128xi32, #tpu.memory_space<hbm>>
        tpu.wait_dma2 semaphore(%run_scoped3A : memref<!tpu.dma_semaphore, #tpu.memory_space<semaphore_mem>>) src(%dma_wait3A_130 : memref<40x128xi32, #tpu.memory_space<hbm>>) dst(%arg10 : memref<40x128xi32, #tpu.memory_space<vmem>>)
        tpu.yield
      }) : () -> ()
      %dma_start3A_70 = arith.constant 0 : i32
      %dma_start3A_71 = arith.constant 0 : i32
      %dma_start3A_72 = tpu.memref_slice %arg9[%dma_start3A_70, %dma_start3A_71] : memref<40x128xi32, #tpu.memory_space<vmem>> -> memref<1x128xi32, #tpu.memory_space<vmem>>
      %dma_start3A_73 = tpu.memref_squeeze %dma_start3A_72 : memref<1x128xi32, #tpu.memory_space<vmem>> -> memref<128xi32, #tpu.memory_space<vmem>>
      %dma_start3A_74 = arith.constant 0 : i32
      %dma_start3A_75 = arith.constant 0 : i32
      %dma_start3A_76 = tpu.memref_slice %arg3[%dma_start3A_74, %dma_start3A_75] : memref<51200x128xf32, #tpu.memory_space<hbm>> -> memref<51200x128xf32, #tpu.memory_space<hbm>>
      tpu.enqueue_indirect_dma source(%dma_start3A_76 : memref<51200x128xf32, #tpu.memory_space<hbm>>) target(%arg11 : memref<128x128xf32, #tpu.memory_space<vmem>>) offsets(%dma_start3A_73 : memref<128xi32, #tpu.memory_space<vmem>>) semaphore(%arg14 : memref<!tpu.dma_semaphore, #tpu.memory_space<semaphore_mem>>)
      %scan3A_77 = arith.constant 0 : i32
      %scan3A_78 = arith.constant 0 : i32
      %scan3A_79 = arith.constant 20 : i32
      %scan3A_80 = arith.addi %scan3A_78, %scan3A_79 : i32
      %scan3A_81 = arith.constant 1 : i32
      %scan3A_82 = scf.for %scan3A_103 = %scan3A_78 to %scan3A_80 step %scan3A_81 iter_args(%scan3A_104 = %scan3A_77) -> (i32)  : i32 {
        %mul3A_105 = arith.constant 2 : i32
        %mul3A_106 = arith.muli %mul3A_105, %scan3A_103 : i32
        %add3A_107 = arith.constant 1 : i32
        %add3A_108 = arith.addi %mul3A_106, %add3A_107 : i32
        %gt3A = arith.constant 0 : i32
        %gt3A_109 = arith.cmpi sgt, %scan3A_103, %gt3A : i32
        %convert_element_type3A_110 = arith.extui %gt3A_109 : i1 to i32
        %cond3A_111 = arith.constant 0 : i32
        %cond3A_112 = arith.cmpi ne, %convert_element_type3A_110, %cond3A_111 : i32
        scf.if %cond3A_112 {
          %sub3A = arith.constant 2 : i32
          %sub3A_148 = arith.subi %add3A_108, %sub3A : i32
          %dma_wait3A_149 = arith.constant 0 : i32
          %dma_wait3A_150 = tpu.memref_slice %arg10[%sub3A_148, %dma_wait3A_149] : memref<40x128xi32, #tpu.memory_space<vmem>> -> memref<1x128xi32, #tpu.memory_space<vmem>>
          %dma_wait3A_151 = tpu.memref_squeeze %dma_wait3A_150 : memref<1x128xi32, #tpu.memory_space<vmem>> -> memref<128xi32, #tpu.memory_space<vmem>>
          %dma_wait3A_152 = arith.constant 0 : i32
          %dma_wait3A_153 = arith.constant 0 : i32
          %dma_wait3A_154 = tpu.memref_slice %arg13[%dma_wait3A_152, %dma_wait3A_153] : memref<10240x128xf32, #tpu.memory_space<vmem_shared>> -> memref<10240x128xf32, #tpu.memory_space<vmem_shared>>
          tpu.wait_indirect_dma semaphore(%arg17 : memref<!tpu.dma_semaphore, #tpu.memory_space<semaphore_mem>>) src(%arg12 : memref<128x128xf32, #tpu.memory_space<vmem>>) dst(%dma_wait3A_154 : memref<10240x128xf32, #tpu.memory_space<vmem_shared>>)
        } else {
        }
        %dma_start3A_113 = arith.constant 0 : i32
        %dma_start3A_114 = tpu.memref_slice %arg9[%add3A_108, %dma_start3A_113] : memref<40x128xi32, #tpu.memory_space<vmem>> -> memref<1x128xi32, #tpu.memory_space<vmem>>
        %dma_start3A_115 = tpu.memref_squeeze %dma_start3A_114 : memref<1x128xi32, #tpu.memory_space<vmem>> -> memref<128xi32, #tpu.memory_space<vmem>>
        %dma_start3A_116 = arith.constant 0 : i32
        %dma_start3A_117 = arith.constant 0 : i32
        %dma_start3A_118 = tpu.memref_slice %arg3[%dma_start3A_116, %dma_start3A_117] : memref<51200x128xf32, #tpu.memory_space<hbm>> -> memref<51200x128xf32, #tpu.memory_space<hbm>>
        tpu.enqueue_indirect_dma source(%dma_start3A_118 : memref<51200x128xf32, #tpu.memory_space<hbm>>) target(%arg12 : memref<128x128xf32, #tpu.memory_space<vmem>>) offsets(%dma_start3A_115 : memref<128xi32, #tpu.memory_space<vmem>>) semaphore(%arg15 : memref<!tpu.dma_semaphore, #tpu.memory_space<semaphore_mem>>)
        %dma_wait3A_119 = arith.constant 0 : i32
        %dma_wait3A_120 = tpu.memref_slice %arg9[%mul3A_106, %dma_wait3A_119] : memref<40x128xi32, #tpu.memory_space<vmem>> -> memref<1x128xi32, #tpu.memory_space<vmem>>
        %dma_wait3A_121 = tpu.memref_squeeze %dma_wait3A_120 : memref<1x128xi32, #tpu.memory_space<vmem>> -> memref<128xi32, #tpu.memory_space<vmem>>
        %dma_wait3A_122 = arith.constant 0 : i32
        %dma_wait3A_123 = arith.constant 0 : i32
        %dma_wait3A_124 = tpu.memref_slice %arg3[%dma_wait3A_122, %dma_wait3A_123] : memref<51200x128xf32, #tpu.memory_space<hbm>> -> memref<51200x128xf32, #tpu.memory_space<hbm>>
        tpu.wait_indirect_dma semaphore(%arg14 : memref<!tpu.dma_semaphore, #tpu.memory_space<semaphore_mem>>) src(%dma_wait3A_124 : memref<51200x128xf32, #tpu.memory_space<hbm>>) dst(%arg11 : memref<128x128xf32, #tpu.memory_space<vmem>>)
        %dma_start3A_125 = arith.constant 0 : i32
        %dma_start3A_126 = tpu.memref_slice %arg10[%mul3A_106, %dma_start3A_125] : memref<40x128xi32, #tpu.memory_space<vmem>> -> memref<1x128xi32, #tpu.memory_space<vmem>>
        %dma_start3A_127 = tpu.memref_squeeze %dma_start3A_126 : memref<1x128xi32, #tpu.memory_space<vmem>> -> memref<128xi32, #tpu.memory_space<vmem>>
        %dma_start3A_128 = arith.constant 0 : i32
        %dma_start3A_129 = arith.constant 0 : i32
        %dma_start3A_130 = tpu.memref_slice %arg13[%dma_start3A_128, %dma_start3A_129] : memref<10240x128xf32, #tpu.memory_space<vmem_shared>> -> memref<10240x128xf32, #tpu.memory_space<vmem_shared>>
        tpu.enqueue_indirect_dma source(%arg11 : memref<128x128xf32, #tpu.memory_space<vmem>>) target(%dma_start3A_130 : memref<10240x128xf32, #tpu.memory_space<vmem_shared>>) offsets(%dma_start3A_127 : memref<128xi32, #tpu.memory_space<vmem>>) semaphore(%arg16 : memref<!tpu.dma_semaphore, #tpu.memory_space<semaphore_mem>>) {add = true}
        %lt3A = arith.constant 19 : i32
        %lt3A_131 = arith.cmpi slt, %scan3A_103, %lt3A : i32
        %convert_element_type3A_132 = arith.extui %lt3A_131 : i1 to i32
        %cond3A_133 = arith.constant 0 : i32
        %cond3A_134 = arith.cmpi ne, %convert_element_type3A_132, %cond3A_133 : i32
        scf.if %cond3A_134 {
          %dma_wait3A_148 = arith.constant 0 : i32
          %dma_wait3A_149 = tpu.memref_slice %arg10[%mul3A_106, %dma_wait3A_148] : memref<40x128xi32, #tpu.memory_space<vmem>> -> memref<1x128xi32, #tpu.memory_space<vmem>>
          %dma_wait3A_150 = tpu.memref_squeeze %dma_wait3A_149 : memref<1x128xi32, #tpu.memory_space<vmem>> -> memref<128xi32, #tpu.memory_space<vmem>>
          %dma_wait3A_151 = arith.constant 0 : i32
          %dma_wait3A_152 = arith.constant 0 : i32
          %dma_wait3A_153 = tpu.memref_slice %arg13[%dma_wait3A_151, %dma_wait3A_152] : memref<10240x128xf32, #tpu.memory_space<vmem_shared>> -> memref<10240x128xf32, #tpu.memory_space<vmem_shared>>
          tpu.wait_indirect_dma semaphore(%arg16 : memref<!tpu.dma_semaphore, #tpu.memory_space<semaphore_mem>>) src(%arg11 : memref<128x128xf32, #tpu.memory_space<vmem>>) dst(%dma_wait3A_153 : memref<10240x128xf32, #tpu.memory_space<vmem_shared>>)
          %add3A_154 = arith.constant 2 : i32
          %add3A_155 = arith.addi %mul3A_106, %add3A_154 : i32
          %dma_start3A_156 = arith.constant 0 : i32
          %dma_start3A_157 = tpu.memref_slice %arg9[%add3A_155, %dma_start3A_156] : memref<40x128xi32, #tpu.memory_space<vmem>> -> memref<1x128xi32, #tpu.memory_space<vmem>>
          %dma_start3A_158 = tpu.memref_squeeze %dma_start3A_157 : memref<1x128xi32, #tpu.memory_space<vmem>> -> memref<128xi32, #tpu.memory_space<vmem>>
          %dma_start3A_159 = arith.constant 0 : i32
          %dma_start3A_160 = arith.constant 0 : i32
          %dma_start3A_161 = tpu.memref_slice %arg3[%dma_start3A_159, %dma_start3A_160] : memref<51200x128xf32, #tpu.memory_space<hbm>> -> memref<51200x128xf32, #tpu.memory_space<hbm>>
          tpu.enqueue_indirect_dma source(%dma_start3A_161 : memref<51200x128xf32, #tpu.memory_space<hbm>>) target(%arg11 : memref<128x128xf32, #tpu.memory_space<vmem>>) offsets(%dma_start3A_158 : memref<128xi32, #tpu.memory_space<vmem>>) semaphore(%arg14 : memref<!tpu.dma_semaphore, #tpu.memory_space<semaphore_mem>>)
        } else {
        }
        %dma_wait3A_135 = arith.constant 0 : i32
        %dma_wait3A_136 = tpu.memref_slice %arg9[%add3A_108, %dma_wait3A_135] : memref<40x128xi32, #tpu.memory_space<vmem>> -> memref<1x128xi32, #tpu.memory_space<vmem>>
        %dma_wait3A_137 = tpu.memref_squeeze %dma_wait3A_136 : memref<1x128xi32, #tpu.memory_space<vmem>> -> memref<128xi32, #tpu.memory_space<vmem>>
        %dma_wait3A_138 = arith.constant 0 : i32
        %dma_wait3A_139 = arith.constant 0 : i32
        %dma_wait3A_140 = tpu.memref_slice %arg3[%dma_wait3A_138, %dma_wait3A_139] : memref<51200x128xf32, #tpu.memory_space<hbm>> -> memref<51200x128xf32, #tpu.memory_space<hbm>>
        tpu.wait_indirect_dma semaphore(%arg15 : memref<!tpu.dma_semaphore, #tpu.memory_space<semaphore_mem>>) src(%dma_wait3A_140 : memref<51200x128xf32, #tpu.memory_space<hbm>>) dst(%arg12 : memref<128x128xf32, #tpu.memory_space<vmem>>)
        %dma_start3A_141 = arith.constant 0 : i32
        %dma_start3A_142 = tpu.memref_slice %arg10[%add3A_108, %dma_start3A_141] : memref<40x128xi32, #tpu.memory_space<vmem>> -> memref<1x128xi32, #tpu.memory_space<vmem>>
        %dma_start3A_143 = tpu.memref_squeeze %dma_start3A_142 : memref<1x128xi32, #tpu.memory_space<vmem>> -> memref<128xi32, #tpu.memory_space<vmem>>
        %dma_start3A_144 = arith.constant 0 : i32
        %dma_start3A_145 = arith.constant 0 : i32
        %dma_start3A_146 = tpu.memref_slice %arg13[%dma_start3A_144, %dma_start3A_145] : memref<10240x128xf32, #tpu.memory_space<vmem_shared>> -> memref<10240x128xf32, #tpu.memory_space<vmem_shared>>
        tpu.enqueue_indirect_dma source(%arg12 : memref<128x128xf32, #tpu.memory_space<vmem>>) target(%dma_start3A_146 : memref<10240x128xf32, #tpu.memory_space<vmem_shared>>) offsets(%dma_start3A_143 : memref<128xi32, #tpu.memory_space<vmem>>) semaphore(%arg17 : memref<!tpu.dma_semaphore, #tpu.memory_space<semaphore_mem>>) {add = true}
        %scan3A_147 = arith.constant 0 : i32
        scf.yield %scan3A_147 : i32
      }
      %scan3A_83 = arith.constant 20 : i32
      %dma_wait3A_84 = arith.constant 38 : i32
      %dma_wait3A_85 = arith.constant 0 : i32
      %dma_wait3A_86 = tpu.memref_slice %arg10[%dma_wait3A_84, %dma_wait3A_85] : memref<40x128xi32, #tpu.memory_space<vmem>> -> memref<1x128xi32, #tpu.memory_space<vmem>>
      %dma_wait3A_87 = tpu.memref_squeeze %dma_wait3A_86 : memref<1x128xi32, #tpu.memory_space<vmem>> -> memref<128xi32, #tpu.memory_space<vmem>>
      %dma_wait3A_88 = arith.constant 0 : i32
      %dma_wait3A_89 = arith.constant 0 : i32
      %dma_wait3A_90 = tpu.memref_slice %arg13[%dma_wait3A_88, %dma_wait3A_89] : memref<10240x128xf32, #tpu.memory_space<vmem_shared>> -> memref<10240x128xf32, #tpu.memory_space<vmem_shared>>
      tpu.wait_indirect_dma semaphore(%arg16 : memref<!tpu.dma_semaphore, #tpu.memory_space<semaphore_mem>>) src(%arg11 : memref<128x128xf32, #tpu.memory_space<vmem>>) dst(%dma_wait3A_90 : memref<10240x128xf32, #tpu.memory_space<vmem_shared>>)
      %dma_wait3A_91 = arith.constant 39 : i32
      %dma_wait3A_92 = arith.constant 0 : i32
      %dma_wait3A_93 = tpu.memref_slice %arg10[%dma_wait3A_91, %dma_wait3A_92] : memref<40x128xi32, #tpu.memory_space<vmem>> -> memref<1x128xi32, #tpu.memory_space<vmem>>
      %dma_wait3A_94 = tpu.memref_squeeze %dma_wait3A_93 : memref<1x128xi32, #tpu.memory_space<vmem>> -> memref<128xi32, #tpu.memory_space<vmem>>
      %dma_wait3A_95 = arith.constant 0 : i32
      %dma_wait3A_96 = arith.constant 0 : i32
      %dma_wait3A_97 = tpu.memref_slice %arg13[%dma_wait3A_95, %dma_wait3A_96] : memref<10240x128xf32, #tpu.memory_space<vmem_shared>> -> memref<10240x128xf32, #tpu.memory_space<vmem_shared>>
      tpu.wait_indirect_dma semaphore(%arg17 : memref<!tpu.dma_semaphore, #tpu.memory_space<semaphore_mem>>) src(%arg12 : memref<128x128xf32, #tpu.memory_space<vmem>>) dst(%dma_wait3A_97 : memref<10240x128xf32, #tpu.memory_space<vmem_shared>>)
      %barrier3A_98 = arith.constant 0 : index
      tpu.barrier barrier_id(%barrier3A_98)
      %mul3A_99 = arith.constant 640 : i32
      %mul3A_100 = arith.muli %arg1, %mul3A_99 : i32
      %mul3A_101 = arith.constant 640 : i32
      %mul3A_102 = arith.muli %arg1, %mul3A_101 : i32
      "tpu.region"() ({
        %run_scoped3A = tpu.sem_alloc : memref<!tpu.dma_semaphore, #tpu.memory_space<semaphore_mem>>
        %dma_start3A_103 = arith.constant 0 : i32
        %dma_start3A_104 = tpu.memref_slice %arg8[%mul3A_102, %dma_start3A_103] : memref<10240x128xf32, #tpu.memory_space<hbm>> -> memref<640x128xf32, #tpu.memory_space<hbm>>
        %dma_start3A_105 = arith.constant 0 : i32
        %dma_start3A_106 = tpu.memref_slice %arg13[%mul3A_100, %dma_start3A_105] : memref<10240x128xf32, #tpu.memory_space<vmem_shared>> -> memref<640x128xf32, #tpu.memory_space<vmem_shared>>
        tpu.enqueue_dma source(%dma_start3A_106 : memref<640x128xf32, #tpu.memory_space<vmem_shared>>) target(%dma_start3A_104 : memref<640x128xf32, #tpu.memory_space<hbm>>) target_semaphore(%run_scoped3A : memref<!tpu.dma_semaphore, #tpu.memory_space<semaphore_mem>>)
        %dma_wait3A_107 = arith.constant 0 : i32
        %dma_wait3A_108 = tpu.memref_slice %arg8[%mul3A_102, %dma_wait3A_107] : memref<10240x128xf32, #tpu.memory_space<hbm>> -> memref<640x128xf32, #tpu.memory_space<hbm>>
        %dma_wait3A_109 = arith.constant 0 : i32
        %dma_wait3A_110 = tpu.memref_slice %arg13[%mul3A_100, %dma_wait3A_109] : memref<10240x128xf32, #tpu.memory_space<vmem_shared>> -> memref<640x128xf32, #tpu.memory_space<vmem_shared>>
        tpu.wait_dma2 semaphore(%run_scoped3A : memref<!tpu.dma_semaphore, #tpu.memory_space<semaphore_mem>>) src(%dma_wait3A_110 : memref<640x128xf32, #tpu.memory_space<vmem_shared>>) dst(%dma_wait3A_108 : memref<640x128xf32, #tpu.memory_space<hbm>>)
        tpu.yield
      }) : () -> ()
    } else {
    }
    return
  }
}

#map = affine_map<(d0, d1) -> (0, 0)>
#map1 = affine_map<(d0, d1) -> (0, 0, 0)>
module attributes {stable_mosaic.version = 14 : i64} {
  func.func @_sc_body(%arg0: i32, %arg1: i32, %arg2: memref<51200x128xf32, #tpu.memory_space<hbm>>, %arg3: memref<51200x128xf32, #tpu.memory_space<hbm>>, %arg4: memref<16x80x128xi32, #tpu.memory_space<hbm>>, %arg5: memref<16x80x128xi32, #tpu.memory_space<hbm>>, %arg6: memref<64x128xf32, #tpu.memory_space<hbm>>, %arg7: memref<10240x128xf32, #tpu.memory_space<hbm>>, %arg8: memref<10240x128xf32, #tpu.memory_space<hbm>>, %arg9: memref<40x128xi32, #tpu.memory_space<vmem>>, %arg10: memref<40x128xi32, #tpu.memory_space<vmem>>, %arg11: memref<128x128xf32, #tpu.memory_space<vmem>>, %arg12: memref<128x128xf32, #tpu.memory_space<vmem>>, %arg13: memref<10240x128xf32, #tpu.memory_space<vmem_shared>>, %arg14: memref<!tpu.dma_semaphore, #tpu.memory_space<semaphore_mem>>, %arg15: memref<!tpu.dma_semaphore, #tpu.memory_space<semaphore_mem>>, %arg16: memref<!tpu.dma_semaphore, #tpu.memory_space<semaphore_mem>>, %arg17: memref<!tpu.dma_semaphore, #tpu.memory_space<semaphore_mem>>) attributes {dimension_semantics = [#tpu.dimension_semantics<core_parallel>, #tpu.dimension_semantics<subcore_parallel>], iteration_bounds = array<i64: 2, 16>, scalar_prefetch = 0 : i64, scratch_operands = 9 : i64, tpu.core_type = #tpu.core_type<sc_vector_subcore>, window_params = [{transform_indices = #map}, {transform_indices = #map}, {transform_indices = #map1}, {transform_indices = #map1}, {transform_indices = #map}, {transform_indices = #map}, {transform_indices = #map}]} {
    %eq3A = arith.constant 0 : i32
    %eq3A_0 = arith.cmpi eq, %arg0, %eq3A : i32
    %convert_element_type3A = arith.extui %eq3A_0 : i1 to i32
    %cond3A = arith.constant 0 : i32
    %cond3A_1 = arith.cmpi ne, %convert_element_type3A, %cond3A : i32
    scf.if %cond3A_1 {
      "tpu.region"() ({
        %run_scoped3A = tpu.sem_alloc : memref<!tpu.dma_semaphore, #tpu.memory_space<semaphore_mem>>
        %dma_start3A_103 = arith.constant 0 : i32
        %dma_start3A_104 = arith.constant 0 : i32
        %dma_start3A_105 = tpu.memref_slice %arg4[%arg1, %dma_start3A_103, %dma_start3A_104] : memref<16x80x128xi32, #tpu.memory_space<hbm>> -> memref<1x80x128xi32, #tpu.memory_space<hbm>>
        %dma_start3A_106 = tpu.memref_squeeze %dma_start3A_105 : memref<1x80x128xi32, #tpu.memory_space<hbm>> -> memref<80x128xi32, #tpu.memory_space<hbm>>
        %dma_start3A_107 = arith.constant 0 : i32
        %dma_start3A_108 = arith.constant 0 : i32
        %dma_start3A_109 = tpu.memref_slice %dma_start3A_106[%dma_start3A_107, %dma_start3A_108] : memref<80x128xi32, #tpu.memory_space<hbm>> -> memref<40x128xi32, #tpu.memory_space<hbm>>
        %dma_start3A_110 = arith.constant 0 : i32
        %dma_start3A_111 = arith.constant 0 : i32
        %dma_start3A_112 = tpu.memref_slice %arg4[%arg1, %dma_start3A_110, %dma_start3A_111] : memref<16x80x128xi32, #tpu.memory_space<hbm>> -> memref<1x80x128xi32, #tpu.memory_space<hbm>>
        %dma_start3A_113 = tpu.memref_squeeze %dma_start3A_112 : memref<1x80x128xi32, #tpu.memory_space<hbm>> -> memref<80x128xi32, #tpu.memory_space<hbm>>
        %dma_start3A_114 = arith.constant 0 : i32
        %dma_start3A_115 = arith.constant 0 : i32
        %dma_start3A_116 = tpu.memref_slice %dma_start3A_113[%dma_start3A_114, %dma_start3A_115] : memref<80x128xi32, #tpu.memory_space<hbm>> -> memref<40x128xi32, #tpu.memory_space<hbm>>
        tpu.enqueue_dma source(%dma_start3A_116 : memref<40x128xi32, #tpu.memory_space<hbm>>) target(%arg9 : memref<40x128xi32, #tpu.memory_space<vmem>>) target_semaphore(%run_scoped3A : memref<!tpu.dma_semaphore, #tpu.memory_space<semaphore_mem>>)
        %dma_wait3A_117 = arith.constant 0 : i32
        %dma_wait3A_118 = arith.constant 0 : i32
        %dma_wait3A_119 = tpu.memref_slice %arg4[%arg1, %dma_wait3A_117, %dma_wait3A_118] : memref<16x80x128xi32, #tpu.memory_space<hbm>> -> memref<1x80x128xi32, #tpu.memory_space<hbm>>
        %dma_wait3A_120 = tpu.memref_squeeze %dma_wait3A_119 : memref<1x80x128xi32, #tpu.memory_space<hbm>> -> memref<80x128xi32, #tpu.memory_space<hbm>>
        %dma_wait3A_121 = arith.constant 0 : i32
        %dma_wait3A_122 = arith.constant 0 : i32
        %dma_wait3A_123 = tpu.memref_slice %dma_wait3A_120[%dma_wait3A_121, %dma_wait3A_122] : memref<80x128xi32, #tpu.memory_space<hbm>> -> memref<40x128xi32, #tpu.memory_space<hbm>>
        %dma_wait3A_124 = arith.constant 0 : i32
        %dma_wait3A_125 = arith.constant 0 : i32
        %dma_wait3A_126 = tpu.memref_slice %arg4[%arg1, %dma_wait3A_124, %dma_wait3A_125] : memref<16x80x128xi32, #tpu.memory_space<hbm>> -> memref<1x80x128xi32, #tpu.memory_space<hbm>>
        %dma_wait3A_127 = tpu.memref_squeeze %dma_wait3A_126 : memref<1x80x128xi32, #tpu.memory_space<hbm>> -> memref<80x128xi32, #tpu.memory_space<hbm>>
        %dma_wait3A_128 = arith.constant 0 : i32
        %dma_wait3A_129 = arith.constant 0 : i32
        %dma_wait3A_130 = tpu.memref_slice %dma_wait3A_127[%dma_wait3A_128, %dma_wait3A_129] : memref<80x128xi32, #tpu.memory_space<hbm>> -> memref<40x128xi32, #tpu.memory_space<hbm>>
        tpu.wait_dma2 semaphore(%run_scoped3A : memref<!tpu.dma_semaphore, #tpu.memory_space<semaphore_mem>>) src(%dma_wait3A_130 : memref<40x128xi32, #tpu.memory_space<hbm>>) dst(%arg9 : memref<40x128xi32, #tpu.memory_space<vmem>>)
        tpu.yield
      }) : () -> ()
      "tpu.region"() ({
        %run_scoped3A = tpu.sem_alloc : memref<!tpu.dma_semaphore, #tpu.memory_space<semaphore_mem>>
        %dma_start3A_103 = arith.constant 0 : i32
        %dma_start3A_104 = arith.constant 0 : i32
        %dma_start3A_105 = tpu.memref_slice %arg5[%arg1, %dma_start3A_103, %dma_start3A_104] : memref<16x80x128xi32, #tpu.memory_space<hbm>> -> memref<1x80x128xi32, #tpu.memory_space<hbm>>
        %dma_start3A_106 = tpu.memref_squeeze %dma_start3A_105 : memref<1x80x128xi32, #tpu.memory_space<hbm>> -> memref<80x128xi32, #tpu.memory_space<hbm>>
        %dma_start3A_107 = arith.constant 0 : i32
        %dma_start3A_108 = arith.constant 0 : i32
        %dma_start3A_109 = tpu.memref_slice %dma_start3A_106[%dma_start3A_107, %dma_start3A_108] : memref<80x128xi32, #tpu.memory_space<hbm>> -> memref<40x128xi32, #tpu.memory_space<hbm>>
        %dma_start3A_110 = arith.constant 0 : i32
        %dma_start3A_111 = arith.constant 0 : i32
        %dma_start3A_112 = tpu.memref_slice %arg5[%arg1, %dma_start3A_110, %dma_start3A_111] : memref<16x80x128xi32, #tpu.memory_space<hbm>> -> memref<1x80x128xi32, #tpu.memory_space<hbm>>
        %dma_start3A_113 = tpu.memref_squeeze %dma_start3A_112 : memref<1x80x128xi32, #tpu.memory_space<hbm>> -> memref<80x128xi32, #tpu.memory_space<hbm>>
        %dma_start3A_114 = arith.constant 0 : i32
        %dma_start3A_115 = arith.constant 0 : i32
        %dma_start3A_116 = tpu.memref_slice %dma_start3A_113[%dma_start3A_114, %dma_start3A_115] : memref<80x128xi32, #tpu.memory_space<hbm>> -> memref<40x128xi32, #tpu.memory_space<hbm>>
        tpu.enqueue_dma source(%dma_start3A_116 : memref<40x128xi32, #tpu.memory_space<hbm>>) target(%arg10 : memref<40x128xi32, #tpu.memory_space<vmem>>) target_semaphore(%run_scoped3A : memref<!tpu.dma_semaphore, #tpu.memory_space<semaphore_mem>>)
        %dma_wait3A_117 = arith.constant 0 : i32
        %dma_wait3A_118 = arith.constant 0 : i32
        %dma_wait3A_119 = tpu.memref_slice %arg5[%arg1, %dma_wait3A_117, %dma_wait3A_118] : memref<16x80x128xi32, #tpu.memory_space<hbm>> -> memref<1x80x128xi32, #tpu.memory_space<hbm>>
        %dma_wait3A_120 = tpu.memref_squeeze %dma_wait3A_119 : memref<1x80x128xi32, #tpu.memory_space<hbm>> -> memref<80x128xi32, #tpu.memory_space<hbm>>
        %dma_wait3A_121 = arith.constant 0 : i32
        %dma_wait3A_122 = arith.constant 0 : i32
        %dma_wait3A_123 = tpu.memref_slice %dma_wait3A_120[%dma_wait3A_121, %dma_wait3A_122] : memref<80x128xi32, #tpu.memory_space<hbm>> -> memref<40x128xi32, #tpu.memory_space<hbm>>
        %dma_wait3A_124 = arith.constant 0 : i32
        %dma_wait3A_125 = arith.constant 0 : i32
        %dma_wait3A_126 = tpu.memref_slice %arg5[%arg1, %dma_wait3A_124, %dma_wait3A_125] : memref<16x80x128xi32, #tpu.memory_space<hbm>> -> memref<1x80x128xi32, #tpu.memory_space<hbm>>
        %dma_wait3A_127 = tpu.memref_squeeze %dma_wait3A_126 : memref<1x80x128xi32, #tpu.memory_space<hbm>> -> memref<80x128xi32, #tpu.memory_space<hbm>>
        %dma_wait3A_128 = arith.constant 0 : i32
        %dma_wait3A_129 = arith.constant 0 : i32
        %dma_wait3A_130 = tpu.memref_slice %dma_wait3A_127[%dma_wait3A_128, %dma_wait3A_129] : memref<80x128xi32, #tpu.memory_space<hbm>> -> memref<40x128xi32, #tpu.memory_space<hbm>>
        tpu.wait_dma2 semaphore(%run_scoped3A : memref<!tpu.dma_semaphore, #tpu.memory_space<semaphore_mem>>) src(%dma_wait3A_130 : memref<40x128xi32, #tpu.memory_space<hbm>>) dst(%arg10 : memref<40x128xi32, #tpu.memory_space<vmem>>)
        tpu.yield
      }) : () -> ()
      %dma_start3A = arith.constant 0 : i32
      %dma_start3A_7 = arith.constant 0 : i32
      %dma_start3A_8 = tpu.memref_slice %arg9[%dma_start3A, %dma_start3A_7] : memref<40x128xi32, #tpu.memory_space<vmem>> -> memref<1x128xi32, #tpu.memory_space<vmem>>
      %dma_start3A_9 = tpu.memref_squeeze %dma_start3A_8 : memref<1x128xi32, #tpu.memory_space<vmem>> -> memref<128xi32, #tpu.memory_space<vmem>>
      %dma_start3A_10 = arith.constant 0 : i32
      %dma_start3A_11 = arith.constant 0 : i32
      %dma_start3A_12 = tpu.memref_slice %arg2[%dma_start3A_10, %dma_start3A_11] : memref<51200x128xf32, #tpu.memory_space<hbm>> -> memref<51200x128xf32, #tpu.memory_space<hbm>>
      tpu.enqueue_indirect_dma source(%dma_start3A_12 : memref<51200x128xf32, #tpu.memory_space<hbm>>) target(%arg11 : memref<128x128xf32, #tpu.memory_space<vmem>>) offsets(%dma_start3A_9 : memref<128xi32, #tpu.memory_space<vmem>>) semaphore(%arg14 : memref<!tpu.dma_semaphore, #tpu.memory_space<semaphore_mem>>)
      "tpu.region"() ({
        %run_scoped3A = tpu.sem_alloc : memref<!tpu.dma_semaphore, #tpu.memory_space<semaphore_mem>>
        %dma_start3A_103 = arith.constant 0 : i32
        %dma_start3A_104 = arith.constant 0 : i32
        %dma_start3A_105 = tpu.memref_slice %arg12[%dma_start3A_103, %dma_start3A_104] : memref<128x128xf32, #tpu.memory_space<vmem>> -> memref<64x128xf32, #tpu.memory_space<vmem>>
        %dma_start3A_106 = arith.constant 0 : i32
        %dma_start3A_107 = arith.constant 0 : i32
        %dma_start3A_108 = tpu.memref_slice %arg12[%dma_start3A_106, %dma_start3A_107] : memref<128x128xf32, #tpu.memory_space<vmem>> -> memref<64x128xf32, #tpu.memory_space<vmem>>
        tpu.enqueue_dma source(%arg6 : memref<64x128xf32, #tpu.memory_space<hbm>>) target(%dma_start3A_108 : memref<64x128xf32, #tpu.memory_space<vmem>>) target_semaphore(%run_scoped3A : memref<!tpu.dma_semaphore, #tpu.memory_space<semaphore_mem>>)
        %dma_wait3A_109 = arith.constant 0 : i32
        %dma_wait3A_110 = arith.constant 0 : i32
        %dma_wait3A_111 = tpu.memref_slice %arg12[%dma_wait3A_109, %dma_wait3A_110] : memref<128x128xf32, #tpu.memory_space<vmem>> -> memref<64x128xf32, #tpu.memory_space<vmem>>
        %dma_wait3A_112 = arith.constant 0 : i32
        %dma_wait3A_113 = arith.constant 0 : i32
        %dma_wait3A_114 = tpu.memref_slice %arg12[%dma_wait3A_112, %dma_wait3A_113] : memref<128x128xf32, #tpu.memory_space<vmem>> -> memref<64x128xf32, #tpu.memory_space<vmem>>
        tpu.wait_dma2 semaphore(%run_scoped3A : memref<!tpu.dma_semaphore, #tpu.memory_space<semaphore_mem>>) src(%arg6 : memref<64x128xf32, #tpu.memory_space<hbm>>) dst(%dma_wait3A_114 : memref<64x128xf32, #tpu.memory_space<vmem>>)
        tpu.yield
      }) : () -> ()
      %mul3A = arith.constant 640 : i32
      %mul3A_13 = arith.muli %arg1, %mul3A : i32
      %add3A = arith.constant 0 : i32
      %add3A_14 = arith.addi %mul3A_13, %add3A : i32
      "tpu.region"() ({
        %run_scoped3A = tpu.sem_alloc : memref<!tpu.dma_semaphore, #tpu.memory_space<semaphore_mem>>
        %dma_start3A_103 = arith.constant 0 : i32
        %dma_start3A_104 = arith.constant 0 : i32
        %dma_start3A_105 = tpu.memref_slice %arg12[%dma_start3A_103, %dma_start3A_104] : memref<128x128xf32, #tpu.memory_space<vmem>> -> memref<64x128xf32, #tpu.memory_space<vmem>>
        %dma_start3A_106 = arith.constant 0 : i32
        %dma_start3A_107 = tpu.memref_slice %arg13[%add3A_14, %dma_start3A_106] : memref<10240x128xf32, #tpu.memory_space<vmem_shared>> -> memref<64x128xf32, #tpu.memory_space<vmem_shared>>
        %dma_start3A_108 = arith.constant 0 : i32
        %dma_start3A_109 = tpu.memref_slice %arg13[%add3A_14, %dma_start3A_108] : memref<10240x128xf32, #tpu.memory_space<vmem_shared>> -> memref<64x128xf32, #tpu.memory_space<vmem_shared>>
        %dma_start3A_110 = arith.constant 0 : i32
        %dma_start3A_111 = arith.constant 0 : i32
        %dma_start3A_112 = tpu.memref_slice %arg12[%dma_start3A_110, %dma_start3A_111] : memref<128x128xf32, #tpu.memory_space<vmem>> -> memref<64x128xf32, #tpu.memory_space<vmem>>
        tpu.enqueue_dma source(%dma_start3A_112 : memref<64x128xf32, #tpu.memory_space<vmem>>) target(%dma_start3A_109 : memref<64x128xf32, #tpu.memory_space<vmem_shared>>) target_semaphore(%run_scoped3A : memref<!tpu.dma_semaphore, #tpu.memory_space<semaphore_mem>>)
        %dma_wait3A_113 = arith.constant 0 : i32
        %dma_wait3A_114 = arith.constant 0 : i32
        %dma_wait3A_115 = tpu.memref_slice %arg12[%dma_wait3A_113, %dma_wait3A_114] : memref<128x128xf32, #tpu.memory_space<vmem>> -> memref<64x128xf32, #tpu.memory_space<vmem>>
        %dma_wait3A_116 = arith.constant 0 : i32
        %dma_wait3A_117 = tpu.memref_slice %arg13[%add3A_14, %dma_wait3A_116] : memref<10240x128xf32, #tpu.memory_space<vmem_shared>> -> memref<64x128xf32, #tpu.memory_space<vmem_shared>>
        %dma_wait3A_118 = arith.constant 0 : i32
        %dma_wait3A_119 = tpu.memref_slice %arg13[%add3A_14, %dma_wait3A_118] : memref<10240x128xf32, #tpu.memory_space<vmem_shared>> -> memref<64x128xf32, #tpu.memory_space<vmem_shared>>
        %dma_wait3A_120 = arith.constant 0 : i32
        %dma_wait3A_121 = arith.constant 0 : i32
        %dma_wait3A_122 = tpu.memref_slice %arg12[%dma_wait3A_120, %dma_wait3A_121] : memref<128x128xf32, #tpu.memory_space<vmem>> -> memref<64x128xf32, #tpu.memory_space<vmem>>
        tpu.wait_dma2 semaphore(%run_scoped3A : memref<!tpu.dma_semaphore, #tpu.memory_space<semaphore_mem>>) src(%dma_wait3A_122 : memref<64x128xf32, #tpu.memory_space<vmem>>) dst(%dma_wait3A_119 : memref<64x128xf32, #tpu.memory_space<vmem_shared>>)
        tpu.yield
      }) : () -> ()
      %mul3A_15 = arith.constant 640 : i32
      %mul3A_16 = arith.muli %arg1, %mul3A_15 : i32
      %add3A_17 = arith.constant 64 : i32
      %add3A_18 = arith.addi %mul3A_16, %add3A_17 : i32
      "tpu.region"() ({
        %run_scoped3A = tpu.sem_alloc : memref<!tpu.dma_semaphore, #tpu.memory_space<semaphore_mem>>
        %dma_start3A_103 = arith.constant 0 : i32
        %dma_start3A_104 = arith.constant 0 : i32
        %dma_start3A_105 = tpu.memref_slice %arg12[%dma_start3A_103, %dma_start3A_104] : memref<128x128xf32, #tpu.memory_space<vmem>> -> memref<64x128xf32, #tpu.memory_space<vmem>>
        %dma_start3A_106 = arith.constant 0 : i32
        %dma_start3A_107 = tpu.memref_slice %arg13[%add3A_18, %dma_start3A_106] : memref<10240x128xf32, #tpu.memory_space<vmem_shared>> -> memref<64x128xf32, #tpu.memory_space<vmem_shared>>
        %dma_start3A_108 = arith.constant 0 : i32
        %dma_start3A_109 = tpu.memref_slice %arg13[%add3A_18, %dma_start3A_108] : memref<10240x128xf32, #tpu.memory_space<vmem_shared>> -> memref<64x128xf32, #tpu.memory_space<vmem_shared>>
        %dma_start3A_110 = arith.constant 0 : i32
        %dma_start3A_111 = arith.constant 0 : i32
        %dma_start3A_112 = tpu.memref_slice %arg12[%dma_start3A_110, %dma_start3A_111] : memref<128x128xf32, #tpu.memory_space<vmem>> -> memref<64x128xf32, #tpu.memory_space<vmem>>
        tpu.enqueue_dma source(%dma_start3A_112 : memref<64x128xf32, #tpu.memory_space<vmem>>) target(%dma_start3A_109 : memref<64x128xf32, #tpu.memory_space<vmem_shared>>) target_semaphore(%run_scoped3A : memref<!tpu.dma_semaphore, #tpu.memory_space<semaphore_mem>>)
        %dma_wait3A_113 = arith.constant 0 : i32
        %dma_wait3A_114 = arith.constant 0 : i32
        %dma_wait3A_115 = tpu.memref_slice %arg12[%dma_wait3A_113, %dma_wait3A_114] : memref<128x128xf32, #tpu.memory_space<vmem>> -> memref<64x128xf32, #tpu.memory_space<vmem>>
        %dma_wait3A_116 = arith.constant 0 : i32
        %dma_wait3A_117 = tpu.memref_slice %arg13[%add3A_18, %dma_wait3A_116] : memref<10240x128xf32, #tpu.memory_space<vmem_shared>> -> memref<64x128xf32, #tpu.memory_space<vmem_shared>>
        %dma_wait3A_118 = arith.constant 0 : i32
        %dma_wait3A_119 = tpu.memref_slice %arg13[%add3A_18, %dma_wait3A_118] : memref<10240x128xf32, #tpu.memory_space<vmem_shared>> -> memref<64x128xf32, #tpu.memory_space<vmem_shared>>
        %dma_wait3A_120 = arith.constant 0 : i32
        %dma_wait3A_121 = arith.constant 0 : i32
        %dma_wait3A_122 = tpu.memref_slice %arg12[%dma_wait3A_120, %dma_wait3A_121] : memref<128x128xf32, #tpu.memory_space<vmem>> -> memref<64x128xf32, #tpu.memory_space<vmem>>
        tpu.wait_dma2 semaphore(%run_scoped3A : memref<!tpu.dma_semaphore, #tpu.memory_space<semaphore_mem>>) src(%dma_wait3A_122 : memref<64x128xf32, #tpu.memory_space<vmem>>) dst(%dma_wait3A_119 : memref<64x128xf32, #tpu.memory_space<vmem_shared>>)
        tpu.yield
      }) : () -> ()
      %mul3A_19 = arith.constant 640 : i32
      %mul3A_20 = arith.muli %arg1, %mul3A_19 : i32
      %add3A_21 = arith.constant 128 : i32
      %add3A_22 = arith.addi %mul3A_20, %add3A_21 : i32
      "tpu.region"() ({
        %run_scoped3A = tpu.sem_alloc : memref<!tpu.dma_semaphore, #tpu.memory_space<semaphore_mem>>
        %dma_start3A_103 = arith.constant 0 : i32
        %dma_start3A_104 = arith.constant 0 : i32
        %dma_start3A_105 = tpu.memref_slice %arg12[%dma_start3A_103, %dma_start3A_104] : memref<128x128xf32, #tpu.memory_space<vmem>> -> memref<64x128xf32, #tpu.memory_space<vmem>>
        %dma_start3A_106 = arith.constant 0 : i32
        %dma_start3A_107 = tpu.memref_slice %arg13[%add3A_22, %dma_start3A_106] : memref<10240x128xf32, #tpu.memory_space<vmem_shared>> -> memref<64x128xf32, #tpu.memory_space<vmem_shared>>
        %dma_start3A_108 = arith.constant 0 : i32
        %dma_start3A_109 = tpu.memref_slice %arg13[%add3A_22, %dma_start3A_108] : memref<10240x128xf32, #tpu.memory_space<vmem_shared>> -> memref<64x128xf32, #tpu.memory_space<vmem_shared>>
        %dma_start3A_110 = arith.constant 0 : i32
        %dma_start3A_111 = arith.constant 0 : i32
        %dma_start3A_112 = tpu.memref_slice %arg12[%dma_start3A_110, %dma_start3A_111] : memref<128x128xf32, #tpu.memory_space<vmem>> -> memref<64x128xf32, #tpu.memory_space<vmem>>
        tpu.enqueue_dma source(%dma_start3A_112 : memref<64x128xf32, #tpu.memory_space<vmem>>) target(%dma_start3A_109 : memref<64x128xf32, #tpu.memory_space<vmem_shared>>) target_semaphore(%run_scoped3A : memref<!tpu.dma_semaphore, #tpu.memory_space<semaphore_mem>>)
        %dma_wait3A_113 = arith.constant 0 : i32
        %dma_wait3A_114 = arith.constant 0 : i32
        %dma_wait3A_115 = tpu.memref_slice %arg12[%dma_wait3A_113, %dma_wait3A_114] : memref<128x128xf32, #tpu.memory_space<vmem>> -> memref<64x128xf32, #tpu.memory_space<vmem>>
        %dma_wait3A_116 = arith.constant 0 : i32
        %dma_wait3A_117 = tpu.memref_slice %arg13[%add3A_22, %dma_wait3A_116] : memref<10240x128xf32, #tpu.memory_space<vmem_shared>> -> memref<64x128xf32, #tpu.memory_space<vmem_shared>>
        %dma_wait3A_118 = arith.constant 0 : i32
        %dma_wait3A_119 = tpu.memref_slice %arg13[%add3A_22, %dma_wait3A_118] : memref<10240x128xf32, #tpu.memory_space<vmem_shared>> -> memref<64x128xf32, #tpu.memory_space<vmem_shared>>
        %dma_wait3A_120 = arith.constant 0 : i32
        %dma_wait3A_121 = arith.constant 0 : i32
        %dma_wait3A_122 = tpu.memref_slice %arg12[%dma_wait3A_120, %dma_wait3A_121] : memref<128x128xf32, #tpu.memory_space<vmem>> -> memref<64x128xf32, #tpu.memory_space<vmem>>
        tpu.wait_dma2 semaphore(%run_scoped3A : memref<!tpu.dma_semaphore, #tpu.memory_space<semaphore_mem>>) src(%dma_wait3A_122 : memref<64x128xf32, #tpu.memory_space<vmem>>) dst(%dma_wait3A_119 : memref<64x128xf32, #tpu.memory_space<vmem_shared>>)
        tpu.yield
      }) : () -> ()
      %mul3A_23 = arith.constant 640 : i32
      %mul3A_24 = arith.muli %arg1, %mul3A_23 : i32
      %add3A_25 = arith.constant 192 : i32
      %add3A_26 = arith.addi %mul3A_24, %add3A_25 : i32
      "tpu.region"() ({
        %run_scoped3A = tpu.sem_alloc : memref<!tpu.dma_semaphore, #tpu.memory_space<semaphore_mem>>
        %dma_start3A_103 = arith.constant 0 : i32
        %dma_start3A_104 = arith.constant 0 : i32
        %dma_start3A_105 = tpu.memref_slice %arg12[%dma_start3A_103, %dma_start3A_104] : memref<128x128xf32, #tpu.memory_space<vmem>> -> memref<64x128xf32, #tpu.memory_space<vmem>>
        %dma_start3A_106 = arith.constant 0 : i32
        %dma_start3A_107 = tpu.memref_slice %arg13[%add3A_26, %dma_start3A_106] : memref<10240x128xf32, #tpu.memory_space<vmem_shared>> -> memref<64x128xf32, #tpu.memory_space<vmem_shared>>
        %dma_start3A_108 = arith.constant 0 : i32
        %dma_start3A_109 = tpu.memref_slice %arg13[%add3A_26, %dma_start3A_108] : memref<10240x128xf32, #tpu.memory_space<vmem_shared>> -> memref<64x128xf32, #tpu.memory_space<vmem_shared>>
        %dma_start3A_110 = arith.constant 0 : i32
        %dma_start3A_111 = arith.constant 0 : i32
        %dma_start3A_112 = tpu.memref_slice %arg12[%dma_start3A_110, %dma_start3A_111] : memref<128x128xf32, #tpu.memory_space<vmem>> -> memref<64x128xf32, #tpu.memory_space<vmem>>
        tpu.enqueue_dma source(%dma_start3A_112 : memref<64x128xf32, #tpu.memory_space<vmem>>) target(%dma_start3A_109 : memref<64x128xf32, #tpu.memory_space<vmem_shared>>) target_semaphore(%run_scoped3A : memref<!tpu.dma_semaphore, #tpu.memory_space<semaphore_mem>>)
        %dma_wait3A_113 = arith.constant 0 : i32
        %dma_wait3A_114 = arith.constant 0 : i32
        %dma_wait3A_115 = tpu.memref_slice %arg12[%dma_wait3A_113, %dma_wait3A_114] : memref<128x128xf32, #tpu.memory_space<vmem>> -> memref<64x128xf32, #tpu.memory_space<vmem>>
        %dma_wait3A_116 = arith.constant 0 : i32
        %dma_wait3A_117 = tpu.memref_slice %arg13[%add3A_26, %dma_wait3A_116] : memref<10240x128xf32, #tpu.memory_space<vmem_shared>> -> memref<64x128xf32, #tpu.memory_space<vmem_shared>>
        %dma_wait3A_118 = arith.constant 0 : i32
        %dma_wait3A_119 = tpu.memref_slice %arg13[%add3A_26, %dma_wait3A_118] : memref<10240x128xf32, #tpu.memory_space<vmem_shared>> -> memref<64x128xf32, #tpu.memory_space<vmem_shared>>
        %dma_wait3A_120 = arith.constant 0 : i32
        %dma_wait3A_121 = arith.constant 0 : i32
        %dma_wait3A_122 = tpu.memref_slice %arg12[%dma_wait3A_120, %dma_wait3A_121] : memref<128x128xf32, #tpu.memory_space<vmem>> -> memref<64x128xf32, #tpu.memory_space<vmem>>
        tpu.wait_dma2 semaphore(%run_scoped3A : memref<!tpu.dma_semaphore, #tpu.memory_space<semaphore_mem>>) src(%dma_wait3A_122 : memref<64x128xf32, #tpu.memory_space<vmem>>) dst(%dma_wait3A_119 : memref<64x128xf32, #tpu.memory_space<vmem_shared>>)
        tpu.yield
      }) : () -> ()
      %mul3A_27 = arith.constant 640 : i32
      %mul3A_28 = arith.muli %arg1, %mul3A_27 : i32
      %add3A_29 = arith.constant 256 : i32
      %add3A_30 = arith.addi %mul3A_28, %add3A_29 : i32
      "tpu.region"() ({
        %run_scoped3A = tpu.sem_alloc : memref<!tpu.dma_semaphore, #tpu.memory_space<semaphore_mem>>
        %dma_start3A_103 = arith.constant 0 : i32
        %dma_start3A_104 = arith.constant 0 : i32
        %dma_start3A_105 = tpu.memref_slice %arg12[%dma_start3A_103, %dma_start3A_104] : memref<128x128xf32, #tpu.memory_space<vmem>> -> memref<64x128xf32, #tpu.memory_space<vmem>>
        %dma_start3A_106 = arith.constant 0 : i32
        %dma_start3A_107 = tpu.memref_slice %arg13[%add3A_30, %dma_start3A_106] : memref<10240x128xf32, #tpu.memory_space<vmem_shared>> -> memref<64x128xf32, #tpu.memory_space<vmem_shared>>
        %dma_start3A_108 = arith.constant 0 : i32
        %dma_start3A_109 = tpu.memref_slice %arg13[%add3A_30, %dma_start3A_108] : memref<10240x128xf32, #tpu.memory_space<vmem_shared>> -> memref<64x128xf32, #tpu.memory_space<vmem_shared>>
        %dma_start3A_110 = arith.constant 0 : i32
        %dma_start3A_111 = arith.constant 0 : i32
        %dma_start3A_112 = tpu.memref_slice %arg12[%dma_start3A_110, %dma_start3A_111] : memref<128x128xf32, #tpu.memory_space<vmem>> -> memref<64x128xf32, #tpu.memory_space<vmem>>
        tpu.enqueue_dma source(%dma_start3A_112 : memref<64x128xf32, #tpu.memory_space<vmem>>) target(%dma_start3A_109 : memref<64x128xf32, #tpu.memory_space<vmem_shared>>) target_semaphore(%run_scoped3A : memref<!tpu.dma_semaphore, #tpu.memory_space<semaphore_mem>>)
        %dma_wait3A_113 = arith.constant 0 : i32
        %dma_wait3A_114 = arith.constant 0 : i32
        %dma_wait3A_115 = tpu.memref_slice %arg12[%dma_wait3A_113, %dma_wait3A_114] : memref<128x128xf32, #tpu.memory_space<vmem>> -> memref<64x128xf32, #tpu.memory_space<vmem>>
        %dma_wait3A_116 = arith.constant 0 : i32
        %dma_wait3A_117 = tpu.memref_slice %arg13[%add3A_30, %dma_wait3A_116] : memref<10240x128xf32, #tpu.memory_space<vmem_shared>> -> memref<64x128xf32, #tpu.memory_space<vmem_shared>>
        %dma_wait3A_118 = arith.constant 0 : i32
        %dma_wait3A_119 = tpu.memref_slice %arg13[%add3A_30, %dma_wait3A_118] : memref<10240x128xf32, #tpu.memory_space<vmem_shared>> -> memref<64x128xf32, #tpu.memory_space<vmem_shared>>
        %dma_wait3A_120 = arith.constant 0 : i32
        %dma_wait3A_121 = arith.constant 0 : i32
        %dma_wait3A_122 = tpu.memref_slice %arg12[%dma_wait3A_120, %dma_wait3A_121] : memref<128x128xf32, #tpu.memory_space<vmem>> -> memref<64x128xf32, #tpu.memory_space<vmem>>
        tpu.wait_dma2 semaphore(%run_scoped3A : memref<!tpu.dma_semaphore, #tpu.memory_space<semaphore_mem>>) src(%dma_wait3A_122 : memref<64x128xf32, #tpu.memory_space<vmem>>) dst(%dma_wait3A_119 : memref<64x128xf32, #tpu.memory_space<vmem_shared>>)
        tpu.yield
      }) : () -> ()
      %mul3A_31 = arith.constant 640 : i32
      %mul3A_32 = arith.muli %arg1, %mul3A_31 : i32
      %add3A_33 = arith.constant 320 : i32
      %add3A_34 = arith.addi %mul3A_32, %add3A_33 : i32
      "tpu.region"() ({
        %run_scoped3A = tpu.sem_alloc : memref<!tpu.dma_semaphore, #tpu.memory_space<semaphore_mem>>
        %dma_start3A_103 = arith.constant 0 : i32
        %dma_start3A_104 = arith.constant 0 : i32
        %dma_start3A_105 = tpu.memref_slice %arg12[%dma_start3A_103, %dma_start3A_104] : memref<128x128xf32, #tpu.memory_space<vmem>> -> memref<64x128xf32, #tpu.memory_space<vmem>>
        %dma_start3A_106 = arith.constant 0 : i32
        %dma_start3A_107 = tpu.memref_slice %arg13[%add3A_34, %dma_start3A_106] : memref<10240x128xf32, #tpu.memory_space<vmem_shared>> -> memref<64x128xf32, #tpu.memory_space<vmem_shared>>
        %dma_start3A_108 = arith.constant 0 : i32
        %dma_start3A_109 = tpu.memref_slice %arg13[%add3A_34, %dma_start3A_108] : memref<10240x128xf32, #tpu.memory_space<vmem_shared>> -> memref<64x128xf32, #tpu.memory_space<vmem_shared>>
        %dma_start3A_110 = arith.constant 0 : i32
        %dma_start3A_111 = arith.constant 0 : i32
        %dma_start3A_112 = tpu.memref_slice %arg12[%dma_start3A_110, %dma_start3A_111] : memref<128x128xf32, #tpu.memory_space<vmem>> -> memref<64x128xf32, #tpu.memory_space<vmem>>
        tpu.enqueue_dma source(%dma_start3A_112 : memref<64x128xf32, #tpu.memory_space<vmem>>) target(%dma_start3A_109 : memref<64x128xf32, #tpu.memory_space<vmem_shared>>) target_semaphore(%run_scoped3A : memref<!tpu.dma_semaphore, #tpu.memory_space<semaphore_mem>>)
        %dma_wait3A_113 = arith.constant 0 : i32
        %dma_wait3A_114 = arith.constant 0 : i32
        %dma_wait3A_115 = tpu.memref_slice %arg12[%dma_wait3A_113, %dma_wait3A_114] : memref<128x128xf32, #tpu.memory_space<vmem>> -> memref<64x128xf32, #tpu.memory_space<vmem>>
        %dma_wait3A_116 = arith.constant 0 : i32
        %dma_wait3A_117 = tpu.memref_slice %arg13[%add3A_34, %dma_wait3A_116] : memref<10240x128xf32, #tpu.memory_space<vmem_shared>> -> memref<64x128xf32, #tpu.memory_space<vmem_shared>>
        %dma_wait3A_118 = arith.constant 0 : i32
        %dma_wait3A_119 = tpu.memref_slice %arg13[%add3A_34, %dma_wait3A_118] : memref<10240x128xf32, #tpu.memory_space<vmem_shared>> -> memref<64x128xf32, #tpu.memory_space<vmem_shared>>
        %dma_wait3A_120 = arith.constant 0 : i32
        %dma_wait3A_121 = arith.constant 0 : i32
        %dma_wait3A_122 = tpu.memref_slice %arg12[%dma_wait3A_120, %dma_wait3A_121] : memref<128x128xf32, #tpu.memory_space<vmem>> -> memref<64x128xf32, #tpu.memory_space<vmem>>
        tpu.wait_dma2 semaphore(%run_scoped3A : memref<!tpu.dma_semaphore, #tpu.memory_space<semaphore_mem>>) src(%dma_wait3A_122 : memref<64x128xf32, #tpu.memory_space<vmem>>) dst(%dma_wait3A_119 : memref<64x128xf32, #tpu.memory_space<vmem_shared>>)
        tpu.yield
      }) : () -> ()
      %mul3A_35 = arith.constant 640 : i32
      %mul3A_36 = arith.muli %arg1, %mul3A_35 : i32
      %add3A_37 = arith.constant 384 : i32
      %add3A_38 = arith.addi %mul3A_36, %add3A_37 : i32
      "tpu.region"() ({
        %run_scoped3A = tpu.sem_alloc : memref<!tpu.dma_semaphore, #tpu.memory_space<semaphore_mem>>
        %dma_start3A_103 = arith.constant 0 : i32
        %dma_start3A_104 = arith.constant 0 : i32
        %dma_start3A_105 = tpu.memref_slice %arg12[%dma_start3A_103, %dma_start3A_104] : memref<128x128xf32, #tpu.memory_space<vmem>> -> memref<64x128xf32, #tpu.memory_space<vmem>>
        %dma_start3A_106 = arith.constant 0 : i32
        %dma_start3A_107 = tpu.memref_slice %arg13[%add3A_38, %dma_start3A_106] : memref<10240x128xf32, #tpu.memory_space<vmem_shared>> -> memref<64x128xf32, #tpu.memory_space<vmem_shared>>
        %dma_start3A_108 = arith.constant 0 : i32
        %dma_start3A_109 = tpu.memref_slice %arg13[%add3A_38, %dma_start3A_108] : memref<10240x128xf32, #tpu.memory_space<vmem_shared>> -> memref<64x128xf32, #tpu.memory_space<vmem_shared>>
        %dma_start3A_110 = arith.constant 0 : i32
        %dma_start3A_111 = arith.constant 0 : i32
        %dma_start3A_112 = tpu.memref_slice %arg12[%dma_start3A_110, %dma_start3A_111] : memref<128x128xf32, #tpu.memory_space<vmem>> -> memref<64x128xf32, #tpu.memory_space<vmem>>
        tpu.enqueue_dma source(%dma_start3A_112 : memref<64x128xf32, #tpu.memory_space<vmem>>) target(%dma_start3A_109 : memref<64x128xf32, #tpu.memory_space<vmem_shared>>) target_semaphore(%run_scoped3A : memref<!tpu.dma_semaphore, #tpu.memory_space<semaphore_mem>>)
        %dma_wait3A_113 = arith.constant 0 : i32
        %dma_wait3A_114 = arith.constant 0 : i32
        %dma_wait3A_115 = tpu.memref_slice %arg12[%dma_wait3A_113, %dma_wait3A_114] : memref<128x128xf32, #tpu.memory_space<vmem>> -> memref<64x128xf32, #tpu.memory_space<vmem>>
        %dma_wait3A_116 = arith.constant 0 : i32
        %dma_wait3A_117 = tpu.memref_slice %arg13[%add3A_38, %dma_wait3A_116] : memref<10240x128xf32, #tpu.memory_space<vmem_shared>> -> memref<64x128xf32, #tpu.memory_space<vmem_shared>>
        %dma_wait3A_118 = arith.constant 0 : i32
        %dma_wait3A_119 = tpu.memref_slice %arg13[%add3A_38, %dma_wait3A_118] : memref<10240x128xf32, #tpu.memory_space<vmem_shared>> -> memref<64x128xf32, #tpu.memory_space<vmem_shared>>
        %dma_wait3A_120 = arith.constant 0 : i32
        %dma_wait3A_121 = arith.constant 0 : i32
        %dma_wait3A_122 = tpu.memref_slice %arg12[%dma_wait3A_120, %dma_wait3A_121] : memref<128x128xf32, #tpu.memory_space<vmem>> -> memref<64x128xf32, #tpu.memory_space<vmem>>
        tpu.wait_dma2 semaphore(%run_scoped3A : memref<!tpu.dma_semaphore, #tpu.memory_space<semaphore_mem>>) src(%dma_wait3A_122 : memref<64x128xf32, #tpu.memory_space<vmem>>) dst(%dma_wait3A_119 : memref<64x128xf32, #tpu.memory_space<vmem_shared>>)
        tpu.yield
      }) : () -> ()
      %mul3A_39 = arith.constant 640 : i32
      %mul3A_40 = arith.muli %arg1, %mul3A_39 : i32
      %add3A_41 = arith.constant 448 : i32
      %add3A_42 = arith.addi %mul3A_40, %add3A_41 : i32
      "tpu.region"() ({
        %run_scoped3A = tpu.sem_alloc : memref<!tpu.dma_semaphore, #tpu.memory_space<semaphore_mem>>
        %dma_start3A_103 = arith.constant 0 : i32
        %dma_start3A_104 = arith.constant 0 : i32
        %dma_start3A_105 = tpu.memref_slice %arg12[%dma_start3A_103, %dma_start3A_104] : memref<128x128xf32, #tpu.memory_space<vmem>> -> memref<64x128xf32, #tpu.memory_space<vmem>>
        %dma_start3A_106 = arith.constant 0 : i32
        %dma_start3A_107 = tpu.memref_slice %arg13[%add3A_42, %dma_start3A_106] : memref<10240x128xf32, #tpu.memory_space<vmem_shared>> -> memref<64x128xf32, #tpu.memory_space<vmem_shared>>
        %dma_start3A_108 = arith.constant 0 : i32
        %dma_start3A_109 = tpu.memref_slice %arg13[%add3A_42, %dma_start3A_108] : memref<10240x128xf32, #tpu.memory_space<vmem_shared>> -> memref<64x128xf32, #tpu.memory_space<vmem_shared>>
        %dma_start3A_110 = arith.constant 0 : i32
        %dma_start3A_111 = arith.constant 0 : i32
        %dma_start3A_112 = tpu.memref_slice %arg12[%dma_start3A_110, %dma_start3A_111] : memref<128x128xf32, #tpu.memory_space<vmem>> -> memref<64x128xf32, #tpu.memory_space<vmem>>
        tpu.enqueue_dma source(%dma_start3A_112 : memref<64x128xf32, #tpu.memory_space<vmem>>) target(%dma_start3A_109 : memref<64x128xf32, #tpu.memory_space<vmem_shared>>) target_semaphore(%run_scoped3A : memref<!tpu.dma_semaphore, #tpu.memory_space<semaphore_mem>>)
        %dma_wait3A_113 = arith.constant 0 : i32
        %dma_wait3A_114 = arith.constant 0 : i32
        %dma_wait3A_115 = tpu.memref_slice %arg12[%dma_wait3A_113, %dma_wait3A_114] : memref<128x128xf32, #tpu.memory_space<vmem>> -> memref<64x128xf32, #tpu.memory_space<vmem>>
        %dma_wait3A_116 = arith.constant 0 : i32
        %dma_wait3A_117 = tpu.memref_slice %arg13[%add3A_42, %dma_wait3A_116] : memref<10240x128xf32, #tpu.memory_space<vmem_shared>> -> memref<64x128xf32, #tpu.memory_space<vmem_shared>>
        %dma_wait3A_118 = arith.constant 0 : i32
        %dma_wait3A_119 = tpu.memref_slice %arg13[%add3A_42, %dma_wait3A_118] : memref<10240x128xf32, #tpu.memory_space<vmem_shared>> -> memref<64x128xf32, #tpu.memory_space<vmem_shared>>
        %dma_wait3A_120 = arith.constant 0 : i32
        %dma_wait3A_121 = arith.constant 0 : i32
        %dma_wait3A_122 = tpu.memref_slice %arg12[%dma_wait3A_120, %dma_wait3A_121] : memref<128x128xf32, #tpu.memory_space<vmem>> -> memref<64x128xf32, #tpu.memory_space<vmem>>
        tpu.wait_dma2 semaphore(%run_scoped3A : memref<!tpu.dma_semaphore, #tpu.memory_space<semaphore_mem>>) src(%dma_wait3A_122 : memref<64x128xf32, #tpu.memory_space<vmem>>) dst(%dma_wait3A_119 : memref<64x128xf32, #tpu.memory_space<vmem_shared>>)
        tpu.yield
      }) : () -> ()
      %mul3A_43 = arith.constant 640 : i32
      %mul3A_44 = arith.muli %arg1, %mul3A_43 : i32
      %add3A_45 = arith.constant 512 : i32
      %add3A_46 = arith.addi %mul3A_44, %add3A_45 : i32
      "tpu.region"() ({
        %run_scoped3A = tpu.sem_alloc : memref<!tpu.dma_semaphore, #tpu.memory_space<semaphore_mem>>
        %dma_start3A_103 = arith.constant 0 : i32
        %dma_start3A_104 = arith.constant 0 : i32
        %dma_start3A_105 = tpu.memref_slice %arg12[%dma_start3A_103, %dma_start3A_104] : memref<128x128xf32, #tpu.memory_space<vmem>> -> memref<64x128xf32, #tpu.memory_space<vmem>>
        %dma_start3A_106 = arith.constant 0 : i32
        %dma_start3A_107 = tpu.memref_slice %arg13[%add3A_46, %dma_start3A_106] : memref<10240x128xf32, #tpu.memory_space<vmem_shared>> -> memref<64x128xf32, #tpu.memory_space<vmem_shared>>
        %dma_start3A_108 = arith.constant 0 : i32
        %dma_start3A_109 = tpu.memref_slice %arg13[%add3A_46, %dma_start3A_108] : memref<10240x128xf32, #tpu.memory_space<vmem_shared>> -> memref<64x128xf32, #tpu.memory_space<vmem_shared>>
        %dma_start3A_110 = arith.constant 0 : i32
        %dma_start3A_111 = arith.constant 0 : i32
        %dma_start3A_112 = tpu.memref_slice %arg12[%dma_start3A_110, %dma_start3A_111] : memref<128x128xf32, #tpu.memory_space<vmem>> -> memref<64x128xf32, #tpu.memory_space<vmem>>
        tpu.enqueue_dma source(%dma_start3A_112 : memref<64x128xf32, #tpu.memory_space<vmem>>) target(%dma_start3A_109 : memref<64x128xf32, #tpu.memory_space<vmem_shared>>) target_semaphore(%run_scoped3A : memref<!tpu.dma_semaphore, #tpu.memory_space<semaphore_mem>>)
        %dma_wait3A_113 = arith.constant 0 : i32
        %dma_wait3A_114 = arith.constant 0 : i32
        %dma_wait3A_115 = tpu.memref_slice %arg12[%dma_wait3A_113, %dma_wait3A_114] : memref<128x128xf32, #tpu.memory_space<vmem>> -> memref<64x128xf32, #tpu.memory_space<vmem>>
        %dma_wait3A_116 = arith.constant 0 : i32
        %dma_wait3A_117 = tpu.memref_slice %arg13[%add3A_46, %dma_wait3A_116] : memref<10240x128xf32, #tpu.memory_space<vmem_shared>> -> memref<64x128xf32, #tpu.memory_space<vmem_shared>>
        %dma_wait3A_118 = arith.constant 0 : i32
        %dma_wait3A_119 = tpu.memref_slice %arg13[%add3A_46, %dma_wait3A_118] : memref<10240x128xf32, #tpu.memory_space<vmem_shared>> -> memref<64x128xf32, #tpu.memory_space<vmem_shared>>
        %dma_wait3A_120 = arith.constant 0 : i32
        %dma_wait3A_121 = arith.constant 0 : i32
        %dma_wait3A_122 = tpu.memref_slice %arg12[%dma_wait3A_120, %dma_wait3A_121] : memref<128x128xf32, #tpu.memory_space<vmem>> -> memref<64x128xf32, #tpu.memory_space<vmem>>
        tpu.wait_dma2 semaphore(%run_scoped3A : memref<!tpu.dma_semaphore, #tpu.memory_space<semaphore_mem>>) src(%dma_wait3A_122 : memref<64x128xf32, #tpu.memory_space<vmem>>) dst(%dma_wait3A_119 : memref<64x128xf32, #tpu.memory_space<vmem_shared>>)
        tpu.yield
      }) : () -> ()
      %mul3A_47 = arith.constant 640 : i32
      %mul3A_48 = arith.muli %arg1, %mul3A_47 : i32
      %add3A_49 = arith.constant 576 : i32
      %add3A_50 = arith.addi %mul3A_48, %add3A_49 : i32
      "tpu.region"() ({
        %run_scoped3A = tpu.sem_alloc : memref<!tpu.dma_semaphore, #tpu.memory_space<semaphore_mem>>
        %dma_start3A_103 = arith.constant 0 : i32
        %dma_start3A_104 = arith.constant 0 : i32
        %dma_start3A_105 = tpu.memref_slice %arg12[%dma_start3A_103, %dma_start3A_104] : memref<128x128xf32, #tpu.memory_space<vmem>> -> memref<64x128xf32, #tpu.memory_space<vmem>>
        %dma_start3A_106 = arith.constant 0 : i32
        %dma_start3A_107 = tpu.memref_slice %arg13[%add3A_50, %dma_start3A_106] : memref<10240x128xf32, #tpu.memory_space<vmem_shared>> -> memref<64x128xf32, #tpu.memory_space<vmem_shared>>
        %dma_start3A_108 = arith.constant 0 : i32
        %dma_start3A_109 = tpu.memref_slice %arg13[%add3A_50, %dma_start3A_108] : memref<10240x128xf32, #tpu.memory_space<vmem_shared>> -> memref<64x128xf32, #tpu.memory_space<vmem_shared>>
        %dma_start3A_110 = arith.constant 0 : i32
        %dma_start3A_111 = arith.constant 0 : i32
        %dma_start3A_112 = tpu.memref_slice %arg12[%dma_start3A_110, %dma_start3A_111] : memref<128x128xf32, #tpu.memory_space<vmem>> -> memref<64x128xf32, #tpu.memory_space<vmem>>
        tpu.enqueue_dma source(%dma_start3A_112 : memref<64x128xf32, #tpu.memory_space<vmem>>) target(%dma_start3A_109 : memref<64x128xf32, #tpu.memory_space<vmem_shared>>) target_semaphore(%run_scoped3A : memref<!tpu.dma_semaphore, #tpu.memory_space<semaphore_mem>>)
        %dma_wait3A_113 = arith.constant 0 : i32
        %dma_wait3A_114 = arith.constant 0 : i32
        %dma_wait3A_115 = tpu.memref_slice %arg12[%dma_wait3A_113, %dma_wait3A_114] : memref<128x128xf32, #tpu.memory_space<vmem>> -> memref<64x128xf32, #tpu.memory_space<vmem>>
        %dma_wait3A_116 = arith.constant 0 : i32
        %dma_wait3A_117 = tpu.memref_slice %arg13[%add3A_50, %dma_wait3A_116] : memref<10240x128xf32, #tpu.memory_space<vmem_shared>> -> memref<64x128xf32, #tpu.memory_space<vmem_shared>>
        %dma_wait3A_118 = arith.constant 0 : i32
        %dma_wait3A_119 = tpu.memref_slice %arg13[%add3A_50, %dma_wait3A_118] : memref<10240x128xf32, #tpu.memory_space<vmem_shared>> -> memref<64x128xf32, #tpu.memory_space<vmem_shared>>
        %dma_wait3A_120 = arith.constant 0 : i32
        %dma_wait3A_121 = arith.constant 0 : i32
        %dma_wait3A_122 = tpu.memref_slice %arg12[%dma_wait3A_120, %dma_wait3A_121] : memref<128x128xf32, #tpu.memory_space<vmem>> -> memref<64x128xf32, #tpu.memory_space<vmem>>
        tpu.wait_dma2 semaphore(%run_scoped3A : memref<!tpu.dma_semaphore, #tpu.memory_space<semaphore_mem>>) src(%dma_wait3A_122 : memref<64x128xf32, #tpu.memory_space<vmem>>) dst(%dma_wait3A_119 : memref<64x128xf32, #tpu.memory_space<vmem_shared>>)
        tpu.yield
      }) : () -> ()
      %barrier3A = arith.constant 0 : index
      tpu.barrier barrier_id(%barrier3A)
      %scan3A = arith.constant 0 : i32
      %scan3A_51 = arith.constant 0 : i32
      %scan3A_52 = arith.constant 20 : i32
      %scan3A_53 = arith.addi %scan3A_51, %scan3A_52 : i32
      %scan3A_54 = arith.constant 1 : i32
      %scan3A_55 = scf.for %scan3A_103 = %scan3A_51 to %scan3A_53 step %scan3A_54 iter_args(%scan3A_104 = %scan3A) -> (i32)  : i32 {
        %mul3A_105 = arith.constant 2 : i32
        %mul3A_106 = arith.muli %mul3A_105, %scan3A_103 : i32
        %add3A_107 = arith.constant 1 : i32
        %add3A_108 = arith.addi %mul3A_106, %add3A_107 : i32
        %gt3A = arith.constant 0 : i32
        %gt3A_109 = arith.cmpi sgt, %scan3A_103, %gt3A : i32
        %convert_element_type3A_110 = arith.extui %gt3A_109 : i1 to i32
        %cond3A_111 = arith.constant 0 : i32
        %cond3A_112 = arith.cmpi ne, %convert_element_type3A_110, %cond3A_111 : i32
        scf.if %cond3A_112 {
          %sub3A = arith.constant 2 : i32
          %sub3A_148 = arith.subi %add3A_108, %sub3A : i32
          %dma_wait3A_149 = arith.constant 0 : i32
          %dma_wait3A_150 = tpu.memref_slice %arg10[%sub3A_148, %dma_wait3A_149] : memref<40x128xi32, #tpu.memory_space<vmem>> -> memref<1x128xi32, #tpu.memory_space<vmem>>
          %dma_wait3A_151 = tpu.memref_squeeze %dma_wait3A_150 : memref<1x128xi32, #tpu.memory_space<vmem>> -> memref<128xi32, #tpu.memory_space<vmem>>
          %dma_wait3A_152 = arith.constant 0 : i32
          %dma_wait3A_153 = arith.constant 0 : i32
          %dma_wait3A_154 = tpu.memref_slice %arg13[%dma_wait3A_152, %dma_wait3A_153] : memref<10240x128xf32, #tpu.memory_space<vmem_shared>> -> memref<10240x128xf32, #tpu.memory_space<vmem_shared>>
          tpu.wait_indirect_dma semaphore(%arg17 : memref<!tpu.dma_semaphore, #tpu.memory_space<semaphore_mem>>) src(%arg12 : memref<128x128xf32, #tpu.memory_space<vmem>>) dst(%dma_wait3A_154 : memref<10240x128xf32, #tpu.memory_space<vmem_shared>>)
        } else {
        }
        %dma_start3A_113 = arith.constant 0 : i32
        %dma_start3A_114 = tpu.memref_slice %arg9[%add3A_108, %dma_start3A_113] : memref<40x128xi32, #tpu.memory_space<vmem>> -> memref<1x128xi32, #tpu.memory_space<vmem>>
        %dma_start3A_115 = tpu.memref_squeeze %dma_start3A_114 : memref<1x128xi32, #tpu.memory_space<vmem>> -> memref<128xi32, #tpu.memory_space<vmem>>
        %dma_start3A_116 = arith.constant 0 : i32
        %dma_start3A_117 = arith.constant 0 : i32
        %dma_start3A_118 = tpu.memref_slice %arg2[%dma_start3A_116, %dma_start3A_117] : memref<51200x128xf32, #tpu.memory_space<hbm>> -> memref<51200x128xf32, #tpu.memory_space<hbm>>
        tpu.enqueue_indirect_dma source(%dma_start3A_118 : memref<51200x128xf32, #tpu.memory_space<hbm>>) target(%arg12 : memref<128x128xf32, #tpu.memory_space<vmem>>) offsets(%dma_start3A_115 : memref<128xi32, #tpu.memory_space<vmem>>) semaphore(%arg15 : memref<!tpu.dma_semaphore, #tpu.memory_space<semaphore_mem>>)
        %dma_wait3A_119 = arith.constant 0 : i32
        %dma_wait3A_120 = tpu.memref_slice %arg9[%mul3A_106, %dma_wait3A_119] : memref<40x128xi32, #tpu.memory_space<vmem>> -> memref<1x128xi32, #tpu.memory_space<vmem>>
        %dma_wait3A_121 = tpu.memref_squeeze %dma_wait3A_120 : memref<1x128xi32, #tpu.memory_space<vmem>> -> memref<128xi32, #tpu.memory_space<vmem>>
        %dma_wait3A_122 = arith.constant 0 : i32
        %dma_wait3A_123 = arith.constant 0 : i32
        %dma_wait3A_124 = tpu.memref_slice %arg2[%dma_wait3A_122, %dma_wait3A_123] : memref<51200x128xf32, #tpu.memory_space<hbm>> -> memref<51200x128xf32, #tpu.memory_space<hbm>>
        tpu.wait_indirect_dma semaphore(%arg14 : memref<!tpu.dma_semaphore, #tpu.memory_space<semaphore_mem>>) src(%dma_wait3A_124 : memref<51200x128xf32, #tpu.memory_space<hbm>>) dst(%arg11 : memref<128x128xf32, #tpu.memory_space<vmem>>)
        %dma_start3A_125 = arith.constant 0 : i32
        %dma_start3A_126 = tpu.memref_slice %arg10[%mul3A_106, %dma_start3A_125] : memref<40x128xi32, #tpu.memory_space<vmem>> -> memref<1x128xi32, #tpu.memory_space<vmem>>
        %dma_start3A_127 = tpu.memref_squeeze %dma_start3A_126 : memref<1x128xi32, #tpu.memory_space<vmem>> -> memref<128xi32, #tpu.memory_space<vmem>>
        %dma_start3A_128 = arith.constant 0 : i32
        %dma_start3A_129 = arith.constant 0 : i32
        %dma_start3A_130 = tpu.memref_slice %arg13[%dma_start3A_128, %dma_start3A_129] : memref<10240x128xf32, #tpu.memory_space<vmem_shared>> -> memref<10240x128xf32, #tpu.memory_space<vmem_shared>>
        tpu.enqueue_indirect_dma source(%arg11 : memref<128x128xf32, #tpu.memory_space<vmem>>) target(%dma_start3A_130 : memref<10240x128xf32, #tpu.memory_space<vmem_shared>>) offsets(%dma_start3A_127 : memref<128xi32, #tpu.memory_space<vmem>>) semaphore(%arg16 : memref<!tpu.dma_semaphore, #tpu.memory_space<semaphore_mem>>) {add = true}
        %lt3A = arith.constant 19 : i32
        %lt3A_131 = arith.cmpi slt, %scan3A_103, %lt3A : i32
        %convert_element_type3A_132 = arith.extui %lt3A_131 : i1 to i32
        %cond3A_133 = arith.constant 0 : i32
        %cond3A_134 = arith.cmpi ne, %convert_element_type3A_132, %cond3A_133 : i32
        scf.if %cond3A_134 {
          %dma_wait3A_148 = arith.constant 0 : i32
          %dma_wait3A_149 = tpu.memref_slice %arg10[%mul3A_106, %dma_wait3A_148] : memref<40x128xi32, #tpu.memory_space<vmem>> -> memref<1x128xi32, #tpu.memory_space<vmem>>
          %dma_wait3A_150 = tpu.memref_squeeze %dma_wait3A_149 : memref<1x128xi32, #tpu.memory_space<vmem>> -> memref<128xi32, #tpu.memory_space<vmem>>
          %dma_wait3A_151 = arith.constant 0 : i32
          %dma_wait3A_152 = arith.constant 0 : i32
          %dma_wait3A_153 = tpu.memref_slice %arg13[%dma_wait3A_151, %dma_wait3A_152] : memref<10240x128xf32, #tpu.memory_space<vmem_shared>> -> memref<10240x128xf32, #tpu.memory_space<vmem_shared>>
          tpu.wait_indirect_dma semaphore(%arg16 : memref<!tpu.dma_semaphore, #tpu.memory_space<semaphore_mem>>) src(%arg11 : memref<128x128xf32, #tpu.memory_space<vmem>>) dst(%dma_wait3A_153 : memref<10240x128xf32, #tpu.memory_space<vmem_shared>>)
          %add3A_154 = arith.constant 2 : i32
          %add3A_155 = arith.addi %mul3A_106, %add3A_154 : i32
          %dma_start3A_156 = arith.constant 0 : i32
          %dma_start3A_157 = tpu.memref_slice %arg9[%add3A_155, %dma_start3A_156] : memref<40x128xi32, #tpu.memory_space<vmem>> -> memref<1x128xi32, #tpu.memory_space<vmem>>
          %dma_start3A_158 = tpu.memref_squeeze %dma_start3A_157 : memref<1x128xi32, #tpu.memory_space<vmem>> -> memref<128xi32, #tpu.memory_space<vmem>>
          %dma_start3A_159 = arith.constant 0 : i32
          %dma_start3A_160 = arith.constant 0 : i32
          %dma_start3A_161 = tpu.memref_slice %arg2[%dma_start3A_159, %dma_start3A_160] : memref<51200x128xf32, #tpu.memory_space<hbm>> -> memref<51200x128xf32, #tpu.memory_space<hbm>>
          tpu.enqueue_indirect_dma source(%dma_start3A_161 : memref<51200x128xf32, #tpu.memory_space<hbm>>) target(%arg11 : memref<128x128xf32, #tpu.memory_space<vmem>>) offsets(%dma_start3A_158 : memref<128xi32, #tpu.memory_space<vmem>>) semaphore(%arg14 : memref<!tpu.dma_semaphore, #tpu.memory_space<semaphore_mem>>)
        } else {
        }
        %dma_wait3A_135 = arith.constant 0 : i32
        %dma_wait3A_136 = tpu.memref_slice %arg9[%add3A_108, %dma_wait3A_135] : memref<40x128xi32, #tpu.memory_space<vmem>> -> memref<1x128xi32, #tpu.memory_space<vmem>>
        %dma_wait3A_137 = tpu.memref_squeeze %dma_wait3A_136 : memref<1x128xi32, #tpu.memory_space<vmem>> -> memref<128xi32, #tpu.memory_space<vmem>>
        %dma_wait3A_138 = arith.constant 0 : i32
        %dma_wait3A_139 = arith.constant 0 : i32
        %dma_wait3A_140 = tpu.memref_slice %arg2[%dma_wait3A_138, %dma_wait3A_139] : memref<51200x128xf32, #tpu.memory_space<hbm>> -> memref<51200x128xf32, #tpu.memory_space<hbm>>
        tpu.wait_indirect_dma semaphore(%arg15 : memref<!tpu.dma_semaphore, #tpu.memory_space<semaphore_mem>>) src(%dma_wait3A_140 : memref<51200x128xf32, #tpu.memory_space<hbm>>) dst(%arg12 : memref<128x128xf32, #tpu.memory_space<vmem>>)
        %dma_start3A_141 = arith.constant 0 : i32
        %dma_start3A_142 = tpu.memref_slice %arg10[%add3A_108, %dma_start3A_141] : memref<40x128xi32, #tpu.memory_space<vmem>> -> memref<1x128xi32, #tpu.memory_space<vmem>>
        %dma_start3A_143 = tpu.memref_squeeze %dma_start3A_142 : memref<1x128xi32, #tpu.memory_space<vmem>> -> memref<128xi32, #tpu.memory_space<vmem>>
        %dma_start3A_144 = arith.constant 0 : i32
        %dma_start3A_145 = arith.constant 0 : i32
        %dma_start3A_146 = tpu.memref_slice %arg13[%dma_start3A_144, %dma_start3A_145] : memref<10240x128xf32, #tpu.memory_space<vmem_shared>> -> memref<10240x128xf32, #tpu.memory_space<vmem_shared>>
        tpu.enqueue_indirect_dma source(%arg12 : memref<128x128xf32, #tpu.memory_space<vmem>>) target(%dma_start3A_146 : memref<10240x128xf32, #tpu.memory_space<vmem_shared>>) offsets(%dma_start3A_143 : memref<128xi32, #tpu.memory_space<vmem>>) semaphore(%arg17 : memref<!tpu.dma_semaphore, #tpu.memory_space<semaphore_mem>>) {add = true}
        %scan3A_147 = arith.constant 0 : i32
        scf.yield %scan3A_147 : i32
      }
      %scan3A_56 = arith.constant 20 : i32
      %dma_wait3A = arith.constant 38 : i32
      %dma_wait3A_57 = arith.constant 0 : i32
      %dma_wait3A_58 = tpu.memref_slice %arg10[%dma_wait3A, %dma_wait3A_57] : memref<40x128xi32, #tpu.memory_space<vmem>> -> memref<1x128xi32, #tpu.memory_space<vmem>>
      %dma_wait3A_59 = tpu.memref_squeeze %dma_wait3A_58 : memref<1x128xi32, #tpu.memory_space<vmem>> -> memref<128xi32, #tpu.memory_space<vmem>>
      %dma_wait3A_60 = arith.constant 0 : i32
      %dma_wait3A_61 = arith.constant 0 : i32
      %dma_wait3A_62 = tpu.memref_slice %arg13[%dma_wait3A_60, %dma_wait3A_61] : memref<10240x128xf32, #tpu.memory_space<vmem_shared>> -> memref<10240x128xf32, #tpu.memory_space<vmem_shared>>
      tpu.wait_indirect_dma semaphore(%arg16 : memref<!tpu.dma_semaphore, #tpu.memory_space<semaphore_mem>>) src(%arg11 : memref<128x128xf32, #tpu.memory_space<vmem>>) dst(%dma_wait3A_62 : memref<10240x128xf32, #tpu.memory_space<vmem_shared>>)
      %dma_wait3A_63 = arith.constant 39 : i32
      %dma_wait3A_64 = arith.constant 0 : i32
      %dma_wait3A_65 = tpu.memref_slice %arg10[%dma_wait3A_63, %dma_wait3A_64] : memref<40x128xi32, #tpu.memory_space<vmem>> -> memref<1x128xi32, #tpu.memory_space<vmem>>
      %dma_wait3A_66 = tpu.memref_squeeze %dma_wait3A_65 : memref<1x128xi32, #tpu.memory_space<vmem>> -> memref<128xi32, #tpu.memory_space<vmem>>
      %dma_wait3A_67 = arith.constant 0 : i32
      %dma_wait3A_68 = arith.constant 0 : i32
      %dma_wait3A_69 = tpu.memref_slice %arg13[%dma_wait3A_67, %dma_wait3A_68] : memref<10240x128xf32, #tpu.memory_space<vmem_shared>> -> memref<10240x128xf32, #tpu.memory_space<vmem_shared>>
      tpu.wait_indirect_dma semaphore(%arg17 : memref<!tpu.dma_semaphore, #tpu.memory_space<semaphore_mem>>) src(%arg12 : memref<128x128xf32, #tpu.memory_space<vmem>>) dst(%dma_wait3A_69 : memref<10240x128xf32, #tpu.memory_space<vmem_shared>>)
      "tpu.region"() ({
        %run_scoped3A = tpu.sem_alloc : memref<!tpu.dma_semaphore, #tpu.memory_space<semaphore_mem>>
        %dma_start3A_103 = arith.constant 0 : i32
        %dma_start3A_104 = arith.constant 0 : i32
        %dma_start3A_105 = tpu.memref_slice %arg4[%arg1, %dma_start3A_103, %dma_start3A_104] : memref<16x80x128xi32, #tpu.memory_space<hbm>> -> memref<1x80x128xi32, #tpu.memory_space<hbm>>
        %dma_start3A_106 = tpu.memref_squeeze %dma_start3A_105 : memref<1x80x128xi32, #tpu.memory_space<hbm>> -> memref<80x128xi32, #tpu.memory_space<hbm>>
        %dma_start3A_107 = arith.constant 40 : i32
        %dma_start3A_108 = arith.constant 0 : i32
        %dma_start3A_109 = tpu.memref_slice %dma_start3A_106[%dma_start3A_107, %dma_start3A_108] : memref<80x128xi32, #tpu.memory_space<hbm>> -> memref<40x128xi32, #tpu.memory_space<hbm>>
        %dma_start3A_110 = arith.constant 0 : i32
        %dma_start3A_111 = arith.constant 0 : i32
        %dma_start3A_112 = tpu.memref_slice %arg4[%arg1, %dma_start3A_110, %dma_start3A_111] : memref<16x80x128xi32, #tpu.memory_space<hbm>> -> memref<1x80x128xi32, #tpu.memory_space<hbm>>
        %dma_start3A_113 = tpu.memref_squeeze %dma_start3A_112 : memref<1x80x128xi32, #tpu.memory_space<hbm>> -> memref<80x128xi32, #tpu.memory_space<hbm>>
        %dma_start3A_114 = arith.constant 40 : i32
        %dma_start3A_115 = arith.constant 0 : i32
        %dma_start3A_116 = tpu.memref_slice %dma_start3A_113[%dma_start3A_114, %dma_start3A_115] : memref<80x128xi32, #tpu.memory_space<hbm>> -> memref<40x128xi32, #tpu.memory_space<hbm>>
        tpu.enqueue_dma source(%dma_start3A_116 : memref<40x128xi32, #tpu.memory_space<hbm>>) target(%arg9 : memref<40x128xi32, #tpu.memory_space<vmem>>) target_semaphore(%run_scoped3A : memref<!tpu.dma_semaphore, #tpu.memory_space<semaphore_mem>>)
        %dma_wait3A_117 = arith.constant 0 : i32
        %dma_wait3A_118 = arith.constant 0 : i32
        %dma_wait3A_119 = tpu.memref_slice %arg4[%arg1, %dma_wait3A_117, %dma_wait3A_118] : memref<16x80x128xi32, #tpu.memory_space<hbm>> -> memref<1x80x128xi32, #tpu.memory_space<hbm>>
        %dma_wait3A_120 = tpu.memref_squeeze %dma_wait3A_119 : memref<1x80x128xi32, #tpu.memory_space<hbm>> -> memref<80x128xi32, #tpu.memory_space<hbm>>
        %dma_wait3A_121 = arith.constant 40 : i32
        %dma_wait3A_122 = arith.constant 0 : i32
        %dma_wait3A_123 = tpu.memref_slice %dma_wait3A_120[%dma_wait3A_121, %dma_wait3A_122] : memref<80x128xi32, #tpu.memory_space<hbm>> -> memref<40x128xi32, #tpu.memory_space<hbm>>
        %dma_wait3A_124 = arith.constant 0 : i32
        %dma_wait3A_125 = arith.constant 0 : i32
        %dma_wait3A_126 = tpu.memref_slice %arg4[%arg1, %dma_wait3A_124, %dma_wait3A_125] : memref<16x80x128xi32, #tpu.memory_space<hbm>> -> memref<1x80x128xi32, #tpu.memory_space<hbm>>
        %dma_wait3A_127 = tpu.memref_squeeze %dma_wait3A_126 : memref<1x80x128xi32, #tpu.memory_space<hbm>> -> memref<80x128xi32, #tpu.memory_space<hbm>>
        %dma_wait3A_128 = arith.constant 40 : i32
        %dma_wait3A_129 = arith.constant 0 : i32
        %dma_wait3A_130 = tpu.memref_slice %dma_wait3A_127[%dma_wait3A_128, %dma_wait3A_129] : memref<80x128xi32, #tpu.memory_space<hbm>> -> memref<40x128xi32, #tpu.memory_space<hbm>>
        tpu.wait_dma2 semaphore(%run_scoped3A : memref<!tpu.dma_semaphore, #tpu.memory_space<semaphore_mem>>) src(%dma_wait3A_130 : memref<40x128xi32, #tpu.memory_space<hbm>>) dst(%arg9 : memref<40x128xi32, #tpu.memory_space<vmem>>)
        tpu.yield
      }) : () -> ()
      "tpu.region"() ({
        %run_scoped3A = tpu.sem_alloc : memref<!tpu.dma_semaphore, #tpu.memory_space<semaphore_mem>>
        %dma_start3A_103 = arith.constant 0 : i32
        %dma_start3A_104 = arith.constant 0 : i32
        %dma_start3A_105 = tpu.memref_slice %arg5[%arg1, %dma_start3A_103, %dma_start3A_104] : memref<16x80x128xi32, #tpu.memory_space<hbm>> -> memref<1x80x128xi32, #tpu.memory_space<hbm>>
        %dma_start3A_106 = tpu.memref_squeeze %dma_start3A_105 : memref<1x80x128xi32, #tpu.memory_space<hbm>> -> memref<80x128xi32, #tpu.memory_space<hbm>>
        %dma_start3A_107 = arith.constant 40 : i32
        %dma_start3A_108 = arith.constant 0 : i32
        %dma_start3A_109 = tpu.memref_slice %dma_start3A_106[%dma_start3A_107, %dma_start3A_108] : memref<80x128xi32, #tpu.memory_space<hbm>> -> memref<40x128xi32, #tpu.memory_space<hbm>>
        %dma_start3A_110 = arith.constant 0 : i32
        %dma_start3A_111 = arith.constant 0 : i32
        %dma_start3A_112 = tpu.memref_slice %arg5[%arg1, %dma_start3A_110, %dma_start3A_111] : memref<16x80x128xi32, #tpu.memory_space<hbm>> -> memref<1x80x128xi32, #tpu.memory_space<hbm>>
        %dma_start3A_113 = tpu.memref_squeeze %dma_start3A_112 : memref<1x80x128xi32, #tpu.memory_space<hbm>> -> memref<80x128xi32, #tpu.memory_space<hbm>>
        %dma_start3A_114 = arith.constant 40 : i32
        %dma_start3A_115 = arith.constant 0 : i32
        %dma_start3A_116 = tpu.memref_slice %dma_start3A_113[%dma_start3A_114, %dma_start3A_115] : memref<80x128xi32, #tpu.memory_space<hbm>> -> memref<40x128xi32, #tpu.memory_space<hbm>>
        tpu.enqueue_dma source(%dma_start3A_116 : memref<40x128xi32, #tpu.memory_space<hbm>>) target(%arg10 : memref<40x128xi32, #tpu.memory_space<vmem>>) target_semaphore(%run_scoped3A : memref<!tpu.dma_semaphore, #tpu.memory_space<semaphore_mem>>)
        %dma_wait3A_117 = arith.constant 0 : i32
        %dma_wait3A_118 = arith.constant 0 : i32
        %dma_wait3A_119 = tpu.memref_slice %arg5[%arg1, %dma_wait3A_117, %dma_wait3A_118] : memref<16x80x128xi32, #tpu.memory_space<hbm>> -> memref<1x80x128xi32, #tpu.memory_space<hbm>>
        %dma_wait3A_120 = tpu.memref_squeeze %dma_wait3A_119 : memref<1x80x128xi32, #tpu.memory_space<hbm>> -> memref<80x128xi32, #tpu.memory_space<hbm>>
        %dma_wait3A_121 = arith.constant 40 : i32
        %dma_wait3A_122 = arith.constant 0 : i32
        %dma_wait3A_123 = tpu.memref_slice %dma_wait3A_120[%dma_wait3A_121, %dma_wait3A_122] : memref<80x128xi32, #tpu.memory_space<hbm>> -> memref<40x128xi32, #tpu.memory_space<hbm>>
        %dma_wait3A_124 = arith.constant 0 : i32
        %dma_wait3A_125 = arith.constant 0 : i32
        %dma_wait3A_126 = tpu.memref_slice %arg5[%arg1, %dma_wait3A_124, %dma_wait3A_125] : memref<16x80x128xi32, #tpu.memory_space<hbm>> -> memref<1x80x128xi32, #tpu.memory_space<hbm>>
        %dma_wait3A_127 = tpu.memref_squeeze %dma_wait3A_126 : memref<1x80x128xi32, #tpu.memory_space<hbm>> -> memref<80x128xi32, #tpu.memory_space<hbm>>
        %dma_wait3A_128 = arith.constant 40 : i32
        %dma_wait3A_129 = arith.constant 0 : i32
        %dma_wait3A_130 = tpu.memref_slice %dma_wait3A_127[%dma_wait3A_128, %dma_wait3A_129] : memref<80x128xi32, #tpu.memory_space<hbm>> -> memref<40x128xi32, #tpu.memory_space<hbm>>
        tpu.wait_dma2 semaphore(%run_scoped3A : memref<!tpu.dma_semaphore, #tpu.memory_space<semaphore_mem>>) src(%dma_wait3A_130 : memref<40x128xi32, #tpu.memory_space<hbm>>) dst(%arg10 : memref<40x128xi32, #tpu.memory_space<vmem>>)
        tpu.yield
      }) : () -> ()
      %dma_start3A_70 = arith.constant 0 : i32
      %dma_start3A_71 = arith.constant 0 : i32
      %dma_start3A_72 = tpu.memref_slice %arg9[%dma_start3A_70, %dma_start3A_71] : memref<40x128xi32, #tpu.memory_space<vmem>> -> memref<1x128xi32, #tpu.memory_space<vmem>>
      %dma_start3A_73 = tpu.memref_squeeze %dma_start3A_72 : memref<1x128xi32, #tpu.memory_space<vmem>> -> memref<128xi32, #tpu.memory_space<vmem>>
      %dma_start3A_74 = arith.constant 0 : i32
      %dma_start3A_75 = arith.constant 0 : i32
      %dma_start3A_76 = tpu.memref_slice %arg2[%dma_start3A_74, %dma_start3A_75] : memref<51200x128xf32, #tpu.memory_space<hbm>> -> memref<51200x128xf32, #tpu.memory_space<hbm>>
      tpu.enqueue_indirect_dma source(%dma_start3A_76 : memref<51200x128xf32, #tpu.memory_space<hbm>>) target(%arg11 : memref<128x128xf32, #tpu.memory_space<vmem>>) offsets(%dma_start3A_73 : memref<128xi32, #tpu.memory_space<vmem>>) semaphore(%arg14 : memref<!tpu.dma_semaphore, #tpu.memory_space<semaphore_mem>>)
      %scan3A_77 = arith.constant 0 : i32
      %scan3A_78 = arith.constant 0 : i32
      %scan3A_79 = arith.constant 20 : i32
      %scan3A_80 = arith.addi %scan3A_78, %scan3A_79 : i32
      %scan3A_81 = arith.constant 1 : i32
      %scan3A_82 = scf.for %scan3A_103 = %scan3A_78 to %scan3A_80 step %scan3A_81 iter_args(%scan3A_104 = %scan3A_77) -> (i32)  : i32 {
        %mul3A_105 = arith.constant 2 : i32
        %mul3A_106 = arith.muli %mul3A_105, %scan3A_103 : i32
        %add3A_107 = arith.constant 1 : i32
        %add3A_108 = arith.addi %mul3A_106, %add3A_107 : i32
        %gt3A = arith.constant 0 : i32
        %gt3A_109 = arith.cmpi sgt, %scan3A_103, %gt3A : i32
        %convert_element_type3A_110 = arith.extui %gt3A_109 : i1 to i32
        %cond3A_111 = arith.constant 0 : i32
        %cond3A_112 = arith.cmpi ne, %convert_element_type3A_110, %cond3A_111 : i32
        scf.if %cond3A_112 {
          %sub3A = arith.constant 2 : i32
          %sub3A_148 = arith.subi %add3A_108, %sub3A : i32
          %dma_wait3A_149 = arith.constant 0 : i32
          %dma_wait3A_150 = tpu.memref_slice %arg10[%sub3A_148, %dma_wait3A_149] : memref<40x128xi32, #tpu.memory_space<vmem>> -> memref<1x128xi32, #tpu.memory_space<vmem>>
          %dma_wait3A_151 = tpu.memref_squeeze %dma_wait3A_150 : memref<1x128xi32, #tpu.memory_space<vmem>> -> memref<128xi32, #tpu.memory_space<vmem>>
          %dma_wait3A_152 = arith.constant 0 : i32
          %dma_wait3A_153 = arith.constant 0 : i32
          %dma_wait3A_154 = tpu.memref_slice %arg13[%dma_wait3A_152, %dma_wait3A_153] : memref<10240x128xf32, #tpu.memory_space<vmem_shared>> -> memref<10240x128xf32, #tpu.memory_space<vmem_shared>>
          tpu.wait_indirect_dma semaphore(%arg17 : memref<!tpu.dma_semaphore, #tpu.memory_space<semaphore_mem>>) src(%arg12 : memref<128x128xf32, #tpu.memory_space<vmem>>) dst(%dma_wait3A_154 : memref<10240x128xf32, #tpu.memory_space<vmem_shared>>)
        } else {
        }
        %dma_start3A_113 = arith.constant 0 : i32
        %dma_start3A_114 = tpu.memref_slice %arg9[%add3A_108, %dma_start3A_113] : memref<40x128xi32, #tpu.memory_space<vmem>> -> memref<1x128xi32, #tpu.memory_space<vmem>>
        %dma_start3A_115 = tpu.memref_squeeze %dma_start3A_114 : memref<1x128xi32, #tpu.memory_space<vmem>> -> memref<128xi32, #tpu.memory_space<vmem>>
        %dma_start3A_116 = arith.constant 0 : i32
        %dma_start3A_117 = arith.constant 0 : i32
        %dma_start3A_118 = tpu.memref_slice %arg2[%dma_start3A_116, %dma_start3A_117] : memref<51200x128xf32, #tpu.memory_space<hbm>> -> memref<51200x128xf32, #tpu.memory_space<hbm>>
        tpu.enqueue_indirect_dma source(%dma_start3A_118 : memref<51200x128xf32, #tpu.memory_space<hbm>>) target(%arg12 : memref<128x128xf32, #tpu.memory_space<vmem>>) offsets(%dma_start3A_115 : memref<128xi32, #tpu.memory_space<vmem>>) semaphore(%arg15 : memref<!tpu.dma_semaphore, #tpu.memory_space<semaphore_mem>>)
        %dma_wait3A_119 = arith.constant 0 : i32
        %dma_wait3A_120 = tpu.memref_slice %arg9[%mul3A_106, %dma_wait3A_119] : memref<40x128xi32, #tpu.memory_space<vmem>> -> memref<1x128xi32, #tpu.memory_space<vmem>>
        %dma_wait3A_121 = tpu.memref_squeeze %dma_wait3A_120 : memref<1x128xi32, #tpu.memory_space<vmem>> -> memref<128xi32, #tpu.memory_space<vmem>>
        %dma_wait3A_122 = arith.constant 0 : i32
        %dma_wait3A_123 = arith.constant 0 : i32
        %dma_wait3A_124 = tpu.memref_slice %arg2[%dma_wait3A_122, %dma_wait3A_123] : memref<51200x128xf32, #tpu.memory_space<hbm>> -> memref<51200x128xf32, #tpu.memory_space<hbm>>
        tpu.wait_indirect_dma semaphore(%arg14 : memref<!tpu.dma_semaphore, #tpu.memory_space<semaphore_mem>>) src(%dma_wait3A_124 : memref<51200x128xf32, #tpu.memory_space<hbm>>) dst(%arg11 : memref<128x128xf32, #tpu.memory_space<vmem>>)
        %dma_start3A_125 = arith.constant 0 : i32
        %dma_start3A_126 = tpu.memref_slice %arg10[%mul3A_106, %dma_start3A_125] : memref<40x128xi32, #tpu.memory_space<vmem>> -> memref<1x128xi32, #tpu.memory_space<vmem>>
        %dma_start3A_127 = tpu.memref_squeeze %dma_start3A_126 : memref<1x128xi32, #tpu.memory_space<vmem>> -> memref<128xi32, #tpu.memory_space<vmem>>
        %dma_start3A_128 = arith.constant 0 : i32
        %dma_start3A_129 = arith.constant 0 : i32
        %dma_start3A_130 = tpu.memref_slice %arg13[%dma_start3A_128, %dma_start3A_129] : memref<10240x128xf32, #tpu.memory_space<vmem_shared>> -> memref<10240x128xf32, #tpu.memory_space<vmem_shared>>
        tpu.enqueue_indirect_dma source(%arg11 : memref<128x128xf32, #tpu.memory_space<vmem>>) target(%dma_start3A_130 : memref<10240x128xf32, #tpu.memory_space<vmem_shared>>) offsets(%dma_start3A_127 : memref<128xi32, #tpu.memory_space<vmem>>) semaphore(%arg16 : memref<!tpu.dma_semaphore, #tpu.memory_space<semaphore_mem>>) {add = true}
        %lt3A = arith.constant 19 : i32
        %lt3A_131 = arith.cmpi slt, %scan3A_103, %lt3A : i32
        %convert_element_type3A_132 = arith.extui %lt3A_131 : i1 to i32
        %cond3A_133 = arith.constant 0 : i32
        %cond3A_134 = arith.cmpi ne, %convert_element_type3A_132, %cond3A_133 : i32
        scf.if %cond3A_134 {
          %dma_wait3A_148 = arith.constant 0 : i32
          %dma_wait3A_149 = tpu.memref_slice %arg10[%mul3A_106, %dma_wait3A_148] : memref<40x128xi32, #tpu.memory_space<vmem>> -> memref<1x128xi32, #tpu.memory_space<vmem>>
          %dma_wait3A_150 = tpu.memref_squeeze %dma_wait3A_149 : memref<1x128xi32, #tpu.memory_space<vmem>> -> memref<128xi32, #tpu.memory_space<vmem>>
          %dma_wait3A_151 = arith.constant 0 : i32
          %dma_wait3A_152 = arith.constant 0 : i32
          %dma_wait3A_153 = tpu.memref_slice %arg13[%dma_wait3A_151, %dma_wait3A_152] : memref<10240x128xf32, #tpu.memory_space<vmem_shared>> -> memref<10240x128xf32, #tpu.memory_space<vmem_shared>>
          tpu.wait_indirect_dma semaphore(%arg16 : memref<!tpu.dma_semaphore, #tpu.memory_space<semaphore_mem>>) src(%arg11 : memref<128x128xf32, #tpu.memory_space<vmem>>) dst(%dma_wait3A_153 : memref<10240x128xf32, #tpu.memory_space<vmem_shared>>)
          %add3A_154 = arith.constant 2 : i32
          %add3A_155 = arith.addi %mul3A_106, %add3A_154 : i32
          %dma_start3A_156 = arith.constant 0 : i32
          %dma_start3A_157 = tpu.memref_slice %arg9[%add3A_155, %dma_start3A_156] : memref<40x128xi32, #tpu.memory_space<vmem>> -> memref<1x128xi32, #tpu.memory_space<vmem>>
          %dma_start3A_158 = tpu.memref_squeeze %dma_start3A_157 : memref<1x128xi32, #tpu.memory_space<vmem>> -> memref<128xi32, #tpu.memory_space<vmem>>
          %dma_start3A_159 = arith.constant 0 : i32
          %dma_start3A_160 = arith.constant 0 : i32
          %dma_start3A_161 = tpu.memref_slice %arg2[%dma_start3A_159, %dma_start3A_160] : memref<51200x128xf32, #tpu.memory_space<hbm>> -> memref<51200x128xf32, #tpu.memory_space<hbm>>
          tpu.enqueue_indirect_dma source(%dma_start3A_161 : memref<51200x128xf32, #tpu.memory_space<hbm>>) target(%arg11 : memref<128x128xf32, #tpu.memory_space<vmem>>) offsets(%dma_start3A_158 : memref<128xi32, #tpu.memory_space<vmem>>) semaphore(%arg14 : memref<!tpu.dma_semaphore, #tpu.memory_space<semaphore_mem>>)
        } else {
        }
        %dma_wait3A_135 = arith.constant 0 : i32
        %dma_wait3A_136 = tpu.memref_slice %arg9[%add3A_108, %dma_wait3A_135] : memref<40x128xi32, #tpu.memory_space<vmem>> -> memref<1x128xi32, #tpu.memory_space<vmem>>
        %dma_wait3A_137 = tpu.memref_squeeze %dma_wait3A_136 : memref<1x128xi32, #tpu.memory_space<vmem>> -> memref<128xi32, #tpu.memory_space<vmem>>
        %dma_wait3A_138 = arith.constant 0 : i32
        %dma_wait3A_139 = arith.constant 0 : i32
        %dma_wait3A_140 = tpu.memref_slice %arg2[%dma_wait3A_138, %dma_wait3A_139] : memref<51200x128xf32, #tpu.memory_space<hbm>> -> memref<51200x128xf32, #tpu.memory_space<hbm>>
        tpu.wait_indirect_dma semaphore(%arg15 : memref<!tpu.dma_semaphore, #tpu.memory_space<semaphore_mem>>) src(%dma_wait3A_140 : memref<51200x128xf32, #tpu.memory_space<hbm>>) dst(%arg12 : memref<128x128xf32, #tpu.memory_space<vmem>>)
        %dma_start3A_141 = arith.constant 0 : i32
        %dma_start3A_142 = tpu.memref_slice %arg10[%add3A_108, %dma_start3A_141] : memref<40x128xi32, #tpu.memory_space<vmem>> -> memref<1x128xi32, #tpu.memory_space<vmem>>
        %dma_start3A_143 = tpu.memref_squeeze %dma_start3A_142 : memref<1x128xi32, #tpu.memory_space<vmem>> -> memref<128xi32, #tpu.memory_space<vmem>>
        %dma_start3A_144 = arith.constant 0 : i32
        %dma_start3A_145 = arith.constant 0 : i32
        %dma_start3A_146 = tpu.memref_slice %arg13[%dma_start3A_144, %dma_start3A_145] : memref<10240x128xf32, #tpu.memory_space<vmem_shared>> -> memref<10240x128xf32, #tpu.memory_space<vmem_shared>>
        tpu.enqueue_indirect_dma source(%arg12 : memref<128x128xf32, #tpu.memory_space<vmem>>) target(%dma_start3A_146 : memref<10240x128xf32, #tpu.memory_space<vmem_shared>>) offsets(%dma_start3A_143 : memref<128xi32, #tpu.memory_space<vmem>>) semaphore(%arg17 : memref<!tpu.dma_semaphore, #tpu.memory_space<semaphore_mem>>) {add = true}
        %scan3A_147 = arith.constant 0 : i32
        scf.yield %scan3A_147 : i32
      }
      %scan3A_83 = arith.constant 20 : i32
      %dma_wait3A_84 = arith.constant 38 : i32
      %dma_wait3A_85 = arith.constant 0 : i32
      %dma_wait3A_86 = tpu.memref_slice %arg10[%dma_wait3A_84, %dma_wait3A_85] : memref<40x128xi32, #tpu.memory_space<vmem>> -> memref<1x128xi32, #tpu.memory_space<vmem>>
      %dma_wait3A_87 = tpu.memref_squeeze %dma_wait3A_86 : memref<1x128xi32, #tpu.memory_space<vmem>> -> memref<128xi32, #tpu.memory_space<vmem>>
      %dma_wait3A_88 = arith.constant 0 : i32
      %dma_wait3A_89 = arith.constant 0 : i32
      %dma_wait3A_90 = tpu.memref_slice %arg13[%dma_wait3A_88, %dma_wait3A_89] : memref<10240x128xf32, #tpu.memory_space<vmem_shared>> -> memref<10240x128xf32, #tpu.memory_space<vmem_shared>>
      tpu.wait_indirect_dma semaphore(%arg16 : memref<!tpu.dma_semaphore, #tpu.memory_space<semaphore_mem>>) src(%arg11 : memref<128x128xf32, #tpu.memory_space<vmem>>) dst(%dma_wait3A_90 : memref<10240x128xf32, #tpu.memory_space<vmem_shared>>)
      %dma_wait3A_91 = arith.constant 39 : i32
      %dma_wait3A_92 = arith.constant 0 : i32
      %dma_wait3A_93 = tpu.memref_slice %arg10[%dma_wait3A_91, %dma_wait3A_92] : memref<40x128xi32, #tpu.memory_space<vmem>> -> memref<1x128xi32, #tpu.memory_space<vmem>>
      %dma_wait3A_94 = tpu.memref_squeeze %dma_wait3A_93 : memref<1x128xi32, #tpu.memory_space<vmem>> -> memref<128xi32, #tpu.memory_space<vmem>>
      %dma_wait3A_95 = arith.constant 0 : i32
      %dma_wait3A_96 = arith.constant 0 : i32
      %dma_wait3A_97 = tpu.memref_slice %arg13[%dma_wait3A_95, %dma_wait3A_96] : memref<10240x128xf32, #tpu.memory_space<vmem_shared>> -> memref<10240x128xf32, #tpu.memory_space<vmem_shared>>
      tpu.wait_indirect_dma semaphore(%arg17 : memref<!tpu.dma_semaphore, #tpu.memory_space<semaphore_mem>>) src(%arg12 : memref<128x128xf32, #tpu.memory_space<vmem>>) dst(%dma_wait3A_97 : memref<10240x128xf32, #tpu.memory_space<vmem_shared>>)
      %barrier3A_98 = arith.constant 0 : index
      tpu.barrier barrier_id(%barrier3A_98)
      %mul3A_99 = arith.constant 640 : i32
      %mul3A_100 = arith.muli %arg1, %mul3A_99 : i32
      %mul3A_101 = arith.constant 640 : i32
      %mul3A_102 = arith.muli %arg1, %mul3A_101 : i32
      "tpu.region"() ({
        %run_scoped3A = tpu.sem_alloc : memref<!tpu.dma_semaphore, #tpu.memory_space<semaphore_mem>>
        %dma_start3A_103 = arith.constant 0 : i32
        %dma_start3A_104 = tpu.memref_slice %arg7[%mul3A_102, %dma_start3A_103] : memref<10240x128xf32, #tpu.memory_space<hbm>> -> memref<640x128xf32, #tpu.memory_space<hbm>>
        %dma_start3A_105 = arith.constant 0 : i32
        %dma_start3A_106 = tpu.memref_slice %arg13[%mul3A_100, %dma_start3A_105] : memref<10240x128xf32, #tpu.memory_space<vmem_shared>> -> memref<640x128xf32, #tpu.memory_space<vmem_shared>>
        tpu.enqueue_dma source(%dma_start3A_106 : memref<640x128xf32, #tpu.memory_space<vmem_shared>>) target(%dma_start3A_104 : memref<640x128xf32, #tpu.memory_space<hbm>>) target_semaphore(%run_scoped3A : memref<!tpu.dma_semaphore, #tpu.memory_space<semaphore_mem>>)
        %dma_wait3A_107 = arith.constant 0 : i32
        %dma_wait3A_108 = tpu.memref_slice %arg7[%mul3A_102, %dma_wait3A_107] : memref<10240x128xf32, #tpu.memory_space<hbm>> -> memref<640x128xf32, #tpu.memory_space<hbm>>
        %dma_wait3A_109 = arith.constant 0 : i32
        %dma_wait3A_110 = tpu.memref_slice %arg13[%mul3A_100, %dma_wait3A_109] : memref<10240x128xf32, #tpu.memory_space<vmem_shared>> -> memref<640x128xf32, #tpu.memory_space<vmem_shared>>
        tpu.wait_dma2 semaphore(%run_scoped3A : memref<!tpu.dma_semaphore, #tpu.memory_space<semaphore_mem>>) src(%dma_wait3A_110 : memref<640x128xf32, #tpu.memory_space<vmem_shared>>) dst(%dma_wait3A_108 : memref<640x128xf32, #tpu.memory_space<hbm>>)
        tpu.yield
      }) : () -> ()
    } else {
    }
    %eq3A_2 = arith.constant 1 : i32
    %eq3A_3 = arith.cmpi eq, %arg0, %eq3A_2 : i32
    %convert_element_type3A_4 = arith.extui %eq3A_3 : i1 to i32
    %cond3A_5 = arith.constant 0 : i32
    %cond3A_6 = arith.cmpi ne, %convert_element_type3A_4, %cond3A_5 : i32
    scf.if %cond3A_6 {
      "tpu.region"() ({
        %run_scoped3A = tpu.sem_alloc : memref<!tpu.dma_semaphore, #tpu.memory_space<semaphore_mem>>
        %dma_start3A_103 = arith.constant 0 : i32
        %dma_start3A_104 = arith.constant 0 : i32
        %dma_start3A_105 = tpu.memref_slice %arg4[%arg1, %dma_start3A_103, %dma_start3A_104] : memref<16x80x128xi32, #tpu.memory_space<hbm>> -> memref<1x80x128xi32, #tpu.memory_space<hbm>>
        %dma_start3A_106 = tpu.memref_squeeze %dma_start3A_105 : memref<1x80x128xi32, #tpu.memory_space<hbm>> -> memref<80x128xi32, #tpu.memory_space<hbm>>
        %dma_start3A_107 = arith.constant 0 : i32
        %dma_start3A_108 = arith.constant 0 : i32
        %dma_start3A_109 = tpu.memref_slice %dma_start3A_106[%dma_start3A_107, %dma_start3A_108] : memref<80x128xi32, #tpu.memory_space<hbm>> -> memref<40x128xi32, #tpu.memory_space<hbm>>
        %dma_start3A_110 = arith.constant 0 : i32
        %dma_start3A_111 = arith.constant 0 : i32
        %dma_start3A_112 = tpu.memref_slice %arg4[%arg1, %dma_start3A_110, %dma_start3A_111] : memref<16x80x128xi32, #tpu.memory_space<hbm>> -> memref<1x80x128xi32, #tpu.memory_space<hbm>>
        %dma_start3A_113 = tpu.memref_squeeze %dma_start3A_112 : memref<1x80x128xi32, #tpu.memory_space<hbm>> -> memref<80x128xi32, #tpu.memory_space<hbm>>
        %dma_start3A_114 = arith.constant 0 : i32
        %dma_start3A_115 = arith.constant 0 : i32
        %dma_start3A_116 = tpu.memref_slice %dma_start3A_113[%dma_start3A_114, %dma_start3A_115] : memref<80x128xi32, #tpu.memory_space<hbm>> -> memref<40x128xi32, #tpu.memory_space<hbm>>
        tpu.enqueue_dma source(%dma_start3A_116 : memref<40x128xi32, #tpu.memory_space<hbm>>) target(%arg9 : memref<40x128xi32, #tpu.memory_space<vmem>>) target_semaphore(%run_scoped3A : memref<!tpu.dma_semaphore, #tpu.memory_space<semaphore_mem>>)
        %dma_wait3A_117 = arith.constant 0 : i32
        %dma_wait3A_118 = arith.constant 0 : i32
        %dma_wait3A_119 = tpu.memref_slice %arg4[%arg1, %dma_wait3A_117, %dma_wait3A_118] : memref<16x80x128xi32, #tpu.memory_space<hbm>> -> memref<1x80x128xi32, #tpu.memory_space<hbm>>
        %dma_wait3A_120 = tpu.memref_squeeze %dma_wait3A_119 : memref<1x80x128xi32, #tpu.memory_space<hbm>> -> memref<80x128xi32, #tpu.memory_space<hbm>>
        %dma_wait3A_121 = arith.constant 0 : i32
        %dma_wait3A_122 = arith.constant 0 : i32
        %dma_wait3A_123 = tpu.memref_slice %dma_wait3A_120[%dma_wait3A_121, %dma_wait3A_122] : memref<80x128xi32, #tpu.memory_space<hbm>> -> memref<40x128xi32, #tpu.memory_space<hbm>>
        %dma_wait3A_124 = arith.constant 0 : i32
        %dma_wait3A_125 = arith.constant 0 : i32
        %dma_wait3A_126 = tpu.memref_slice %arg4[%arg1, %dma_wait3A_124, %dma_wait3A_125] : memref<16x80x128xi32, #tpu.memory_space<hbm>> -> memref<1x80x128xi32, #tpu.memory_space<hbm>>
        %dma_wait3A_127 = tpu.memref_squeeze %dma_wait3A_126 : memref<1x80x128xi32, #tpu.memory_space<hbm>> -> memref<80x128xi32, #tpu.memory_space<hbm>>
        %dma_wait3A_128 = arith.constant 0 : i32
        %dma_wait3A_129 = arith.constant 0 : i32
        %dma_wait3A_130 = tpu.memref_slice %dma_wait3A_127[%dma_wait3A_128, %dma_wait3A_129] : memref<80x128xi32, #tpu.memory_space<hbm>> -> memref<40x128xi32, #tpu.memory_space<hbm>>
        tpu.wait_dma2 semaphore(%run_scoped3A : memref<!tpu.dma_semaphore, #tpu.memory_space<semaphore_mem>>) src(%dma_wait3A_130 : memref<40x128xi32, #tpu.memory_space<hbm>>) dst(%arg9 : memref<40x128xi32, #tpu.memory_space<vmem>>)
        tpu.yield
      }) : () -> ()
      "tpu.region"() ({
        %run_scoped3A = tpu.sem_alloc : memref<!tpu.dma_semaphore, #tpu.memory_space<semaphore_mem>>
        %dma_start3A_103 = arith.constant 0 : i32
        %dma_start3A_104 = arith.constant 0 : i32
        %dma_start3A_105 = tpu.memref_slice %arg5[%arg1, %dma_start3A_103, %dma_start3A_104] : memref<16x80x128xi32, #tpu.memory_space<hbm>> -> memref<1x80x128xi32, #tpu.memory_space<hbm>>
        %dma_start3A_106 = tpu.memref_squeeze %dma_start3A_105 : memref<1x80x128xi32, #tpu.memory_space<hbm>> -> memref<80x128xi32, #tpu.memory_space<hbm>>
        %dma_start3A_107 = arith.constant 0 : i32
        %dma_start3A_108 = arith.constant 0 : i32
        %dma_start3A_109 = tpu.memref_slice %dma_start3A_106[%dma_start3A_107, %dma_start3A_108] : memref<80x128xi32, #tpu.memory_space<hbm>> -> memref<40x128xi32, #tpu.memory_space<hbm>>
        %dma_start3A_110 = arith.constant 0 : i32
        %dma_start3A_111 = arith.constant 0 : i32
        %dma_start3A_112 = tpu.memref_slice %arg5[%arg1, %dma_start3A_110, %dma_start3A_111] : memref<16x80x128xi32, #tpu.memory_space<hbm>> -> memref<1x80x128xi32, #tpu.memory_space<hbm>>
        %dma_start3A_113 = tpu.memref_squeeze %dma_start3A_112 : memref<1x80x128xi32, #tpu.memory_space<hbm>> -> memref<80x128xi32, #tpu.memory_space<hbm>>
        %dma_start3A_114 = arith.constant 0 : i32
        %dma_start3A_115 = arith.constant 0 : i32
        %dma_start3A_116 = tpu.memref_slice %dma_start3A_113[%dma_start3A_114, %dma_start3A_115] : memref<80x128xi32, #tpu.memory_space<hbm>> -> memref<40x128xi32, #tpu.memory_space<hbm>>
        tpu.enqueue_dma source(%dma_start3A_116 : memref<40x128xi32, #tpu.memory_space<hbm>>) target(%arg10 : memref<40x128xi32, #tpu.memory_space<vmem>>) target_semaphore(%run_scoped3A : memref<!tpu.dma_semaphore, #tpu.memory_space<semaphore_mem>>)
        %dma_wait3A_117 = arith.constant 0 : i32
        %dma_wait3A_118 = arith.constant 0 : i32
        %dma_wait3A_119 = tpu.memref_slice %arg5[%arg1, %dma_wait3A_117, %dma_wait3A_118] : memref<16x80x128xi32, #tpu.memory_space<hbm>> -> memref<1x80x128xi32, #tpu.memory_space<hbm>>
        %dma_wait3A_120 = tpu.memref_squeeze %dma_wait3A_119 : memref<1x80x128xi32, #tpu.memory_space<hbm>> -> memref<80x128xi32, #tpu.memory_space<hbm>>
        %dma_wait3A_121 = arith.constant 0 : i32
        %dma_wait3A_122 = arith.constant 0 : i32
        %dma_wait3A_123 = tpu.memref_slice %dma_wait3A_120[%dma_wait3A_121, %dma_wait3A_122] : memref<80x128xi32, #tpu.memory_space<hbm>> -> memref<40x128xi32, #tpu.memory_space<hbm>>
        %dma_wait3A_124 = arith.constant 0 : i32
        %dma_wait3A_125 = arith.constant 0 : i32
        %dma_wait3A_126 = tpu.memref_slice %arg5[%arg1, %dma_wait3A_124, %dma_wait3A_125] : memref<16x80x128xi32, #tpu.memory_space<hbm>> -> memref<1x80x128xi32, #tpu.memory_space<hbm>>
        %dma_wait3A_127 = tpu.memref_squeeze %dma_wait3A_126 : memref<1x80x128xi32, #tpu.memory_space<hbm>> -> memref<80x128xi32, #tpu.memory_space<hbm>>
        %dma_wait3A_128 = arith.constant 0 : i32
        %dma_wait3A_129 = arith.constant 0 : i32
        %dma_wait3A_130 = tpu.memref_slice %dma_wait3A_127[%dma_wait3A_128, %dma_wait3A_129] : memref<80x128xi32, #tpu.memory_space<hbm>> -> memref<40x128xi32, #tpu.memory_space<hbm>>
        tpu.wait_dma2 semaphore(%run_scoped3A : memref<!tpu.dma_semaphore, #tpu.memory_space<semaphore_mem>>) src(%dma_wait3A_130 : memref<40x128xi32, #tpu.memory_space<hbm>>) dst(%arg10 : memref<40x128xi32, #tpu.memory_space<vmem>>)
        tpu.yield
      }) : () -> ()
      %dma_start3A = arith.constant 0 : i32
      %dma_start3A_7 = arith.constant 0 : i32
      %dma_start3A_8 = tpu.memref_slice %arg9[%dma_start3A, %dma_start3A_7] : memref<40x128xi32, #tpu.memory_space<vmem>> -> memref<1x128xi32, #tpu.memory_space<vmem>>
      %dma_start3A_9 = tpu.memref_squeeze %dma_start3A_8 : memref<1x128xi32, #tpu.memory_space<vmem>> -> memref<128xi32, #tpu.memory_space<vmem>>
      %dma_start3A_10 = arith.constant 0 : i32
      %dma_start3A_11 = arith.constant 0 : i32
      %dma_start3A_12 = tpu.memref_slice %arg3[%dma_start3A_10, %dma_start3A_11] : memref<51200x128xf32, #tpu.memory_space<hbm>> -> memref<51200x128xf32, #tpu.memory_space<hbm>>
      tpu.enqueue_indirect_dma source(%dma_start3A_12 : memref<51200x128xf32, #tpu.memory_space<hbm>>) target(%arg11 : memref<128x128xf32, #tpu.memory_space<vmem>>) offsets(%dma_start3A_9 : memref<128xi32, #tpu.memory_space<vmem>>) semaphore(%arg14 : memref<!tpu.dma_semaphore, #tpu.memory_space<semaphore_mem>>)
      "tpu.region"() ({
        %run_scoped3A = tpu.sem_alloc : memref<!tpu.dma_semaphore, #tpu.memory_space<semaphore_mem>>
        %dma_start3A_103 = arith.constant 0 : i32
        %dma_start3A_104 = arith.constant 0 : i32
        %dma_start3A_105 = tpu.memref_slice %arg12[%dma_start3A_103, %dma_start3A_104] : memref<128x128xf32, #tpu.memory_space<vmem>> -> memref<64x128xf32, #tpu.memory_space<vmem>>
        %dma_start3A_106 = arith.constant 0 : i32
        %dma_start3A_107 = arith.constant 0 : i32
        %dma_start3A_108 = tpu.memref_slice %arg12[%dma_start3A_106, %dma_start3A_107] : memref<128x128xf32, #tpu.memory_space<vmem>> -> memref<64x128xf32, #tpu.memory_space<vmem>>
        tpu.enqueue_dma source(%arg6 : memref<64x128xf32, #tpu.memory_space<hbm>>) target(%dma_start3A_108 : memref<64x128xf32, #tpu.memory_space<vmem>>) target_semaphore(%run_scoped3A : memref<!tpu.dma_semaphore, #tpu.memory_space<semaphore_mem>>)
        %dma_wait3A_109 = arith.constant 0 : i32
        %dma_wait3A_110 = arith.constant 0 : i32
        %dma_wait3A_111 = tpu.memref_slice %arg12[%dma_wait3A_109, %dma_wait3A_110] : memref<128x128xf32, #tpu.memory_space<vmem>> -> memref<64x128xf32, #tpu.memory_space<vmem>>
        %dma_wait3A_112 = arith.constant 0 : i32
        %dma_wait3A_113 = arith.constant 0 : i32
        %dma_wait3A_114 = tpu.memref_slice %arg12[%dma_wait3A_112, %dma_wait3A_113] : memref<128x128xf32, #tpu.memory_space<vmem>> -> memref<64x128xf32, #tpu.memory_space<vmem>>
        tpu.wait_dma2 semaphore(%run_scoped3A : memref<!tpu.dma_semaphore, #tpu.memory_space<semaphore_mem>>) src(%arg6 : memref<64x128xf32, #tpu.memory_space<hbm>>) dst(%dma_wait3A_114 : memref<64x128xf32, #tpu.memory_space<vmem>>)
        tpu.yield
      }) : () -> ()
      %mul3A = arith.constant 640 : i32
      %mul3A_13 = arith.muli %arg1, %mul3A : i32
      %add3A = arith.constant 0 : i32
      %add3A_14 = arith.addi %mul3A_13, %add3A : i32
      "tpu.region"() ({
        %run_scoped3A = tpu.sem_alloc : memref<!tpu.dma_semaphore, #tpu.memory_space<semaphore_mem>>
        %dma_start3A_103 = arith.constant 0 : i32
        %dma_start3A_104 = arith.constant 0 : i32
        %dma_start3A_105 = tpu.memref_slice %arg12[%dma_start3A_103, %dma_start3A_104] : memref<128x128xf32, #tpu.memory_space<vmem>> -> memref<64x128xf32, #tpu.memory_space<vmem>>
        %dma_start3A_106 = arith.constant 0 : i32
        %dma_start3A_107 = tpu.memref_slice %arg13[%add3A_14, %dma_start3A_106] : memref<10240x128xf32, #tpu.memory_space<vmem_shared>> -> memref<64x128xf32, #tpu.memory_space<vmem_shared>>
        %dma_start3A_108 = arith.constant 0 : i32
        %dma_start3A_109 = tpu.memref_slice %arg13[%add3A_14, %dma_start3A_108] : memref<10240x128xf32, #tpu.memory_space<vmem_shared>> -> memref<64x128xf32, #tpu.memory_space<vmem_shared>>
        %dma_start3A_110 = arith.constant 0 : i32
        %dma_start3A_111 = arith.constant 0 : i32
        %dma_start3A_112 = tpu.memref_slice %arg12[%dma_start3A_110, %dma_start3A_111] : memref<128x128xf32, #tpu.memory_space<vmem>> -> memref<64x128xf32, #tpu.memory_space<vmem>>
        tpu.enqueue_dma source(%dma_start3A_112 : memref<64x128xf32, #tpu.memory_space<vmem>>) target(%dma_start3A_109 : memref<64x128xf32, #tpu.memory_space<vmem_shared>>) target_semaphore(%run_scoped3A : memref<!tpu.dma_semaphore, #tpu.memory_space<semaphore_mem>>)
        %dma_wait3A_113 = arith.constant 0 : i32
        %dma_wait3A_114 = arith.constant 0 : i32
        %dma_wait3A_115 = tpu.memref_slice %arg12[%dma_wait3A_113, %dma_wait3A_114] : memref<128x128xf32, #tpu.memory_space<vmem>> -> memref<64x128xf32, #tpu.memory_space<vmem>>
        %dma_wait3A_116 = arith.constant 0 : i32
        %dma_wait3A_117 = tpu.memref_slice %arg13[%add3A_14, %dma_wait3A_116] : memref<10240x128xf32, #tpu.memory_space<vmem_shared>> -> memref<64x128xf32, #tpu.memory_space<vmem_shared>>
        %dma_wait3A_118 = arith.constant 0 : i32
        %dma_wait3A_119 = tpu.memref_slice %arg13[%add3A_14, %dma_wait3A_118] : memref<10240x128xf32, #tpu.memory_space<vmem_shared>> -> memref<64x128xf32, #tpu.memory_space<vmem_shared>>
        %dma_wait3A_120 = arith.constant 0 : i32
        %dma_wait3A_121 = arith.constant 0 : i32
        %dma_wait3A_122 = tpu.memref_slice %arg12[%dma_wait3A_120, %dma_wait3A_121] : memref<128x128xf32, #tpu.memory_space<vmem>> -> memref<64x128xf32, #tpu.memory_space<vmem>>
        tpu.wait_dma2 semaphore(%run_scoped3A : memref<!tpu.dma_semaphore, #tpu.memory_space<semaphore_mem>>) src(%dma_wait3A_122 : memref<64x128xf32, #tpu.memory_space<vmem>>) dst(%dma_wait3A_119 : memref<64x128xf32, #tpu.memory_space<vmem_shared>>)
        tpu.yield
      }) : () -> ()
      %mul3A_15 = arith.constant 640 : i32
      %mul3A_16 = arith.muli %arg1, %mul3A_15 : i32
      %add3A_17 = arith.constant 64 : i32
      %add3A_18 = arith.addi %mul3A_16, %add3A_17 : i32
      "tpu.region"() ({
        %run_scoped3A = tpu.sem_alloc : memref<!tpu.dma_semaphore, #tpu.memory_space<semaphore_mem>>
        %dma_start3A_103 = arith.constant 0 : i32
        %dma_start3A_104 = arith.constant 0 : i32
        %dma_start3A_105 = tpu.memref_slice %arg12[%dma_start3A_103, %dma_start3A_104] : memref<128x128xf32, #tpu.memory_space<vmem>> -> memref<64x128xf32, #tpu.memory_space<vmem>>
        %dma_start3A_106 = arith.constant 0 : i32
        %dma_start3A_107 = tpu.memref_slice %arg13[%add3A_18, %dma_start3A_106] : memref<10240x128xf32, #tpu.memory_space<vmem_shared>> -> memref<64x128xf32, #tpu.memory_space<vmem_shared>>
        %dma_start3A_108 = arith.constant 0 : i32
        %dma_start3A_109 = tpu.memref_slice %arg13[%add3A_18, %dma_start3A_108] : memref<10240x128xf32, #tpu.memory_space<vmem_shared>> -> memref<64x128xf32, #tpu.memory_space<vmem_shared>>
        %dma_start3A_110 = arith.constant 0 : i32
        %dma_start3A_111 = arith.constant 0 : i32
        %dma_start3A_112 = tpu.memref_slice %arg12[%dma_start3A_110, %dma_start3A_111] : memref<128x128xf32, #tpu.memory_space<vmem>> -> memref<64x128xf32, #tpu.memory_space<vmem>>
        tpu.enqueue_dma source(%dma_start3A_112 : memref<64x128xf32, #tpu.memory_space<vmem>>) target(%dma_start3A_109 : memref<64x128xf32, #tpu.memory_space<vmem_shared>>) target_semaphore(%run_scoped3A : memref<!tpu.dma_semaphore, #tpu.memory_space<semaphore_mem>>)
        %dma_wait3A_113 = arith.constant 0 : i32
        %dma_wait3A_114 = arith.constant 0 : i32
        %dma_wait3A_115 = tpu.memref_slice %arg12[%dma_wait3A_113, %dma_wait3A_114] : memref<128x128xf32, #tpu.memory_space<vmem>> -> memref<64x128xf32, #tpu.memory_space<vmem>>
        %dma_wait3A_116 = arith.constant 0 : i32
        %dma_wait3A_117 = tpu.memref_slice %arg13[%add3A_18, %dma_wait3A_116] : memref<10240x128xf32, #tpu.memory_space<vmem_shared>> -> memref<64x128xf32, #tpu.memory_space<vmem_shared>>
        %dma_wait3A_118 = arith.constant 0 : i32
        %dma_wait3A_119 = tpu.memref_slice %arg13[%add3A_18, %dma_wait3A_118] : memref<10240x128xf32, #tpu.memory_space<vmem_shared>> -> memref<64x128xf32, #tpu.memory_space<vmem_shared>>
        %dma_wait3A_120 = arith.constant 0 : i32
        %dma_wait3A_121 = arith.constant 0 : i32
        %dma_wait3A_122 = tpu.memref_slice %arg12[%dma_wait3A_120, %dma_wait3A_121] : memref<128x128xf32, #tpu.memory_space<vmem>> -> memref<64x128xf32, #tpu.memory_space<vmem>>
        tpu.wait_dma2 semaphore(%run_scoped3A : memref<!tpu.dma_semaphore, #tpu.memory_space<semaphore_mem>>) src(%dma_wait3A_122 : memref<64x128xf32, #tpu.memory_space<vmem>>) dst(%dma_wait3A_119 : memref<64x128xf32, #tpu.memory_space<vmem_shared>>)
        tpu.yield
      }) : () -> ()
      %mul3A_19 = arith.constant 640 : i32
      %mul3A_20 = arith.muli %arg1, %mul3A_19 : i32
      %add3A_21 = arith.constant 128 : i32
      %add3A_22 = arith.addi %mul3A_20, %add3A_21 : i32
      "tpu.region"() ({
        %run_scoped3A = tpu.sem_alloc : memref<!tpu.dma_semaphore, #tpu.memory_space<semaphore_mem>>
        %dma_start3A_103 = arith.constant 0 : i32
        %dma_start3A_104 = arith.constant 0 : i32
        %dma_start3A_105 = tpu.memref_slice %arg12[%dma_start3A_103, %dma_start3A_104] : memref<128x128xf32, #tpu.memory_space<vmem>> -> memref<64x128xf32, #tpu.memory_space<vmem>>
        %dma_start3A_106 = arith.constant 0 : i32
        %dma_start3A_107 = tpu.memref_slice %arg13[%add3A_22, %dma_start3A_106] : memref<10240x128xf32, #tpu.memory_space<vmem_shared>> -> memref<64x128xf32, #tpu.memory_space<vmem_shared>>
        %dma_start3A_108 = arith.constant 0 : i32
        %dma_start3A_109 = tpu.memref_slice %arg13[%add3A_22, %dma_start3A_108] : memref<10240x128xf32, #tpu.memory_space<vmem_shared>> -> memref<64x128xf32, #tpu.memory_space<vmem_shared>>
        %dma_start3A_110 = arith.constant 0 : i32
        %dma_start3A_111 = arith.constant 0 : i32
        %dma_start3A_112 = tpu.memref_slice %arg12[%dma_start3A_110, %dma_start3A_111] : memref<128x128xf32, #tpu.memory_space<vmem>> -> memref<64x128xf32, #tpu.memory_space<vmem>>
        tpu.enqueue_dma source(%dma_start3A_112 : memref<64x128xf32, #tpu.memory_space<vmem>>) target(%dma_start3A_109 : memref<64x128xf32, #tpu.memory_space<vmem_shared>>) target_semaphore(%run_scoped3A : memref<!tpu.dma_semaphore, #tpu.memory_space<semaphore_mem>>)
        %dma_wait3A_113 = arith.constant 0 : i32
        %dma_wait3A_114 = arith.constant 0 : i32
        %dma_wait3A_115 = tpu.memref_slice %arg12[%dma_wait3A_113, %dma_wait3A_114] : memref<128x128xf32, #tpu.memory_space<vmem>> -> memref<64x128xf32, #tpu.memory_space<vmem>>
        %dma_wait3A_116 = arith.constant 0 : i32
        %dma_wait3A_117 = tpu.memref_slice %arg13[%add3A_22, %dma_wait3A_116] : memref<10240x128xf32, #tpu.memory_space<vmem_shared>> -> memref<64x128xf32, #tpu.memory_space<vmem_shared>>
        %dma_wait3A_118 = arith.constant 0 : i32
        %dma_wait3A_119 = tpu.memref_slice %arg13[%add3A_22, %dma_wait3A_118] : memref<10240x128xf32, #tpu.memory_space<vmem_shared>> -> memref<64x128xf32, #tpu.memory_space<vmem_shared>>
        %dma_wait3A_120 = arith.constant 0 : i32
        %dma_wait3A_121 = arith.constant 0 : i32
        %dma_wait3A_122 = tpu.memref_slice %arg12[%dma_wait3A_120, %dma_wait3A_121] : memref<128x128xf32, #tpu.memory_space<vmem>> -> memref<64x128xf32, #tpu.memory_space<vmem>>
        tpu.wait_dma2 semaphore(%run_scoped3A : memref<!tpu.dma_semaphore, #tpu.memory_space<semaphore_mem>>) src(%dma_wait3A_122 : memref<64x128xf32, #tpu.memory_space<vmem>>) dst(%dma_wait3A_119 : memref<64x128xf32, #tpu.memory_space<vmem_shared>>)
        tpu.yield
      }) : () -> ()
      %mul3A_23 = arith.constant 640 : i32
      %mul3A_24 = arith.muli %arg1, %mul3A_23 : i32
      %add3A_25 = arith.constant 192 : i32
      %add3A_26 = arith.addi %mul3A_24, %add3A_25 : i32
      "tpu.region"() ({
        %run_scoped3A = tpu.sem_alloc : memref<!tpu.dma_semaphore, #tpu.memory_space<semaphore_mem>>
        %dma_start3A_103 = arith.constant 0 : i32
        %dma_start3A_104 = arith.constant 0 : i32
        %dma_start3A_105 = tpu.memref_slice %arg12[%dma_start3A_103, %dma_start3A_104] : memref<128x128xf32, #tpu.memory_space<vmem>> -> memref<64x128xf32, #tpu.memory_space<vmem>>
        %dma_start3A_106 = arith.constant 0 : i32
        %dma_start3A_107 = tpu.memref_slice %arg13[%add3A_26, %dma_start3A_106] : memref<10240x128xf32, #tpu.memory_space<vmem_shared>> -> memref<64x128xf32, #tpu.memory_space<vmem_shared>>
        %dma_start3A_108 = arith.constant 0 : i32
        %dma_start3A_109 = tpu.memref_slice %arg13[%add3A_26, %dma_start3A_108] : memref<10240x128xf32, #tpu.memory_space<vmem_shared>> -> memref<64x128xf32, #tpu.memory_space<vmem_shared>>
        %dma_start3A_110 = arith.constant 0 : i32
        %dma_start3A_111 = arith.constant 0 : i32
        %dma_start3A_112 = tpu.memref_slice %arg12[%dma_start3A_110, %dma_start3A_111] : memref<128x128xf32, #tpu.memory_space<vmem>> -> memref<64x128xf32, #tpu.memory_space<vmem>>
        tpu.enqueue_dma source(%dma_start3A_112 : memref<64x128xf32, #tpu.memory_space<vmem>>) target(%dma_start3A_109 : memref<64x128xf32, #tpu.memory_space<vmem_shared>>) target_semaphore(%run_scoped3A : memref<!tpu.dma_semaphore, #tpu.memory_space<semaphore_mem>>)
        %dma_wait3A_113 = arith.constant 0 : i32
        %dma_wait3A_114 = arith.constant 0 : i32
        %dma_wait3A_115 = tpu.memref_slice %arg12[%dma_wait3A_113, %dma_wait3A_114] : memref<128x128xf32, #tpu.memory_space<vmem>> -> memref<64x128xf32, #tpu.memory_space<vmem>>
        %dma_wait3A_116 = arith.constant 0 : i32
        %dma_wait3A_117 = tpu.memref_slice %arg13[%add3A_26, %dma_wait3A_116] : memref<10240x128xf32, #tpu.memory_space<vmem_shared>> -> memref<64x128xf32, #tpu.memory_space<vmem_shared>>
        %dma_wait3A_118 = arith.constant 0 : i32
        %dma_wait3A_119 = tpu.memref_slice %arg13[%add3A_26, %dma_wait3A_118] : memref<10240x128xf32, #tpu.memory_space<vmem_shared>> -> memref<64x128xf32, #tpu.memory_space<vmem_shared>>
        %dma_wait3A_120 = arith.constant 0 : i32
        %dma_wait3A_121 = arith.constant 0 : i32
        %dma_wait3A_122 = tpu.memref_slice %arg12[%dma_wait3A_120, %dma_wait3A_121] : memref<128x128xf32, #tpu.memory_space<vmem>> -> memref<64x128xf32, #tpu.memory_space<vmem>>
        tpu.wait_dma2 semaphore(%run_scoped3A : memref<!tpu.dma_semaphore, #tpu.memory_space<semaphore_mem>>) src(%dma_wait3A_122 : memref<64x128xf32, #tpu.memory_space<vmem>>) dst(%dma_wait3A_119 : memref<64x128xf32, #tpu.memory_space<vmem_shared>>)
        tpu.yield
      }) : () -> ()
      %mul3A_27 = arith.constant 640 : i32
      %mul3A_28 = arith.muli %arg1, %mul3A_27 : i32
      %add3A_29 = arith.constant 256 : i32
      %add3A_30 = arith.addi %mul3A_28, %add3A_29 : i32
      "tpu.region"() ({
        %run_scoped3A = tpu.sem_alloc : memref<!tpu.dma_semaphore, #tpu.memory_space<semaphore_mem>>
        %dma_start3A_103 = arith.constant 0 : i32
        %dma_start3A_104 = arith.constant 0 : i32
        %dma_start3A_105 = tpu.memref_slice %arg12[%dma_start3A_103, %dma_start3A_104] : memref<128x128xf32, #tpu.memory_space<vmem>> -> memref<64x128xf32, #tpu.memory_space<vmem>>
        %dma_start3A_106 = arith.constant 0 : i32
        %dma_start3A_107 = tpu.memref_slice %arg13[%add3A_30, %dma_start3A_106] : memref<10240x128xf32, #tpu.memory_space<vmem_shared>> -> memref<64x128xf32, #tpu.memory_space<vmem_shared>>
        %dma_start3A_108 = arith.constant 0 : i32
        %dma_start3A_109 = tpu.memref_slice %arg13[%add3A_30, %dma_start3A_108] : memref<10240x128xf32, #tpu.memory_space<vmem_shared>> -> memref<64x128xf32, #tpu.memory_space<vmem_shared>>
        %dma_start3A_110 = arith.constant 0 : i32
        %dma_start3A_111 = arith.constant 0 : i32
        %dma_start3A_112 = tpu.memref_slice %arg12[%dma_start3A_110, %dma_start3A_111] : memref<128x128xf32, #tpu.memory_space<vmem>> -> memref<64x128xf32, #tpu.memory_space<vmem>>
        tpu.enqueue_dma source(%dma_start3A_112 : memref<64x128xf32, #tpu.memory_space<vmem>>) target(%dma_start3A_109 : memref<64x128xf32, #tpu.memory_space<vmem_shared>>) target_semaphore(%run_scoped3A : memref<!tpu.dma_semaphore, #tpu.memory_space<semaphore_mem>>)
        %dma_wait3A_113 = arith.constant 0 : i32
        %dma_wait3A_114 = arith.constant 0 : i32
        %dma_wait3A_115 = tpu.memref_slice %arg12[%dma_wait3A_113, %dma_wait3A_114] : memref<128x128xf32, #tpu.memory_space<vmem>> -> memref<64x128xf32, #tpu.memory_space<vmem>>
        %dma_wait3A_116 = arith.constant 0 : i32
        %dma_wait3A_117 = tpu.memref_slice %arg13[%add3A_30, %dma_wait3A_116] : memref<10240x128xf32, #tpu.memory_space<vmem_shared>> -> memref<64x128xf32, #tpu.memory_space<vmem_shared>>
        %dma_wait3A_118 = arith.constant 0 : i32
        %dma_wait3A_119 = tpu.memref_slice %arg13[%add3A_30, %dma_wait3A_118] : memref<10240x128xf32, #tpu.memory_space<vmem_shared>> -> memref<64x128xf32, #tpu.memory_space<vmem_shared>>
        %dma_wait3A_120 = arith.constant 0 : i32
        %dma_wait3A_121 = arith.constant 0 : i32
        %dma_wait3A_122 = tpu.memref_slice %arg12[%dma_wait3A_120, %dma_wait3A_121] : memref<128x128xf32, #tpu.memory_space<vmem>> -> memref<64x128xf32, #tpu.memory_space<vmem>>
        tpu.wait_dma2 semaphore(%run_scoped3A : memref<!tpu.dma_semaphore, #tpu.memory_space<semaphore_mem>>) src(%dma_wait3A_122 : memref<64x128xf32, #tpu.memory_space<vmem>>) dst(%dma_wait3A_119 : memref<64x128xf32, #tpu.memory_space<vmem_shared>>)
        tpu.yield
      }) : () -> ()
      %mul3A_31 = arith.constant 640 : i32
      %mul3A_32 = arith.muli %arg1, %mul3A_31 : i32
      %add3A_33 = arith.constant 320 : i32
      %add3A_34 = arith.addi %mul3A_32, %add3A_33 : i32
      "tpu.region"() ({
        %run_scoped3A = tpu.sem_alloc : memref<!tpu.dma_semaphore, #tpu.memory_space<semaphore_mem>>
        %dma_start3A_103 = arith.constant 0 : i32
        %dma_start3A_104 = arith.constant 0 : i32
        %dma_start3A_105 = tpu.memref_slice %arg12[%dma_start3A_103, %dma_start3A_104] : memref<128x128xf32, #tpu.memory_space<vmem>> -> memref<64x128xf32, #tpu.memory_space<vmem>>
        %dma_start3A_106 = arith.constant 0 : i32
        %dma_start3A_107 = tpu.memref_slice %arg13[%add3A_34, %dma_start3A_106] : memref<10240x128xf32, #tpu.memory_space<vmem_shared>> -> memref<64x128xf32, #tpu.memory_space<vmem_shared>>
        %dma_start3A_108 = arith.constant 0 : i32
        %dma_start3A_109 = tpu.memref_slice %arg13[%add3A_34, %dma_start3A_108] : memref<10240x128xf32, #tpu.memory_space<vmem_shared>> -> memref<64x128xf32, #tpu.memory_space<vmem_shared>>
        %dma_start3A_110 = arith.constant 0 : i32
        %dma_start3A_111 = arith.constant 0 : i32
        %dma_start3A_112 = tpu.memref_slice %arg12[%dma_start3A_110, %dma_start3A_111] : memref<128x128xf32, #tpu.memory_space<vmem>> -> memref<64x128xf32, #tpu.memory_space<vmem>>
        tpu.enqueue_dma source(%dma_start3A_112 : memref<64x128xf32, #tpu.memory_space<vmem>>) target(%dma_start3A_109 : memref<64x128xf32, #tpu.memory_space<vmem_shared>>) target_semaphore(%run_scoped3A : memref<!tpu.dma_semaphore, #tpu.memory_space<semaphore_mem>>)
        %dma_wait3A_113 = arith.constant 0 : i32
        %dma_wait3A_114 = arith.constant 0 : i32
        %dma_wait3A_115 = tpu.memref_slice %arg12[%dma_wait3A_113, %dma_wait3A_114] : memref<128x128xf32, #tpu.memory_space<vmem>> -> memref<64x128xf32, #tpu.memory_space<vmem>>
        %dma_wait3A_116 = arith.constant 0 : i32
        %dma_wait3A_117 = tpu.memref_slice %arg13[%add3A_34, %dma_wait3A_116] : memref<10240x128xf32, #tpu.memory_space<vmem_shared>> -> memref<64x128xf32, #tpu.memory_space<vmem_shared>>
        %dma_wait3A_118 = arith.constant 0 : i32
        %dma_wait3A_119 = tpu.memref_slice %arg13[%add3A_34, %dma_wait3A_118] : memref<10240x128xf32, #tpu.memory_space<vmem_shared>> -> memref<64x128xf32, #tpu.memory_space<vmem_shared>>
        %dma_wait3A_120 = arith.constant 0 : i32
        %dma_wait3A_121 = arith.constant 0 : i32
        %dma_wait3A_122 = tpu.memref_slice %arg12[%dma_wait3A_120, %dma_wait3A_121] : memref<128x128xf32, #tpu.memory_space<vmem>> -> memref<64x128xf32, #tpu.memory_space<vmem>>
        tpu.wait_dma2 semaphore(%run_scoped3A : memref<!tpu.dma_semaphore, #tpu.memory_space<semaphore_mem>>) src(%dma_wait3A_122 : memref<64x128xf32, #tpu.memory_space<vmem>>) dst(%dma_wait3A_119 : memref<64x128xf32, #tpu.memory_space<vmem_shared>>)
        tpu.yield
      }) : () -> ()
      %mul3A_35 = arith.constant 640 : i32
      %mul3A_36 = arith.muli %arg1, %mul3A_35 : i32
      %add3A_37 = arith.constant 384 : i32
      %add3A_38 = arith.addi %mul3A_36, %add3A_37 : i32
      "tpu.region"() ({
        %run_scoped3A = tpu.sem_alloc : memref<!tpu.dma_semaphore, #tpu.memory_space<semaphore_mem>>
        %dma_start3A_103 = arith.constant 0 : i32
        %dma_start3A_104 = arith.constant 0 : i32
        %dma_start3A_105 = tpu.memref_slice %arg12[%dma_start3A_103, %dma_start3A_104] : memref<128x128xf32, #tpu.memory_space<vmem>> -> memref<64x128xf32, #tpu.memory_space<vmem>>
        %dma_start3A_106 = arith.constant 0 : i32
        %dma_start3A_107 = tpu.memref_slice %arg13[%add3A_38, %dma_start3A_106] : memref<10240x128xf32, #tpu.memory_space<vmem_shared>> -> memref<64x128xf32, #tpu.memory_space<vmem_shared>>
        %dma_start3A_108 = arith.constant 0 : i32
        %dma_start3A_109 = tpu.memref_slice %arg13[%add3A_38, %dma_start3A_108] : memref<10240x128xf32, #tpu.memory_space<vmem_shared>> -> memref<64x128xf32, #tpu.memory_space<vmem_shared>>
        %dma_start3A_110 = arith.constant 0 : i32
        %dma_start3A_111 = arith.constant 0 : i32
        %dma_start3A_112 = tpu.memref_slice %arg12[%dma_start3A_110, %dma_start3A_111] : memref<128x128xf32, #tpu.memory_space<vmem>> -> memref<64x128xf32, #tpu.memory_space<vmem>>
        tpu.enqueue_dma source(%dma_start3A_112 : memref<64x128xf32, #tpu.memory_space<vmem>>) target(%dma_start3A_109 : memref<64x128xf32, #tpu.memory_space<vmem_shared>>) target_semaphore(%run_scoped3A : memref<!tpu.dma_semaphore, #tpu.memory_space<semaphore_mem>>)
        %dma_wait3A_113 = arith.constant 0 : i32
        %dma_wait3A_114 = arith.constant 0 : i32
        %dma_wait3A_115 = tpu.memref_slice %arg12[%dma_wait3A_113, %dma_wait3A_114] : memref<128x128xf32, #tpu.memory_space<vmem>> -> memref<64x128xf32, #tpu.memory_space<vmem>>
        %dma_wait3A_116 = arith.constant 0 : i32
        %dma_wait3A_117 = tpu.memref_slice %arg13[%add3A_38, %dma_wait3A_116] : memref<10240x128xf32, #tpu.memory_space<vmem_shared>> -> memref<64x128xf32, #tpu.memory_space<vmem_shared>>
        %dma_wait3A_118 = arith.constant 0 : i32
        %dma_wait3A_119 = tpu.memref_slice %arg13[%add3A_38, %dma_wait3A_118] : memref<10240x128xf32, #tpu.memory_space<vmem_shared>> -> memref<64x128xf32, #tpu.memory_space<vmem_shared>>
        %dma_wait3A_120 = arith.constant 0 : i32
        %dma_wait3A_121 = arith.constant 0 : i32
        %dma_wait3A_122 = tpu.memref_slice %arg12[%dma_wait3A_120, %dma_wait3A_121] : memref<128x128xf32, #tpu.memory_space<vmem>> -> memref<64x128xf32, #tpu.memory_space<vmem>>
        tpu.wait_dma2 semaphore(%run_scoped3A : memref<!tpu.dma_semaphore, #tpu.memory_space<semaphore_mem>>) src(%dma_wait3A_122 : memref<64x128xf32, #tpu.memory_space<vmem>>) dst(%dma_wait3A_119 : memref<64x128xf32, #tpu.memory_space<vmem_shared>>)
        tpu.yield
      }) : () -> ()
      %mul3A_39 = arith.constant 640 : i32
      %mul3A_40 = arith.muli %arg1, %mul3A_39 : i32
      %add3A_41 = arith.constant 448 : i32
      %add3A_42 = arith.addi %mul3A_40, %add3A_41 : i32
      "tpu.region"() ({
        %run_scoped3A = tpu.sem_alloc : memref<!tpu.dma_semaphore, #tpu.memory_space<semaphore_mem>>
        %dma_start3A_103 = arith.constant 0 : i32
        %dma_start3A_104 = arith.constant 0 : i32
        %dma_start3A_105 = tpu.memref_slice %arg12[%dma_start3A_103, %dma_start3A_104] : memref<128x128xf32, #tpu.memory_space<vmem>> -> memref<64x128xf32, #tpu.memory_space<vmem>>
        %dma_start3A_106 = arith.constant 0 : i32
        %dma_start3A_107 = tpu.memref_slice %arg13[%add3A_42, %dma_start3A_106] : memref<10240x128xf32, #tpu.memory_space<vmem_shared>> -> memref<64x128xf32, #tpu.memory_space<vmem_shared>>
        %dma_start3A_108 = arith.constant 0 : i32
        %dma_start3A_109 = tpu.memref_slice %arg13[%add3A_42, %dma_start3A_108] : memref<10240x128xf32, #tpu.memory_space<vmem_shared>> -> memref<64x128xf32, #tpu.memory_space<vmem_shared>>
        %dma_start3A_110 = arith.constant 0 : i32
        %dma_start3A_111 = arith.constant 0 : i32
        %dma_start3A_112 = tpu.memref_slice %arg12[%dma_start3A_110, %dma_start3A_111] : memref<128x128xf32, #tpu.memory_space<vmem>> -> memref<64x128xf32, #tpu.memory_space<vmem>>
        tpu.enqueue_dma source(%dma_start3A_112 : memref<64x128xf32, #tpu.memory_space<vmem>>) target(%dma_start3A_109 : memref<64x128xf32, #tpu.memory_space<vmem_shared>>) target_semaphore(%run_scoped3A : memref<!tpu.dma_semaphore, #tpu.memory_space<semaphore_mem>>)
        %dma_wait3A_113 = arith.constant 0 : i32
        %dma_wait3A_114 = arith.constant 0 : i32
        %dma_wait3A_115 = tpu.memref_slice %arg12[%dma_wait3A_113, %dma_wait3A_114] : memref<128x128xf32, #tpu.memory_space<vmem>> -> memref<64x128xf32, #tpu.memory_space<vmem>>
        %dma_wait3A_116 = arith.constant 0 : i32
        %dma_wait3A_117 = tpu.memref_slice %arg13[%add3A_42, %dma_wait3A_116] : memref<10240x128xf32, #tpu.memory_space<vmem_shared>> -> memref<64x128xf32, #tpu.memory_space<vmem_shared>>
        %dma_wait3A_118 = arith.constant 0 : i32
        %dma_wait3A_119 = tpu.memref_slice %arg13[%add3A_42, %dma_wait3A_118] : memref<10240x128xf32, #tpu.memory_space<vmem_shared>> -> memref<64x128xf32, #tpu.memory_space<vmem_shared>>
        %dma_wait3A_120 = arith.constant 0 : i32
        %dma_wait3A_121 = arith.constant 0 : i32
        %dma_wait3A_122 = tpu.memref_slice %arg12[%dma_wait3A_120, %dma_wait3A_121] : memref<128x128xf32, #tpu.memory_space<vmem>> -> memref<64x128xf32, #tpu.memory_space<vmem>>
        tpu.wait_dma2 semaphore(%run_scoped3A : memref<!tpu.dma_semaphore, #tpu.memory_space<semaphore_mem>>) src(%dma_wait3A_122 : memref<64x128xf32, #tpu.memory_space<vmem>>) dst(%dma_wait3A_119 : memref<64x128xf32, #tpu.memory_space<vmem_shared>>)
        tpu.yield
      }) : () -> ()
      %mul3A_43 = arith.constant 640 : i32
      %mul3A_44 = arith.muli %arg1, %mul3A_43 : i32
      %add3A_45 = arith.constant 512 : i32
      %add3A_46 = arith.addi %mul3A_44, %add3A_45 : i32
      "tpu.region"() ({
        %run_scoped3A = tpu.sem_alloc : memref<!tpu.dma_semaphore, #tpu.memory_space<semaphore_mem>>
        %dma_start3A_103 = arith.constant 0 : i32
        %dma_start3A_104 = arith.constant 0 : i32
        %dma_start3A_105 = tpu.memref_slice %arg12[%dma_start3A_103, %dma_start3A_104] : memref<128x128xf32, #tpu.memory_space<vmem>> -> memref<64x128xf32, #tpu.memory_space<vmem>>
        %dma_start3A_106 = arith.constant 0 : i32
        %dma_start3A_107 = tpu.memref_slice %arg13[%add3A_46, %dma_start3A_106] : memref<10240x128xf32, #tpu.memory_space<vmem_shared>> -> memref<64x128xf32, #tpu.memory_space<vmem_shared>>
        %dma_start3A_108 = arith.constant 0 : i32
        %dma_start3A_109 = tpu.memref_slice %arg13[%add3A_46, %dma_start3A_108] : memref<10240x128xf32, #tpu.memory_space<vmem_shared>> -> memref<64x128xf32, #tpu.memory_space<vmem_shared>>
        %dma_start3A_110 = arith.constant 0 : i32
        %dma_start3A_111 = arith.constant 0 : i32
        %dma_start3A_112 = tpu.memref_slice %arg12[%dma_start3A_110, %dma_start3A_111] : memref<128x128xf32, #tpu.memory_space<vmem>> -> memref<64x128xf32, #tpu.memory_space<vmem>>
        tpu.enqueue_dma source(%dma_start3A_112 : memref<64x128xf32, #tpu.memory_space<vmem>>) target(%dma_start3A_109 : memref<64x128xf32, #tpu.memory_space<vmem_shared>>) target_semaphore(%run_scoped3A : memref<!tpu.dma_semaphore, #tpu.memory_space<semaphore_mem>>)
        %dma_wait3A_113 = arith.constant 0 : i32
        %dma_wait3A_114 = arith.constant 0 : i32
        %dma_wait3A_115 = tpu.memref_slice %arg12[%dma_wait3A_113, %dma_wait3A_114] : memref<128x128xf32, #tpu.memory_space<vmem>> -> memref<64x128xf32, #tpu.memory_space<vmem>>
        %dma_wait3A_116 = arith.constant 0 : i32
        %dma_wait3A_117 = tpu.memref_slice %arg13[%add3A_46, %dma_wait3A_116] : memref<10240x128xf32, #tpu.memory_space<vmem_shared>> -> memref<64x128xf32, #tpu.memory_space<vmem_shared>>
        %dma_wait3A_118 = arith.constant 0 : i32
        %dma_wait3A_119 = tpu.memref_slice %arg13[%add3A_46, %dma_wait3A_118] : memref<10240x128xf32, #tpu.memory_space<vmem_shared>> -> memref<64x128xf32, #tpu.memory_space<vmem_shared>>
        %dma_wait3A_120 = arith.constant 0 : i32
        %dma_wait3A_121 = arith.constant 0 : i32
        %dma_wait3A_122 = tpu.memref_slice %arg12[%dma_wait3A_120, %dma_wait3A_121] : memref<128x128xf32, #tpu.memory_space<vmem>> -> memref<64x128xf32, #tpu.memory_space<vmem>>
        tpu.wait_dma2 semaphore(%run_scoped3A : memref<!tpu.dma_semaphore, #tpu.memory_space<semaphore_mem>>) src(%dma_wait3A_122 : memref<64x128xf32, #tpu.memory_space<vmem>>) dst(%dma_wait3A_119 : memref<64x128xf32, #tpu.memory_space<vmem_shared>>)
        tpu.yield
      }) : () -> ()
      %mul3A_47 = arith.constant 640 : i32
      %mul3A_48 = arith.muli %arg1, %mul3A_47 : i32
      %add3A_49 = arith.constant 576 : i32
      %add3A_50 = arith.addi %mul3A_48, %add3A_49 : i32
      "tpu.region"() ({
        %run_scoped3A = tpu.sem_alloc : memref<!tpu.dma_semaphore, #tpu.memory_space<semaphore_mem>>
        %dma_start3A_103 = arith.constant 0 : i32
        %dma_start3A_104 = arith.constant 0 : i32
        %dma_start3A_105 = tpu.memref_slice %arg12[%dma_start3A_103, %dma_start3A_104] : memref<128x128xf32, #tpu.memory_space<vmem>> -> memref<64x128xf32, #tpu.memory_space<vmem>>
        %dma_start3A_106 = arith.constant 0 : i32
        %dma_start3A_107 = tpu.memref_slice %arg13[%add3A_50, %dma_start3A_106] : memref<10240x128xf32, #tpu.memory_space<vmem_shared>> -> memref<64x128xf32, #tpu.memory_space<vmem_shared>>
        %dma_start3A_108 = arith.constant 0 : i32
        %dma_start3A_109 = tpu.memref_slice %arg13[%add3A_50, %dma_start3A_108] : memref<10240x128xf32, #tpu.memory_space<vmem_shared>> -> memref<64x128xf32, #tpu.memory_space<vmem_shared>>
        %dma_start3A_110 = arith.constant 0 : i32
        %dma_start3A_111 = arith.constant 0 : i32
        %dma_start3A_112 = tpu.memref_slice %arg12[%dma_start3A_110, %dma_start3A_111] : memref<128x128xf32, #tpu.memory_space<vmem>> -> memref<64x128xf32, #tpu.memory_space<vmem>>
        tpu.enqueue_dma source(%dma_start3A_112 : memref<64x128xf32, #tpu.memory_space<vmem>>) target(%dma_start3A_109 : memref<64x128xf32, #tpu.memory_space<vmem_shared>>) target_semaphore(%run_scoped3A : memref<!tpu.dma_semaphore, #tpu.memory_space<semaphore_mem>>)
        %dma_wait3A_113 = arith.constant 0 : i32
        %dma_wait3A_114 = arith.constant 0 : i32
        %dma_wait3A_115 = tpu.memref_slice %arg12[%dma_wait3A_113, %dma_wait3A_114] : memref<128x128xf32, #tpu.memory_space<vmem>> -> memref<64x128xf32, #tpu.memory_space<vmem>>
        %dma_wait3A_116 = arith.constant 0 : i32
        %dma_wait3A_117 = tpu.memref_slice %arg13[%add3A_50, %dma_wait3A_116] : memref<10240x128xf32, #tpu.memory_space<vmem_shared>> -> memref<64x128xf32, #tpu.memory_space<vmem_shared>>
        %dma_wait3A_118 = arith.constant 0 : i32
        %dma_wait3A_119 = tpu.memref_slice %arg13[%add3A_50, %dma_wait3A_118] : memref<10240x128xf32, #tpu.memory_space<vmem_shared>> -> memref<64x128xf32, #tpu.memory_space<vmem_shared>>
        %dma_wait3A_120 = arith.constant 0 : i32
        %dma_wait3A_121 = arith.constant 0 : i32
        %dma_wait3A_122 = tpu.memref_slice %arg12[%dma_wait3A_120, %dma_wait3A_121] : memref<128x128xf32, #tpu.memory_space<vmem>> -> memref<64x128xf32, #tpu.memory_space<vmem>>
        tpu.wait_dma2 semaphore(%run_scoped3A : memref<!tpu.dma_semaphore, #tpu.memory_space<semaphore_mem>>) src(%dma_wait3A_122 : memref<64x128xf32, #tpu.memory_space<vmem>>) dst(%dma_wait3A_119 : memref<64x128xf32, #tpu.memory_space<vmem_shared>>)
        tpu.yield
      }) : () -> ()
      %barrier3A = arith.constant 0 : index
      tpu.barrier barrier_id(%barrier3A)
      %scan3A = arith.constant 0 : i32
      %scan3A_51 = arith.constant 0 : i32
      %scan3A_52 = arith.constant 20 : i32
      %scan3A_53 = arith.addi %scan3A_51, %scan3A_52 : i32
      %scan3A_54 = arith.constant 1 : i32
      %scan3A_55 = scf.for %scan3A_103 = %scan3A_51 to %scan3A_53 step %scan3A_54 iter_args(%scan3A_104 = %scan3A) -> (i32)  : i32 {
        %mul3A_105 = arith.constant 2 : i32
        %mul3A_106 = arith.muli %mul3A_105, %scan3A_103 : i32
        %add3A_107 = arith.constant 1 : i32
        %add3A_108 = arith.addi %mul3A_106, %add3A_107 : i32
        %gt3A = arith.constant 0 : i32
        %gt3A_109 = arith.cmpi sgt, %scan3A_103, %gt3A : i32
        %convert_element_type3A_110 = arith.extui %gt3A_109 : i1 to i32
        %cond3A_111 = arith.constant 0 : i32
        %cond3A_112 = arith.cmpi ne, %convert_element_type3A_110, %cond3A_111 : i32
        scf.if %cond3A_112 {
          %sub3A = arith.constant 2 : i32
          %sub3A_148 = arith.subi %add3A_108, %sub3A : i32
          %dma_wait3A_149 = arith.constant 0 : i32
          %dma_wait3A_150 = tpu.memref_slice %arg10[%sub3A_148, %dma_wait3A_149] : memref<40x128xi32, #tpu.memory_space<vmem>> -> memref<1x128xi32, #tpu.memory_space<vmem>>
          %dma_wait3A_151 = tpu.memref_squeeze %dma_wait3A_150 : memref<1x128xi32, #tpu.memory_space<vmem>> -> memref<128xi32, #tpu.memory_space<vmem>>
          %dma_wait3A_152 = arith.constant 0 : i32
          %dma_wait3A_153 = arith.constant 0 : i32
          %dma_wait3A_154 = tpu.memref_slice %arg13[%dma_wait3A_152, %dma_wait3A_153] : memref<10240x128xf32, #tpu.memory_space<vmem_shared>> -> memref<10240x128xf32, #tpu.memory_space<vmem_shared>>
          tpu.wait_indirect_dma semaphore(%arg17 : memref<!tpu.dma_semaphore, #tpu.memory_space<semaphore_mem>>) src(%arg12 : memref<128x128xf32, #tpu.memory_space<vmem>>) dst(%dma_wait3A_154 : memref<10240x128xf32, #tpu.memory_space<vmem_shared>>)
        } else {
        }
        %dma_start3A_113 = arith.constant 0 : i32
        %dma_start3A_114 = tpu.memref_slice %arg9[%add3A_108, %dma_start3A_113] : memref<40x128xi32, #tpu.memory_space<vmem>> -> memref<1x128xi32, #tpu.memory_space<vmem>>
        %dma_start3A_115 = tpu.memref_squeeze %dma_start3A_114 : memref<1x128xi32, #tpu.memory_space<vmem>> -> memref<128xi32, #tpu.memory_space<vmem>>
        %dma_start3A_116 = arith.constant 0 : i32
        %dma_start3A_117 = arith.constant 0 : i32
        %dma_start3A_118 = tpu.memref_slice %arg3[%dma_start3A_116, %dma_start3A_117] : memref<51200x128xf32, #tpu.memory_space<hbm>> -> memref<51200x128xf32, #tpu.memory_space<hbm>>
        tpu.enqueue_indirect_dma source(%dma_start3A_118 : memref<51200x128xf32, #tpu.memory_space<hbm>>) target(%arg12 : memref<128x128xf32, #tpu.memory_space<vmem>>) offsets(%dma_start3A_115 : memref<128xi32, #tpu.memory_space<vmem>>) semaphore(%arg15 : memref<!tpu.dma_semaphore, #tpu.memory_space<semaphore_mem>>)
        %dma_wait3A_119 = arith.constant 0 : i32
        %dma_wait3A_120 = tpu.memref_slice %arg9[%mul3A_106, %dma_wait3A_119] : memref<40x128xi32, #tpu.memory_space<vmem>> -> memref<1x128xi32, #tpu.memory_space<vmem>>
        %dma_wait3A_121 = tpu.memref_squeeze %dma_wait3A_120 : memref<1x128xi32, #tpu.memory_space<vmem>> -> memref<128xi32, #tpu.memory_space<vmem>>
        %dma_wait3A_122 = arith.constant 0 : i32
        %dma_wait3A_123 = arith.constant 0 : i32
        %dma_wait3A_124 = tpu.memref_slice %arg3[%dma_wait3A_122, %dma_wait3A_123] : memref<51200x128xf32, #tpu.memory_space<hbm>> -> memref<51200x128xf32, #tpu.memory_space<hbm>>
        tpu.wait_indirect_dma semaphore(%arg14 : memref<!tpu.dma_semaphore, #tpu.memory_space<semaphore_mem>>) src(%dma_wait3A_124 : memref<51200x128xf32, #tpu.memory_space<hbm>>) dst(%arg11 : memref<128x128xf32, #tpu.memory_space<vmem>>)
        %dma_start3A_125 = arith.constant 0 : i32
        %dma_start3A_126 = tpu.memref_slice %arg10[%mul3A_106, %dma_start3A_125] : memref<40x128xi32, #tpu.memory_space<vmem>> -> memref<1x128xi32, #tpu.memory_space<vmem>>
        %dma_start3A_127 = tpu.memref_squeeze %dma_start3A_126 : memref<1x128xi32, #tpu.memory_space<vmem>> -> memref<128xi32, #tpu.memory_space<vmem>>
        %dma_start3A_128 = arith.constant 0 : i32
        %dma_start3A_129 = arith.constant 0 : i32
        %dma_start3A_130 = tpu.memref_slice %arg13[%dma_start3A_128, %dma_start3A_129] : memref<10240x128xf32, #tpu.memory_space<vmem_shared>> -> memref<10240x128xf32, #tpu.memory_space<vmem_shared>>
        tpu.enqueue_indirect_dma source(%arg11 : memref<128x128xf32, #tpu.memory_space<vmem>>) target(%dma_start3A_130 : memref<10240x128xf32, #tpu.memory_space<vmem_shared>>) offsets(%dma_start3A_127 : memref<128xi32, #tpu.memory_space<vmem>>) semaphore(%arg16 : memref<!tpu.dma_semaphore, #tpu.memory_space<semaphore_mem>>) {add = true}
        %lt3A = arith.constant 19 : i32
        %lt3A_131 = arith.cmpi slt, %scan3A_103, %lt3A : i32
        %convert_element_type3A_132 = arith.extui %lt3A_131 : i1 to i32
        %cond3A_133 = arith.constant 0 : i32
        %cond3A_134 = arith.cmpi ne, %convert_element_type3A_132, %cond3A_133 : i32
        scf.if %cond3A_134 {
          %dma_wait3A_148 = arith.constant 0 : i32
          %dma_wait3A_149 = tpu.memref_slice %arg10[%mul3A_106, %dma_wait3A_148] : memref<40x128xi32, #tpu.memory_space<vmem>> -> memref<1x128xi32, #tpu.memory_space<vmem>>
          %dma_wait3A_150 = tpu.memref_squeeze %dma_wait3A_149 : memref<1x128xi32, #tpu.memory_space<vmem>> -> memref<128xi32, #tpu.memory_space<vmem>>
          %dma_wait3A_151 = arith.constant 0 : i32
          %dma_wait3A_152 = arith.constant 0 : i32
          %dma_wait3A_153 = tpu.memref_slice %arg13[%dma_wait3A_151, %dma_wait3A_152] : memref<10240x128xf32, #tpu.memory_space<vmem_shared>> -> memref<10240x128xf32, #tpu.memory_space<vmem_shared>>
          tpu.wait_indirect_dma semaphore(%arg16 : memref<!tpu.dma_semaphore, #tpu.memory_space<semaphore_mem>>) src(%arg11 : memref<128x128xf32, #tpu.memory_space<vmem>>) dst(%dma_wait3A_153 : memref<10240x128xf32, #tpu.memory_space<vmem_shared>>)
          %add3A_154 = arith.constant 2 : i32
          %add3A_155 = arith.addi %mul3A_106, %add3A_154 : i32
          %dma_start3A_156 = arith.constant 0 : i32
          %dma_start3A_157 = tpu.memref_slice %arg9[%add3A_155, %dma_start3A_156] : memref<40x128xi32, #tpu.memory_space<vmem>> -> memref<1x128xi32, #tpu.memory_space<vmem>>
          %dma_start3A_158 = tpu.memref_squeeze %dma_start3A_157 : memref<1x128xi32, #tpu.memory_space<vmem>> -> memref<128xi32, #tpu.memory_space<vmem>>
          %dma_start3A_159 = arith.constant 0 : i32
          %dma_start3A_160 = arith.constant 0 : i32
          %dma_start3A_161 = tpu.memref_slice %arg3[%dma_start3A_159, %dma_start3A_160] : memref<51200x128xf32, #tpu.memory_space<hbm>> -> memref<51200x128xf32, #tpu.memory_space<hbm>>
          tpu.enqueue_indirect_dma source(%dma_start3A_161 : memref<51200x128xf32, #tpu.memory_space<hbm>>) target(%arg11 : memref<128x128xf32, #tpu.memory_space<vmem>>) offsets(%dma_start3A_158 : memref<128xi32, #tpu.memory_space<vmem>>) semaphore(%arg14 : memref<!tpu.dma_semaphore, #tpu.memory_space<semaphore_mem>>)
        } else {
        }
        %dma_wait3A_135 = arith.constant 0 : i32
        %dma_wait3A_136 = tpu.memref_slice %arg9[%add3A_108, %dma_wait3A_135] : memref<40x128xi32, #tpu.memory_space<vmem>> -> memref<1x128xi32, #tpu.memory_space<vmem>>
        %dma_wait3A_137 = tpu.memref_squeeze %dma_wait3A_136 : memref<1x128xi32, #tpu.memory_space<vmem>> -> memref<128xi32, #tpu.memory_space<vmem>>
        %dma_wait3A_138 = arith.constant 0 : i32
        %dma_wait3A_139 = arith.constant 0 : i32
        %dma_wait3A_140 = tpu.memref_slice %arg3[%dma_wait3A_138, %dma_wait3A_139] : memref<51200x128xf32, #tpu.memory_space<hbm>> -> memref<51200x128xf32, #tpu.memory_space<hbm>>
        tpu.wait_indirect_dma semaphore(%arg15 : memref<!tpu.dma_semaphore, #tpu.memory_space<semaphore_mem>>) src(%dma_wait3A_140 : memref<51200x128xf32, #tpu.memory_space<hbm>>) dst(%arg12 : memref<128x128xf32, #tpu.memory_space<vmem>>)
        %dma_start3A_141 = arith.constant 0 : i32
        %dma_start3A_142 = tpu.memref_slice %arg10[%add3A_108, %dma_start3A_141] : memref<40x128xi32, #tpu.memory_space<vmem>> -> memref<1x128xi32, #tpu.memory_space<vmem>>
        %dma_start3A_143 = tpu.memref_squeeze %dma_start3A_142 : memref<1x128xi32, #tpu.memory_space<vmem>> -> memref<128xi32, #tpu.memory_space<vmem>>
        %dma_start3A_144 = arith.constant 0 : i32
        %dma_start3A_145 = arith.constant 0 : i32
        %dma_start3A_146 = tpu.memref_slice %arg13[%dma_start3A_144, %dma_start3A_145] : memref<10240x128xf32, #tpu.memory_space<vmem_shared>> -> memref<10240x128xf32, #tpu.memory_space<vmem_shared>>
        tpu.enqueue_indirect_dma source(%arg12 : memref<128x128xf32, #tpu.memory_space<vmem>>) target(%dma_start3A_146 : memref<10240x128xf32, #tpu.memory_space<vmem_shared>>) offsets(%dma_start3A_143 : memref<128xi32, #tpu.memory_space<vmem>>) semaphore(%arg17 : memref<!tpu.dma_semaphore, #tpu.memory_space<semaphore_mem>>) {add = true}
        %scan3A_147 = arith.constant 0 : i32
        scf.yield %scan3A_147 : i32
      }
      %scan3A_56 = arith.constant 20 : i32
      %dma_wait3A = arith.constant 38 : i32
      %dma_wait3A_57 = arith.constant 0 : i32
      %dma_wait3A_58 = tpu.memref_slice %arg10[%dma_wait3A, %dma_wait3A_57] : memref<40x128xi32, #tpu.memory_space<vmem>> -> memref<1x128xi32, #tpu.memory_space<vmem>>
      %dma_wait3A_59 = tpu.memref_squeeze %dma_wait3A_58 : memref<1x128xi32, #tpu.memory_space<vmem>> -> memref<128xi32, #tpu.memory_space<vmem>>
      %dma_wait3A_60 = arith.constant 0 : i32
      %dma_wait3A_61 = arith.constant 0 : i32
      %dma_wait3A_62 = tpu.memref_slice %arg13[%dma_wait3A_60, %dma_wait3A_61] : memref<10240x128xf32, #tpu.memory_space<vmem_shared>> -> memref<10240x128xf32, #tpu.memory_space<vmem_shared>>
      tpu.wait_indirect_dma semaphore(%arg16 : memref<!tpu.dma_semaphore, #tpu.memory_space<semaphore_mem>>) src(%arg11 : memref<128x128xf32, #tpu.memory_space<vmem>>) dst(%dma_wait3A_62 : memref<10240x128xf32, #tpu.memory_space<vmem_shared>>)
      %dma_wait3A_63 = arith.constant 39 : i32
      %dma_wait3A_64 = arith.constant 0 : i32
      %dma_wait3A_65 = tpu.memref_slice %arg10[%dma_wait3A_63, %dma_wait3A_64] : memref<40x128xi32, #tpu.memory_space<vmem>> -> memref<1x128xi32, #tpu.memory_space<vmem>>
      %dma_wait3A_66 = tpu.memref_squeeze %dma_wait3A_65 : memref<1x128xi32, #tpu.memory_space<vmem>> -> memref<128xi32, #tpu.memory_space<vmem>>
      %dma_wait3A_67 = arith.constant 0 : i32
      %dma_wait3A_68 = arith.constant 0 : i32
      %dma_wait3A_69 = tpu.memref_slice %arg13[%dma_wait3A_67, %dma_wait3A_68] : memref<10240x128xf32, #tpu.memory_space<vmem_shared>> -> memref<10240x128xf32, #tpu.memory_space<vmem_shared>>
      tpu.wait_indirect_dma semaphore(%arg17 : memref<!tpu.dma_semaphore, #tpu.memory_space<semaphore_mem>>) src(%arg12 : memref<128x128xf32, #tpu.memory_space<vmem>>) dst(%dma_wait3A_69 : memref<10240x128xf32, #tpu.memory_space<vmem_shared>>)
      "tpu.region"() ({
        %run_scoped3A = tpu.sem_alloc : memref<!tpu.dma_semaphore, #tpu.memory_space<semaphore_mem>>
        %dma_start3A_103 = arith.constant 0 : i32
        %dma_start3A_104 = arith.constant 0 : i32
        %dma_start3A_105 = tpu.memref_slice %arg4[%arg1, %dma_start3A_103, %dma_start3A_104] : memref<16x80x128xi32, #tpu.memory_space<hbm>> -> memref<1x80x128xi32, #tpu.memory_space<hbm>>
        %dma_start3A_106 = tpu.memref_squeeze %dma_start3A_105 : memref<1x80x128xi32, #tpu.memory_space<hbm>> -> memref<80x128xi32, #tpu.memory_space<hbm>>
        %dma_start3A_107 = arith.constant 40 : i32
        %dma_start3A_108 = arith.constant 0 : i32
        %dma_start3A_109 = tpu.memref_slice %dma_start3A_106[%dma_start3A_107, %dma_start3A_108] : memref<80x128xi32, #tpu.memory_space<hbm>> -> memref<40x128xi32, #tpu.memory_space<hbm>>
        %dma_start3A_110 = arith.constant 0 : i32
        %dma_start3A_111 = arith.constant 0 : i32
        %dma_start3A_112 = tpu.memref_slice %arg4[%arg1, %dma_start3A_110, %dma_start3A_111] : memref<16x80x128xi32, #tpu.memory_space<hbm>> -> memref<1x80x128xi32, #tpu.memory_space<hbm>>
        %dma_start3A_113 = tpu.memref_squeeze %dma_start3A_112 : memref<1x80x128xi32, #tpu.memory_space<hbm>> -> memref<80x128xi32, #tpu.memory_space<hbm>>
        %dma_start3A_114 = arith.constant 40 : i32
        %dma_start3A_115 = arith.constant 0 : i32
        %dma_start3A_116 = tpu.memref_slice %dma_start3A_113[%dma_start3A_114, %dma_start3A_115] : memref<80x128xi32, #tpu.memory_space<hbm>> -> memref<40x128xi32, #tpu.memory_space<hbm>>
        tpu.enqueue_dma source(%dma_start3A_116 : memref<40x128xi32, #tpu.memory_space<hbm>>) target(%arg9 : memref<40x128xi32, #tpu.memory_space<vmem>>) target_semaphore(%run_scoped3A : memref<!tpu.dma_semaphore, #tpu.memory_space<semaphore_mem>>)
        %dma_wait3A_117 = arith.constant 0 : i32
        %dma_wait3A_118 = arith.constant 0 : i32
        %dma_wait3A_119 = tpu.memref_slice %arg4[%arg1, %dma_wait3A_117, %dma_wait3A_118] : memref<16x80x128xi32, #tpu.memory_space<hbm>> -> memref<1x80x128xi32, #tpu.memory_space<hbm>>
        %dma_wait3A_120 = tpu.memref_squeeze %dma_wait3A_119 : memref<1x80x128xi32, #tpu.memory_space<hbm>> -> memref<80x128xi32, #tpu.memory_space<hbm>>
        %dma_wait3A_121 = arith.constant 40 : i32
        %dma_wait3A_122 = arith.constant 0 : i32
        %dma_wait3A_123 = tpu.memref_slice %dma_wait3A_120[%dma_wait3A_121, %dma_wait3A_122] : memref<80x128xi32, #tpu.memory_space<hbm>> -> memref<40x128xi32, #tpu.memory_space<hbm>>
        %dma_wait3A_124 = arith.constant 0 : i32
        %dma_wait3A_125 = arith.constant 0 : i32
        %dma_wait3A_126 = tpu.memref_slice %arg4[%arg1, %dma_wait3A_124, %dma_wait3A_125] : memref<16x80x128xi32, #tpu.memory_space<hbm>> -> memref<1x80x128xi32, #tpu.memory_space<hbm>>
        %dma_wait3A_127 = tpu.memref_squeeze %dma_wait3A_126 : memref<1x80x128xi32, #tpu.memory_space<hbm>> -> memref<80x128xi32, #tpu.memory_space<hbm>>
        %dma_wait3A_128 = arith.constant 40 : i32
        %dma_wait3A_129 = arith.constant 0 : i32
        %dma_wait3A_130 = tpu.memref_slice %dma_wait3A_127[%dma_wait3A_128, %dma_wait3A_129] : memref<80x128xi32, #tpu.memory_space<hbm>> -> memref<40x128xi32, #tpu.memory_space<hbm>>
        tpu.wait_dma2 semaphore(%run_scoped3A : memref<!tpu.dma_semaphore, #tpu.memory_space<semaphore_mem>>) src(%dma_wait3A_130 : memref<40x128xi32, #tpu.memory_space<hbm>>) dst(%arg9 : memref<40x128xi32, #tpu.memory_space<vmem>>)
        tpu.yield
      }) : () -> ()
      "tpu.region"() ({
        %run_scoped3A = tpu.sem_alloc : memref<!tpu.dma_semaphore, #tpu.memory_space<semaphore_mem>>
        %dma_start3A_103 = arith.constant 0 : i32
        %dma_start3A_104 = arith.constant 0 : i32
        %dma_start3A_105 = tpu.memref_slice %arg5[%arg1, %dma_start3A_103, %dma_start3A_104] : memref<16x80x128xi32, #tpu.memory_space<hbm>> -> memref<1x80x128xi32, #tpu.memory_space<hbm>>
        %dma_start3A_106 = tpu.memref_squeeze %dma_start3A_105 : memref<1x80x128xi32, #tpu.memory_space<hbm>> -> memref<80x128xi32, #tpu.memory_space<hbm>>
        %dma_start3A_107 = arith.constant 40 : i32
        %dma_start3A_108 = arith.constant 0 : i32
        %dma_start3A_109 = tpu.memref_slice %dma_start3A_106[%dma_start3A_107, %dma_start3A_108] : memref<80x128xi32, #tpu.memory_space<hbm>> -> memref<40x128xi32, #tpu.memory_space<hbm>>
        %dma_start3A_110 = arith.constant 0 : i32
        %dma_start3A_111 = arith.constant 0 : i32
        %dma_start3A_112 = tpu.memref_slice %arg5[%arg1, %dma_start3A_110, %dma_start3A_111] : memref<16x80x128xi32, #tpu.memory_space<hbm>> -> memref<1x80x128xi32, #tpu.memory_space<hbm>>
        %dma_start3A_113 = tpu.memref_squeeze %dma_start3A_112 : memref<1x80x128xi32, #tpu.memory_space<hbm>> -> memref<80x128xi32, #tpu.memory_space<hbm>>
        %dma_start3A_114 = arith.constant 40 : i32
        %dma_start3A_115 = arith.constant 0 : i32
        %dma_start3A_116 = tpu.memref_slice %dma_start3A_113[%dma_start3A_114, %dma_start3A_115] : memref<80x128xi32, #tpu.memory_space<hbm>> -> memref<40x128xi32, #tpu.memory_space<hbm>>
        tpu.enqueue_dma source(%dma_start3A_116 : memref<40x128xi32, #tpu.memory_space<hbm>>) target(%arg10 : memref<40x128xi32, #tpu.memory_space<vmem>>) target_semaphore(%run_scoped3A : memref<!tpu.dma_semaphore, #tpu.memory_space<semaphore_mem>>)
        %dma_wait3A_117 = arith.constant 0 : i32
        %dma_wait3A_118 = arith.constant 0 : i32
        %dma_wait3A_119 = tpu.memref_slice %arg5[%arg1, %dma_wait3A_117, %dma_wait3A_118] : memref<16x80x128xi32, #tpu.memory_space<hbm>> -> memref<1x80x128xi32, #tpu.memory_space<hbm>>
        %dma_wait3A_120 = tpu.memref_squeeze %dma_wait3A_119 : memref<1x80x128xi32, #tpu.memory_space<hbm>> -> memref<80x128xi32, #tpu.memory_space<hbm>>
        %dma_wait3A_121 = arith.constant 40 : i32
        %dma_wait3A_122 = arith.constant 0 : i32
        %dma_wait3A_123 = tpu.memref_slice %dma_wait3A_120[%dma_wait3A_121, %dma_wait3A_122] : memref<80x128xi32, #tpu.memory_space<hbm>> -> memref<40x128xi32, #tpu.memory_space<hbm>>
        %dma_wait3A_124 = arith.constant 0 : i32
        %dma_wait3A_125 = arith.constant 0 : i32
        %dma_wait3A_126 = tpu.memref_slice %arg5[%arg1, %dma_wait3A_124, %dma_wait3A_125] : memref<16x80x128xi32, #tpu.memory_space<hbm>> -> memref<1x80x128xi32, #tpu.memory_space<hbm>>
        %dma_wait3A_127 = tpu.memref_squeeze %dma_wait3A_126 : memref<1x80x128xi32, #tpu.memory_space<hbm>> -> memref<80x128xi32, #tpu.memory_space<hbm>>
        %dma_wait3A_128 = arith.constant 40 : i32
        %dma_wait3A_129 = arith.constant 0 : i32
        %dma_wait3A_130 = tpu.memref_slice %dma_wait3A_127[%dma_wait3A_128, %dma_wait3A_129] : memref<80x128xi32, #tpu.memory_space<hbm>> -> memref<40x128xi32, #tpu.memory_space<hbm>>
        tpu.wait_dma2 semaphore(%run_scoped3A : memref<!tpu.dma_semaphore, #tpu.memory_space<semaphore_mem>>) src(%dma_wait3A_130 : memref<40x128xi32, #tpu.memory_space<hbm>>) dst(%arg10 : memref<40x128xi32, #tpu.memory_space<vmem>>)
        tpu.yield
      }) : () -> ()
      %dma_start3A_70 = arith.constant 0 : i32
      %dma_start3A_71 = arith.constant 0 : i32
      %dma_start3A_72 = tpu.memref_slice %arg9[%dma_start3A_70, %dma_start3A_71] : memref<40x128xi32, #tpu.memory_space<vmem>> -> memref<1x128xi32, #tpu.memory_space<vmem>>
      %dma_start3A_73 = tpu.memref_squeeze %dma_start3A_72 : memref<1x128xi32, #tpu.memory_space<vmem>> -> memref<128xi32, #tpu.memory_space<vmem>>
      %dma_start3A_74 = arith.constant 0 : i32
      %dma_start3A_75 = arith.constant 0 : i32
      %dma_start3A_76 = tpu.memref_slice %arg3[%dma_start3A_74, %dma_start3A_75] : memref<51200x128xf32, #tpu.memory_space<hbm>> -> memref<51200x128xf32, #tpu.memory_space<hbm>>
      tpu.enqueue_indirect_dma source(%dma_start3A_76 : memref<51200x128xf32, #tpu.memory_space<hbm>>) target(%arg11 : memref<128x128xf32, #tpu.memory_space<vmem>>) offsets(%dma_start3A_73 : memref<128xi32, #tpu.memory_space<vmem>>) semaphore(%arg14 : memref<!tpu.dma_semaphore, #tpu.memory_space<semaphore_mem>>)
      %scan3A_77 = arith.constant 0 : i32
      %scan3A_78 = arith.constant 0 : i32
      %scan3A_79 = arith.constant 20 : i32
      %scan3A_80 = arith.addi %scan3A_78, %scan3A_79 : i32
      %scan3A_81 = arith.constant 1 : i32
      %scan3A_82 = scf.for %scan3A_103 = %scan3A_78 to %scan3A_80 step %scan3A_81 iter_args(%scan3A_104 = %scan3A_77) -> (i32)  : i32 {
        %mul3A_105 = arith.constant 2 : i32
        %mul3A_106 = arith.muli %mul3A_105, %scan3A_103 : i32
        %add3A_107 = arith.constant 1 : i32
        %add3A_108 = arith.addi %mul3A_106, %add3A_107 : i32
        %gt3A = arith.constant 0 : i32
        %gt3A_109 = arith.cmpi sgt, %scan3A_103, %gt3A : i32
        %convert_element_type3A_110 = arith.extui %gt3A_109 : i1 to i32
        %cond3A_111 = arith.constant 0 : i32
        %cond3A_112 = arith.cmpi ne, %convert_element_type3A_110, %cond3A_111 : i32
        scf.if %cond3A_112 {
          %sub3A = arith.constant 2 : i32
          %sub3A_148 = arith.subi %add3A_108, %sub3A : i32
          %dma_wait3A_149 = arith.constant 0 : i32
          %dma_wait3A_150 = tpu.memref_slice %arg10[%sub3A_148, %dma_wait3A_149] : memref<40x128xi32, #tpu.memory_space<vmem>> -> memref<1x128xi32, #tpu.memory_space<vmem>>
          %dma_wait3A_151 = tpu.memref_squeeze %dma_wait3A_150 : memref<1x128xi32, #tpu.memory_space<vmem>> -> memref<128xi32, #tpu.memory_space<vmem>>
          %dma_wait3A_152 = arith.constant 0 : i32
          %dma_wait3A_153 = arith.constant 0 : i32
          %dma_wait3A_154 = tpu.memref_slice %arg13[%dma_wait3A_152, %dma_wait3A_153] : memref<10240x128xf32, #tpu.memory_space<vmem_shared>> -> memref<10240x128xf32, #tpu.memory_space<vmem_shared>>
          tpu.wait_indirect_dma semaphore(%arg17 : memref<!tpu.dma_semaphore, #tpu.memory_space<semaphore_mem>>) src(%arg12 : memref<128x128xf32, #tpu.memory_space<vmem>>) dst(%dma_wait3A_154 : memref<10240x128xf32, #tpu.memory_space<vmem_shared>>)
        } else {
        }
        %dma_start3A_113 = arith.constant 0 : i32
        %dma_start3A_114 = tpu.memref_slice %arg9[%add3A_108, %dma_start3A_113] : memref<40x128xi32, #tpu.memory_space<vmem>> -> memref<1x128xi32, #tpu.memory_space<vmem>>
        %dma_start3A_115 = tpu.memref_squeeze %dma_start3A_114 : memref<1x128xi32, #tpu.memory_space<vmem>> -> memref<128xi32, #tpu.memory_space<vmem>>
        %dma_start3A_116 = arith.constant 0 : i32
        %dma_start3A_117 = arith.constant 0 : i32
        %dma_start3A_118 = tpu.memref_slice %arg3[%dma_start3A_116, %dma_start3A_117] : memref<51200x128xf32, #tpu.memory_space<hbm>> -> memref<51200x128xf32, #tpu.memory_space<hbm>>
        tpu.enqueue_indirect_dma source(%dma_start3A_118 : memref<51200x128xf32, #tpu.memory_space<hbm>>) target(%arg12 : memref<128x128xf32, #tpu.memory_space<vmem>>) offsets(%dma_start3A_115 : memref<128xi32, #tpu.memory_space<vmem>>) semaphore(%arg15 : memref<!tpu.dma_semaphore, #tpu.memory_space<semaphore_mem>>)
        %dma_wait3A_119 = arith.constant 0 : i32
        %dma_wait3A_120 = tpu.memref_slice %arg9[%mul3A_106, %dma_wait3A_119] : memref<40x128xi32, #tpu.memory_space<vmem>> -> memref<1x128xi32, #tpu.memory_space<vmem>>
        %dma_wait3A_121 = tpu.memref_squeeze %dma_wait3A_120 : memref<1x128xi32, #tpu.memory_space<vmem>> -> memref<128xi32, #tpu.memory_space<vmem>>
        %dma_wait3A_122 = arith.constant 0 : i32
        %dma_wait3A_123 = arith.constant 0 : i32
        %dma_wait3A_124 = tpu.memref_slice %arg3[%dma_wait3A_122, %dma_wait3A_123] : memref<51200x128xf32, #tpu.memory_space<hbm>> -> memref<51200x128xf32, #tpu.memory_space<hbm>>
        tpu.wait_indirect_dma semaphore(%arg14 : memref<!tpu.dma_semaphore, #tpu.memory_space<semaphore_mem>>) src(%dma_wait3A_124 : memref<51200x128xf32, #tpu.memory_space<hbm>>) dst(%arg11 : memref<128x128xf32, #tpu.memory_space<vmem>>)
        %dma_start3A_125 = arith.constant 0 : i32
        %dma_start3A_126 = tpu.memref_slice %arg10[%mul3A_106, %dma_start3A_125] : memref<40x128xi32, #tpu.memory_space<vmem>> -> memref<1x128xi32, #tpu.memory_space<vmem>>
        %dma_start3A_127 = tpu.memref_squeeze %dma_start3A_126 : memref<1x128xi32, #tpu.memory_space<vmem>> -> memref<128xi32, #tpu.memory_space<vmem>>
        %dma_start3A_128 = arith.constant 0 : i32
        %dma_start3A_129 = arith.constant 0 : i32
        %dma_start3A_130 = tpu.memref_slice %arg13[%dma_start3A_128, %dma_start3A_129] : memref<10240x128xf32, #tpu.memory_space<vmem_shared>> -> memref<10240x128xf32, #tpu.memory_space<vmem_shared>>
        tpu.enqueue_indirect_dma source(%arg11 : memref<128x128xf32, #tpu.memory_space<vmem>>) target(%dma_start3A_130 : memref<10240x128xf32, #tpu.memory_space<vmem_shared>>) offsets(%dma_start3A_127 : memref<128xi32, #tpu.memory_space<vmem>>) semaphore(%arg16 : memref<!tpu.dma_semaphore, #tpu.memory_space<semaphore_mem>>) {add = true}
        %lt3A = arith.constant 19 : i32
        %lt3A_131 = arith.cmpi slt, %scan3A_103, %lt3A : i32
        %convert_element_type3A_132 = arith.extui %lt3A_131 : i1 to i32
        %cond3A_133 = arith.constant 0 : i32
        %cond3A_134 = arith.cmpi ne, %convert_element_type3A_132, %cond3A_133 : i32
        scf.if %cond3A_134 {
          %dma_wait3A_148 = arith.constant 0 : i32
          %dma_wait3A_149 = tpu.memref_slice %arg10[%mul3A_106, %dma_wait3A_148] : memref<40x128xi32, #tpu.memory_space<vmem>> -> memref<1x128xi32, #tpu.memory_space<vmem>>
          %dma_wait3A_150 = tpu.memref_squeeze %dma_wait3A_149 : memref<1x128xi32, #tpu.memory_space<vmem>> -> memref<128xi32, #tpu.memory_space<vmem>>
          %dma_wait3A_151 = arith.constant 0 : i32
          %dma_wait3A_152 = arith.constant 0 : i32
          %dma_wait3A_153 = tpu.memref_slice %arg13[%dma_wait3A_151, %dma_wait3A_152] : memref<10240x128xf32, #tpu.memory_space<vmem_shared>> -> memref<10240x128xf32, #tpu.memory_space<vmem_shared>>
          tpu.wait_indirect_dma semaphore(%arg16 : memref<!tpu.dma_semaphore, #tpu.memory_space<semaphore_mem>>) src(%arg11 : memref<128x128xf32, #tpu.memory_space<vmem>>) dst(%dma_wait3A_153 : memref<10240x128xf32, #tpu.memory_space<vmem_shared>>)
          %add3A_154 = arith.constant 2 : i32
          %add3A_155 = arith.addi %mul3A_106, %add3A_154 : i32
          %dma_start3A_156 = arith.constant 0 : i32
          %dma_start3A_157 = tpu.memref_slice %arg9[%add3A_155, %dma_start3A_156] : memref<40x128xi32, #tpu.memory_space<vmem>> -> memref<1x128xi32, #tpu.memory_space<vmem>>
          %dma_start3A_158 = tpu.memref_squeeze %dma_start3A_157 : memref<1x128xi32, #tpu.memory_space<vmem>> -> memref<128xi32, #tpu.memory_space<vmem>>
          %dma_start3A_159 = arith.constant 0 : i32
          %dma_start3A_160 = arith.constant 0 : i32
          %dma_start3A_161 = tpu.memref_slice %arg3[%dma_start3A_159, %dma_start3A_160] : memref<51200x128xf32, #tpu.memory_space<hbm>> -> memref<51200x128xf32, #tpu.memory_space<hbm>>
          tpu.enqueue_indirect_dma source(%dma_start3A_161 : memref<51200x128xf32, #tpu.memory_space<hbm>>) target(%arg11 : memref<128x128xf32, #tpu.memory_space<vmem>>) offsets(%dma_start3A_158 : memref<128xi32, #tpu.memory_space<vmem>>) semaphore(%arg14 : memref<!tpu.dma_semaphore, #tpu.memory_space<semaphore_mem>>)
        } else {
        }
        %dma_wait3A_135 = arith.constant 0 : i32
        %dma_wait3A_136 = tpu.memref_slice %arg9[%add3A_108, %dma_wait3A_135] : memref<40x128xi32, #tpu.memory_space<vmem>> -> memref<1x128xi32, #tpu.memory_space<vmem>>
        %dma_wait3A_137 = tpu.memref_squeeze %dma_wait3A_136 : memref<1x128xi32, #tpu.memory_space<vmem>> -> memref<128xi32, #tpu.memory_space<vmem>>
        %dma_wait3A_138 = arith.constant 0 : i32
        %dma_wait3A_139 = arith.constant 0 : i32
        %dma_wait3A_140 = tpu.memref_slice %arg3[%dma_wait3A_138, %dma_wait3A_139] : memref<51200x128xf32, #tpu.memory_space<hbm>> -> memref<51200x128xf32, #tpu.memory_space<hbm>>
        tpu.wait_indirect_dma semaphore(%arg15 : memref<!tpu.dma_semaphore, #tpu.memory_space<semaphore_mem>>) src(%dma_wait3A_140 : memref<51200x128xf32, #tpu.memory_space<hbm>>) dst(%arg12 : memref<128x128xf32, #tpu.memory_space<vmem>>)
        %dma_start3A_141 = arith.constant 0 : i32
        %dma_start3A_142 = tpu.memref_slice %arg10[%add3A_108, %dma_start3A_141] : memref<40x128xi32, #tpu.memory_space<vmem>> -> memref<1x128xi32, #tpu.memory_space<vmem>>
        %dma_start3A_143 = tpu.memref_squeeze %dma_start3A_142 : memref<1x128xi32, #tpu.memory_space<vmem>> -> memref<128xi32, #tpu.memory_space<vmem>>
        %dma_start3A_144 = arith.constant 0 : i32
        %dma_start3A_145 = arith.constant 0 : i32
        %dma_start3A_146 = tpu.memref_slice %arg13[%dma_start3A_144, %dma_start3A_145] : memref<10240x128xf32, #tpu.memory_space<vmem_shared>> -> memref<10240x128xf32, #tpu.memory_space<vmem_shared>>
        tpu.enqueue_indirect_dma source(%arg12 : memref<128x128xf32, #tpu.memory_space<vmem>>) target(%dma_start3A_146 : memref<10240x128xf32, #tpu.memory_space<vmem_shared>>) offsets(%dma_start3A_143 : memref<128xi32, #tpu.memory_space<vmem>>) semaphore(%arg17 : memref<!tpu.dma_semaphore, #tpu.memory_space<semaphore_mem>>) {add = true}
        %scan3A_147 = arith.constant 0 : i32
        scf.yield %scan3A_147 : i32
      }
      %scan3A_83 = arith.constant 20 : i32
      %dma_wait3A_84 = arith.constant 38 : i32
      %dma_wait3A_85 = arith.constant 0 : i32
      %dma_wait3A_86 = tpu.memref_slice %arg10[%dma_wait3A_84, %dma_wait3A_85] : memref<40x128xi32, #tpu.memory_space<vmem>> -> memref<1x128xi32, #tpu.memory_space<vmem>>
      %dma_wait3A_87 = tpu.memref_squeeze %dma_wait3A_86 : memref<1x128xi32, #tpu.memory_space<vmem>> -> memref<128xi32, #tpu.memory_space<vmem>>
      %dma_wait3A_88 = arith.constant 0 : i32
      %dma_wait3A_89 = arith.constant 0 : i32
      %dma_wait3A_90 = tpu.memref_slice %arg13[%dma_wait3A_88, %dma_wait3A_89] : memref<10240x128xf32, #tpu.memory_space<vmem_shared>> -> memref<10240x128xf32, #tpu.memory_space<vmem_shared>>
      tpu.wait_indirect_dma semaphore(%arg16 : memref<!tpu.dma_semaphore, #tpu.memory_space<semaphore_mem>>) src(%arg11 : memref<128x128xf32, #tpu.memory_space<vmem>>) dst(%dma_wait3A_90 : memref<10240x128xf32, #tpu.memory_space<vmem_shared>>)
      %dma_wait3A_91 = arith.constant 39 : i32
      %dma_wait3A_92 = arith.constant 0 : i32
      %dma_wait3A_93 = tpu.memref_slice %arg10[%dma_wait3A_91, %dma_wait3A_92] : memref<40x128xi32, #tpu.memory_space<vmem>> -> memref<1x128xi32, #tpu.memory_space<vmem>>
      %dma_wait3A_94 = tpu.memref_squeeze %dma_wait3A_93 : memref<1x128xi32, #tpu.memory_space<vmem>> -> memref<128xi32, #tpu.memory_space<vmem>>
      %dma_wait3A_95 = arith.constant 0 : i32
      %dma_wait3A_96 = arith.constant 0 : i32
      %dma_wait3A_97 = tpu.memref_slice %arg13[%dma_wait3A_95, %dma_wait3A_96] : memref<10240x128xf32, #tpu.memory_space<vmem_shared>> -> memref<10240x128xf32, #tpu.memory_space<vmem_shared>>
      tpu.wait_indirect_dma semaphore(%arg17 : memref<!tpu.dma_semaphore, #tpu.memory_space<semaphore_mem>>) src(%arg12 : memref<128x128xf32, #tpu.memory_space<vmem>>) dst(%dma_wait3A_97 : memref<10240x128xf32, #tpu.memory_space<vmem_shared>>)
      %barrier3A_98 = arith.constant 0 : index
      tpu.barrier barrier_id(%barrier3A_98)
      %mul3A_99 = arith.constant 640 : i32
      %mul3A_100 = arith.muli %arg1, %mul3A_99 : i32
      %mul3A_101 = arith.constant 640 : i32
      %mul3A_102 = arith.muli %arg1, %mul3A_101 : i32
      "tpu.region"() ({
        %run_scoped3A = tpu.sem_alloc : memref<!tpu.dma_semaphore, #tpu.memory_space<semaphore_mem>>
        %dma_start3A_103 = arith.constant 0 : i32
        %dma_start3A_104 = tpu.memref_slice %arg8[%mul3A_102, %dma_start3A_103] : memref<10240x128xf32, #tpu.memory_space<hbm>> -> memref<640x128xf32, #tpu.memory_space<hbm>>
        %dma_start3A_105 = arith.constant 0 : i32
        %dma_start3A_106 = tpu.memref_slice %arg13[%mul3A_100, %dma_start3A_105] : memref<10240x128xf32, #tpu.memory_space<vmem_shared>> -> memref<640x128xf32, #tpu.memory_space<vmem_shared>>
        tpu.enqueue_dma source(%dma_start3A_106 : memref<640x128xf32, #tpu.memory_space<vmem_shared>>) target(%dma_start3A_104 : memref<640x128xf32, #tpu.memory_space<hbm>>) target_semaphore(%run_scoped3A : memref<!tpu.dma_semaphore, #tpu.memory_space<semaphore_mem>>)
        %dma_wait3A_107 = arith.constant 0 : i32
        %dma_wait3A_108 = tpu.memref_slice %arg8[%mul3A_102, %dma_wait3A_107] : memref<10240x128xf32, #tpu.memory_space<hbm>> -> memref<640x128xf32, #tpu.memory_space<hbm>>
        %dma_wait3A_109 = arith.constant 0 : i32
        %dma_wait3A_110 = tpu.memref_slice %arg13[%mul3A_100, %dma_wait3A_109] : memref<10240x128xf32, #tpu.memory_space<vmem_shared>> -> memref<640x128xf32, #tpu.memory_space<vmem_shared>>
        tpu.wait_dma2 semaphore(%run_scoped3A : memref<!tpu.dma_semaphore, #tpu.memory_space<semaphore_mem>>) src(%dma_wait3A_110 : memref<640x128xf32, #tpu.memory_space<vmem_shared>>) dst(%dma_wait3A_108 : memref<640x128xf32, #tpu.memory_space<hbm>>)
        tpu.yield
      }) : () -> ()
    } else {
    }
    return
  }
}

module attributes {stable_mosaic.version = 14 : i64} {
  func.func @_inityt_body(%arg0: i32, %arg1: memref<1x1x256xi32, #tpu.memory_space<vmem>>, %arg2: memref<256x128xf32, #tpu.memory_space<vmem>>, %arg3: memref<128x256xf32, #tpu.memory_space<vmem>>, %arg4: memref<128x256xf32, #tpu.memory_space<vmem>>, %arg5: memref<8x256xf32, #tpu.memory_space<vmem>>, %arg6: memref<8x256xf32, #tpu.memory_space<vmem>>, %arg7: memref<256x256xf32, #tpu.memory_space<vmem>>, %arg8: memref<8x256xf32, #tpu.memory_space<vmem>>, %arg9: memref<256x256xf32, #tpu.memory_space<vmem>>, %arg10: memref<5x256x128xf32, #tpu.memory_space<vmem>>, %arg11: memref<5x256x128xf32, #tpu.memory_space<vmem>>) attributes {dimension_semantics = [#tpu.dimension_semantics<arbitrary>], iteration_bounds = array<i64: 40>, scalar_prefetch = 0 : i64, scratch_operands = 0 : i64, tpu.core_type = #tpu.core_type<tc>, window_params = [{transform_indices = @transform_0, window_bounds = array<i64: 1, 1, 256>}, {transform_indices = @transform_1, window_bounds = array<i64: 256, 128>}, {pipeline_mode = #tpu.pipeline_mode<synchronous>, transform_indices = @transform_2, window_bounds = array<i64: 128, 256>}, {pipeline_mode = #tpu.pipeline_mode<synchronous>, transform_indices = @transform_3, window_bounds = array<i64: 128, 256>}, {pipeline_mode = #tpu.pipeline_mode<synchronous>, transform_indices = @transform_4, window_bounds = array<i64: 8, 256>}, {pipeline_mode = #tpu.pipeline_mode<synchronous>, transform_indices = @transform_5, window_bounds = array<i64: 8, 256>}, {pipeline_mode = #tpu.pipeline_mode<synchronous>, transform_indices = @transform_6, window_bounds = array<i64: 256, 256>}, {pipeline_mode = #tpu.pipeline_mode<synchronous>, transform_indices = @transform_7, window_bounds = array<i64: 8, 256>}, {transform_indices = @transform_8, window_bounds = array<i64: 256, 256>}, {transform_indices = @transform_9, window_bounds = array<i64: 5, 256, 128>}, {transform_indices = @transform_10, window_bounds = array<i64: 5, 256, 128>}]} {
    %iota3A = tpu.iota {dimensions = array<i32: 0>} : vector<128x256xi32>
    %get3A = arith.constant 0 : index
    %get3A_0 = arith.constant 0 : index
    %get3A_1 = arith.constant 0 : index
    %get3A_2 = vector.load %arg1[%get3A, %get3A_0, %get3A_1] : memref<1x1x256xi32, #tpu.memory_space<vmem>>, vector<1x1x256xi32>
    %get3A_3 = vector.shape_cast %get3A_2 : vector<1x1x256xi32> to vector<1x256xi32>
    %eq3A = vector.broadcast %get3A_3 : vector<1x256xi32> to vector<128x256xi32>
    %eq3A_4 = arith.cmpi eq, %iota3A, %eq3A : vector<128x256xi32>
    %convert_element_type3A = arith.extui %eq3A_4 : vector<128x256xi1> to vector<128x256xi32>
    %convert_element_type3A_5 = arith.sitofp %convert_element_type3A : vector<128x256xi32> to vector<128x256xf32>
    %get3A_6 = arith.constant 0 : index
    %get3A_7 = arith.constant 0 : index
    %get3A_8 = vector.load %arg3[%get3A_6, %get3A_7] : memref<128x256xf32, #tpu.memory_space<vmem>>, vector<128x256xf32>
    %dot_general3A = arith.constant dense<0.000000e+00> : vector<256x256xf32>
    %dot_general3A_9 = tpu.matmul %convert_element_type3A_5, %get3A_8, %dot_general3A {dimension_numbers = #tpu.dot_dimension_numbers<[0], [0], [1], [1], [0, 1, 1, 1], [], []>, precision = #tpu.contract_precision<fp32>, transpose_lhs_hint = false} : vector<128x256xf32>, vector<128x256xf32>, vector<256x256xf32> -> vector<256x256xf32>
    %get3A_10 = arith.constant 0 : index
    %get3A_11 = arith.constant 0 : index
    %get3A_12 = vector.load %arg2[%get3A_10, %get3A_11] : memref<256x128xf32, #tpu.memory_space<vmem>>, vector<256x128xf32>
    %get3A_13 = arith.constant 0 : index
    %get3A_14 = arith.constant 0 : index
    %get3A_15 = vector.load %arg4[%get3A_13, %get3A_14] : memref<128x256xf32, #tpu.memory_space<vmem>>, vector<128x256xf32>
    %dot_general3A_16 = arith.constant dense<0.000000e+00> : vector<256x256xf32>
    %dot_general3A_17 = tpu.matmul %get3A_12, %get3A_15, %dot_general3A_16 {dimension_numbers = #tpu.dot_dimension_numbers<[1], [0], [0], [1], [0, 0, 1, 1], [], []>, transpose_lhs_hint = false} : vector<256x128xf32>, vector<128x256xf32>, vector<256x256xf32> -> vector<256x256xf32>
    %add3A = arith.addf %dot_general3A_9, %dot_general3A_17 : vector<256x256xf32>
    %get3A_18 = arith.constant 0 : index
    %get3A_19 = arith.constant 0 : index
    %get3A_20 = vector.load %arg5[%get3A_18, %get3A_19] : memref<8x256xf32, #tpu.memory_space<vmem>>, vector<1x256xf32>
    %add3A_21 = vector.broadcast %get3A_20 : vector<1x256xf32> to vector<256x256xf32>
    %add3A_22 = arith.addf %add3A, %add3A_21 : vector<256x256xf32>
    %max3A = arith.constant 0.000000e+00 : f32
    %max3A_23 = vector.broadcast %max3A : f32 to vector<256x256xf32>
    %max3A_24 = arith.maximumf %add3A_22, %max3A_23 : vector<256x256xf32>
    %swap3A = arith.constant 0 : index
    %swap3A_25 = arith.constant 0 : index
    %swap3A_26 = vector.load %arg9[%swap3A, %swap3A_25] : memref<256x256xf32, #tpu.memory_space<vmem>>, vector<256x256xf32>
    tpu.vector_store %arg9[%swap3A, %swap3A_25], %max3A_24 {strides = array<i32>} : memref<256x256xf32, #tpu.memory_space<vmem>>, vector<256x256xf32>,
    %get3A_27 = arith.constant 0 : index
    %get3A_28 = arith.constant 0 : index
    %get3A_29 = vector.load %arg6[%get3A_27, %get3A_28] : memref<8x256xf32, #tpu.memory_space<vmem>>, vector<8x256xf32>
    %get3A_30 = arith.constant 0 : index
    %get3A_31 = arith.constant 0 : index
    %get3A_32 = vector.load %arg7[%get3A_30, %get3A_31] : memref<256x256xf32, #tpu.memory_space<vmem>>, vector<256x256xf32>
    %get3A_33 = arith.constant 0 : index
    %get3A_34 = arith.constant 0 : index
    %get3A_35 = vector.load %arg8[%get3A_33, %get3A_34] : memref<8x256xf32, #tpu.memory_space<vmem>>, vector<8x256xf32>
    %dot_general3A_36 = arith.constant dense<0.000000e+00> : vector<8x256xf32>
    %dot_general3A_37 = tpu.matmul %get3A_29, %get3A_32, %dot_general3A_36 {dimension_numbers = #tpu.dot_dimension_numbers<[1], [0], [0], [1], [0, 0, 1, 1], [], []>, transpose_lhs_hint = false} : vector<8x256xf32>, vector<256x256xf32>, vector<8x256xf32> -> vector<8x256xf32>
    %slice3A = vector.extract_strided_slice %get3A_35 {offsets = [0, 0], sizes = [1, 256], strides = [1, 1]} : vector<8x256xf32> to vector<1x256xf32>
    %add3A_38 = vector.broadcast %slice3A : vector<1x256xf32> to vector<8x256xf32>
    %add3A_39 = arith.addf %dot_general3A_37, %add3A_38 : vector<8x256xf32>
    %slice3A_40 = vector.extract_strided_slice %add3A_39 {offsets = [0, 0], sizes = [1, 256], strides = [1, 1]} : vector<8x256xf32> to vector<1x256xf32>
    %add3A_41 = vector.broadcast %slice3A_40 : vector<1x256xf32> to vector<256x256xf32>
    %add3A_42 = arith.addf %max3A_24, %add3A_41 : vector<256x256xf32>
    %max3A_43 = arith.constant 0.000000e+00 : f32
    %max3A_44 = vector.broadcast %max3A_43 : f32 to vector<256x256xf32>
    %max3A_45 = arith.maximumf %add3A_42, %max3A_44 : vector<256x256xf32>
    %slice3A_46 = vector.extract_strided_slice %max3A_45 {offsets = [0, 0], sizes = [256, 128], strides = [1, 1]} : vector<256x256xf32> to vector<256x128xf32>
    %swap3A_47 = arith.constant 0 : index
    %swap3A_48 = arith.constant 0 : index
    %swap3A_49 = arith.constant 0 : index
    %swap3A_50 = vector.load %arg10[%swap3A_47, %swap3A_48, %swap3A_49] : memref<5x256x128xf32, #tpu.memory_space<vmem>>, vector<1x256x128xf32>
    %swap3A_51 = vector.shape_cast %swap3A_50 : vector<1x256x128xf32> to vector<256x128xf32>
    %swap3A_52 = vector.shape_cast %slice3A_46 : vector<256x128xf32> to vector<1x256x128xf32>
    tpu.vector_store %arg10[%swap3A_47, %swap3A_48, %swap3A_49], %swap3A_52 {strides = array<i32>} : memref<5x256x128xf32, #tpu.memory_space<vmem>>, vector<1x256x128xf32>,
    %slice3A_53 = vector.extract_strided_slice %max3A_45 {offsets = [0, 128], sizes = [256, 128], strides = [1, 1]} : vector<256x256xf32> to vector<256x128xf32>
    %swap3A_54 = arith.constant 0 : index
    %swap3A_55 = arith.constant 0 : index
    %swap3A_56 = arith.constant 0 : index
    %swap3A_57 = vector.load %arg11[%swap3A_54, %swap3A_55, %swap3A_56] : memref<5x256x128xf32, #tpu.memory_space<vmem>>, vector<1x256x128xf32>
    %swap3A_58 = vector.shape_cast %swap3A_57 : vector<1x256x128xf32> to vector<256x128xf32>
    %swap3A_59 = vector.shape_cast %slice3A_53 : vector<256x128xf32> to vector<1x256x128xf32>
    tpu.vector_store %arg11[%swap3A_54, %swap3A_55, %swap3A_56], %swap3A_59 {strides = array<i32>} : memref<5x256x128xf32, #tpu.memory_space<vmem>>, vector<1x256x128xf32>,
    %slice3A_60 = vector.extract_strided_slice %add3A_39 {offsets = [1, 0], sizes = [1, 256], strides = [1, 1]} : vector<8x256xf32> to vector<1x256xf32>
    %add3A_61 = vector.broadcast %slice3A_60 : vector<1x256xf32> to vector<256x256xf32>
    %add3A_62 = arith.addf %max3A_24, %add3A_61 : vector<256x256xf32>
    %max3A_63 = arith.constant 0.000000e+00 : f32
    %max3A_64 = vector.broadcast %max3A_63 : f32 to vector<256x256xf32>
    %max3A_65 = arith.maximumf %add3A_62, %max3A_64 : vector<256x256xf32>
    %slice3A_66 = vector.extract_strided_slice %max3A_65 {offsets = [0, 0], sizes = [256, 128], strides = [1, 1]} : vector<256x256xf32> to vector<256x128xf32>
    %swap3A_67 = arith.constant 1 : index
    %swap3A_68 = arith.constant 0 : index
    %swap3A_69 = arith.constant 0 : index
    %swap3A_70 = vector.load %arg10[%swap3A_67, %swap3A_68, %swap3A_69] : memref<5x256x128xf32, #tpu.memory_space<vmem>>, vector<1x256x128xf32>
    %swap3A_71 = vector.shape_cast %swap3A_70 : vector<1x256x128xf32> to vector<256x128xf32>
    %swap3A_72 = vector.shape_cast %slice3A_66 : vector<256x128xf32> to vector<1x256x128xf32>
    tpu.vector_store %arg10[%swap3A_67, %swap3A_68, %swap3A_69], %swap3A_72 {strides = array<i32>} : memref<5x256x128xf32, #tpu.memory_space<vmem>>, vector<1x256x128xf32>,
    %slice3A_73 = vector.extract_strided_slice %max3A_65 {offsets = [0, 128], sizes = [256, 128], strides = [1, 1]} : vector<256x256xf32> to vector<256x128xf32>
    %swap3A_74 = arith.constant 1 : index
    %swap3A_75 = arith.constant 0 : index
    %swap3A_76 = arith.constant 0 : index
    %swap3A_77 = vector.load %arg11[%swap3A_74, %swap3A_75, %swap3A_76] : memref<5x256x128xf32, #tpu.memory_space<vmem>>, vector<1x256x128xf32>
    %swap3A_78 = vector.shape_cast %swap3A_77 : vector<1x256x128xf32> to vector<256x128xf32>
    %swap3A_79 = vector.shape_cast %slice3A_73 : vector<256x128xf32> to vector<1x256x128xf32>
    tpu.vector_store %arg11[%swap3A_74, %swap3A_75, %swap3A_76], %swap3A_79 {strides = array<i32>} : memref<5x256x128xf32, #tpu.memory_space<vmem>>, vector<1x256x128xf32>,
    %slice3A_80 = vector.extract_strided_slice %add3A_39 {offsets = [2, 0], sizes = [1, 256], strides = [1, 1]} : vector<8x256xf32> to vector<1x256xf32>
    %add3A_81 = vector.broadcast %slice3A_80 : vector<1x256xf32> to vector<256x256xf32>
    %add3A_82 = arith.addf %max3A_24, %add3A_81 : vector<256x256xf32>
    %max3A_83 = arith.constant 0.000000e+00 : f32
    %max3A_84 = vector.broadcast %max3A_83 : f32 to vector<256x256xf32>
    %max3A_85 = arith.maximumf %add3A_82, %max3A_84 : vector<256x256xf32>
    %slice3A_86 = vector.extract_strided_slice %max3A_85 {offsets = [0, 0], sizes = [256, 128], strides = [1, 1]} : vector<256x256xf32> to vector<256x128xf32>
    %swap3A_87 = arith.constant 2 : index
    %swap3A_88 = arith.constant 0 : index
    %swap3A_89 = arith.constant 0 : index
    %swap3A_90 = vector.load %arg10[%swap3A_87, %swap3A_88, %swap3A_89] : memref<5x256x128xf32, #tpu.memory_space<vmem>>, vector<1x256x128xf32>
    %swap3A_91 = vector.shape_cast %swap3A_90 : vector<1x256x128xf32> to vector<256x128xf32>
    %swap3A_92 = vector.shape_cast %slice3A_86 : vector<256x128xf32> to vector<1x256x128xf32>
    tpu.vector_store %arg10[%swap3A_87, %swap3A_88, %swap3A_89], %swap3A_92 {strides = array<i32>} : memref<5x256x128xf32, #tpu.memory_space<vmem>>, vector<1x256x128xf32>,
    %slice3A_93 = vector.extract_strided_slice %max3A_85 {offsets = [0, 128], sizes = [256, 128], strides = [1, 1]} : vector<256x256xf32> to vector<256x128xf32>
    %swap3A_94 = arith.constant 2 : index
    %swap3A_95 = arith.constant 0 : index
    %swap3A_96 = arith.constant 0 : index
    %swap3A_97 = vector.load %arg11[%swap3A_94, %swap3A_95, %swap3A_96] : memref<5x256x128xf32, #tpu.memory_space<vmem>>, vector<1x256x128xf32>
    %swap3A_98 = vector.shape_cast %swap3A_97 : vector<1x256x128xf32> to vector<256x128xf32>
    %swap3A_99 = vector.shape_cast %slice3A_93 : vector<256x128xf32> to vector<1x256x128xf32>
    tpu.vector_store %arg11[%swap3A_94, %swap3A_95, %swap3A_96], %swap3A_99 {strides = array<i32>} : memref<5x256x128xf32, #tpu.memory_space<vmem>>, vector<1x256x128xf32>,
    %slice3A_100 = vector.extract_strided_slice %add3A_39 {offsets = [3, 0], sizes = [1, 256], strides = [1, 1]} : vector<8x256xf32> to vector<1x256xf32>
    %add3A_101 = vector.broadcast %slice3A_100 : vector<1x256xf32> to vector<256x256xf32>
    %add3A_102 = arith.addf %max3A_24, %add3A_101 : vector<256x256xf32>
    %max3A_103 = arith.constant 0.000000e+00 : f32
    %max3A_104 = vector.broadcast %max3A_103 : f32 to vector<256x256xf32>
    %max3A_105 = arith.maximumf %add3A_102, %max3A_104 : vector<256x256xf32>
    %slice3A_106 = vector.extract_strided_slice %max3A_105 {offsets = [0, 0], sizes = [256, 128], strides = [1, 1]} : vector<256x256xf32> to vector<256x128xf32>
    %swap3A_107 = arith.constant 3 : index
    %swap3A_108 = arith.constant 0 : index
    %swap3A_109 = arith.constant 0 : index
    %swap3A_110 = vector.load %arg10[%swap3A_107, %swap3A_108, %swap3A_109] : memref<5x256x128xf32, #tpu.memory_space<vmem>>, vector<1x256x128xf32>
    %swap3A_111 = vector.shape_cast %swap3A_110 : vector<1x256x128xf32> to vector<256x128xf32>
    %swap3A_112 = vector.shape_cast %slice3A_106 : vector<256x128xf32> to vector<1x256x128xf32>
    tpu.vector_store %arg10[%swap3A_107, %swap3A_108, %swap3A_109], %swap3A_112 {strides = array<i32>} : memref<5x256x128xf32, #tpu.memory_space<vmem>>, vector<1x256x128xf32>,
    %slice3A_113 = vector.extract_strided_slice %max3A_105 {offsets = [0, 128], sizes = [256, 128], strides = [1, 1]} : vector<256x256xf32> to vector<256x128xf32>
    %swap3A_114 = arith.constant 3 : index
    %swap3A_115 = arith.constant 0 : index
    %swap3A_116 = arith.constant 0 : index
    %swap3A_117 = vector.load %arg11[%swap3A_114, %swap3A_115, %swap3A_116] : memref<5x256x128xf32, #tpu.memory_space<vmem>>, vector<1x256x128xf32>
    %swap3A_118 = vector.shape_cast %swap3A_117 : vector<1x256x128xf32> to vector<256x128xf32>
    %swap3A_119 = vector.shape_cast %slice3A_113 : vector<256x128xf32> to vector<1x256x128xf32>
    tpu.vector_store %arg11[%swap3A_114, %swap3A_115, %swap3A_116], %swap3A_119 {strides = array<i32>} : memref<5x256x128xf32, #tpu.memory_space<vmem>>, vector<1x256x128xf32>,
    %slice3A_120 = vector.extract_strided_slice %add3A_39 {offsets = [4, 0], sizes = [1, 256], strides = [1, 1]} : vector<8x256xf32> to vector<1x256xf32>
    %add3A_121 = vector.broadcast %slice3A_120 : vector<1x256xf32> to vector<256x256xf32>
    %add3A_122 = arith.addf %max3A_24, %add3A_121 : vector<256x256xf32>
    %max3A_123 = arith.constant 0.000000e+00 : f32
    %max3A_124 = vector.broadcast %max3A_123 : f32 to vector<256x256xf32>
    %max3A_125 = arith.maximumf %add3A_122, %max3A_124 : vector<256x256xf32>
    %slice3A_126 = vector.extract_strided_slice %max3A_125 {offsets = [0, 0], sizes = [256, 128], strides = [1, 1]} : vector<256x256xf32> to vector<256x128xf32>
    %swap3A_127 = arith.constant 4 : index
    %swap3A_128 = arith.constant 0 : index
    %swap3A_129 = arith.constant 0 : index
    %swap3A_130 = vector.load %arg10[%swap3A_127, %swap3A_128, %swap3A_129] : memref<5x256x128xf32, #tpu.memory_space<vmem>>, vector<1x256x128xf32>
    %swap3A_131 = vector.shape_cast %swap3A_130 : vector<1x256x128xf32> to vector<256x128xf32>
    %swap3A_132 = vector.shape_cast %slice3A_126 : vector<256x128xf32> to vector<1x256x128xf32>
    tpu.vector_store %arg10[%swap3A_127, %swap3A_128, %swap3A_129], %swap3A_132 {strides = array<i32>} : memref<5x256x128xf32, #tpu.memory_space<vmem>>, vector<1x256x128xf32>,
    %slice3A_133 = vector.extract_strided_slice %max3A_125 {offsets = [0, 128], sizes = [256, 128], strides = [1, 1]} : vector<256x256xf32> to vector<256x128xf32>
    %swap3A_134 = arith.constant 4 : index
    %swap3A_135 = arith.constant 0 : index
    %swap3A_136 = arith.constant 0 : index
    %swap3A_137 = vector.load %arg11[%swap3A_134, %swap3A_135, %swap3A_136] : memref<5x256x128xf32, #tpu.memory_space<vmem>>, vector<1x256x128xf32>
    %swap3A_138 = vector.shape_cast %swap3A_137 : vector<1x256x128xf32> to vector<256x128xf32>
    %swap3A_139 = vector.shape_cast %slice3A_133 : vector<256x128xf32> to vector<1x256x128xf32>
    tpu.vector_store %arg11[%swap3A_134, %swap3A_135, %swap3A_136], %swap3A_139 {strides = array<i32>} : memref<5x256x128xf32, #tpu.memory_space<vmem>>, vector<1x256x128xf32>,
    return
  }
  func.func @transform_0(%arg0: i32) -> (i32, i32, i32) {
    %c0_i32 = arith.constant 0 : i32
    %c0_i32_0 = arith.constant 0 : i32
    %c0_i32_1 = arith.constant 0 : i32
    return %arg0, %c0_i32, %c0_i32_0 : i32, i32, i32
  }
  func.func @transform_1(%arg0: i32) -> (i32, i32) {
    %c0_i32 = arith.constant 0 : i32
    %c0_i32_0 = arith.constant 0 : i32
    return %arg0, %c0_i32 : i32, i32
  }
  func.func @transform_2(%arg0: i32) -> (i32, i32) {
    %c0_i32 = arith.constant 0 : i32
    %c0_i32_0 = arith.constant 0 : i32
    %c0_i32_1 = arith.constant 0 : i32
    return %c0_i32, %c0_i32_0 : i32, i32
  }
  func.func @transform_3(%arg0: i32) -> (i32, i32) {
    %c0_i32 = arith.constant 0 : i32
    %c0_i32_0 = arith.constant 0 : i32
    %c0_i32_1 = arith.constant 0 : i32
    return %c0_i32, %c0_i32_0 : i32, i32
  }
  func.func @transform_4(%arg0: i32) -> (i32, i32) {
    %c0_i32 = arith.constant 0 : i32
    %c0_i32_0 = arith.constant 0 : i32
    %c0_i32_1 = arith.constant 0 : i32
    return %c0_i32, %c0_i32_0 : i32, i32
  }
  func.func @transform_5(%arg0: i32) -> (i32, i32) {
    %c0_i32 = arith.constant 0 : i32
    %c0_i32_0 = arith.constant 0 : i32
    %c0_i32_1 = arith.constant 0 : i32
    return %c0_i32, %c0_i32_0 : i32, i32
  }
  func.func @transform_6(%arg0: i32) -> (i32, i32) {
    %c0_i32 = arith.constant 0 : i32
    %c0_i32_0 = arith.constant 0 : i32
    %c0_i32_1 = arith.constant 0 : i32
    return %c0_i32, %c0_i32_0 : i32, i32
  }
  func.func @transform_7(%arg0: i32) -> (i32, i32) {
    %c0_i32 = arith.constant 0 : i32
    %c0_i32_0 = arith.constant 0 : i32
    %c0_i32_1 = arith.constant 0 : i32
    return %c0_i32, %c0_i32_0 : i32, i32
  }
  func.func @transform_8(%arg0: i32) -> (i32, i32) {
    %c0_i32 = arith.constant 0 : i32
    %c0_i32_0 = arith.constant 0 : i32
    return %arg0, %c0_i32 : i32, i32
  }
  func.func @transform_9(%arg0: i32) -> (i32, i32, i32) {
    %c0_i32 = arith.constant 0 : i32
    %c0_i32_0 = arith.constant 0 : i32
    %c0_i32_1 = arith.constant 0 : i32
    return %c0_i32, %arg0, %c0_i32_0 : i32, i32, i32
  }
  func.func @transform_10(%arg0: i32) -> (i32, i32, i32) {
    %c0_i32 = arith.constant 0 : i32
    %c0_i32_0 = arith.constant 0 : i32
    %c0_i32_1 = arith.constant 0 : i32
    return %c0_i32, %arg0, %c0_i32_0 : i32, i32, i32
  }
}

module attributes {stable_mosaic.version = 14 : i64} {
  func.func @_mlpyt_body(%arg0: i32, %arg1: memref<256x256xf32, #tpu.memory_space<vmem>>, %arg2: memref<256x128xf32, #tpu.memory_space<vmem>>, %arg3: memref<256x128xf32, #tpu.memory_space<vmem>>, %arg4: memref<256x256xf32, #tpu.memory_space<vmem>>, %arg5: memref<8x256xf32, #tpu.memory_space<vmem>>, %arg6: memref<256x256xf32, #tpu.memory_space<vmem>>, %arg7: memref<8x256xf32, #tpu.memory_space<vmem>>, %arg8: memref<8x256xf32, #tpu.memory_space<vmem>>, %arg9: memref<8x256xf32, #tpu.memory_space<vmem>>, %arg10: memref<8x256xf32, #tpu.memory_space<vmem>>, %arg11: memref<256x256xf32, #tpu.memory_space<vmem>>, %arg12: memref<8x256xf32, #tpu.memory_space<vmem>>, %arg13: memref<256x256xf32, #tpu.memory_space<vmem>>, %arg14: memref<5x256x128xf32, #tpu.memory_space<vmem>>, %arg15: memref<5x256x128xf32, #tpu.memory_space<vmem>>) attributes {dimension_semantics = [#tpu.dimension_semantics<arbitrary>], iteration_bounds = array<i64: 40>, scalar_prefetch = 0 : i64, scratch_operands = 0 : i64, tpu.core_type = #tpu.core_type<tc>, window_params = [{transform_indices = @transform_0, window_bounds = array<i64: 256, 256>}, {transform_indices = @transform_1, window_bounds = array<i64: 256, 128>}, {transform_indices = @transform_2, window_bounds = array<i64: 256, 128>}, {pipeline_mode = #tpu.pipeline_mode<synchronous>, transform_indices = @transform_3, window_bounds = array<i64: 256, 256>}, {pipeline_mode = #tpu.pipeline_mode<synchronous>, transform_indices = @transform_4, window_bounds = array<i64: 8, 256>}, {pipeline_mode = #tpu.pipeline_mode<synchronous>, transform_indices = @transform_5, window_bounds = array<i64: 256, 256>}, {pipeline_mode = #tpu.pipeline_mode<synchronous>, transform_indices = @transform_6, window_bounds = array<i64: 8, 256>}, {pipeline_mode = #tpu.pipeline_mode<synchronous>, transform_indices = @transform_7, window_bounds = array<i64: 8, 256>}, {pipeline_mode = #tpu.pipeline_mode<synchronous>, transform_indices = @transform_8, window_bounds = array<i64: 8, 256>}, {pipeline_mode = #tpu.pipeline_mode<synchronous>, transform_indices = @transform_9, window_bounds = array<i64: 8, 256>}, {pipeline_mode = #tpu.pipeline_mode<synchronous>, transform_indices = @transform_10, window_bounds = array<i64: 256, 256>}, {pipeline_mode = #tpu.pipeline_mode<synchronous>, transform_indices = @transform_11, window_bounds = array<i64: 8, 256>}, {transform_indices = @transform_12, window_bounds = array<i64: 256, 256>}, {transform_indices = @transform_13, window_bounds = array<i64: 5, 256, 128>}, {transform_indices = @transform_14, window_bounds = array<i64: 5, 256, 128>}]} {
    %get3A = arith.constant 0 : index
    %get3A_0 = arith.constant 0 : index
    %get3A_1 = vector.load %arg2[%get3A, %get3A_0] : memref<256x128xf32, #tpu.memory_space<vmem>>, vector<256x128xf32>
    %get3A_2 = arith.constant 0 : index
    %get3A_3 = arith.constant 0 : index
    %get3A_4 = vector.load %arg3[%get3A_2, %get3A_3] : memref<256x128xf32, #tpu.memory_space<vmem>>, vector<256x128xf32>
    %concatenate3A = tpu.concatenate %get3A_1, %get3A_4 in 1 : vector<256x128xf32>, vector<256x128xf32> -> vector<256x256xf32>
    %get3A_5 = arith.constant 0 : index
    %get3A_6 = arith.constant 0 : index
    %get3A_7 = vector.load %arg1[%get3A_5, %get3A_6] : memref<256x256xf32, #tpu.memory_space<vmem>>, vector<256x256xf32>
    %add3A = arith.addf %get3A_7, %concatenate3A : vector<256x256xf32>
    %get3A_8 = arith.constant 0 : index
    %get3A_9 = arith.constant 0 : index
    %get3A_10 = vector.load %arg4[%get3A_8, %get3A_9] : memref<256x256xf32, #tpu.memory_space<vmem>>, vector<256x256xf32>
    %dot_general3A = arith.constant dense<0.000000e+00> : vector<256x256xf32>
    %dot_general3A_11 = tpu.matmul %add3A, %get3A_10, %dot_general3A {dimension_numbers = #tpu.dot_dimension_numbers<[1], [0], [0], [1], [0, 0, 1, 1], [], []>, transpose_lhs_hint = false} : vector<256x256xf32>, vector<256x256xf32>, vector<256x256xf32> -> vector<256x256xf32>
    %get3A_12 = arith.constant 0 : index
    %get3A_13 = arith.constant 0 : index
    %get3A_14 = vector.load %arg5[%get3A_12, %get3A_13] : memref<8x256xf32, #tpu.memory_space<vmem>>, vector<1x256xf32>
    %add3A_15 = vector.broadcast %get3A_14 : vector<1x256xf32> to vector<256x256xf32>
    %add3A_16 = arith.addf %dot_general3A_11, %add3A_15 : vector<256x256xf32>
    %max3A = arith.constant 0.000000e+00 : f32
    %max3A_17 = vector.broadcast %max3A : f32 to vector<256x256xf32>
    %max3A_18 = arith.maximumf %add3A_16, %max3A_17 : vector<256x256xf32>
    %get3A_19 = arith.constant 0 : index
    %get3A_20 = arith.constant 0 : index
    %get3A_21 = vector.load %arg6[%get3A_19, %get3A_20] : memref<256x256xf32, #tpu.memory_space<vmem>>, vector<256x256xf32>
    %dot_general3A_22 = arith.constant dense<0.000000e+00> : vector<256x256xf32>
    %dot_general3A_23 = tpu.matmul %max3A_18, %get3A_21, %dot_general3A_22 {dimension_numbers = #tpu.dot_dimension_numbers<[1], [0], [0], [1], [0, 0, 1, 1], [], []>, transpose_lhs_hint = false} : vector<256x256xf32>, vector<256x256xf32>, vector<256x256xf32> -> vector<256x256xf32>
    %get3A_24 = arith.constant 0 : index
    %get3A_25 = arith.constant 0 : index
    %get3A_26 = vector.load %arg7[%get3A_24, %get3A_25] : memref<8x256xf32, #tpu.memory_space<vmem>>, vector<1x256xf32>
    %add3A_27 = vector.broadcast %get3A_26 : vector<1x256xf32> to vector<256x256xf32>
    %add3A_28 = arith.addf %dot_general3A_23, %add3A_27 : vector<256x256xf32>
    %reduce_sum3A = arith.constant dense<0.000000e+00> : vector<256xf32>
    %reduce_sum3A_29 = vector.multi_reduction <add>, %add3A_28, %reduce_sum3A [1] : vector<256x256xf32> to vector<256xf32>
    %broadcast_in_dim3A = vector.shape_cast %reduce_sum3A_29 : vector<256xf32> to vector<256x1xf32>
    %div3A = arith.constant 2.560000e+02 : f32
    %div3A_30 = vector.broadcast %div3A : f32 to vector<256x1xf32>
    %div3A_31 = arith.divf %broadcast_in_dim3A, %div3A_30 : vector<256x1xf32>
    %sub3A = vector.broadcast %div3A_31 : vector<256x1xf32> to vector<256x256xf32>
    %sub3A_32 = arith.subf %add3A_28, %sub3A : vector<256x256xf32>
    %integer_pow3A = arith.mulf %sub3A_32, %sub3A_32 : vector<256x256xf32>
    %reduce_sum3A_33 = arith.constant dense<0.000000e+00> : vector<256xf32>
    %reduce_sum3A_34 = vector.multi_reduction <add>, %integer_pow3A, %reduce_sum3A_33 [1] : vector<256x256xf32> to vector<256xf32>
    %broadcast_in_dim3A_35 = vector.shape_cast %reduce_sum3A_34 : vector<256xf32> to vector<256x1xf32>
    %div3A_36 = arith.constant 2.560000e+02 : f32
    %div3A_37 = vector.broadcast %div3A_36 : f32 to vector<256x1xf32>
    %div3A_38 = arith.divf %broadcast_in_dim3A_35, %div3A_37 : vector<256x1xf32>
    %sub3A_39 = vector.broadcast %div3A_31 : vector<256x1xf32> to vector<256x256xf32>
    %sub3A_40 = arith.subf %add3A_28, %sub3A_39 : vector<256x256xf32>
    %add3A_41 = arith.constant 9.99999974E-6 : f32
    %add3A_42 = vector.broadcast %add3A_41 : f32 to vector<256x1xf32>
    %add3A_43 = arith.addf %div3A_38, %add3A_42 : vector<256x1xf32>
    %sqrt3A = math.sqrt %add3A_43 : vector<256x1xf32>
    %div3A_44 = vector.broadcast %sqrt3A : vector<256x1xf32> to vector<256x256xf32>
    %div3A_45 = arith.divf %sub3A_40, %div3A_44 : vector<256x256xf32>
    %get3A_46 = arith.constant 0 : index
    %get3A_47 = arith.constant 0 : index
    %get3A_48 = vector.load %arg8[%get3A_46, %get3A_47] : memref<8x256xf32, #tpu.memory_space<vmem>>, vector<1x256xf32>
    %mul3A = vector.broadcast %get3A_48 : vector<1x256xf32> to vector<256x256xf32>
    %mul3A_49 = arith.mulf %div3A_45, %mul3A : vector<256x256xf32>
    %get3A_50 = arith.constant 0 : index
    %get3A_51 = arith.constant 0 : index
    %get3A_52 = vector.load %arg9[%get3A_50, %get3A_51] : memref<8x256xf32, #tpu.memory_space<vmem>>, vector<1x256xf32>
    %add3A_53 = vector.broadcast %get3A_52 : vector<1x256xf32> to vector<256x256xf32>
    %add3A_54 = arith.addf %mul3A_49, %add3A_53 : vector<256x256xf32>
    %max3A_55 = arith.constant 0.000000e+00 : f32
    %max3A_56 = vector.broadcast %max3A_55 : f32 to vector<256x256xf32>
    %max3A_57 = arith.maximumf %add3A_54, %max3A_56 : vector<256x256xf32>
    %swap3A = arith.constant 0 : index
    %swap3A_58 = arith.constant 0 : index
    %swap3A_59 = vector.load %arg13[%swap3A, %swap3A_58] : memref<256x256xf32, #tpu.memory_space<vmem>>, vector<256x256xf32>
    tpu.vector_store %arg13[%swap3A, %swap3A_58], %max3A_57 {strides = array<i32>} : memref<256x256xf32, #tpu.memory_space<vmem>>, vector<256x256xf32>,
    %get3A_60 = arith.constant 0 : index
    %get3A_61 = arith.constant 0 : index
    %get3A_62 = vector.load %arg10[%get3A_60, %get3A_61] : memref<8x256xf32, #tpu.memory_space<vmem>>, vector<8x256xf32>
    %get3A_63 = arith.constant 0 : index
    %get3A_64 = arith.constant 0 : index
    %get3A_65 = vector.load %arg11[%get3A_63, %get3A_64] : memref<256x256xf32, #tpu.memory_space<vmem>>, vector<256x256xf32>
    %get3A_66 = arith.constant 0 : index
    %get3A_67 = arith.constant 0 : index
    %get3A_68 = vector.load %arg12[%get3A_66, %get3A_67] : memref<8x256xf32, #tpu.memory_space<vmem>>, vector<8x256xf32>
    %dot_general3A_69 = arith.constant dense<0.000000e+00> : vector<8x256xf32>
    %dot_general3A_70 = tpu.matmul %get3A_62, %get3A_65, %dot_general3A_69 {dimension_numbers = #tpu.dot_dimension_numbers<[1], [0], [0], [1], [0, 0, 1, 1], [], []>, transpose_lhs_hint = false} : vector<8x256xf32>, vector<256x256xf32>, vector<8x256xf32> -> vector<8x256xf32>
    %slice3A = vector.extract_strided_slice %get3A_68 {offsets = [0, 0], sizes = [1, 256], strides = [1, 1]} : vector<8x256xf32> to vector<1x256xf32>
    %add3A_71 = vector.broadcast %slice3A : vector<1x256xf32> to vector<8x256xf32>
    %add3A_72 = arith.addf %dot_general3A_70, %add3A_71 : vector<8x256xf32>
    %slice3A_73 = vector.extract_strided_slice %add3A_72 {offsets = [0, 0], sizes = [1, 256], strides = [1, 1]} : vector<8x256xf32> to vector<1x256xf32>
    %add3A_74 = vector.broadcast %slice3A_73 : vector<1x256xf32> to vector<256x256xf32>
    %add3A_75 = arith.addf %max3A_57, %add3A_74 : vector<256x256xf32>
    %max3A_76 = arith.constant 0.000000e+00 : f32
    %max3A_77 = vector.broadcast %max3A_76 : f32 to vector<256x256xf32>
    %max3A_78 = arith.maximumf %add3A_75, %max3A_77 : vector<256x256xf32>
    %slice3A_79 = vector.extract_strided_slice %max3A_78 {offsets = [0, 0], sizes = [256, 128], strides = [1, 1]} : vector<256x256xf32> to vector<256x128xf32>
    %swap3A_80 = arith.constant 0 : index
    %swap3A_81 = arith.constant 0 : index
    %swap3A_82 = arith.constant 0 : index
    %swap3A_83 = vector.load %arg14[%swap3A_80, %swap3A_81, %swap3A_82] : memref<5x256x128xf32, #tpu.memory_space<vmem>>, vector<1x256x128xf32>
    %swap3A_84 = vector.shape_cast %swap3A_83 : vector<1x256x128xf32> to vector<256x128xf32>
    %swap3A_85 = vector.shape_cast %slice3A_79 : vector<256x128xf32> to vector<1x256x128xf32>
    tpu.vector_store %arg14[%swap3A_80, %swap3A_81, %swap3A_82], %swap3A_85 {strides = array<i32>} : memref<5x256x128xf32, #tpu.memory_space<vmem>>, vector<1x256x128xf32>,
    %slice3A_86 = vector.extract_strided_slice %max3A_78 {offsets = [0, 128], sizes = [256, 128], strides = [1, 1]} : vector<256x256xf32> to vector<256x128xf32>
    %swap3A_87 = arith.constant 0 : index
    %swap3A_88 = arith.constant 0 : index
    %swap3A_89 = arith.constant 0 : index
    %swap3A_90 = vector.load %arg15[%swap3A_87, %swap3A_88, %swap3A_89] : memref<5x256x128xf32, #tpu.memory_space<vmem>>, vector<1x256x128xf32>
    %swap3A_91 = vector.shape_cast %swap3A_90 : vector<1x256x128xf32> to vector<256x128xf32>
    %swap3A_92 = vector.shape_cast %slice3A_86 : vector<256x128xf32> to vector<1x256x128xf32>
    tpu.vector_store %arg15[%swap3A_87, %swap3A_88, %swap3A_89], %swap3A_92 {strides = array<i32>} : memref<5x256x128xf32, #tpu.memory_space<vmem>>, vector<1x256x128xf32>,
    %slice3A_93 = vector.extract_strided_slice %add3A_72 {offsets = [1, 0], sizes = [1, 256], strides = [1, 1]} : vector<8x256xf32> to vector<1x256xf32>
    %add3A_94 = vector.broadcast %slice3A_93 : vector<1x256xf32> to vector<256x256xf32>
    %add3A_95 = arith.addf %max3A_57, %add3A_94 : vector<256x256xf32>
    %max3A_96 = arith.constant 0.000000e+00 : f32
    %max3A_97 = vector.broadcast %max3A_96 : f32 to vector<256x256xf32>
    %max3A_98 = arith.maximumf %add3A_95, %max3A_97 : vector<256x256xf32>
    %slice3A_99 = vector.extract_strided_slice %max3A_98 {offsets = [0, 0], sizes = [256, 128], strides = [1, 1]} : vector<256x256xf32> to vector<256x128xf32>
    %swap3A_100 = arith.constant 1 : index
    %swap3A_101 = arith.constant 0 : index
    %swap3A_102 = arith.constant 0 : index
    %swap3A_103 = vector.load %arg14[%swap3A_100, %swap3A_101, %swap3A_102] : memref<5x256x128xf32, #tpu.memory_space<vmem>>, vector<1x256x128xf32>
    %swap3A_104 = vector.shape_cast %swap3A_103 : vector<1x256x128xf32> to vector<256x128xf32>
    %swap3A_105 = vector.shape_cast %slice3A_99 : vector<256x128xf32> to vector<1x256x128xf32>
    tpu.vector_store %arg14[%swap3A_100, %swap3A_101, %swap3A_102], %swap3A_105 {strides = array<i32>} : memref<5x256x128xf32, #tpu.memory_space<vmem>>, vector<1x256x128xf32>,
    %slice3A_106 = vector.extract_strided_slice %max3A_98 {offsets = [0, 128], sizes = [256, 128], strides = [1, 1]} : vector<256x256xf32> to vector<256x128xf32>
    %swap3A_107 = arith.constant 1 : index
    %swap3A_108 = arith.constant 0 : index
    %swap3A_109 = arith.constant 0 : index
    %swap3A_110 = vector.load %arg15[%swap3A_107, %swap3A_108, %swap3A_109] : memref<5x256x128xf32, #tpu.memory_space<vmem>>, vector<1x256x128xf32>
    %swap3A_111 = vector.shape_cast %swap3A_110 : vector<1x256x128xf32> to vector<256x128xf32>
    %swap3A_112 = vector.shape_cast %slice3A_106 : vector<256x128xf32> to vector<1x256x128xf32>
    tpu.vector_store %arg15[%swap3A_107, %swap3A_108, %swap3A_109], %swap3A_112 {strides = array<i32>} : memref<5x256x128xf32, #tpu.memory_space<vmem>>, vector<1x256x128xf32>,
    %slice3A_113 = vector.extract_strided_slice %add3A_72 {offsets = [2, 0], sizes = [1, 256], strides = [1, 1]} : vector<8x256xf32> to vector<1x256xf32>
    %add3A_114 = vector.broadcast %slice3A_113 : vector<1x256xf32> to vector<256x256xf32>
    %add3A_115 = arith.addf %max3A_57, %add3A_114 : vector<256x256xf32>
    %max3A_116 = arith.constant 0.000000e+00 : f32
    %max3A_117 = vector.broadcast %max3A_116 : f32 to vector<256x256xf32>
    %max3A_118 = arith.maximumf %add3A_115, %max3A_117 : vector<256x256xf32>
    %slice3A_119 = vector.extract_strided_slice %max3A_118 {offsets = [0, 0], sizes = [256, 128], strides = [1, 1]} : vector<256x256xf32> to vector<256x128xf32>
    %swap3A_120 = arith.constant 2 : index
    %swap3A_121 = arith.constant 0 : index
    %swap3A_122 = arith.constant 0 : index
    %swap3A_123 = vector.load %arg14[%swap3A_120, %swap3A_121, %swap3A_122] : memref<5x256x128xf32, #tpu.memory_space<vmem>>, vector<1x256x128xf32>
    %swap3A_124 = vector.shape_cast %swap3A_123 : vector<1x256x128xf32> to vector<256x128xf32>
    %swap3A_125 = vector.shape_cast %slice3A_119 : vector<256x128xf32> to vector<1x256x128xf32>
    tpu.vector_store %arg14[%swap3A_120, %swap3A_121, %swap3A_122], %swap3A_125 {strides = array<i32>} : memref<5x256x128xf32, #tpu.memory_space<vmem>>, vector<1x256x128xf32>,
    %slice3A_126 = vector.extract_strided_slice %max3A_118 {offsets = [0, 128], sizes = [256, 128], strides = [1, 1]} : vector<256x256xf32> to vector<256x128xf32>
    %swap3A_127 = arith.constant 2 : index
    %swap3A_128 = arith.constant 0 : index
    %swap3A_129 = arith.constant 0 : index
    %swap3A_130 = vector.load %arg15[%swap3A_127, %swap3A_128, %swap3A_129] : memref<5x256x128xf32, #tpu.memory_space<vmem>>, vector<1x256x128xf32>
    %swap3A_131 = vector.shape_cast %swap3A_130 : vector<1x256x128xf32> to vector<256x128xf32>
    %swap3A_132 = vector.shape_cast %slice3A_126 : vector<256x128xf32> to vector<1x256x128xf32>
    tpu.vector_store %arg15[%swap3A_127, %swap3A_128, %swap3A_129], %swap3A_132 {strides = array<i32>} : memref<5x256x128xf32, #tpu.memory_space<vmem>>, vector<1x256x128xf32>,
    %slice3A_133 = vector.extract_strided_slice %add3A_72 {offsets = [3, 0], sizes = [1, 256], strides = [1, 1]} : vector<8x256xf32> to vector<1x256xf32>
    %add3A_134 = vector.broadcast %slice3A_133 : vector<1x256xf32> to vector<256x256xf32>
    %add3A_135 = arith.addf %max3A_57, %add3A_134 : vector<256x256xf32>
    %max3A_136 = arith.constant 0.000000e+00 : f32
    %max3A_137 = vector.broadcast %max3A_136 : f32 to vector<256x256xf32>
    %max3A_138 = arith.maximumf %add3A_135, %max3A_137 : vector<256x256xf32>
    %slice3A_139 = vector.extract_strided_slice %max3A_138 {offsets = [0, 0], sizes = [256, 128], strides = [1, 1]} : vector<256x256xf32> to vector<256x128xf32>
    %swap3A_140 = arith.constant 3 : index
    %swap3A_141 = arith.constant 0 : index
    %swap3A_142 = arith.constant 0 : index
    %swap3A_143 = vector.load %arg14[%swap3A_140, %swap3A_141, %swap3A_142] : memref<5x256x128xf32, #tpu.memory_space<vmem>>, vector<1x256x128xf32>
    %swap3A_144 = vector.shape_cast %swap3A_143 : vector<1x256x128xf32> to vector<256x128xf32>
    %swap3A_145 = vector.shape_cast %slice3A_139 : vector<256x128xf32> to vector<1x256x128xf32>
    tpu.vector_store %arg14[%swap3A_140, %swap3A_141, %swap3A_142], %swap3A_145 {strides = array<i32>} : memref<5x256x128xf32, #tpu.memory_space<vmem>>, vector<1x256x128xf32>,
    %slice3A_146 = vector.extract_strided_slice %max3A_138 {offsets = [0, 128], sizes = [256, 128], strides = [1, 1]} : vector<256x256xf32> to vector<256x128xf32>
    %swap3A_147 = arith.constant 3 : index
    %swap3A_148 = arith.constant 0 : index
    %swap3A_149 = arith.constant 0 : index
    %swap3A_150 = vector.load %arg15[%swap3A_147, %swap3A_148, %swap3A_149] : memref<5x256x128xf32, #tpu.memory_space<vmem>>, vector<1x256x128xf32>
    %swap3A_151 = vector.shape_cast %swap3A_150 : vector<1x256x128xf32> to vector<256x128xf32>
    %swap3A_152 = vector.shape_cast %slice3A_146 : vector<256x128xf32> to vector<1x256x128xf32>
    tpu.vector_store %arg15[%swap3A_147, %swap3A_148, %swap3A_149], %swap3A_152 {strides = array<i32>} : memref<5x256x128xf32, #tpu.memory_space<vmem>>, vector<1x256x128xf32>,
    %slice3A_153 = vector.extract_strided_slice %add3A_72 {offsets = [4, 0], sizes = [1, 256], strides = [1, 1]} : vector<8x256xf32> to vector<1x256xf32>
    %add3A_154 = vector.broadcast %slice3A_153 : vector<1x256xf32> to vector<256x256xf32>
    %add3A_155 = arith.addf %max3A_57, %add3A_154 : vector<256x256xf32>
    %max3A_156 = arith.constant 0.000000e+00 : f32
    %max3A_157 = vector.broadcast %max3A_156 : f32 to vector<256x256xf32>
    %max3A_158 = arith.maximumf %add3A_155, %max3A_157 : vector<256x256xf32>
    %slice3A_159 = vector.extract_strided_slice %max3A_158 {offsets = [0, 0], sizes = [256, 128], strides = [1, 1]} : vector<256x256xf32> to vector<256x128xf32>
    %swap3A_160 = arith.constant 4 : index
    %swap3A_161 = arith.constant 0 : index
    %swap3A_162 = arith.constant 0 : index
    %swap3A_163 = vector.load %arg14[%swap3A_160, %swap3A_161, %swap3A_162] : memref<5x256x128xf32, #tpu.memory_space<vmem>>, vector<1x256x128xf32>
    %swap3A_164 = vector.shape_cast %swap3A_163 : vector<1x256x128xf32> to vector<256x128xf32>
    %swap3A_165 = vector.shape_cast %slice3A_159 : vector<256x128xf32> to vector<1x256x128xf32>
    tpu.vector_store %arg14[%swap3A_160, %swap3A_161, %swap3A_162], %swap3A_165 {strides = array<i32>} : memref<5x256x128xf32, #tpu.memory_space<vmem>>, vector<1x256x128xf32>,
    %slice3A_166 = vector.extract_strided_slice %max3A_158 {offsets = [0, 128], sizes = [256, 128], strides = [1, 1]} : vector<256x256xf32> to vector<256x128xf32>
    %swap3A_167 = arith.constant 4 : index
    %swap3A_168 = arith.constant 0 : index
    %swap3A_169 = arith.constant 0 : index
    %swap3A_170 = vector.load %arg15[%swap3A_167, %swap3A_168, %swap3A_169] : memref<5x256x128xf32, #tpu.memory_space<vmem>>, vector<1x256x128xf32>
    %swap3A_171 = vector.shape_cast %swap3A_170 : vector<1x256x128xf32> to vector<256x128xf32>
    %swap3A_172 = vector.shape_cast %slice3A_166 : vector<256x128xf32> to vector<1x256x128xf32>
    tpu.vector_store %arg15[%swap3A_167, %swap3A_168, %swap3A_169], %swap3A_172 {strides = array<i32>} : memref<5x256x128xf32, #tpu.memory_space<vmem>>, vector<1x256x128xf32>,
    return
  }
  func.func @transform_0(%arg0: i32) -> (i32, i32) {
    %c0_i32 = arith.constant 0 : i32
    %c0_i32_0 = arith.constant 0 : i32
    return %arg0, %c0_i32 : i32, i32
  }
  func.func @transform_1(%arg0: i32) -> (i32, i32) {
    %c0_i32 = arith.constant 0 : i32
    %c0_i32_0 = arith.constant 0 : i32
    return %arg0, %c0_i32 : i32, i32
  }
  func.func @transform_2(%arg0: i32) -> (i32, i32) {
    %c0_i32 = arith.constant 0 : i32
    %c0_i32_0 = arith.constant 0 : i32
    return %arg0, %c0_i32 : i32, i32
  }
  func.func @transform_3(%arg0: i32) -> (i32, i32) {
    %c0_i32 = arith.constant 0 : i32
    %c0_i32_0 = arith.constant 0 : i32
    %c0_i32_1 = arith.constant 0 : i32
    return %c0_i32, %c0_i32_0 : i32, i32
  }
  func.func @transform_4(%arg0: i32) -> (i32, i32) {
    %c0_i32 = arith.constant 0 : i32
    %c0_i32_0 = arith.constant 0 : i32
    %c0_i32_1 = arith.constant 0 : i32
    return %c0_i32, %c0_i32_0 : i32, i32
  }
  func.func @transform_5(%arg0: i32) -> (i32, i32) {
    %c0_i32 = arith.constant 0 : i32
    %c0_i32_0 = arith.constant 0 : i32
    %c0_i32_1 = arith.constant 0 : i32
    return %c0_i32, %c0_i32_0 : i32, i32
  }
  func.func @transform_6(%arg0: i32) -> (i32, i32) {
    %c0_i32 = arith.constant 0 : i32
    %c0_i32_0 = arith.constant 0 : i32
    %c0_i32_1 = arith.constant 0 : i32
    return %c0_i32, %c0_i32_0 : i32, i32
  }
  func.func @transform_7(%arg0: i32) -> (i32, i32) {
    %c0_i32 = arith.constant 0 : i32
    %c0_i32_0 = arith.constant 0 : i32
    %c0_i32_1 = arith.constant 0 : i32
    return %c0_i32, %c0_i32_0 : i32, i32
  }
  func.func @transform_8(%arg0: i32) -> (i32, i32) {
    %c0_i32 = arith.constant 0 : i32
    %c0_i32_0 = arith.constant 0 : i32
    %c0_i32_1 = arith.constant 0 : i32
    return %c0_i32, %c0_i32_0 : i32, i32
  }
  func.func @transform_9(%arg0: i32) -> (i32, i32) {
    %c0_i32 = arith.constant 0 : i32
    %c0_i32_0 = arith.constant 0 : i32
    %c0_i32_1 = arith.constant 0 : i32
    return %c0_i32, %c0_i32_0 : i32, i32
  }
  func.func @transform_10(%arg0: i32) -> (i32, i32) {
    %c0_i32 = arith.constant 0 : i32
    %c0_i32_0 = arith.constant 0 : i32
    %c0_i32_1 = arith.constant 0 : i32
    return %c0_i32, %c0_i32_0 : i32, i32
  }
  func.func @transform_11(%arg0: i32) -> (i32, i32) {
    %c0_i32 = arith.constant 0 : i32
    %c0_i32_0 = arith.constant 0 : i32
    %c0_i32_1 = arith.constant 0 : i32
    return %c0_i32, %c0_i32_0 : i32, i32
  }
  func.func @transform_12(%arg0: i32) -> (i32, i32) {
    %c0_i32 = arith.constant 0 : i32
    %c0_i32_0 = arith.constant 0 : i32
    return %arg0, %c0_i32 : i32, i32
  }
  func.func @transform_13(%arg0: i32) -> (i32, i32, i32) {
    %c0_i32 = arith.constant 0 : i32
    %c0_i32_0 = arith.constant 0 : i32
    %c0_i32_1 = arith.constant 0 : i32
    return %c0_i32, %arg0, %c0_i32_0 : i32, i32, i32
  }
  func.func @transform_14(%arg0: i32) -> (i32, i32, i32) {
    %c0_i32 = arith.constant 0 : i32
    %c0_i32_0 = arith.constant 0 : i32
    %c0_i32_1 = arith.constant 0 : i32
    return %c0_i32, %arg0, %c0_i32_0 : i32, i32, i32
  }
}

module attributes {stable_mosaic.version = 14 : i64} {
  func.func @_ctx_body(%arg0: memref<64x128xf32, #tpu.memory_space<vmem>>, %arg1: memref<128x256xf32, #tpu.memory_space<vmem>>, %arg2: memref<8x256xf32, #tpu.memory_space<vmem>>, %arg3: memref<256x256xf32, #tpu.memory_space<vmem>>, %arg4: memref<8x256xf32, #tpu.memory_space<vmem>>, %arg5: memref<256x256xf32, #tpu.memory_space<vmem>>, %arg6: memref<64x256xf32, #tpu.memory_space<vmem>>) attributes {dimension_semantics = [], scalar_prefetch = 0 : i64, scratch_operands = 0 : i64, tpu.core_type = #tpu.core_type<tc>} {
    %get3A = arith.constant 0 : index
    %get3A_0 = arith.constant 0 : index
    %get3A_1 = vector.load %arg0[%get3A, %get3A_0] : memref<64x128xf32, #tpu.memory_space<vmem>>, vector<64x128xf32>
    %get3A_2 = arith.constant 0 : index
    %get3A_3 = arith.constant 0 : index
    %get3A_4 = vector.load %arg1[%get3A_2, %get3A_3] : memref<128x256xf32, #tpu.memory_space<vmem>>, vector<128x256xf32>
    %dot_general3A = arith.constant dense<0.000000e+00> : vector<64x256xf32>
    %dot_general3A_5 = tpu.matmul %get3A_1, %get3A_4, %dot_general3A {dimension_numbers = #tpu.dot_dimension_numbers<[1], [0], [0], [1], [0, 0, 1, 1], [], []>, transpose_lhs_hint = false} : vector<64x128xf32>, vector<128x256xf32>, vector<64x256xf32> -> vector<64x256xf32>
    %get3A_6 = arith.constant 0 : index
    %get3A_7 = arith.constant 0 : index
    %get3A_8 = vector.load %arg2[%get3A_6, %get3A_7] : memref<8x256xf32, #tpu.memory_space<vmem>>, vector<1x256xf32>
    %add3A = vector.broadcast %get3A_8 : vector<1x256xf32> to vector<64x256xf32>
    %add3A_9 = arith.addf %dot_general3A_5, %add3A : vector<64x256xf32>
    %max3A = arith.constant 0.000000e+00 : f32
    %max3A_10 = vector.broadcast %max3A : f32 to vector<64x256xf32>
    %max3A_11 = arith.maximumf %add3A_9, %max3A_10 : vector<64x256xf32>
    %get3A_12 = arith.constant 0 : index
    %get3A_13 = arith.constant 0 : index
    %get3A_14 = vector.load %arg3[%get3A_12, %get3A_13] : memref<256x256xf32, #tpu.memory_space<vmem>>, vector<256x256xf32>
    %dot_general3A_15 = arith.constant dense<0.000000e+00> : vector<64x256xf32>
    %dot_general3A_16 = tpu.matmul %max3A_11, %get3A_14, %dot_general3A_15 {dimension_numbers = #tpu.dot_dimension_numbers<[1], [0], [0], [1], [0, 0, 1, 1], [], []>, transpose_lhs_hint = false} : vector<64x256xf32>, vector<256x256xf32>, vector<64x256xf32> -> vector<64x256xf32>
    %get3A_17 = arith.constant 0 : index
    %get3A_18 = arith.constant 0 : index
    %get3A_19 = vector.load %arg4[%get3A_17, %get3A_18] : memref<8x256xf32, #tpu.memory_space<vmem>>, vector<1x256xf32>
    %add3A_20 = vector.broadcast %get3A_19 : vector<1x256xf32> to vector<64x256xf32>
    %add3A_21 = arith.addf %dot_general3A_16, %add3A_20 : vector<64x256xf32>
    %get3A_22 = arith.constant 0 : index
    %get3A_23 = arith.constant 0 : index
    %get3A_24 = vector.load %arg5[%get3A_22, %get3A_23] : memref<256x256xf32, #tpu.memory_space<vmem>>, vector<256x256xf32>
    %dot_general3A_25 = arith.constant dense<0.000000e+00> : vector<64x256xf32>
    %dot_general3A_26 = tpu.matmul %add3A_21, %get3A_24, %dot_general3A_25 {dimension_numbers = #tpu.dot_dimension_numbers<[1], [0], [0], [1], [0, 0, 1, 1], [], []>, transpose_lhs_hint = false} : vector<64x256xf32>, vector<256x256xf32>, vector<64x256xf32> -> vector<64x256xf32>
    %swap3A = arith.constant 0 : index
    %swap3A_27 = arith.constant 0 : index
    %swap3A_28 = vector.load %arg6[%swap3A, %swap3A_27] : memref<64x256xf32, #tpu.memory_space<vmem>>, vector<64x256xf32>
    tpu.vector_store %arg6[%swap3A, %swap3A_27], %dot_general3A_26 {strides = array<i32>} : memref<64x256xf32, #tpu.memory_space<vmem>>, vector<64x256xf32>,
    return
  }
}

module attributes {stable_mosaic.version = 14 : i64} {
  func.func @_mlphead_body(%arg0: i32, %arg1: memref<256x256xf32, #tpu.memory_space<vmem>>, %arg2: memref<256x128xf32, #tpu.memory_space<vmem>>, %arg3: memref<256x128xf32, #tpu.memory_space<vmem>>, %arg4: memref<256x256xf32, #tpu.memory_space<vmem>>, %arg5: memref<8x256xf32, #tpu.memory_space<vmem>>, %arg6: memref<256x256xf32, #tpu.memory_space<vmem>>, %arg7: memref<8x256xf32, #tpu.memory_space<vmem>>, %arg8: memref<8x256xf32, #tpu.memory_space<vmem>>, %arg9: memref<8x256xf32, #tpu.memory_space<vmem>>, %arg10: memref<1x1x256xi32, #tpu.memory_space<vmem>>, %arg11: memref<128x256xf32, #tpu.memory_space<vmem>>, %arg12: memref<256x256xf32, #tpu.memory_space<vmem>>, %arg13: memref<8x256xf32, #tpu.memory_space<vmem>>, %arg14: memref<256x128xf32, #tpu.memory_space<vmem>>, %arg15: memref<8x128xf32, #tpu.memory_space<vmem>>, %arg16: memref<256x128xf32, #tpu.memory_space<vmem>>) attributes {dimension_semantics = [#tpu.dimension_semantics<arbitrary>], iteration_bounds = array<i64: 40>, scalar_prefetch = 0 : i64, scratch_operands = 0 : i64, tpu.core_type = #tpu.core_type<tc>, window_params = [{transform_indices = @transform_0, window_bounds = array<i64: 256, 256>}, {transform_indices = @transform_1, window_bounds = array<i64: 256, 128>}, {transform_indices = @transform_2, window_bounds = array<i64: 256, 128>}, {pipeline_mode = #tpu.pipeline_mode<synchronous>, transform_indices = @transform_3, window_bounds = array<i64: 256, 256>}, {pipeline_mode = #tpu.pipeline_mode<synchronous>, transform_indices = @transform_4, window_bounds = array<i64: 8, 256>}, {pipeline_mode = #tpu.pipeline_mode<synchronous>, transform_indices = @transform_5, window_bounds = array<i64: 256, 256>}, {pipeline_mode = #tpu.pipeline_mode<synchronous>, transform_indices = @transform_6, window_bounds = array<i64: 8, 256>}, {pipeline_mode = #tpu.pipeline_mode<synchronous>, transform_indices = @transform_7, window_bounds = array<i64: 8, 256>}, {pipeline_mode = #tpu.pipeline_mode<synchronous>, transform_indices = @transform_8, window_bounds = array<i64: 8, 256>}, {transform_indices = @transform_9, window_bounds = array<i64: 1, 1, 256>}, {pipeline_mode = #tpu.pipeline_mode<synchronous>, transform_indices = @transform_10, window_bounds = array<i64: 128, 256>}, {pipeline_mode = #tpu.pipeline_mode<synchronous>, transform_indices = @transform_11, window_bounds = array<i64: 256, 256>}, {pipeline_mode = #tpu.pipeline_mode<synchronous>, transform_indices = @transform_12, window_bounds = array<i64: 8, 256>}, {pipeline_mode = #tpu.pipeline_mode<synchronous>, transform_indices = @transform_13, window_bounds = array<i64: 256, 128>}, {pipeline_mode = #tpu.pipeline_mode<synchronous>, transform_indices = @transform_14, window_bounds = array<i64: 8, 128>}, {transform_indices = @transform_15, window_bounds = array<i64: 256, 128>}]} {
    %get3A = arith.constant 0 : index
    %get3A_0 = arith.constant 0 : index
    %get3A_1 = vector.load %arg2[%get3A, %get3A_0] : memref<256x128xf32, #tpu.memory_space<vmem>>, vector<256x128xf32>
    %get3A_2 = arith.constant 0 : index
    %get3A_3 = arith.constant 0 : index
    %get3A_4 = vector.load %arg3[%get3A_2, %get3A_3] : memref<256x128xf32, #tpu.memory_space<vmem>>, vector<256x128xf32>
    %concatenate3A = tpu.concatenate %get3A_1, %get3A_4 in 1 : vector<256x128xf32>, vector<256x128xf32> -> vector<256x256xf32>
    %get3A_5 = arith.constant 0 : index
    %get3A_6 = arith.constant 0 : index
    %get3A_7 = vector.load %arg1[%get3A_5, %get3A_6] : memref<256x256xf32, #tpu.memory_space<vmem>>, vector<256x256xf32>
    %add3A = arith.addf %get3A_7, %concatenate3A : vector<256x256xf32>
    %get3A_8 = arith.constant 0 : index
    %get3A_9 = arith.constant 0 : index
    %get3A_10 = vector.load %arg4[%get3A_8, %get3A_9] : memref<256x256xf32, #tpu.memory_space<vmem>>, vector<256x256xf32>
    %dot_general3A = arith.constant dense<0.000000e+00> : vector<256x256xf32>
    %dot_general3A_11 = tpu.matmul %add3A, %get3A_10, %dot_general3A {dimension_numbers = #tpu.dot_dimension_numbers<[1], [0], [0], [1], [0, 0, 1, 1], [], []>, transpose_lhs_hint = false} : vector<256x256xf32>, vector<256x256xf32>, vector<256x256xf32> -> vector<256x256xf32>
    %get3A_12 = arith.constant 0 : index
    %get3A_13 = arith.constant 0 : index
    %get3A_14 = vector.load %arg5[%get3A_12, %get3A_13] : memref<8x256xf32, #tpu.memory_space<vmem>>, vector<1x256xf32>
    %add3A_15 = vector.broadcast %get3A_14 : vector<1x256xf32> to vector<256x256xf32>
    %add3A_16 = arith.addf %dot_general3A_11, %add3A_15 : vector<256x256xf32>
    %max3A = arith.constant 0.000000e+00 : f32
    %max3A_17 = vector.broadcast %max3A : f32 to vector<256x256xf32>
    %max3A_18 = arith.maximumf %add3A_16, %max3A_17 : vector<256x256xf32>
    %get3A_19 = arith.constant 0 : index
    %get3A_20 = arith.constant 0 : index
    %get3A_21 = vector.load %arg6[%get3A_19, %get3A_20] : memref<256x256xf32, #tpu.memory_space<vmem>>, vector<256x256xf32>
    %dot_general3A_22 = arith.constant dense<0.000000e+00> : vector<256x256xf32>
    %dot_general3A_23 = tpu.matmul %max3A_18, %get3A_21, %dot_general3A_22 {dimension_numbers = #tpu.dot_dimension_numbers<[1], [0], [0], [1], [0, 0, 1, 1], [], []>, transpose_lhs_hint = false} : vector<256x256xf32>, vector<256x256xf32>, vector<256x256xf32> -> vector<256x256xf32>
    %get3A_24 = arith.constant 0 : index
    %get3A_25 = arith.constant 0 : index
    %get3A_26 = vector.load %arg7[%get3A_24, %get3A_25] : memref<8x256xf32, #tpu.memory_space<vmem>>, vector<1x256xf32>
    %add3A_27 = vector.broadcast %get3A_26 : vector<1x256xf32> to vector<256x256xf32>
    %add3A_28 = arith.addf %dot_general3A_23, %add3A_27 : vector<256x256xf32>
    %reduce_sum3A = arith.constant dense<0.000000e+00> : vector<256xf32>
    %reduce_sum3A_29 = vector.multi_reduction <add>, %add3A_28, %reduce_sum3A [1] : vector<256x256xf32> to vector<256xf32>
    %broadcast_in_dim3A = vector.shape_cast %reduce_sum3A_29 : vector<256xf32> to vector<256x1xf32>
    %div3A = arith.constant 2.560000e+02 : f32
    %div3A_30 = vector.broadcast %div3A : f32 to vector<256x1xf32>
    %div3A_31 = arith.divf %broadcast_in_dim3A, %div3A_30 : vector<256x1xf32>
    %sub3A = vector.broadcast %div3A_31 : vector<256x1xf32> to vector<256x256xf32>
    %sub3A_32 = arith.subf %add3A_28, %sub3A : vector<256x256xf32>
    %integer_pow3A = arith.mulf %sub3A_32, %sub3A_32 : vector<256x256xf32>
    %reduce_sum3A_33 = arith.constant dense<0.000000e+00> : vector<256xf32>
    %reduce_sum3A_34 = vector.multi_reduction <add>, %integer_pow3A, %reduce_sum3A_33 [1] : vector<256x256xf32> to vector<256xf32>
    %broadcast_in_dim3A_35 = vector.shape_cast %reduce_sum3A_34 : vector<256xf32> to vector<256x1xf32>
    %div3A_36 = arith.constant 2.560000e+02 : f32
    %div3A_37 = vector.broadcast %div3A_36 : f32 to vector<256x1xf32>
    %div3A_38 = arith.divf %broadcast_in_dim3A_35, %div3A_37 : vector<256x1xf32>
    %sub3A_39 = vector.broadcast %div3A_31 : vector<256x1xf32> to vector<256x256xf32>
    %sub3A_40 = arith.subf %add3A_28, %sub3A_39 : vector<256x256xf32>
    %add3A_41 = arith.constant 9.99999974E-6 : f32
    %add3A_42 = vector.broadcast %add3A_41 : f32 to vector<256x1xf32>
    %add3A_43 = arith.addf %div3A_38, %add3A_42 : vector<256x1xf32>
    %sqrt3A = math.sqrt %add3A_43 : vector<256x1xf32>
    %div3A_44 = vector.broadcast %sqrt3A : vector<256x1xf32> to vector<256x256xf32>
    %div3A_45 = arith.divf %sub3A_40, %div3A_44 : vector<256x256xf32>
    %get3A_46 = arith.constant 0 : index
    %get3A_47 = arith.constant 0 : index
    %get3A_48 = vector.load %arg8[%get3A_46, %get3A_47] : memref<8x256xf32, #tpu.memory_space<vmem>>, vector<1x256xf32>
    %mul3A = vector.broadcast %get3A_48 : vector<1x256xf32> to vector<256x256xf32>
    %mul3A_49 = arith.mulf %div3A_45, %mul3A : vector<256x256xf32>
    %get3A_50 = arith.constant 0 : index
    %get3A_51 = arith.constant 0 : index
    %get3A_52 = vector.load %arg9[%get3A_50, %get3A_51] : memref<8x256xf32, #tpu.memory_space<vmem>>, vector<1x256xf32>
    %add3A_53 = vector.broadcast %get3A_52 : vector<1x256xf32> to vector<256x256xf32>
    %add3A_54 = arith.addf %mul3A_49, %add3A_53 : vector<256x256xf32>
    %max3A_55 = arith.constant 0.000000e+00 : f32
    %max3A_56 = vector.broadcast %max3A_55 : f32 to vector<256x256xf32>
    %max3A_57 = arith.maximumf %add3A_54, %max3A_56 : vector<256x256xf32>
    %iota3A = tpu.iota {dimensions = array<i32: 0>} : vector<128x256xi32>
    %get3A_58 = arith.constant 0 : index
    %get3A_59 = arith.constant 0 : index
    %get3A_60 = arith.constant 0 : index
    %get3A_61 = vector.load %arg10[%get3A_58, %get3A_59, %get3A_60] : memref<1x1x256xi32, #tpu.memory_space<vmem>>, vector<1x1x256xi32>
    %get3A_62 = vector.shape_cast %get3A_61 : vector<1x1x256xi32> to vector<1x256xi32>
    %eq3A = vector.broadcast %get3A_62 : vector<1x256xi32> to vector<128x256xi32>
    %eq3A_63 = arith.cmpi eq, %iota3A, %eq3A : vector<128x256xi32>
    %convert_element_type3A = arith.extui %eq3A_63 : vector<128x256xi1> to vector<128x256xi32>
    %convert_element_type3A_64 = arith.sitofp %convert_element_type3A : vector<128x256xi32> to vector<128x256xf32>
    %get3A_65 = arith.constant 0 : index
    %get3A_66 = arith.constant 0 : index
    %get3A_67 = vector.load %arg12[%get3A_65, %get3A_66] : memref<256x256xf32, #tpu.memory_space<vmem>>, vector<256x256xf32>
    %dot_general3A_68 = arith.constant dense<0.000000e+00> : vector<256x256xf32>
    %dot_general3A_69 = tpu.matmul %max3A_57, %get3A_67, %dot_general3A_68 {dimension_numbers = #tpu.dot_dimension_numbers<[1], [0], [0], [1], [0, 0, 1, 1], [], []>, transpose_lhs_hint = false} : vector<256x256xf32>, vector<256x256xf32>, vector<256x256xf32> -> vector<256x256xf32>
    %get3A_70 = arith.constant 0 : index
    %get3A_71 = arith.constant 0 : index
    %get3A_72 = vector.load %arg11[%get3A_70, %get3A_71] : memref<128x256xf32, #tpu.memory_space<vmem>>, vector<128x256xf32>
    %dot_general3A_73 = arith.constant dense<0.000000e+00> : vector<256x256xf32>
    %dot_general3A_74 = tpu.matmul %convert_element_type3A_64, %get3A_72, %dot_general3A_73 {dimension_numbers = #tpu.dot_dimension_numbers<[0], [0], [1], [1], [0, 1, 1, 1], [], []>, precision = #tpu.contract_precision<fp32>, transpose_lhs_hint = false} : vector<128x256xf32>, vector<128x256xf32>, vector<256x256xf32> -> vector<256x256xf32>
    %add3A_75 = arith.addf %dot_general3A_69, %dot_general3A_74 : vector<256x256xf32>
    %get3A_76 = arith.constant 0 : index
    %get3A_77 = arith.constant 0 : index
    %get3A_78 = vector.load %arg13[%get3A_76, %get3A_77] : memref<8x256xf32, #tpu.memory_space<vmem>>, vector<1x256xf32>
    %add3A_79 = vector.broadcast %get3A_78 : vector<1x256xf32> to vector<256x256xf32>
    %add3A_80 = arith.addf %add3A_75, %add3A_79 : vector<256x256xf32>
    %max3A_81 = arith.constant 0.000000e+00 : f32
    %max3A_82 = vector.broadcast %max3A_81 : f32 to vector<256x256xf32>
    %max3A_83 = arith.maximumf %add3A_80, %max3A_82 : vector<256x256xf32>
    %get3A_84 = arith.constant 0 : index
    %get3A_85 = arith.constant 0 : index
    %get3A_86 = vector.load %arg14[%get3A_84, %get3A_85] : memref<256x128xf32, #tpu.memory_space<vmem>>, vector<256x128xf32>
    %dot_general3A_87 = arith.constant dense<0.000000e+00> : vector<256x128xf32>
    %dot_general3A_88 = tpu.matmul %max3A_83, %get3A_86, %dot_general3A_87 {dimension_numbers = #tpu.dot_dimension_numbers<[1], [0], [0], [1], [0, 0, 1, 1], [], []>, transpose_lhs_hint = false} : vector<256x256xf32>, vector<256x128xf32>, vector<256x128xf32> -> vector<256x128xf32>
    %get3A_89 = arith.constant 0 : index
    %get3A_90 = arith.constant 0 : index
    %get3A_91 = vector.load %arg15[%get3A_89, %get3A_90] : memref<8x128xf32, #tpu.memory_space<vmem>>, vector<1x128xf32>
    %add3A_92 = vector.broadcast %get3A_91 : vector<1x128xf32> to vector<256x128xf32>
    %add3A_93 = arith.addf %dot_general3A_88, %add3A_92 : vector<256x128xf32>
    %swap3A = arith.constant 0 : index
    %swap3A_94 = arith.constant 0 : index
    %swap3A_95 = vector.load %arg16[%swap3A, %swap3A_94] : memref<256x128xf32, #tpu.memory_space<vmem>>, vector<256x128xf32>
    tpu.vector_store %arg16[%swap3A, %swap3A_94], %add3A_93 {strides = array<i32>} : memref<256x128xf32, #tpu.memory_space<vmem>>, vector<256x128xf32>,
    return
  }
  func.func @transform_0(%arg0: i32) -> (i32, i32) {
    %c0_i32 = arith.constant 0 : i32
    %c0_i32_0 = arith.constant 0 : i32
    return %arg0, %c0_i32 : i32, i32
  }
  func.func @transform_1(%arg0: i32) -> (i32, i32) {
    %c0_i32 = arith.constant 0 : i32
    %c0_i32_0 = arith.constant 0 : i32
    return %arg0, %c0_i32 : i32, i32
  }
  func.func @transform_2(%arg0: i32) -> (i32, i32) {
    %c0_i32 = arith.constant 0 : i32
    %c0_i32_0 = arith.constant 0 : i32
    return %arg0, %c0_i32 : i32, i32
  }
  func.func @transform_3(%arg0: i32) -> (i32, i32) {
    %c0_i32 = arith.constant 0 : i32
    %c0_i32_0 = arith.constant 0 : i32
    %c0_i32_1 = arith.constant 0 : i32
    return %c0_i32, %c0_i32_0 : i32, i32
  }
  func.func @transform_4(%arg0: i32) -> (i32, i32) {
    %c0_i32 = arith.constant 0 : i32
    %c0_i32_0 = arith.constant 0 : i32
    %c0_i32_1 = arith.constant 0 : i32
    return %c0_i32, %c0_i32_0 : i32, i32
  }
  func.func @transform_5(%arg0: i32) -> (i32, i32) {
    %c0_i32 = arith.constant 0 : i32
    %c0_i32_0 = arith.constant 0 : i32
    %c0_i32_1 = arith.constant 0 : i32
    return %c0_i32, %c0_i32_0 : i32, i32
  }
  func.func @transform_6(%arg0: i32) -> (i32, i32) {
    %c0_i32 = arith.constant 0 : i32
    %c0_i32_0 = arith.constant 0 : i32
    %c0_i32_1 = arith.constant 0 : i32
    return %c0_i32, %c0_i32_0 : i32, i32
  }
  func.func @transform_7(%arg0: i32) -> (i32, i32) {
    %c0_i32 = arith.constant 0 : i32
    %c0_i32_0 = arith.constant 0 : i32
    %c0_i32_1 = arith.constant 0 : i32
    return %c0_i32, %c0_i32_0 : i32, i32
  }
  func.func @transform_8(%arg0: i32) -> (i32, i32) {
    %c0_i32 = arith.constant 0 : i32
    %c0_i32_0 = arith.constant 0 : i32
    %c0_i32_1 = arith.constant 0 : i32
    return %c0_i32, %c0_i32_0 : i32, i32
  }
  func.func @transform_9(%arg0: i32) -> (i32, i32, i32) {
    %c0_i32 = arith.constant 0 : i32
    %c0_i32_0 = arith.constant 0 : i32
    %c0_i32_1 = arith.constant 0 : i32
    return %arg0, %c0_i32, %c0_i32_0 : i32, i32, i32
  }
  func.func @transform_10(%arg0: i32) -> (i32, i32) {
    %c0_i32 = arith.constant 0 : i32
    %c0_i32_0 = arith.constant 0 : i32
    %c0_i32_1 = arith.constant 0 : i32
    return %c0_i32, %c0_i32_0 : i32, i32
  }
  func.func @transform_11(%arg0: i32) -> (i32, i32) {
    %c0_i32 = arith.constant 0 : i32
    %c0_i32_0 = arith.constant 0 : i32
    %c0_i32_1 = arith.constant 0 : i32
    return %c0_i32, %c0_i32_0 : i32, i32
  }
  func.func @transform_12(%arg0: i32) -> (i32, i32) {
    %c0_i32 = arith.constant 0 : i32
    %c0_i32_0 = arith.constant 0 : i32
    %c0_i32_1 = arith.constant 0 : i32
    return %c0_i32, %c0_i32_0 : i32, i32
  }
  func.func @transform_13(%arg0: i32) -> (i32, i32) {
    %c0_i32 = arith.constant 0 : i32
    %c0_i32_0 = arith.constant 0 : i32
    %c0_i32_1 = arith.constant 0 : i32
    return %c0_i32, %c0_i32_0 : i32, i32
  }
  func.func @transform_14(%arg0: i32) -> (i32, i32) {
    %c0_i32 = arith.constant 0 : i32
    %c0_i32_0 = arith.constant 0 : i32
    %c0_i32_1 = arith.constant 0 : i32
    return %c0_i32, %c0_i32_0 : i32, i32
  }
  func.func @transform_15(%arg0: i32) -> (i32, i32) {
    %c0_i32 = arith.constant 0 : i32
    %c0_i32_0 = arith.constant 0 : i32
    return %arg0, %c0_i32 : i32, i32
  }
}

</mosaic_0001>

<sc_bundles>
// kernel: _run.11.cloned.1.call-start
scs
__scs_entry_jumppad:
0x0: {  	(pc) =	sbr.rel $0x88, $3  }
0x1: {  	(tag) =	ssettag $0x0;
	lr =	simm.s32 $0x1  }
0x2: {  	[smem:$0x3F87] =	sst lr;
	_ =	strace $0xD0000000  }
0x3: {  	_ = 	snop  }
0x4: {  	_ = 	snop  }
0x5: {  	_ = 	snop  }
0x6: {  	_ = 	snop  }
0x7: {  	_ = 	snop  }
__scs_overlays_trampoline_lowered:
0x8: {  	[smem:$0x3F96] =	sst s0  }
0x9: {  	[smem:$0x3F97] =	sst s1  }
0xa: {  	[smem:$0x3F98] =	sst s2  }
0xb: {  	[smem:$0x3F99] =	sst s3  }
0xc: {  	[smem:$0x3F9A] =	sst s4  }
0xd: {  	[smem:$0x3F9B] =	sst s5  }
0xe: {  	[smem:$0x3F9C] =	sst s6  }
0xf: {  	[smem:$0x3F9D] =	sst s7  }
0x10: {  	[smem:$0x3F9E] =	sst s8  }
0x11: {  	[smem:$0x3F9F] =	sst s9;
	s0 =	simm.s32 @!p0 $0x0  }
0x12: {  	s1 =	sld [smem:$0x3F85];
	s0 =	simm.s32 @p0 $0x1  }
0x13: {  	[smem:$0x3FA0] =	sst s0;
	s0 =	simm.s32 @!p1 $0x0  }
0x14: {  	s2 =	sld [smem:$0x3F84];
	s0 =	simm.s32 @p1 $0x1  }
0x15: {  	[smem:$0x3FA1] =	sst s0;
	s0 =	simm.s32 @!p2 $0x0  }
0x16: {  	s3 =	sld [smem:$0x3FDB];
	s0 =	simm.s32 @p2 $0x1  }
0x17: {  	s4 =	simm.s32 $0x1BF5;
	[smem:$0x3FA3] =	sst s0  }
0x18: {  	s0 =	sld [smem:$0x3F86];
	_ =	swait.ge [sflag:s4], $0x0  }
0x19: {  	s7 =	sld [smem:$0x3F87]  }
0x1a: {  	s8 =	sadd.s32 $0xFFFFE003, lr  }
0x1b: {  	s9 =	sadd.s32 $0xFFFFFEF7, lr;
	s5 =	simm.s32 $0xFFFFFFFF;
	p2 =	slt.u32 s8, $0xFFFFF086  }
0x1c: {  	p1 =	slt.u32 s9, $0xF7A;
	s5 =	simm.s32 @!p2 $0x0  }
0x1d: {  	s5 =	simm.s32 @p1 $0x1;
	p0 =	seq.s32 s7, s2  }
0x1e: {  	s7 =	smul.u32 @!p0 $0xF7A, s2;
	p2 =	seq.s32 @!p0 s5, $0x0  }
0x1f: {  	s9 =	smul.u32 $0xF7A, s1;
	s8 =	simm.s32 @!p0 $0x1BF5;
	p2 =	por !p2, p0  }
0x20: {  	[sflag:s8] =	ssyncset.s32 @!p0 $0xFFFFF086;
	s6 =	sadd.s32 @!p0 s3, s7;
	s7 =	simm.s32 @!p0 $0x108  }
0x21: {  	s3 =	sadd.s32 s3, s9;
	s6 =	sadd.s32 @!p0 $0x88, s6;
	s7 =	simm.s32 @p2 $0x1082  }
0x22: {  	[simem:s7], [sflag:s8] =	dma.local @!p0 [hbm:s6], $0xF7A  }
0x23: {  	s9 =	sor.u32 $0xD0000000, s2;
	s6 =	simm.s32 $0x108;
	_ =	swait.ge @!p0 [sflag:s8], $0x0  }
0x24: {  	s3 =	sadd.s32 $0x88, s3;
	s6 =	simm.s32 @!p1 $0x1082;
	[sflag:s4] =	ssyncset.s32 $0xFFFFF086  }
0x25: {  	[simem:s6], [sflag:s4] =	dma.local [hbm:s3], $0xF7A  }
0x26: {  	[smem:$0x3F87] =	sst s1;
	(tag) =	ssettag s2;
	_ =	strace s9  }
0x27: {  	s1 =	sld [smem:$0x3F97]  }
0x28: {  	s2 =	sld [smem:$0x3F98]  }
0x29: {  	s4 =	sld [smem:$0x3F9A]  }
0x2a: {  	p0 =	seq.s32 s5, $0x0;
	s5 =	sld [smem:$0x3F9B]  }
0x2b: {  	s6 =	sld [smem:$0x3F9C]  }
0x2c: {  	s7 =	sld [smem:$0x3F9D]  }
0x2d: {  	s3 =	simm.s32 $0x108;
	s8 =	sld [smem:$0x3F9E]  }
0x2e: {  	s3 =	simm.s32 @!p0 $0x1082;
	s9 =	sld [smem:$0x3F9F]  }
0x2f: {  	lr =	sadd.s32 s0, s3;
	s0 =	sld [smem:$0x3F96]  }
0x30: {  	s3 =	sld [smem:$0x3F99]  }
0x31: {  	[smem:$0x3FA2] =	sst s10  }
0x32: {  	s10 =	sld [smem:$0x3FA0];
	_ =	sdelay $0x3  }
0x33: {  	p0 =	seq.s32 s10, $0x1;
	s10 =	sld [smem:$0x3FA2];
	_ =	sdelay $0x3  }
0x34: {  	[smem:$0x3FA2] =	sst s10  }
0x35: {  	s10 =	sld [smem:$0x3FA1];
	_ =	sdelay $0x3  }
0x36: {  	p1 =	seq.s32 s10, $0x1;
	s10 =	sld [smem:$0x3FA2];
	_ =	sdelay $0x3  }
0x37: {  	[smem:$0x3FA2] =	sst s10  }
0x38: {  	s10 =	sld [smem:$0x3FA3]  }
0x39: {  	_ = 	snop;
	(pc) =	sbr.ind lr, $3  }
0x3a: {  	_ = 	snop  }
0x3b: {  	_ = 	snop  }
0x3c: {  	p2 =	seq.s32 s10, $0x1;
	s10 =	sld [smem:$0x3FA2]  }
0x3d: {  	_ =	shalt  }
0x3e: {  	_ =	shalt  }
0x3f: {  	_ =	shalt  }
0x40: {  	_ =	shalt  }
0x41: {  	_ =	shalt  }
0x42: {  	_ =	shalt  }
0x43: {  	_ =	shalt  }
0x44: {  	_ =	shalt  }
0x45: {  	_ =	shalt  }
0x46: {  	_ =	shalt  }
0x47: {  	_ =	shalt  }
0x48: {  	_ =	shalt  }
0x49: {  	_ =	shalt  }
0x4a: {  	_ =	shalt  }
0x4b: {  	_ =	shalt  }
0x4c: {  	_ =	shalt  }
0x4d: {  	_ =	shalt  }
0x4e: {  	_ =	shalt  }
0x4f: {  	_ =	shalt  }
0x50: {  	_ =	shalt  }
0x51: {  	_ =	shalt  }
0x52: {  	_ =	shalt  }
0x53: {  	_ =	shalt  }
0x54: {  	_ =	shalt  }
0x55: {  	_ =	shalt  }
0x56: {  	_ =	shalt  }
0x57: {  	_ =	shalt  }
0x58: {  	_ =	shalt  }
0x59: {  	_ =	shalt  }
0x5a: {  	_ =	shalt  }
0x5b: {  	_ =	shalt  }
0x5c: {  	_ =	shalt  }
0x5d: {  	_ =	shalt  }
0x5e: {  	_ =	shalt  }
0x5f: {  	_ =	shalt  }
0x60: {  	_ =	shalt  }
0x61: {  	_ =	shalt  }
0x62: {  	_ =	shalt  }
0x63: {  	_ =	shalt  }
0x64: {  	_ =	shalt  }
0x65: {  	_ =	shalt  }
0x66: {  	_ =	shalt  }
0x67: {  	_ =	shalt  }
0x68: {  	_ =	shalt  }
0x69: {  	_ =	shalt  }
0x6a: {  	_ =	shalt  }
0x6b: {  	_ =	shalt  }
0x6c: {  	_ =	shalt  }
0x6d: {  	_ =	shalt  }
0x6e: {  	_ =	shalt  }
0x6f: {  	_ =	shalt  }
0x70: {  	_ =	shalt  }
0x71: {  	_ =	shalt  }
0x72: {  	_ =	shalt  }
0x73: {  	_ =	shalt  }
0x74: {  	_ =	shalt  }
0x75: {  	_ =	shalt  }
0x76: {  	_ =	shalt  }
0x77: {  	_ =	shalt  }
0x78: {  	_ =	shalt  }
0x79: {  	_ =	shalt  }
0x7a: {  	_ =	shalt  }
0x7b: {  	_ =	shalt  }
0x7c: {  	_ =	shalt  }
0x7d: {  	_ =	shalt  }
0x7e: {  	_ =	shalt  }
0x7f: {  	_ =	shalt  }
0x80: {  	_ =	shalt  }
0x81: {  	_ =	shalt  }
0x82: {  	_ =	shalt  }
0x83: {  	_ =	shalt  }
0x84: {  	_ =	shalt  }
0x85: {  	_ =	shalt  }
0x86: {  	_ =	shalt  }
0x87: {  	_ =	shalt  }
.Lfunc_end0:
.L_simem_size_0:
called_computation.1_lowered:
.L_overlay_start_0:
0x88: {  	s2 =	sld [smem:$0x3FD9]  }
0x89: {  	s3 =	sld [smem:$0x3FFE];
	_ =	sdelay $0x1  }
0x8a: {  	s1 =	srdreg.scid  }
0x8b: {  	s0 =	sand.u32 $0x1, s1  }
0x8c: {  	s17 =	sshll.u32 s0, $0xA;
	s2 =	sadd.s32 s3, s2  }
0x8d: {  	s2 =	sadd.s32 s2, s17  }
0x8e: {  	[smem:$0x3FAE] =	sst s2  }
0x8f: {  	_ = 	snop  }
0x90: {  	s2 =	sld [smem:$0x3FD0];
	(tm) =	ssettm $0x1  }
0x91: {  	s18 =	sld [smem:$0x3FFB];
	_ =	sdelay $0x3  }
0x92: {  	_ =	strace s18  }
0x93: {  	s3 =	sld [smem:$0x3FFC];
	_ =	sdelay $0x3  }
0x94: {  	_ =	strace s3  }
0x95: {  	s3 =	sld [smem:$0x3FFD];
	_ =	sdelay $0x3  }
0x96: {  	_ =	strace s3  }
0x97: {  	_ =	strace $0x8FFFFFFF  }
0x98: {  	s19 =	sld [smem:$0x3FDB];
	_ =	sdelay $0x1  }
0x99: {  	s4 =	simm.s32 $_scs_section_size  }
0x9a: {  	s5 =	simm.s32 $_size__tile_overlayer_lowered;
	s6 =	simm.s32 $_tile_overlayer_lowered  }
0x9b: {  	s22 =	simm.s32 $0x1BFF;
	s21 =	sshll.u32 s6, $0x1;
	s3 =	sadd.s32 s4, s19  }
0x9c: {  	s7 =	simm.s32 $0x0;
	s20 =	sshll.u32 s5, $0x1;
	s5 =	sadd.s32 s21, s3  }
0x9d: {  	[timem:s7], [sflag:s22] =	dma.local [hbm:s5], s20  }
0x9e: {  	_ =	swait.ge [sflag:s22], s20  }
0x9f: {  	s4 =	ssub.s32 $0x0, s20;
	[sflag:s22] =	ssyncset.done $0x0  }
0xa0: {  	[sflag:s22] =	ssyncadd.s32 s4;
	_ =	sdelay $0x1  }
0xa1: {  	s23 =	simm.s32 $0x1B8B  }
0xa2: {  	_ =	swait.ge [sflag:s23], $0x1  }
0xa3: {  	[sflag:s23] =	ssyncset.done $0x0  }
0xa4: {  	s25 =	simm.s32 $0x1B8E;
	s24 =	sld [smem:$0x3FFE];
	[sflag:s23] =	ssyncadd.s32 $0xFFFFFFFF  }
0xa5: {  	s26 =	simm.s32 $execute0_lowered;
	[smem:$0x3FD2] =	sst s25  }
0xa6: {  	s5 =	sshll.u32 s26, $0x1;
	_ =	strace $0x80000049;
	[dreg:$0x1] =	wrdreg $0xFFFFFFFF  }
0xa7: {  	s28 =	simm.s32 $_size_execute0_lowered;
	s3 =	sadd.s32 s3, s5;
	[dreg:$0x0] =	wrdreg $0x0  }
0xa8: {  	s5 =	sshll.u32 s28, $0x1;
	[dreg:$0x2] =	wrdreg s3  }
0xa9: {  	[dreg:$0x3] =	wrdreg s5  }
0xaa: {  	[dreg:$0x4] =	wrdreg $0xC0  }
0xab: {  	_ =	task [dreg:s7], $0x5FFFF  }
0xac: {  	[dreg:$0x1] =	wrdreg $0xFFFFFFFF  }
0xad: {  	[dreg:$0x0] =	wrdreg $0x60  }
0xae: {  	[dreg:$0x2] =	wrdreg s24  }
0xaf: {  	[dreg:$0x3] =	wrdreg s2  }
0xb0: {  	[dreg:$0x4] =	wrdreg $0xA8000  }
0xb1: {  	[dreg:$0x5] =	wrdreg $0x9  }
0xb2: {  	_ =	task.clear_ibuf [dreg:s7], $0x6FFFF;
	_ =	strace $0x90000049  }
0xb3: {  	s29 =	simm.s32 $0x9;
	_ =	strace $0x8000004B  }
0xb4: {  	_ =	swait.ge [sflag:s29], $0x1  }
0xb5: {  	[sflag:s29] =	ssyncadd.s32 $0xFFFFFFFF  }
0xb6: {  	_ =	strace $0x9000004B  }
0xb7: {  	_ =	sfence  }
0xb8: {  	s30 =	sld [smem:$0x0];
	_ =	sdelay $0x2  }
0xb9: {  	s31 =	sshll.u32 s1, $0xD;
	s1 =	sshrl.u32 s1, $0x2  }
0xba: {  	s3 =	sand.u32 $0x4000, s31;
	s1 =	sadd.s32 s1, s30  }
0xbb: {  	s0 =	sor.u32 s3, s0;
	s1 =	sshll.u32 s1, $0x11  }
0xbc: {  	s0 =	sor.u32 s1, s0  }
0xbd: {  	s0 =	sadd.s32 $0x8F2B, s0  }
0xbe: {  	[sflag:s0] =	ssyncadd.remote.s32 $0x1  }
0xbf: {  	_ =	sfence.sel $0xFFFF  }
0xc0: {  	[dreg:$0x0] =	wrdreg $0xFFFFFFFF;
	(pc) =	sbr.abs _section_cstart, $3  }
0xc1: {  	[dreg:$0x1] =	wrdreg $0xFFFFFFFF  }
0xc2: {  	_ =	task.clear_ibuf [dreg:s7], $0x2FFFF;
	_ =	strace $0x9FFFFFFF  }
0xc3: {  	(tm) =	ssettm $0x7FFFFFFF  }
tec
execute0_lowered:
.L_overlay_start_1:
0x0: {  	(tag) =	ssettag $0x1  }
0x1: {  	s0 =	rddreg [dreg:$0x0]  }
0x2: {  	s3 =	rddreg [dreg:$0x2]  }
0x3: {  	s4 =	simm.s32 $0x0;
	s9 =	stileid.u32;
	s2 =	srdreg.scid  }
0x4: {  	s28 =	simm.s32 $0x2800;
	s29 =	simm.s32 $0x6800;
	s30 =	simm.s32 $0x1  }
0x5: {  	s31 =	simm.s32 $0x3;
	s12 =	simm.s32 $0x2780;
	s13 =	simm.s32 $0x0  }
0x6: {  	[smem:$0x7FF] =	sst s4;
	s1 =	smul.u32 $0x500, s9;
	s5 =	sadd.s32 $0xF600, s0  }
0x7: {  	s6 =	sadd.s32 $0xD7600, s0;
	s2 =	sand.u32 $0x1, s2;
	s8 =	smul.u32 $0x50000, s9  }
0x8: {  	s10 =	sadd.s32 $0x1EF600, s0;
	_ =	strace $0x8000004A;
	s7 =	ssub.s32 $0x2, s2  }
0x9: {  	[dreg:$0x4] =	wrdreg s10;
	p0 =	seq.s32 s2, $0x1;
	s1 =	sadd.s32 s1, s0  }
0xa: {  	s0 =	sadd.s32 $0x217600, s0;
	s20 =	sshrl.u32 s7, $0x1;
	s21 =	sshrl.u32 s8, $0x2  }
0xb: {  	s8 =	simm.s32 $0x4;
	[dreg:$0x5] =	wrdreg s0;
	s0 =	ssub.s32 s7, s20  }
0xc: {  	s22 =	sadd.s32 $0x5600, s1;
	s10 =	sadd.s32 $0xA600, s1;
	s11 =	sadd.s32 s21, s3  }
0xd: {  	s21 =	smul.u32 $0x2800, s9;
	s7 =	simm.s32 $0x1480;
	s9 =	simm.s32 $0x2700  }
0xe: {  	[dreg:$0x6] =	wrdreg s22;
	s2 =	sadd.s32 $0x2000, s11;
	s23 =	sadd.s32 $0x4000, s11  }
0xf: {  	s24 =	sadd.s32 $0x6000, s11;
	s25 =	sadd.s32 $0x8000, s11;
	[dreg:$0x7] =	wrdreg s2  }
0x10: {  	s26 =	sadd.s32 $0xA000, s11;
	s17 =	sadd.s32 $0xC000, s11;
	[dreg:$0x8] =	wrdreg s23  }
.Ltmp0:
0x11: {  	s18 =	sadd.s32 $0xE000, s11;
	[dreg:$0x9] =	wrdreg s24;
	(pc) =	sbr.rel .LBB2_1-.Ltmp0, $4  }
0x12: {  	s19 =	sadd.s32 $0x10000, s11;
	s20 =	sadd.s32 $0x12000, s11;
	[dreg:$0xa] =	wrdreg s25  }
0x13: {  	s22 =	smax.u32 s0, $0x1;
	s0 =	simm.s32 $0x100;
	[dreg:$0xb] =	wrdreg s26  }
0x14: {  	s23 =	sadd.s32 $0x5880, s1;
	s24 =	simm.s32 $0x5;
	s25 =	simm.s32 $0x1400  }
0x15: {  	s26 =	simm.s32 $0x80;
	s1 =	simm.s32 $0x2;
	s2 =	simm.s32 $0x1380  }
.LBB2_11:
0x16: {  	[spmem:s3] =	stream.indirect.scatter.add.f32 [tilespmem:s29], [sflag:$0x4], $0x80, s15, s26, $0xb8;
	[tilespmem:$0x1E800] =	vst v63  }
0x17: {  	_ =	swait.ge [sflag:s8], $0x4000  }
0x18: {  	[sflag:s8] =	ssyncset.done $0x0  }
0x19: {  	[sflag:s8] =	ssyncadd.s32 $0xFFFFC000  }
0x1a: {  	[tilespmem:s29], [sflag:$0x2] =	stream.indirect.gather [hbm4b:s6+s26], $0x80, s2, s26, $0xb8;
	[tilespmem:$0x1E800] =	vst v63  }
0x1b: {  	_ =	swait.ge [sflag:s30], $0x4000  }
0x1c: {  	[sflag:s30] =	ssyncset.done $0x0  }
0x1d: {  	[sflag:s30] =	ssyncadd.s32 $0xFFFFC000  }
0x1e: {  	[spmem:s3] =	stream.indirect.scatter.add.f32 [tilespmem:s28], [sflag:$0x3], $0x80, s9, s26, $0xb8;
	[tilespmem:$0x1E800] =	vst v63  }
0x1f: {  	_ =	swait.ge [sflag:s1], $0x4000  }
0x20: {  	[sflag:s1] =	ssyncset.done $0x0  }
0x21: {  	s14 =	rddreg [dreg:$0x5];
	[sflag:s1] =	ssyncadd.s32 $0xFFFFC000  }
0x22: {  	[spmem:s3] =	stream.indirect.scatter.add.f32 [tilespmem:s29], [sflag:$0x4], $0x80, s12, s26, $0xb8;
	[tilespmem:$0x1E800] =	vst v63  }
.LBB2_12:
0x23: {  	_ =	swait.ge [sflag:s31], $0x4000  }
0x24: {  	[sflag:s31] =	ssyncset.done $0x0  }
0x25: {  	[sflag:s31] =	ssyncadd.s32 $0xFFFFC000  }
0x26: {  	s14 =	sadd.s32 s14, s21;
	s15 =	stileid.u32;
	_ =	swait.ge [sflag:s8], $0x4000  }
0x27: {  	s16 =	sshrl.u32 s11, $0x3;
	s13 =	sadd.s32 $0x1, s13;
	[sflag:s8] =	ssyncset.done $0x0  }
0x28: {  	s15 =	sshll.u32 s15, $0x6;
	p1 =	sne.s32 s13, s22;
	[sflag:s8] =	ssyncadd.s32 $0xFFFFC000  }
.Ltmp1:
0x29: {  	s15 =	sor.u32 $0x1C05, s15;
	[bflag:$0x0] =	sbarrier.arrive $0xFFFF;
	(pc) =	sbr.rel @!p1 .LBB2_13-.Ltmp1, $4  }
0x2a: {  	[hbm:s14], [sflag:s15] =	dma.local [spmem:s16], $0x2800  }
0x2b: {  	_ =	swait.ge [sflag:s24], $0x2800  }
0x2c: {  	[sflag:s24] =	ssyncset.done $0x0  }
0x2d: {  	[sflag:s24] =	ssyncadd.s32 $0xFFFFD800  }
.LBB2_1:
0x2e: {  	s14 =	rddreg [dreg:$0x6]  }
0x2f: {  	[tilespmem:s4], [sflag:$0x5] =	stream.linear.gather [hbm4b:s14+s4], $0x1400, $0x38;
	[tilespmem:$0x1E800] =	vst v63  }
0x30: {  	_ =	swait.ge [sflag:s24], $0x1400  }
0x31: {  	[sflag:s24] =	ssyncset.done $0x0  }
.Ltmp2:
0x32: {  	[sflag:s24] =	ssyncadd.s32 $0xFFFFEC00;
	(pc) =	sbr.rel @!p0 .LBB2_2-.Ltmp2, $4  }
0x33: {  	[tilespmem:s25], [sflag:$0x5] =	stream.linear.gather [hbm4b:s10+s4], $0x1400, $0x38;
	[tilespmem:$0x1E800] =	vst v63  }
0x34: {  	_ =	swait.ge [sflag:s24], $0x1400  }
0x35: {  	[sflag:s24] =	ssyncset.done $0x0  }
0x36: {  	[sflag:s24] =	ssyncadd.s32 $0xFFFFEC00  }
0x37: {  	[tilespmem:s28], [sflag:$0x1] =	stream.indirect.gather [hbm4b:s6+s26], $0x80, s4, s26, $0xb8;
	[tilespmem:$0x1E800] =	vst v63  }
0x38: {  	s14 =	rddreg [dreg:$0x1]  }
0x39: {  	[tilespmem:s29], [sflag:$0x5] =	stream.linear.gather [hbm4b:s14+s4], $0x2000, $0x38;
	[tilespmem:$0x1E800] =	vst v63  }
0x3a: {  	_ =	swait.ge [sflag:s24], $0x2000  }
0x3b: {  	[sflag:s24] =	ssyncset.done $0x0  }
0x3c: {  	[sflag:s24] =	ssyncadd.s32 $0xFFFFE000  }
0x3d: {  	[spmem:s11] =	stream.linear.scatter [tilespmem:s29], [sflag:$0x5], $0x2000, $0x38;
	[tilespmem:$0x1E800] =	vst v63  }
0x3e: {  	_ =	swait.ge [sflag:s24], $0x2000  }
0x3f: {  	[sflag:s24] =	ssyncset.done $0x0  }
0x40: {  	s15 =	rddreg [dreg:$0x7];
	[sflag:s24] =	ssyncadd.s32 $0xFFFFE000  }
0x41: {  	[spmem:s15] =	stream.linear.scatter [tilespmem:s29], [sflag:$0x5], $0x2000, $0x38;
	[tilespmem:$0x1E800] =	vst v63  }
0x42: {  	_ =	swait.ge [sflag:s24], $0x2000  }
0x43: {  	[sflag:s24] =	ssyncset.done $0x0  }
0x44: {  	s16 =	rddreg [dreg:$0x8];
	[sflag:s24] =	ssyncadd.s32 $0xFFFFE000  }
0x45: {  	[spmem:s16] =	stream.linear.scatter [tilespmem:s29], [sflag:$0x5], $0x2000, $0x38;
	[tilespmem:$0x1E800] =	vst v63  }
0x46: {  	_ =	swait.ge [sflag:s24], $0x2000  }
0x47: {  	[sflag:s24] =	ssyncset.done $0x0  }
0x48: {  	s15 =	rddreg [dreg:$0x9];
	[sflag:s24] =	ssyncadd.s32 $0xFFFFE000  }
0x49: {  	[spmem:s15] =	stream.linear.scatter [tilespmem:s29], [sflag:$0x5], $0x2000, $0x38;
	[tilespmem:$0x1E800] =	vst v63  }
0x4a: {  	_ =	swait.ge [sflag:s24], $0x2000  }
0x4b: {  	[sflag:s24] =	ssyncset.done $0x0  }
0x4c: {  	s16 =	rddreg [dreg:$0xa];
	[sflag:s24] =	ssyncadd.s32 $0xFFFFE000  }
0x4d: {  	[spmem:s16] =	stream.linear.scatter [tilespmem:s29], [sflag:$0x5], $0x2000, $0x38;
	[tilespmem:$0x1E800] =	vst v63  }
0x4e: {  	_ =	swait.ge [sflag:s24], $0x2000  }
0x4f: {  	[sflag:s24] =	ssyncset.done $0x0  }
0x50: {  	s15 =	rddreg [dreg:$0xb];
	[sflag:s24] =	ssyncadd.s32 $0xFFFFE000  }
0x51: {  	[spmem:s15] =	stream.linear.scatter [tilespmem:s29], [sflag:$0x5], $0x2000, $0x38;
	[tilespmem:$0x1E800] =	vst v63  }
0x52: {  	_ =	swait.ge [sflag:s24], $0x2000  }
0x53: {  	[sflag:s24] =	ssyncset.done $0x0  }
0x54: {  	[sflag:s24] =	ssyncadd.s32 $0xFFFFE000  }
0x55: {  	[spmem:s17] =	stream.linear.scatter [tilespmem:s29], [sflag:$0x5], $0x2000, $0x38;
	[tilespmem:$0x1E800] =	vst v63  }
0x56: {  	_ =	swait.ge [sflag:s24], $0x2000  }
0x57: {  	[sflag:s24] =	ssyncset.done $0x0  }
0x58: {  	[sflag:s24] =	ssyncadd.s32 $0xFFFFE000  }
0x59: {  	[spmem:s18] =	stream.linear.scatter [tilespmem:s29], [sflag:$0x5], $0x2000, $0x38;
	[tilespmem:$0x1E800] =	vst v63  }
0x5a: {  	_ =	swait.ge [sflag:s24], $0x2000  }
0x5b: {  	[sflag:s24] =	ssyncset.done $0x0  }
0x5c: {  	[sflag:s24] =	ssyncadd.s32 $0xFFFFE000  }
0x5d: {  	[spmem:s19] =	stream.linear.scatter [tilespmem:s29], [sflag:$0x5], $0x2000, $0x38;
	[tilespmem:$0x1E800] =	vst v63  }
0x5e: {  	_ =	swait.ge [sflag:s24], $0x2000  }
0x5f: {  	[sflag:s24] =	ssyncset.done $0x0  }
0x60: {  	[sflag:s24] =	ssyncadd.s32 $0xFFFFE000  }
0x61: {  	[spmem:s20] =	stream.linear.scatter [tilespmem:s29], [sflag:$0x5], $0x2000, $0x38;
	[tilespmem:$0x1E800] =	vst v63  }
0x62: {  	_ =	swait.ge [sflag:s24], $0x2000  }
0x63: {  	[sflag:s24] =	ssyncset.done $0x0  }
0x64: {  	[sflag:s24] =	ssyncadd.s32 $0xFFFFE000  }
0x65: {  	[bflag:$0x0] =	sbarrier.arrive $0xFFFF  }
0x66: {  	[tilespmem:s29], [sflag:$0x2] =	stream.indirect.gather [hbm4b:s6+s26], $0x80, s26, s26, $0xb8;
	[tilespmem:$0x1E800] =	vst v63  }
0x67: {  	_ =	swait.ge [sflag:s30], $0x4000  }
0x68: {  	[sflag:s30] =	ssyncset.done $0x0  }
0x69: {  	[sflag:s30] =	ssyncadd.s32 $0xFFFFC000  }
0x6a: {  	[spmem:s3] =	stream.indirect.scatter.add.f32 [tilespmem:s28], [sflag:$0x3], $0x80, s25, s26, $0xb8;
	[tilespmem:$0x1E800] =	vst v63  }
0x6b: {  	_ =	swait.ge [sflag:s31], $0x4000  }
0x6c: {  	[sflag:s31] =	ssyncset.done $0x0  }
0x6d: {  	[sflag:s31] =	ssyncadd.s32 $0xFFFFC000  }
0x6e: {  	[tilespmem:s28], [sflag:$0x1] =	stream.indirect.gather [hbm4b:s6+s26], $0x80, s0, s26, $0xb8;
	[tilespmem:$0x1E800] =	vst v63  }
0x6f: {  	_ =	swait.ge [sflag:s1], $0x4000  }
0x70: {  	[sflag:s1] =	ssyncset.done $0x0  }
0x71: {  	[sflag:s1] =	ssyncadd.s32 $0xFFFFC000  }
0x72: {  	[spmem:s3] =	stream.indirect.scatter.add.f32 [tilespmem:s29], [sflag:$0x4], $0x80, s7, s26, $0xb8;
	[tilespmem:$0x1E800] =	vst v63  }
0x73: {  	_ =	swait.ge [sflag:s8], $0x4000  }
0x74: {  	[sflag:s8] =	ssyncset.done $0x0  }
0x75: {  	s16 =	simm.s32 $0x180;
	[sflag:s8] =	ssyncadd.s32 $0xFFFFC000  }
0x76: {  	[tilespmem:s29], [sflag:$0x2] =	stream.indirect.gather [hbm4b:s6+s26], $0x80, s16, s26, $0xb8;
	[tilespmem:$0x1E800] =	vst v63  }
0x77: {  	_ =	swait.ge [sflag:s30], $0x4000  }
0x78: {  	[sflag:s30] =	ssyncset.done $0x0  }
0x79: {  	s15 =	simm.s32 $0x1500;
	[sflag:s30] =	ssyncadd.s32 $0xFFFFC000  }
0x7a: {  	[spmem:s3] =	stream.indirect.scatter.add.f32 [tilespmem:s28], [sflag:$0x3], $0x80, s15, s26, $0xb8;
	[tilespmem:$0x1E800] =	vst v63  }
0x7b: {  	_ =	swait.ge [sflag:s31], $0x4000  }
0x7c: {  	[sflag:s31] =	ssyncset.done $0x0  }
0x7d: {  	s16 =	simm.s32 $0x200;
	[sflag:s31] =	ssyncadd.s32 $0xFFFFC000  }
0x7e: {  	[tilespmem:s28], [sflag:$0x1] =	stream.indirect.gather [hbm4b:s6+s26], $0x80, s16, s26, $0xb8;
	[tilespmem:$0x1E800] =	vst v63  }
0x7f: {  	_ =	swait.ge [sflag:s1], $0x4000  }
0x80: {  	[sflag:s1] =	ssyncset.done $0x0  }
0x81: {  	s14 =	simm.s32 $0xFFFFBC00;
	s15 =	simm.s32 $0x1580;
	[sflag:s1] =	ssyncadd.s32 $0xFFFFC000  }
.LBB2_8:
0x82: {  	[spmem:s3] =	stream.indirect.scatter.add.f32 [tilespmem:s29], [sflag:$0x4], $0x80, s15, s26, $0xb8;
	[tilespmem:$0x1E800] =	vst v63  }
0x83: {  	s15 =	smov.u32 s14  }
0x84: {  	p1 =	sne.s32 s14, $0xFFFFFC00;
	s14 =	sadd.s32 $0x400, s14;
	_ =	swait.ge [sflag:s8], $0x4000  }
0x85: {  	s15 =	sshra.s32 s15, $0x2;
	[sflag:s8] =	ssyncset.done $0x0  }
0x86: {  	s16 =	sadd.s32 $0x1380, s15;
	[sflag:s8] =	ssyncadd.s32 $0xFFFFC000  }
0x87: {  	[tilespmem:s29], [sflag:$0x2] =	stream.indirect.gather [hbm4b:s6+s26], $0x80, s16, s26, $0xb8;
	[tilespmem:$0x1E800] =	vst v63  }
0x88: {  	_ =	swait.ge [sflag:s30], $0x4000  }
0x89: {  	[sflag:s30] =	ssyncset.done $0x0  }
0x8a: {  	s16 =	sadd.s32 $0x2700, s15;
	[sflag:s30] =	ssyncadd.s32 $0xFFFFC000  }
0x8b: {  	[spmem:s3] =	stream.indirect.scatter.add.f32 [tilespmem:s28], [sflag:$0x3], $0x80, s16, s26, $0xb8;
	[tilespmem:$0x1E800] =	vst v63  }
0x8c: {  	_ =	swait.ge [sflag:s31], $0x4000  }
0x8d: {  	[sflag:s31] =	ssyncset.done $0x0  }
.Ltmp3:
0x8e: {  	s16 =	sadd.s32 $0x1400, s15;
	[sflag:s31] =	ssyncadd.s32 $0xFFFFC000;
	(pc) =	sbr.rel @p1 .LBB2_8-.Ltmp3, $4  }
0x8f: {  	[tilespmem:s28], [sflag:$0x1] =	stream.indirect.gather [hbm4b:s6+s26], $0x80, s16, s26, $0xb8;
	[tilespmem:$0x1E800] =	vst v63  }
0x90: {  	_ =	swait.ge [sflag:s1], $0x4000  }
0x91: {  	[sflag:s1] =	ssyncset.done $0x0  }
0x92: {  	s15 =	sadd.s32 $0x2780, s15;
	[sflag:s1] =	ssyncadd.s32 $0xFFFFC000  }
0x93: {  	[spmem:s3] =	stream.indirect.scatter.add.f32 [tilespmem:s29], [sflag:$0x4], $0x80, s15, s26, $0xb8;
	[tilespmem:$0x1E800] =	vst v63  }
0x94: {  	_ =	swait.ge [sflag:s8], $0x4000  }
0x95: {  	[sflag:s8] =	ssyncset.done $0x0  }
0x96: {  	[sflag:s8] =	ssyncadd.s32 $0xFFFFC000  }
0x97: {  	[tilespmem:s29], [sflag:$0x2] =	stream.indirect.gather [hbm4b:s6+s26], $0x80, s2, s26, $0xb8;
	[tilespmem:$0x1E800] =	vst v63  }
0x98: {  	_ =	swait.ge [sflag:s30], $0x4000  }
0x99: {  	[sflag:s30] =	ssyncset.done $0x0  }
0x9a: {  	[sflag:s30] =	ssyncadd.s32 $0xFFFFC000  }
0x9b: {  	[spmem:s3] =	stream.indirect.scatter.add.f32 [tilespmem:s28], [sflag:$0x3], $0x80, s9, s26, $0xb8;
	[tilespmem:$0x1E800] =	vst v63  }
0x9c: {  	_ =	swait.ge [sflag:s1], $0x4000  }
0x9d: {  	[sflag:s1] =	ssyncset.done $0x0  }
0x9e: {  	[sflag:s1] =	ssyncadd.s32 $0xFFFFC000  }
0x9f: {  	[spmem:s3] =	stream.indirect.scatter.add.f32 [tilespmem:s29], [sflag:$0x4], $0x80, s12, s26, $0xb8;
	[tilespmem:$0x1E800] =	vst v63  }
0xa0: {  	_ =	swait.ge [sflag:s31], $0x4000  }
0xa1: {  	[sflag:s31] =	ssyncset.done $0x0  }
0xa2: {  	[sflag:s31] =	ssyncadd.s32 $0xFFFFC000  }
0xa3: {  	_ =	swait.ge [sflag:s8], $0x4000  }
0xa4: {  	[sflag:s8] =	ssyncset.done $0x0  }
0xa5: {  	[sflag:s8] =	ssyncadd.s32 $0xFFFFC000  }
0xa6: {  	[tilespmem:s4], [sflag:$0x5] =	stream.linear.gather [hbm4b:s23+s4], $0x1400, $0x38;
	[tilespmem:$0x1E800] =	vst v63  }
0xa7: {  	_ =	swait.ge [sflag:s24], $0x1400  }
0xa8: {  	[sflag:s24] =	ssyncset.done $0x0  }
0xa9: {  	s14 =	sadd.s32 $0x280, s10;
	[sflag:s24] =	ssyncadd.s32 $0xFFFFEC00  }
0xaa: {  	[tilespmem:s25], [sflag:$0x5] =	stream.linear.gather [hbm4b:s14+s4], $0x1400, $0x38;
	[tilespmem:$0x1E800] =	vst v63  }
0xab: {  	_ =	swait.ge [sflag:s24], $0x1400  }
0xac: {  	[sflag:s24] =	ssyncset.done $0x0  }
0xad: {  	[sflag:s24] =	ssyncadd.s32 $0xFFFFEC00  }
0xae: {  	[tilespmem:s28], [sflag:$0x1] =	stream.indirect.gather [hbm4b:s6+s26], $0x80, s4, s26, $0xb8;
	[tilespmem:$0x1E800] =	vst v63  }
0xaf: {  	_ = 	snop  }
0xb0: {  	[tilespmem:s29], [sflag:$0x2] =	stream.indirect.gather [hbm4b:s6+s26], $0x80, s26, s26, $0xb8;
	[tilespmem:$0x1E800] =	vst v63  }
0xb1: {  	_ =	swait.ge [sflag:s30], $0x4000  }
0xb2: {  	[sflag:s30] =	ssyncset.done $0x0  }
0xb3: {  	[sflag:s30] =	ssyncadd.s32 $0xFFFFC000  }
0xb4: {  	[spmem:s3] =	stream.indirect.scatter.add.f32 [tilespmem:s28], [sflag:$0x3], $0x80, s25, s26, $0xb8;
	[tilespmem:$0x1E800] =	vst v63  }
0xb5: {  	_ =	swait.ge [sflag:s31], $0x4000  }
0xb6: {  	[sflag:s31] =	ssyncset.done $0x0  }
0xb7: {  	[sflag:s31] =	ssyncadd.s32 $0xFFFFC000  }
0xb8: {  	[tilespmem:s28], [sflag:$0x1] =	stream.indirect.gather [hbm4b:s6+s26], $0x80, s0, s26, $0xb8;
	[tilespmem:$0x1E800] =	vst v63  }
0xb9: {  	_ =	swait.ge [sflag:s1], $0x4000  }
0xba: {  	[sflag:s1] =	ssyncset.done $0x0  }
0xbb: {  	[sflag:s1] =	ssyncadd.s32 $0xFFFFC000  }
0xbc: {  	[spmem:s3] =	stream.indirect.scatter.add.f32 [tilespmem:s29], [sflag:$0x4], $0x80, s7, s26, $0xb8;
	[tilespmem:$0x1E800] =	vst v63  }
0xbd: {  	_ =	swait.ge [sflag:s8], $0x4000  }
0xbe: {  	[sflag:s8] =	ssyncset.done $0x0  }
0xbf: {  	s16 =	simm.s32 $0x180;
	[sflag:s8] =	ssyncadd.s32 $0xFFFFC000  }
0xc0: {  	[tilespmem:s29], [sflag:$0x2] =	stream.indirect.gather [hbm4b:s6+s26], $0x80, s16, s26, $0xb8;
	[tilespmem:$0x1E800] =	vst v63  }
0xc1: {  	_ =	swait.ge [sflag:s30], $0x4000  }
0xc2: {  	[sflag:s30] =	ssyncset.done $0x0  }
0xc3: {  	s15 =	simm.s32 $0x1500;
	[sflag:s30] =	ssyncadd.s32 $0xFFFFC000  }
0xc4: {  	[spmem:s3] =	stream.indirect.scatter.add.f32 [tilespmem:s28], [sflag:$0x3], $0x80, s15, s26, $0xb8;
	[tilespmem:$0x1E800] =	vst v63  }
0xc5: {  	_ =	swait.ge [sflag:s31], $0x4000  }
0xc6: {  	[sflag:s31] =	ssyncset.done $0x0  }
0xc7: {  	s16 =	simm.s32 $0x200;
	[sflag:s31] =	ssyncadd.s32 $0xFFFFC000  }
0xc8: {  	[tilespmem:s28], [sflag:$0x1] =	stream.indirect.gather [hbm4b:s6+s26], $0x80, s16, s26, $0xb8;
	[tilespmem:$0x1E800] =	vst v63  }
0xc9: {  	_ =	swait.ge [sflag:s1], $0x4000  }
0xca: {  	[sflag:s1] =	ssyncset.done $0x0  }
0xcb: {  	s14 =	simm.s32 $0xFFFFBC00;
	s15 =	simm.s32 $0x1580;
	[sflag:s1] =	ssyncadd.s32 $0xFFFFC000  }
.LBB2_10:
0xcc: {  	[spmem:s3] =	stream.indirect.scatter.add.f32 [tilespmem:s29], [sflag:$0x4], $0x80, s15, s26, $0xb8;
	[tilespmem:$0x1E800] =	vst v63  }
0xcd: {  	s15 =	smov.u32 s14  }
0xce: {  	p1 =	sne.s32 s14, $0xFFFFFC00;
	s14 =	sadd.s32 $0x400, s14;
	_ =	swait.ge [sflag:s8], $0x4000  }
0xcf: {  	s15 =	sshra.s32 s15, $0x2;
	[sflag:s8] =	ssyncset.done $0x0  }
0xd0: {  	s16 =	sadd.s32 $0x1380, s15;
	[sflag:s8] =	ssyncadd.s32 $0xFFFFC000  }
0xd1: {  	[tilespmem:s29], [sflag:$0x2] =	stream.indirect.gather [hbm4b:s6+s26], $0x80, s16, s26, $0xb8;
	[tilespmem:$0x1E800] =	vst v63  }
0xd2: {  	_ =	swait.ge [sflag:s30], $0x4000  }
0xd3: {  	[sflag:s30] =	ssyncset.done $0x0  }
0xd4: {  	s16 =	sadd.s32 $0x2700, s15;
	[sflag:s30] =	ssyncadd.s32 $0xFFFFC000  }
0xd5: {  	[spmem:s3] =	stream.indirect.scatter.add.f32 [tilespmem:s28], [sflag:$0x3], $0x80, s16, s26, $0xb8;
	[tilespmem:$0x1E800] =	vst v63  }
0xd6: {  	_ =	swait.ge [sflag:s31], $0x4000  }
0xd7: {  	[sflag:s31] =	ssyncset.done $0x0  }
.Ltmp4:
0xd8: {  	s16 =	sadd.s32 $0x1400, s15;
	[sflag:s31] =	ssyncadd.s32 $0xFFFFC000;
	(pc) =	sbr.rel @p1 .LBB2_10-.Ltmp4, $4  }
0xd9: {  	[tilespmem:s28], [sflag:$0x1] =	stream.indirect.gather [hbm4b:s6+s26], $0x80, s16, s26, $0xb8;
	[tilespmem:$0x1E800] =	vst v63  }
0xda: {  	_ =	swait.ge [sflag:s1], $0x4000  }
0xdb: {  	[sflag:s1] =	ssyncset.done $0x0  }
0xdc: {  	s15 =	sadd.s32 $0x2780, s15;
	[sflag:s1] =	ssyncadd.s32 $0xFFFFC000  }
.Ltmp5:
0xdd: {  	_ = 	snop;
	(pc) =	sbr.rel .LBB2_11-.Ltmp5, $1  }
0xde: {  	_ =	sdelay $0x3  }
.LBB2_2:
0xdf: {  	[tilespmem:s28], [sflag:$0x1] =	stream.indirect.gather [hbm4b:s5+s26], $0x80, s4, s26, $0xb8;
	[tilespmem:$0x1E800] =	vst v63  }
0xe0: {  	s14 =	rddreg [dreg:$0x1]  }
0xe1: {  	[tilespmem:s29], [sflag:$0x5] =	stream.linear.gather [hbm4b:s14+s4], $0x2000, $0x38;
	[tilespmem:$0x1E800] =	vst v63  }
0xe2: {  	_ =	swait.ge [sflag:s24], $0x2000  }
0xe3: {  	[sflag:s24] =	ssyncset.done $0x0  }
0xe4: {  	[sflag:s24] =	ssyncadd.s32 $0xFFFFE000  }
0xe5: {  	[spmem:s11] =	stream.linear.scatter [tilespmem:s29], [sflag:$0x5], $0x2000, $0x38;
	[tilespmem:$0x1E800] =	vst v63  }
0xe6: {  	_ =	swait.ge [sflag:s24], $0x2000  }
0xe7: {  	[sflag:s24] =	ssyncset.done $0x0  }
0xe8: {  	s15 =	rddreg [dreg:$0x7];
	[sflag:s24] =	ssyncadd.s32 $0xFFFFE000  }
0xe9: {  	[spmem:s15] =	stream.linear.scatter [tilespmem:s29], [sflag:$0x5], $0x2000, $0x38;
	[tilespmem:$0x1E800] =	vst v63  }
0xea: {  	_ =	swait.ge [sflag:s24], $0x2000  }
0xeb: {  	[sflag:s24] =	ssyncset.done $0x0  }
0xec: {  	s16 =	rddreg [dreg:$0x8];
	[sflag:s24] =	ssyncadd.s32 $0xFFFFE000  }
0xed: {  	[spmem:s16] =	stream.linear.scatter [tilespmem:s29], [sflag:$0x5], $0x2000, $0x38;
	[tilespmem:$0x1E800] =	vst v63  }
0xee: {  	_ =	swait.ge [sflag:s24], $0x2000  }
0xef: {  	[sflag:s24] =	ssyncset.done $0x0  }
0xf0: {  	s15 =	rddreg [dreg:$0x9];
	[sflag:s24] =	ssyncadd.s32 $0xFFFFE000  }
0xf1: {  	[spmem:s15] =	stream.linear.scatter [tilespmem:s29], [sflag:$0x5], $0x2000, $0x38;
	[tilespmem:$0x1E800] =	vst v63  }
0xf2: {  	_ =	swait.ge [sflag:s24], $0x2000  }
0xf3: {  	[sflag:s24] =	ssyncset.done $0x0  }
0xf4: {  	s16 =	rddreg [dreg:$0xa];
	[sflag:s24] =	ssyncadd.s32 $0xFFFFE000  }
0xf5: {  	[spmem:s16] =	stream.linear.scatter [tilespmem:s29], [sflag:$0x5], $0x2000, $0x38;
	[tilespmem:$0x1E800] =	vst v63  }
0xf6: {  	_ =	swait.ge [sflag:s24], $0x2000  }
0xf7: {  	[sflag:s24] =	ssyncset.done $0x0  }
0xf8: {  	s15 =	rddreg [dreg:$0xb];
	[sflag:s24] =	ssyncadd.s32 $0xFFFFE000  }
0xf9: {  	[spmem:s15] =	stream.linear.scatter [tilespmem:s29], [sflag:$0x5], $0x2000, $0x38;
	[tilespmem:$0x1E800] =	vst v63  }
0xfa: {  	_ =	swait.ge [sflag:s24], $0x2000  }
0xfb: {  	[sflag:s24] =	ssyncset.done $0x0  }
0xfc: {  	[sflag:s24] =	ssyncadd.s32 $0xFFFFE000  }
0xfd: {  	[spmem:s17] =	stream.linear.scatter [tilespmem:s29], [sflag:$0x5], $0x2000, $0x38;
	[tilespmem:$0x1E800] =	vst v63  }
0xfe: {  	_ =	swait.ge [sflag:s24], $0x2000  }
0xff: {  	[sflag:s24] =	ssyncset.done $0x0  }
0x100: {  	[sflag:s24] =	ssyncadd.s32 $0xFFFFE000  }
0x101: {  	[spmem:s18] =	stream.linear.scatter [tilespmem:s29], [sflag:$0x5], $0x2000, $0x38;
	[tilespmem:$0x1E800] =	vst v63  }
0x102: {  	_ =	swait.ge [sflag:s24], $0x2000  }
0x103: {  	[sflag:s24] =	ssyncset.done $0x0  }
0x104: {  	[sflag:s24] =	ssyncadd.s32 $0xFFFFE000  }
0x105: {  	[spmem:s19] =	stream.linear.scatter [tilespmem:s29], [sflag:$0x5], $0x2000, $0x38;
	[tilespmem:$0x1E800] =	vst v63  }
0x106: {  	_ =	swait.ge [sflag:s24], $0x2000  }
0x107: {  	[sflag:s24] =	ssyncset.done $0x0  }
0x108: {  	[sflag:s24] =	ssyncadd.s32 $0xFFFFE000  }
0x109: {  	[spmem:s20] =	stream.linear.scatter [tilespmem:s29], [sflag:$0x5], $0x2000, $0x38;
	[tilespmem:$0x1E800] =	vst v63  }
0x10a: {  	_ =	swait.ge [sflag:s24], $0x2000  }
0x10b: {  	[sflag:s24] =	ssyncset.done $0x0  }
0x10c: {  	[sflag:s24] =	ssyncadd.s32 $0xFFFFE000  }
0x10d: {  	[bflag:$0x0] =	sbarrier.arrive $0xFFFF  }
0x10e: {  	[tilespmem:s29], [sflag:$0x2] =	stream.indirect.gather [hbm4b:s5+s26], $0x80, s26, s26, $0xb8;
	[tilespmem:$0x1E800] =	vst v63  }
0x10f: {  	_ =	swait.ge [sflag:s30], $0x4000  }
0x110: {  	[sflag:s30] =	ssyncset.done $0x0  }
0x111: {  	[sflag:s30] =	ssyncadd.s32 $0xFFFFC000  }
0x112: {  	[spmem:s3] =	stream.indirect.scatter.add.f32 [tilespmem:s28], [sflag:$0x3], $0x80, s25, s26, $0xb8;
	[tilespmem:$0x1E800] =	vst v63  }
0x113: {  	_ =	swait.ge [sflag:s31], $0x4000  }
0x114: {  	[sflag:s31] =	ssyncset.done $0x0  }
0x115: {  	[sflag:s31] =	ssyncadd.s32 $0xFFFFC000  }
0x116: {  	[tilespmem:s28], [sflag:$0x1] =	stream.indirect.gather [hbm4b:s5+s26], $0x80, s0, s26, $0xb8;
	[tilespmem:$0x1E800] =	vst v63  }
0x117: {  	_ =	swait.ge [sflag:s1], $0x4000  }
0x118: {  	[sflag:s1] =	ssyncset.done $0x0  }
0x119: {  	[sflag:s1] =	ssyncadd.s32 $0xFFFFC000  }
0x11a: {  	[spmem:s3] =	stream.indirect.scatter.add.f32 [tilespmem:s29], [sflag:$0x4], $0x80, s7, s26, $0xb8;
	[tilespmem:$0x1E800] =	vst v63  }
0x11b: {  	_ =	swait.ge [sflag:s8], $0x4000  }
0x11c: {  	[sflag:s8] =	ssyncset.done $0x0  }
0x11d: {  	s16 =	simm.s32 $0x180;
	[sflag:s8] =	ssyncadd.s32 $0xFFFFC000  }
0x11e: {  	[tilespmem:s29], [sflag:$0x2] =	stream.indirect.gather [hbm4b:s5+s26], $0x80, s16, s26, $0xb8;
	[tilespmem:$0x1E800] =	vst v63  }
0x11f: {  	_ =	swait.ge [sflag:s30], $0x4000  }
0x120: {  	[sflag:s30] =	ssyncset.done $0x0  }
0x121: {  	s15 =	simm.s32 $0x1500;
	[sflag:s30] =	ssyncadd.s32 $0xFFFFC000  }
0x122: {  	[spmem:s3] =	stream.indirect.scatter.add.f32 [tilespmem:s28], [sflag:$0x3], $0x80, s15, s26, $0xb8;
	[tilespmem:$0x1E800] =	vst v63  }
0x123: {  	_ =	swait.ge [sflag:s31], $0x4000  }
0x124: {  	[sflag:s31] =	ssyncset.done $0x0  }
0x125: {  	s16 =	simm.s32 $0x200;
	[sflag:s31] =	ssyncadd.s32 $0xFFFFC000  }
0x126: {  	[tilespmem:s28], [sflag:$0x1] =	stream.indirect.gather [hbm4b:s5+s26], $0x80, s16, s26, $0xb8;
	[tilespmem:$0x1E800] =	vst v63  }
0x127: {  	_ =	swait.ge [sflag:s1], $0x4000  }
0x128: {  	[sflag:s1] =	ssyncset.done $0x0  }
0x129: {  	s14 =	simm.s32 $0xFFFFBC00;
	s15 =	simm.s32 $0x1580;
	[sflag:s1] =	ssyncadd.s32 $0xFFFFC000  }
.LBB2_3:
0x12a: {  	[spmem:s3] =	stream.indirect.scatter.add.f32 [tilespmem:s29], [sflag:$0x4], $0x80, s15, s26, $0xb8;
	[tilespmem:$0x1E800] =	vst v63  }
0x12b: {  	s15 =	smov.u32 s14  }
0x12c: {  	p1 =	sne.s32 s14, $0xFFFFFC00;
	s14 =	sadd.s32 $0x400, s14;
	_ =	swait.ge [sflag:s8], $0x4000  }
0x12d: {  	s15 =	sshra.s32 s15, $0x2;
	[sflag:s8] =	ssyncset.done $0x0  }
0x12e: {  	s16 =	sadd.s32 $0x1380, s15;
	[sflag:s8] =	ssyncadd.s32 $0xFFFFC000  }
0x12f: {  	[tilespmem:s29], [sflag:$0x2] =	stream.indirect.gather [hbm4b:s5+s26], $0x80, s16, s26, $0xb8;
	[tilespmem:$0x1E800] =	vst v63  }
0x130: {  	_ =	swait.ge [sflag:s30], $0x4000  }
0x131: {  	[sflag:s30] =	ssyncset.done $0x0  }
0x132: {  	s16 =	sadd.s32 $0x2700, s15;
	[sflag:s30] =	ssyncadd.s32 $0xFFFFC000  }
0x133: {  	[spmem:s3] =	stream.indirect.scatter.add.f32 [tilespmem:s28], [sflag:$0x3], $0x80, s16, s26, $0xb8;
	[tilespmem:$0x1E800] =	vst v63  }
0x134: {  	_ =	swait.ge [sflag:s31], $0x4000  }
0x135: {  	[sflag:s31] =	ssyncset.done $0x0  }
.Ltmp6:
0x136: {  	s16 =	sadd.s32 $0x1400, s15;
	[sflag:s31] =	ssyncadd.s32 $0xFFFFC000;
	(pc) =	sbr.rel @p1 .LBB2_3-.Ltmp6, $4  }
0x137: {  	[tilespmem:s28], [sflag:$0x1] =	stream.indirect.gather [hbm4b:s5+s26], $0x80, s16, s26, $0xb8;
	[tilespmem:$0x1E800] =	vst v63  }
0x138: {  	_ =	swait.ge [sflag:s1], $0x4000  }
0x139: {  	[sflag:s1] =	ssyncset.done $0x0  }
0x13a: {  	s15 =	sadd.s32 $0x2780, s15;
	[sflag:s1] =	ssyncadd.s32 $0xFFFFC000  }
0x13b: {  	[spmem:s3] =	stream.indirect.scatter.add.f32 [tilespmem:s29], [sflag:$0x4], $0x80, s15, s26, $0xb8;
	[tilespmem:$0x1E800] =	vst v63  }
0x13c: {  	_ =	swait.ge [sflag:s8], $0x4000  }
0x13d: {  	[sflag:s8] =	ssyncset.done $0x0  }
0x13e: {  	[sflag:s8] =	ssyncadd.s32 $0xFFFFC000  }
0x13f: {  	[tilespmem:s29], [sflag:$0x2] =	stream.indirect.gather [hbm4b:s5+s26], $0x80, s2, s26, $0xb8;
	[tilespmem:$0x1E800] =	vst v63  }
0x140: {  	_ =	swait.ge [sflag:s30], $0x4000  }
0x141: {  	[sflag:s30] =	ssyncset.done $0x0  }
0x142: {  	[sflag:s30] =	ssyncadd.s32 $0xFFFFC000  }
0x143: {  	[spmem:s3] =	stream.indirect.scatter.add.f32 [tilespmem:s28], [sflag:$0x3], $0x80, s9, s26, $0xb8;
	[tilespmem:$0x1E800] =	vst v63  }
0x144: {  	_ =	swait.ge [sflag:s1], $0x4000  }
0x145: {  	[sflag:s1] =	ssyncset.done $0x0  }
0x146: {  	[sflag:s1] =	ssyncadd.s32 $0xFFFFC000  }
0x147: {  	[spmem:s3] =	stream.indirect.scatter.add.f32 [tilespmem:s29], [sflag:$0x4], $0x80, s12, s26, $0xb8;
	[tilespmem:$0x1E800] =	vst v63  }
0x148: {  	_ =	swait.ge [sflag:s31], $0x4000  }
0x149: {  	[sflag:s31] =	ssyncset.done $0x0  }
0x14a: {  	[sflag:s31] =	ssyncadd.s32 $0xFFFFC000  }
0x14b: {  	_ =	swait.ge [sflag:s8], $0x4000  }
0x14c: {  	[sflag:s8] =	ssyncset.done $0x0  }
0x14d: {  	[sflag:s8] =	ssyncadd.s32 $0xFFFFC000  }
0x14e: {  	[tilespmem:s4], [sflag:$0x5] =	stream.linear.gather [hbm4b:s23+s4], $0x1400, $0x38;
	[tilespmem:$0x1E800] =	vst v63  }
0x14f: {  	_ =	swait.ge [sflag:s24], $0x1400  }
0x150: {  	[sflag:s24] =	ssyncset.done $0x0  }
0x151: {  	s14 =	sadd.s32 $0x280, s10;
	[sflag:s24] =	ssyncadd.s32 $0xFFFFEC00  }
0x152: {  	[tilespmem:s25], [sflag:$0x5] =	stream.linear.gather [hbm4b:s14+s4], $0x1400, $0x38;
	[tilespmem:$0x1E800] =	vst v63  }
0x153: {  	_ =	swait.ge [sflag:s24], $0x1400  }
0x154: {  	[sflag:s24] =	ssyncset.done $0x0  }
0x155: {  	[sflag:s24] =	ssyncadd.s32 $0xFFFFEC00  }
0x156: {  	[tilespmem:s28], [sflag:$0x1] =	stream.indirect.gather [hbm4b:s5+s26], $0x80, s4, s26, $0xb8;
	[tilespmem:$0x1E800] =	vst v63  }
0x157: {  	_ = 	snop  }
0x158: {  	[tilespmem:s29], [sflag:$0x2] =	stream.indirect.gather [hbm4b:s5+s26], $0x80, s26, s26, $0xb8;
	[tilespmem:$0x1E800] =	vst v63  }
0x159: {  	_ =	swait.ge [sflag:s30], $0x4000  }
0x15a: {  	[sflag:s30] =	ssyncset.done $0x0  }
0x15b: {  	[sflag:s30] =	ssyncadd.s32 $0xFFFFC000  }
0x15c: {  	[spmem:s3] =	stream.indirect.scatter.add.f32 [tilespmem:s28], [sflag:$0x3], $0x80, s25, s26, $0xb8;
	[tilespmem:$0x1E800] =	vst v63  }
0x15d: {  	_ =	swait.ge [sflag:s31], $0x4000  }
0x15e: {  	[sflag:s31] =	ssyncset.done $0x0  }
0x15f: {  	[sflag:s31] =	ssyncadd.s32 $0xFFFFC000  }
0x160: {  	[tilespmem:s28], [sflag:$0x1] =	stream.indirect.gather [hbm4b:s5+s26], $0x80, s0, s26, $0xb8;
	[tilespmem:$0x1E800] =	vst v63  }
0x161: {  	_ =	swait.ge [sflag:s1], $0x4000  }
0x162: {  	[sflag:s1] =	ssyncset.done $0x0  }
0x163: {  	[sflag:s1] =	ssyncadd.s32 $0xFFFFC000  }
0x164: {  	[spmem:s3] =	stream.indirect.scatter.add.f32 [tilespmem:s29], [sflag:$0x4], $0x80, s7, s26, $0xb8;
	[tilespmem:$0x1E800] =	vst v63  }
0x165: {  	_ =	swait.ge [sflag:s8], $0x4000  }
0x166: {  	[sflag:s8] =	ssyncset.done $0x0  }
0x167: {  	s16 =	simm.s32 $0x180;
	[sflag:s8] =	ssyncadd.s32 $0xFFFFC000  }
0x168: {  	[tilespmem:s29], [sflag:$0x2] =	stream.indirect.gather [hbm4b:s5+s26], $0x80, s16, s26, $0xb8;
	[tilespmem:$0x1E800] =	vst v63  }
0x169: {  	_ =	swait.ge [sflag:s30], $0x4000  }
0x16a: {  	[sflag:s30] =	ssyncset.done $0x0  }
0x16b: {  	s15 =	simm.s32 $0x1500;
	[sflag:s30] =	ssyncadd.s32 $0xFFFFC000  }
0x16c: {  	[spmem:s3] =	stream.indirect.scatter.add.f32 [tilespmem:s28], [sflag:$0x3], $0x80, s15, s26, $0xb8;
	[tilespmem:$0x1E800] =	vst v63  }
0x16d: {  	_ =	swait.ge [sflag:s31], $0x4000  }
0x16e: {  	[sflag:s31] =	ssyncset.done $0x0  }
0x16f: {  	s16 =	simm.s32 $0x200;
	[sflag:s31] =	ssyncadd.s32 $0xFFFFC000  }
0x170: {  	[tilespmem:s28], [sflag:$0x1] =	stream.indirect.gather [hbm4b:s5+s26], $0x80, s16, s26, $0xb8;
	[tilespmem:$0x1E800] =	vst v63  }
0x171: {  	_ =	swait.ge [sflag:s1], $0x4000  }
0x172: {  	[sflag:s1] =	ssyncset.done $0x0  }
0x173: {  	s14 =	simm.s32 $0xFFFFBC00;
	s15 =	simm.s32 $0x1580;
	[sflag:s1] =	ssyncadd.s32 $0xFFFFC000  }
.LBB2_5:
0x174: {  	[spmem:s3] =	stream.indirect.scatter.add.f32 [tilespmem:s29], [sflag:$0x4], $0x80, s15, s26, $0xb8;
	[tilespmem:$0x1E800] =	vst v63  }
0x175: {  	s15 =	smov.u32 s14  }
0x176: {  	p1 =	seq.s32 s14, $0xFFFFFC00;
	s14 =	sadd.s32 $0x400, s14;
	_ =	swait.ge [sflag:s8], $0x4000  }
0x177: {  	s15 =	sshra.s32 s15, $0x2;
	[sflag:s8] =	ssyncset.done $0x0  }
0x178: {  	s16 =	sadd.s32 $0x1380, s15;
	[sflag:s8] =	ssyncadd.s32 $0xFFFFC000  }
0x179: {  	[tilespmem:s29], [sflag:$0x2] =	stream.indirect.gather [hbm4b:s5+s26], $0x80, s16, s26, $0xb8;
	[tilespmem:$0x1E800] =	vst v63  }
0x17a: {  	_ =	swait.ge [sflag:s30], $0x4000  }
0x17b: {  	[sflag:s30] =	ssyncset.done $0x0  }
0x17c: {  	s16 =	sadd.s32 $0x2700, s15;
	[sflag:s30] =	ssyncadd.s32 $0xFFFFC000  }
0x17d: {  	[spmem:s3] =	stream.indirect.scatter.add.f32 [tilespmem:s28], [sflag:$0x3], $0x80, s16, s26, $0xb8;
	[tilespmem:$0x1E800] =	vst v63  }
0x17e: {  	_ =	swait.ge [sflag:s31], $0x4000  }
0x17f: {  	[sflag:s31] =	ssyncset.done $0x0  }
.Ltmp7:
0x180: {  	s16 =	sadd.s32 $0x1400, s15;
	[sflag:s31] =	ssyncadd.s32 $0xFFFFC000;
	(pc) =	sbr.rel @!p1 .LBB2_5-.Ltmp7, $4  }
0x181: {  	[tilespmem:s28], [sflag:$0x1] =	stream.indirect.gather [hbm4b:s5+s26], $0x80, s16, s26, $0xb8;
	[tilespmem:$0x1E800] =	vst v63  }
0x182: {  	_ =	swait.ge [sflag:s1], $0x4000  }
0x183: {  	[sflag:s1] =	ssyncset.done $0x0  }
0x184: {  	s15 =	sadd.s32 $0x2780, s15;
	[sflag:s1] =	ssyncadd.s32 $0xFFFFC000  }
0x185: {  	[spmem:s3] =	stream.indirect.scatter.add.f32 [tilespmem:s29], [sflag:$0x4], $0x80, s15, s26, $0xb8;
	[tilespmem:$0x1E800] =	vst v63  }
0x186: {  	_ =	swait.ge [sflag:s8], $0x4000  }
0x187: {  	[sflag:s8] =	ssyncset.done $0x0  }
0x188: {  	[sflag:s8] =	ssyncadd.s32 $0xFFFFC000  }
0x189: {  	[tilespmem:s29], [sflag:$0x2] =	stream.indirect.gather [hbm4b:s5+s26], $0x80, s2, s26, $0xb8;
	[tilespmem:$0x1E800] =	vst v63  }
0x18a: {  	_ =	swait.ge [sflag:s30], $0x4000  }
0x18b: {  	[sflag:s30] =	ssyncset.done $0x0  }
0x18c: {  	[sflag:s30] =	ssyncadd.s32 $0xFFFFC000  }
0x18d: {  	[spmem:s3] =	stream.indirect.scatter.add.f32 [tilespmem:s28], [sflag:$0x3], $0x80, s9, s26, $0xb8;
	[tilespmem:$0x1E800] =	vst v63  }
.Ltmp8:
0x18e: {  	_ = 	snop;
	(pc) =	sbr.rel .LBB2_12-.Ltmp8, $4  }
0x18f: {  	_ =	swait.ge [sflag:s1], $0x4000  }
0x190: {  	[sflag:s1] =	ssyncset.done $0x0  }
0x191: {  	s14 =	rddreg [dreg:$0x4];
	[sflag:s1] =	ssyncadd.s32 $0xFFFFC000  }
0x192: {  	[spmem:s3] =	stream.indirect.scatter.add.f32 [tilespmem:s29], [sflag:$0x4], $0x80, s12, s26, $0xb8;
	[tilespmem:$0x1E800] =	vst v63  }
.LBB2_13:
0x193: {  	_ =	sfence.sel $0x180000  }
0x194: {  	[bflag:$0x0] =	sbarrier.arrive $0xFFFF  }
0x195: {  	_ =	strace $0x9000004A  }
0x196: {  	s0 =	stileid.u32;
	[bflag:$0x2] =	sbarrier.arrive $0xFFFF  }
0x197: {  	p0 =	sne.s32 s0, $0x0;
	s0 =	rddreg [dreg:$0x3]  }
0x198: {  	s0 =	sadd.s32 @!p0 $0x100000, s0  }
0x199: {  	[sflag:s0] =	ssyncadd.tile.s32 @!p0 $0x1;
	_ =	shalt  }
.Lfunc_end2:
_tile_overlayer_lowered:
.L_overlay_start_2:
0x19a: {  	(tag) =	ssettag $0x2  }
0x19b: {  	s0 =	rddreg [dreg:$0x0];
	s2 =	stileid.u32  }
0x19c: {  	s1 =	rddreg [dreg:$0x1];
	p0 =	sne.s32 s2, $0x0  }
0x19d: {  	s3 =	rddreg [dreg:$0x2];
	[bflag:$0x3] =	sbarrier.arrive $0xFFFF;
	s2 =	simm.s32 @!p0 $0x1C05  }
0x19e: {  	[timem:s3], [sflag:s2] =	dma.local @!p0 [hbm:s0], s1  }
0x19f: {  	s0 =	simm.s32 @!p0 $0x5  }
0x1a0: {  	_ =	swait.ge @!p0 [sflag:s0], s1  }
0x1a1: {  	s1 =	ssub.s32 @!p0 $0x0, s1;
	[sflag:s0] =	ssyncset.done @!p0 $0x0  }
0x1a2: {  	[sflag:s0] =	ssyncadd.s32 @!p0 s1  }
0x1a3: {  	[bflag:$0x3] =	sbarrier.arrive $0xFFFF  }
0x1a4: {  	_ =	shalt  }

// kernel: _run.8.cloned.1.call-start
scs
__scs_entry_jumppad:
0x0: {  	(pc) =	sbr.rel $0x88, $3  }
0x1: {  	(tag) =	ssettag $0x0;
	lr =	simm.s32 $0x1  }
0x2: {  	[smem:$0x3F87] =	sst lr;
	_ =	strace $0xD0000000  }
0x3: {  	_ = 	snop  }
0x4: {  	_ = 	snop  }
0x5: {  	_ = 	snop  }
0x6: {  	_ = 	snop  }
0x7: {  	_ = 	snop  }
__scs_overlays_trampoline_lowered:
0x8: {  	[smem:$0x3F96] =	sst s0  }
0x9: {  	[smem:$0x3F97] =	sst s1  }
0xa: {  	[smem:$0x3F98] =	sst s2  }
0xb: {  	[smem:$0x3F99] =	sst s3  }
0xc: {  	[smem:$0x3F9A] =	sst s4  }
0xd: {  	[smem:$0x3F9B] =	sst s5  }
0xe: {  	[smem:$0x3F9C] =	sst s6  }
0xf: {  	[smem:$0x3F9D] =	sst s7  }
0x10: {  	[smem:$0x3F9E] =	sst s8  }
0x11: {  	[smem:$0x3F9F] =	sst s9;
	s0 =	simm.s32 @!p0 $0x0  }
0x12: {  	s1 =	sld [smem:$0x3F85];
	s0 =	simm.s32 @p0 $0x1  }
0x13: {  	[smem:$0x3FA0] =	sst s0;
	s0 =	simm.s32 @!p1 $0x0  }
0x14: {  	s2 =	sld [smem:$0x3F84];
	s0 =	simm.s32 @p1 $0x1  }
0x15: {  	[smem:$0x3FA1] =	sst s0;
	s0 =	simm.s32 @!p2 $0x0  }
0x16: {  	s3 =	sld [smem:$0x3FDB];
	s0 =	simm.s32 @p2 $0x1  }
0x17: {  	s4 =	simm.s32 $0x1BF5;
	[smem:$0x3FA3] =	sst s0  }
0x18: {  	s0 =	sld [smem:$0x3F86];
	_ =	swait.ge [sflag:s4], $0x0  }
0x19: {  	s7 =	sld [smem:$0x3F87]  }
0x1a: {  	s8 =	sadd.s32 $0xFFFFE003, lr  }
0x1b: {  	s9 =	sadd.s32 $0xFFFFFEF7, lr;
	s5 =	simm.s32 $0xFFFFFFFF;
	p2 =	slt.u32 s8, $0xFFFFF086  }
0x1c: {  	p1 =	slt.u32 s9, $0xF7A;
	s5 =	simm.s32 @!p2 $0x0  }
0x1d: {  	s5 =	simm.s32 @p1 $0x1;
	p0 =	seq.s32 s7, s2  }
0x1e: {  	s7 =	smul.u32 @!p0 $0xF7A, s2;
	p2 =	seq.s32 @!p0 s5, $0x0  }
0x1f: {  	s9 =	smul.u32 $0xF7A, s1;
	s8 =	simm.s32 @!p0 $0x1BF5;
	p2 =	por !p2, p0  }
0x20: {  	[sflag:s8] =	ssyncset.s32 @!p0 $0xFFFFF086;
	s6 =	sadd.s32 @!p0 s3, s7;
	s7 =	simm.s32 @!p0 $0x108  }
0x21: {  	s3 =	sadd.s32 s3, s9;
	s6 =	sadd.s32 @!p0 $0x88, s6;
	s7 =	simm.s32 @p2 $0x1082  }
0x22: {  	[simem:s7], [sflag:s8] =	dma.local @!p0 [hbm:s6], $0xF7A  }
0x23: {  	s9 =	sor.u32 $0xD0000000, s2;
	s6 =	simm.s32 $0x108;
	_ =	swait.ge @!p0 [sflag:s8], $0x0  }
0x24: {  	s3 =	sadd.s32 $0x88, s3;
	s6 =	simm.s32 @!p1 $0x1082;
	[sflag:s4] =	ssyncset.s32 $0xFFFFF086  }
0x25: {  	[simem:s6], [sflag:s4] =	dma.local [hbm:s3], $0xF7A  }
0x26: {  	[smem:$0x3F87] =	sst s1;
	(tag) =	ssettag s2;
	_ =	strace s9  }
0x27: {  	s1 =	sld [smem:$0x3F97]  }
0x28: {  	s2 =	sld [smem:$0x3F98]  }
0x29: {  	s4 =	sld [smem:$0x3F9A]  }
0x2a: {  	p0 =	seq.s32 s5, $0x0;
	s5 =	sld [smem:$0x3F9B]  }
0x2b: {  	s6 =	sld [smem:$0x3F9C]  }
0x2c: {  	s7 =	sld [smem:$0x3F9D]  }
0x2d: {  	s3 =	simm.s32 $0x108;
	s8 =	sld [smem:$0x3F9E]  }
0x2e: {  	s3 =	simm.s32 @!p0 $0x1082;
	s9 =	sld [smem:$0x3F9F]  }
0x2f: {  	lr =	sadd.s32 s0, s3;
	s0 =	sld [smem:$0x3F96]  }
0x30: {  	s3 =	sld [smem:$0x3F99]  }
0x31: {  	[smem:$0x3FA2] =	sst s10  }
0x32: {  	s10 =	sld [smem:$0x3FA0];
	_ =	sdelay $0x3  }
0x33: {  	p0 =	seq.s32 s10, $0x1;
	s10 =	sld [smem:$0x3FA2];
	_ =	sdelay $0x3  }
0x34: {  	[smem:$0x3FA2] =	sst s10  }
0x35: {  	s10 =	sld [smem:$0x3FA1];
	_ =	sdelay $0x3  }
0x36: {  	p1 =	seq.s32 s10, $0x1;
	s10 =	sld [smem:$0x3FA2];
	_ =	sdelay $0x3  }
0x37: {  	[smem:$0x3FA2] =	sst s10  }
0x38: {  	s10 =	sld [smem:$0x3FA3]  }
0x39: {  	_ = 	snop;
	(pc) =	sbr.ind lr, $3  }
0x3a: {  	_ = 	snop  }
0x3b: {  	_ = 	snop  }
0x3c: {  	p2 =	seq.s32 s10, $0x1;
	s10 =	sld [smem:$0x3FA2]  }
0x3d: {  	_ =	shalt  }
0x3e: {  	_ =	shalt  }
0x3f: {  	_ =	shalt  }
0x40: {  	_ =	shalt  }
0x41: {  	_ =	shalt  }
0x42: {  	_ =	shalt  }
0x43: {  	_ =	shalt  }
0x44: {  	_ =	shalt  }
0x45: {  	_ =	shalt  }
0x46: {  	_ =	shalt  }
0x47: {  	_ =	shalt  }
0x48: {  	_ =	shalt  }
0x49: {  	_ =	shalt  }
0x4a: {  	_ =	shalt  }
0x4b: {  	_ =	shalt  }
0x4c: {  	_ =	shalt  }
0x4d: {  	_ =	shalt  }
0x4e: {  	_ =	shalt  }
0x4f: {  	_ =	shalt  }
0x50: {  	_ =	shalt  }
0x51: {  	_ =	shalt  }
0x52: {  	_ =	shalt  }
0x53: {  	_ =	shalt  }
0x54: {  	_ =	shalt  }
0x55: {  	_ =	shalt  }
0x56: {  	_ =	shalt  }
0x57: {  	_ =	shalt  }
0x58: {  	_ =	shalt  }
0x59: {  	_ =	shalt  }
0x5a: {  	_ =	shalt  }
0x5b: {  	_ =	shalt  }
0x5c: {  	_ =	shalt  }
0x5d: {  	_ =	shalt  }
0x5e: {  	_ =	shalt  }
0x5f: {  	_ =	shalt  }
0x60: {  	_ =	shalt  }
0x61: {  	_ =	shalt  }
0x62: {  	_ =	shalt  }
0x63: {  	_ =	shalt  }
0x64: {  	_ =	shalt  }
0x65: {  	_ =	shalt  }
0x66: {  	_ =	shalt  }
0x67: {  	_ =	shalt  }
0x68: {  	_ =	shalt  }
0x69: {  	_ =	shalt  }
0x6a: {  	_ =	shalt  }
0x6b: {  	_ =	shalt  }
0x6c: {  	_ =	shalt  }
0x6d: {  	_ =	shalt  }
0x6e: {  	_ =	shalt  }
0x6f: {  	_ =	shalt  }
0x70: {  	_ =	shalt  }
0x71: {  	_ =	shalt  }
0x72: {  	_ =	shalt  }
0x73: {  	_ =	shalt  }
0x74: {  	_ =	shalt  }
0x75: {  	_ =	shalt  }
0x76: {  	_ =	shalt  }
0x77: {  	_ =	shalt  }
0x78: {  	_ =	shalt  }
0x79: {  	_ =	shalt  }
0x7a: {  	_ =	shalt  }
0x7b: {  	_ =	shalt  }
0x7c: {  	_ =	shalt  }
0x7d: {  	_ =	shalt  }
0x7e: {  	_ =	shalt  }
0x7f: {  	_ =	shalt  }
0x80: {  	_ =	shalt  }
0x81: {  	_ =	shalt  }
0x82: {  	_ =	shalt  }
0x83: {  	_ =	shalt  }
0x84: {  	_ =	shalt  }
0x85: {  	_ =	shalt  }
0x86: {  	_ =	shalt  }
0x87: {  	_ =	shalt  }
.Lfunc_end0:
.L_simem_size_0:
called_computation_lowered:
.L_overlay_start_0:
0x88: {  	s2 =	sld [smem:$0x3FD9]  }
0x89: {  	s3 =	sld [smem:$0x3FFE];
	_ =	sdelay $0x1  }
0x8a: {  	s1 =	srdreg.scid  }
0x8b: {  	s0 =	sand.u32 $0x1, s1  }
0x8c: {  	s17 =	sshll.u32 s0, $0xA;
	s2 =	sadd.s32 s3, s2  }
0x8d: {  	s2 =	sadd.s32 s2, s17  }
0x8e: {  	[smem:$0x3FAE] =	sst s2  }
0x8f: {  	_ = 	snop  }
0x90: {  	s2 =	sld [smem:$0x3FD0];
	(tm) =	ssettm $0x1  }
0x91: {  	s18 =	sld [smem:$0x3FFB];
	_ =	sdelay $0x3  }
0x92: {  	_ =	strace s18  }
0x93: {  	s3 =	sld [smem:$0x3FFC];
	_ =	sdelay $0x3  }
0x94: {  	_ =	strace s3  }
0x95: {  	s3 =	sld [smem:$0x3FFD];
	_ =	sdelay $0x3  }
0x96: {  	_ =	strace s3  }
0x97: {  	_ =	strace $0x8FFFFFFF  }
0x98: {  	s19 =	sld [smem:$0x3FDB];
	_ =	sdelay $0x1  }
0x99: {  	s4 =	simm.s32 $_scs_section_size  }
0x9a: {  	s5 =	simm.s32 $_size__tile_overlayer_lowered;
	s6 =	simm.s32 $_tile_overlayer_lowered  }
0x9b: {  	s22 =	simm.s32 $0x1BFF;
	s21 =	sshll.u32 s6, $0x1;
	s3 =	sadd.s32 s4, s19  }
0x9c: {  	s7 =	simm.s32 $0x0;
	s20 =	sshll.u32 s5, $0x1;
	s5 =	sadd.s32 s21, s3  }
0x9d: {  	[timem:s7], [sflag:s22] =	dma.local [hbm:s5], s20  }
0x9e: {  	_ =	swait.ge [sflag:s22], s20  }
0x9f: {  	s4 =	ssub.s32 $0x0, s20;
	[sflag:s22] =	ssyncset.done $0x0  }
0xa0: {  	[sflag:s22] =	ssyncadd.s32 s4;
	_ =	sdelay $0x1  }
0xa1: {  	s23 =	simm.s32 $0x1B8B  }
0xa2: {  	_ =	swait.ge [sflag:s23], $0x1  }
0xa3: {  	[sflag:s23] =	ssyncset.done $0x0  }
0xa4: {  	s25 =	simm.s32 $0x1B8E;
	s24 =	sld [smem:$0x3FFE];
	[sflag:s23] =	ssyncadd.s32 $0xFFFFFFFF  }
0xa5: {  	s26 =	simm.s32 $execute0_lowered;
	[smem:$0x3FD2] =	sst s25  }
0xa6: {  	s5 =	sshll.u32 s26, $0x1;
	_ =	strace $0x80000046;
	[dreg:$0x1] =	wrdreg $0xFFFFFFFF  }
0xa7: {  	s28 =	simm.s32 $_size_execute0_lowered;
	s3 =	sadd.s32 s3, s5;
	[dreg:$0x0] =	wrdreg $0x0  }
0xa8: {  	s5 =	sshll.u32 s28, $0x1;
	[dreg:$0x2] =	wrdreg s3  }
0xa9: {  	[dreg:$0x3] =	wrdreg s5  }
0xaa: {  	[dreg:$0x4] =	wrdreg $0xC0  }
0xab: {  	_ =	task [dreg:s7], $0x5FFFF  }
0xac: {  	[dreg:$0x1] =	wrdreg $0xFFFFFFFF  }
0xad: {  	[dreg:$0x0] =	wrdreg $0x60  }
0xae: {  	[dreg:$0x2] =	wrdreg s24  }
0xaf: {  	[dreg:$0x3] =	wrdreg s2  }
0xb0: {  	[dreg:$0x4] =	wrdreg $0xA8000  }
0xb1: {  	[dreg:$0x5] =	wrdreg $0x9  }
0xb2: {  	_ =	task.clear_ibuf [dreg:s7], $0x6FFFF;
	_ =	strace $0x90000046  }
0xb3: {  	s29 =	simm.s32 $0x9;
	_ =	strace $0x80000048  }
0xb4: {  	_ =	swait.ge [sflag:s29], $0x1  }
0xb5: {  	[sflag:s29] =	ssyncadd.s32 $0xFFFFFFFF  }
0xb6: {  	_ =	strace $0x90000048  }
0xb7: {  	_ =	sfence  }
0xb8: {  	s30 =	sld [smem:$0x0];
	_ =	sdelay $0x2  }
0xb9: {  	s31 =	sshll.u32 s1, $0xD;
	s1 =	sshrl.u32 s1, $0x2  }
0xba: {  	s3 =	sand.u32 $0x4000, s31;
	s1 =	sadd.s32 s1, s30  }
0xbb: {  	s0 =	sor.u32 s3, s0;
	s1 =	sshll.u32 s1, $0x11  }
0xbc: {  	s0 =	sor.u32 s1, s0  }
0xbd: {  	s0 =	sadd.s32 $0x8F2B, s0  }
0xbe: {  	[sflag:s0] =	ssyncadd.remote.s32 $0x1  }
0xbf: {  	_ =	sfence.sel $0xFFFF  }
0xc0: {  	[dreg:$0x0] =	wrdreg $0xFFFFFFFF;
	(pc) =	sbr.abs _section_cstart, $3  }
0xc1: {  	[dreg:$0x1] =	wrdreg $0xFFFFFFFF  }
0xc2: {  	_ =	task.clear_ibuf [dreg:s7], $0x2FFFF;
	_ =	strace $0x9FFFFFFF  }
0xc3: {  	(tm) =	ssettm $0x7FFFFFFF  }
tec
execute0_lowered:
.L_overlay_start_1:
0x0: {  	(tag) =	ssettag $0x1  }
0x1: {  	s0 =	rddreg [dreg:$0x0]  }
0x2: {  	s3 =	rddreg [dreg:$0x2]  }
0x3: {  	s4 =	simm.s32 $0x0;
	s9 =	stileid.u32;
	s2 =	srdreg.scid  }
0x4: {  	s28 =	simm.s32 $0x2800;
	s29 =	simm.s32 $0x6800;
	s30 =	simm.s32 $0x1  }
0x5: {  	s31 =	simm.s32 $0x3;
	s12 =	simm.s32 $0x2780;
	s13 =	simm.s32 $0x0  }
0x6: {  	[smem:$0x7FF] =	sst s4;
	s1 =	smul.u32 $0x500, s9;
	s5 =	sadd.s32 $0xF600, s0  }
0x7: {  	s6 =	sadd.s32 $0xD7600, s0;
	s2 =	sand.u32 $0x1, s2;
	s8 =	smul.u32 $0x50000, s9  }
0x8: {  	s10 =	sadd.s32 $0x1EF600, s0;
	_ =	strace $0x80000047;
	s7 =	ssub.s32 $0x2, s2  }
0x9: {  	[dreg:$0x4] =	wrdreg s10;
	p0 =	seq.s32 s2, $0x1;
	s1 =	sadd.s32 s1, s0  }
0xa: {  	s0 =	sadd.s32 $0x217600, s0;
	s20 =	sshrl.u32 s7, $0x1;
	s21 =	sshrl.u32 s8, $0x2  }
0xb: {  	s8 =	simm.s32 $0x4;
	[dreg:$0x5] =	wrdreg s0;
	s0 =	ssub.s32 s7, s20  }
0xc: {  	s22 =	sadd.s32 $0x5600, s1;
	s10 =	sadd.s32 $0xA600, s1;
	s11 =	sadd.s32 s21, s3  }
0xd: {  	s21 =	smul.u32 $0x2800, s9;
	s7 =	simm.s32 $0x1480;
	s9 =	simm.s32 $0x2700  }
0xe: {  	[dreg:$0x6] =	wrdreg s22;
	s2 =	sadd.s32 $0x2000, s11;
	s23 =	sadd.s32 $0x4000, s11  }
0xf: {  	s24 =	sadd.s32 $0x6000, s11;
	s25 =	sadd.s32 $0x8000, s11;
	[dreg:$0x7] =	wrdreg s2  }
0x10: {  	s26 =	sadd.s32 $0xA000, s11;
	s17 =	sadd.s32 $0xC000, s11;
	[dreg:$0x8] =	wrdreg s23  }
.Ltmp0:
0x11: {  	s18 =	sadd.s32 $0xE000, s11;
	[dreg:$0x9] =	wrdreg s24;
	(pc) =	sbr.rel .LBB2_1-.Ltmp0, $4  }
0x12: {  	s19 =	sadd.s32 $0x10000, s11;
	s20 =	sadd.s32 $0x12000, s11;
	[dreg:$0xa] =	wrdreg s25  }
0x13: {  	s22 =	smax.u32 s0, $0x1;
	s0 =	simm.s32 $0x100;
	[dreg:$0xb] =	wrdreg s26  }
0x14: {  	s23 =	sadd.s32 $0x5880, s1;
	s24 =	simm.s32 $0x5;
	s25 =	simm.s32 $0x1400  }
0x15: {  	s26 =	simm.s32 $0x80;
	s1 =	simm.s32 $0x2;
	s2 =	simm.s32 $0x1380  }
.LBB2_11:
0x16: {  	[spmem:s3] =	stream.indirect.scatter.add.f32 [tilespmem:s29], [sflag:$0x4], $0x80, s15, s26, $0xb8;
	[tilespmem:$0x1E800] =	vst v63  }
0x17: {  	_ =	swait.ge [sflag:s8], $0x4000  }
0x18: {  	[sflag:s8] =	ssyncset.done $0x0  }
0x19: {  	[sflag:s8] =	ssyncadd.s32 $0xFFFFC000  }
0x1a: {  	[tilespmem:s29], [sflag:$0x2] =	stream.indirect.gather [hbm4b:s6+s26], $0x80, s2, s26, $0xb8;
	[tilespmem:$0x1E800] =	vst v63  }
0x1b: {  	_ =	swait.ge [sflag:s30], $0x4000  }
0x1c: {  	[sflag:s30] =	ssyncset.done $0x0  }
0x1d: {  	[sflag:s30] =	ssyncadd.s32 $0xFFFFC000  }
0x1e: {  	[spmem:s3] =	stream.indirect.scatter.add.f32 [tilespmem:s28], [sflag:$0x3], $0x80, s9, s26, $0xb8;
	[tilespmem:$0x1E800] =	vst v63  }
0x1f: {  	_ =	swait.ge [sflag:s1], $0x4000  }
0x20: {  	[sflag:s1] =	ssyncset.done $0x0  }
0x21: {  	s14 =	rddreg [dreg:$0x5];
	[sflag:s1] =	ssyncadd.s32 $0xFFFFC000  }
0x22: {  	[spmem:s3] =	stream.indirect.scatter.add.f32 [tilespmem:s29], [sflag:$0x4], $0x80, s12, s26, $0xb8;
	[tilespmem:$0x1E800] =	vst v63  }
.LBB2_12:
0x23: {  	_ =	swait.ge [sflag:s31], $0x4000  }
0x24: {  	[sflag:s31] =	ssyncset.done $0x0  }
0x25: {  	[sflag:s31] =	ssyncadd.s32 $0xFFFFC000  }
0x26: {  	s14 =	sadd.s32 s14, s21;
	s15 =	stileid.u32;
	_ =	swait.ge [sflag:s8], $0x4000  }
0x27: {  	s16 =	sshrl.u32 s11, $0x3;
	s13 =	sadd.s32 $0x1, s13;
	[sflag:s8] =	ssyncset.done $0x0  }
0x28: {  	s15 =	sshll.u32 s15, $0x6;
	p1 =	sne.s32 s13, s22;
	[sflag:s8] =	ssyncadd.s32 $0xFFFFC000  }
.Ltmp1:
0x29: {  	s15 =	sor.u32 $0x1C05, s15;
	[bflag:$0x0] =	sbarrier.arrive $0xFFFF;
	(pc) =	sbr.rel @!p1 .LBB2_13-.Ltmp1, $4  }
0x2a: {  	[hbm:s14], [sflag:s15] =	dma.local [spmem:s16], $0x2800  }
0x2b: {  	_ =	swait.ge [sflag:s24], $0x2800  }
0x2c: {  	[sflag:s24] =	ssyncset.done $0x0  }
0x2d: {  	[sflag:s24] =	ssyncadd.s32 $0xFFFFD800  }
.LBB2_1:
0x2e: {  	s14 =	rddreg [dreg:$0x6]  }
0x2f: {  	[tilespmem:s4], [sflag:$0x5] =	stream.linear.gather [hbm4b:s14+s4], $0x1400, $0x38;
	[tilespmem:$0x1E800] =	vst v63  }
0x30: {  	_ =	swait.ge [sflag:s24], $0x1400  }
0x31: {  	[sflag:s24] =	ssyncset.done $0x0  }
.Ltmp2:
0x32: {  	[sflag:s24] =	ssyncadd.s32 $0xFFFFEC00;
	(pc) =	sbr.rel @!p0 .LBB2_2-.Ltmp2, $4  }
0x33: {  	[tilespmem:s25], [sflag:$0x5] =	stream.linear.gather [hbm4b:s10+s4], $0x1400, $0x38;
	[tilespmem:$0x1E800] =	vst v63  }
0x34: {  	_ =	swait.ge [sflag:s24], $0x1400  }
0x35: {  	[sflag:s24] =	ssyncset.done $0x0  }
0x36: {  	[sflag:s24] =	ssyncadd.s32 $0xFFFFEC00  }
0x37: {  	[tilespmem:s28], [sflag:$0x1] =	stream.indirect.gather [hbm4b:s6+s26], $0x80, s4, s26, $0xb8;
	[tilespmem:$0x1E800] =	vst v63  }
0x38: {  	s14 =	rddreg [dreg:$0x1]  }
0x39: {  	[tilespmem:s29], [sflag:$0x5] =	stream.linear.gather [hbm4b:s14+s4], $0x2000, $0x38;
	[tilespmem:$0x1E800] =	vst v63  }
0x3a: {  	_ =	swait.ge [sflag:s24], $0x2000  }
0x3b: {  	[sflag:s24] =	ssyncset.done $0x0  }
0x3c: {  	[sflag:s24] =	ssyncadd.s32 $0xFFFFE000  }
0x3d: {  	[spmem:s11] =	stream.linear.scatter [tilespmem:s29], [sflag:$0x5], $0x2000, $0x38;
	[tilespmem:$0x1E800] =	vst v63  }
0x3e: {  	_ =	swait.ge [sflag:s24], $0x2000  }
0x3f: {  	[sflag:s24] =	ssyncset.done $0x0  }
0x40: {  	s15 =	rddreg [dreg:$0x7];
	[sflag:s24] =	ssyncadd.s32 $0xFFFFE000  }
0x41: {  	[spmem:s15] =	stream.linear.scatter [tilespmem:s29], [sflag:$0x5], $0x2000, $0x38;
	[tilespmem:$0x1E800] =	vst v63  }
0x42: {  	_ =	swait.ge [sflag:s24], $0x2000  }
0x43: {  	[sflag:s24] =	ssyncset.done $0x0  }
0x44: {  	s16 =	rddreg [dreg:$0x8];
	[sflag:s24] =	ssyncadd.s32 $0xFFFFE000  }
0x45: {  	[spmem:s16] =	stream.linear.scatter [tilespmem:s29], [sflag:$0x5], $0x2000, $0x38;
	[tilespmem:$0x1E800] =	vst v63  }
0x46: {  	_ =	swait.ge [sflag:s24], $0x2000  }
0x47: {  	[sflag:s24] =	ssyncset.done $0x0  }
0x48: {  	s15 =	rddreg [dreg:$0x9];
	[sflag:s24] =	ssyncadd.s32 $0xFFFFE000  }
0x49: {  	[spmem:s15] =	stream.linear.scatter [tilespmem:s29], [sflag:$0x5], $0x2000, $0x38;
	[tilespmem:$0x1E800] =	vst v63  }
0x4a: {  	_ =	swait.ge [sflag:s24], $0x2000  }
0x4b: {  	[sflag:s24] =	ssyncset.done $0x0  }
0x4c: {  	s16 =	rddreg [dreg:$0xa];
	[sflag:s24] =	ssyncadd.s32 $0xFFFFE000  }
0x4d: {  	[spmem:s16] =	stream.linear.scatter [tilespmem:s29], [sflag:$0x5], $0x2000, $0x38;
	[tilespmem:$0x1E800] =	vst v63  }
0x4e: {  	_ =	swait.ge [sflag:s24], $0x2000  }
0x4f: {  	[sflag:s24] =	ssyncset.done $0x0  }
0x50: {  	s15 =	rddreg [dreg:$0xb];
	[sflag:s24] =	ssyncadd.s32 $0xFFFFE000  }
0x51: {  	[spmem:s15] =	stream.linear.scatter [tilespmem:s29], [sflag:$0x5], $0x2000, $0x38;
	[tilespmem:$0x1E800] =	vst v63  }
0x52: {  	_ =	swait.ge [sflag:s24], $0x2000  }
0x53: {  	[sflag:s24] =	ssyncset.done $0x0  }
0x54: {  	[sflag:s24] =	ssyncadd.s32 $0xFFFFE000  }
0x55: {  	[spmem:s17] =	stream.linear.scatter [tilespmem:s29], [sflag:$0x5], $0x2000, $0x38;
	[tilespmem:$0x1E800] =	vst v63  }
0x56: {  	_ =	swait.ge [sflag:s24], $0x2000  }
0x57: {  	[sflag:s24] =	ssyncset.done $0x0  }
0x58: {  	[sflag:s24] =	ssyncadd.s32 $0xFFFFE000  }
0x59: {  	[spmem:s18] =	stream.linear.scatter [tilespmem:s29], [sflag:$0x5], $0x2000, $0x38;
	[tilespmem:$0x1E800] =	vst v63  }
0x5a: {  	_ =	swait.ge [sflag:s24], $0x2000  }
0x5b: {  	[sflag:s24] =	ssyncset.done $0x0  }
0x5c: {  	[sflag:s24] =	ssyncadd.s32 $0xFFFFE000  }
0x5d: {  	[spmem:s19] =	stream.linear.scatter [tilespmem:s29], [sflag:$0x5], $0x2000, $0x38;
	[tilespmem:$0x1E800] =	vst v63  }
0x5e: {  	_ =	swait.ge [sflag:s24], $0x2000  }
0x5f: {  	[sflag:s24] =	ssyncset.done $0x0  }
0x60: {  	[sflag:s24] =	ssyncadd.s32 $0xFFFFE000  }
0x61: {  	[spmem:s20] =	stream.linear.scatter [tilespmem:s29], [sflag:$0x5], $0x2000, $0x38;
	[tilespmem:$0x1E800] =	vst v63  }
0x62: {  	_ =	swait.ge [sflag:s24], $0x2000  }
0x63: {  	[sflag:s24] =	ssyncset.done $0x0  }
0x64: {  	[sflag:s24] =	ssyncadd.s32 $0xFFFFE000  }
0x65: {  	[bflag:$0x0] =	sbarrier.arrive $0xFFFF  }
0x66: {  	[tilespmem:s29], [sflag:$0x2] =	stream.indirect.gather [hbm4b:s6+s26], $0x80, s26, s26, $0xb8;
	[tilespmem:$0x1E800] =	vst v63  }
0x67: {  	_ =	swait.ge [sflag:s30], $0x4000  }
0x68: {  	[sflag:s30] =	ssyncset.done $0x0  }
0x69: {  	[sflag:s30] =	ssyncadd.s32 $0xFFFFC000  }
0x6a: {  	[spmem:s3] =	stream.indirect.scatter.add.f32 [tilespmem:s28], [sflag:$0x3], $0x80, s25, s26, $0xb8;
	[tilespmem:$0x1E800] =	vst v63  }
0x6b: {  	_ =	swait.ge [sflag:s31], $0x4000  }
0x6c: {  	[sflag:s31] =	ssyncset.done $0x0  }
0x6d: {  	[sflag:s31] =	ssyncadd.s32 $0xFFFFC000  }
0x6e: {  	[tilespmem:s28], [sflag:$0x1] =	stream.indirect.gather [hbm4b:s6+s26], $0x80, s0, s26, $0xb8;
	[tilespmem:$0x1E800] =	vst v63  }
0x6f: {  	_ =	swait.ge [sflag:s1], $0x4000  }
0x70: {  	[sflag:s1] =	ssyncset.done $0x0  }
0x71: {  	[sflag:s1] =	ssyncadd.s32 $0xFFFFC000  }
0x72: {  	[spmem:s3] =	stream.indirect.scatter.add.f32 [tilespmem:s29], [sflag:$0x4], $0x80, s7, s26, $0xb8;
	[tilespmem:$0x1E800] =	vst v63  }
0x73: {  	_ =	swait.ge [sflag:s8], $0x4000  }
0x74: {  	[sflag:s8] =	ssyncset.done $0x0  }
0x75: {  	s16 =	simm.s32 $0x180;
	[sflag:s8] =	ssyncadd.s32 $0xFFFFC000  }
0x76: {  	[tilespmem:s29], [sflag:$0x2] =	stream.indirect.gather [hbm4b:s6+s26], $0x80, s16, s26, $0xb8;
	[tilespmem:$0x1E800] =	vst v63  }
0x77: {  	_ =	swait.ge [sflag:s30], $0x4000  }
0x78: {  	[sflag:s30] =	ssyncset.done $0x0  }
0x79: {  	s15 =	simm.s32 $0x1500;
	[sflag:s30] =	ssyncadd.s32 $0xFFFFC000  }
0x7a: {  	[spmem:s3] =	stream.indirect.scatter.add.f32 [tilespmem:s28], [sflag:$0x3], $0x80, s15, s26, $0xb8;
	[tilespmem:$0x1E800] =	vst v63  }
0x7b: {  	_ =	swait.ge [sflag:s31], $0x4000  }
0x7c: {  	[sflag:s31] =	ssyncset.done $0x0  }
0x7d: {  	s16 =	simm.s32 $0x200;
	[sflag:s31] =	ssyncadd.s32 $0xFFFFC000  }
0x7e: {  	[tilespmem:s28], [sflag:$0x1] =	stream.indirect.gather [hbm4b:s6+s26], $0x80, s16, s26, $0xb8;
	[tilespmem:$0x1E800] =	vst v63  }
0x7f: {  	_ =	swait.ge [sflag:s1], $0x4000  }
0x80: {  	[sflag:s1] =	ssyncset.done $0x0  }
0x81: {  	s14 =	simm.s32 $0xFFFFBC00;
	s15 =	simm.s32 $0x1580;
	[sflag:s1] =	ssyncadd.s32 $0xFFFFC000  }
.LBB2_8:
0x82: {  	[spmem:s3] =	stream.indirect.scatter.add.f32 [tilespmem:s29], [sflag:$0x4], $0x80, s15, s26, $0xb8;
	[tilespmem:$0x1E800] =	vst v63  }
0x83: {  	s15 =	smov.u32 s14  }
0x84: {  	p1 =	sne.s32 s14, $0xFFFFFC00;
	s14 =	sadd.s32 $0x400, s14;
	_ =	swait.ge [sflag:s8], $0x4000  }
0x85: {  	s15 =	sshra.s32 s15, $0x2;
	[sflag:s8] =	ssyncset.done $0x0  }
0x86: {  	s16 =	sadd.s32 $0x1380, s15;
	[sflag:s8] =	ssyncadd.s32 $0xFFFFC000  }
0x87: {  	[tilespmem:s29], [sflag:$0x2] =	stream.indirect.gather [hbm4b:s6+s26], $0x80, s16, s26, $0xb8;
	[tilespmem:$0x1E800] =	vst v63  }
0x88: {  	_ =	swait.ge [sflag:s30], $0x4000  }
0x89: {  	[sflag:s30] =	ssyncset.done $0x0  }
0x8a: {  	s16 =	sadd.s32 $0x2700, s15;
	[sflag:s30] =	ssyncadd.s32 $0xFFFFC000  }
0x8b: {  	[spmem:s3] =	stream.indirect.scatter.add.f32 [tilespmem:s28], [sflag:$0x3], $0x80, s16, s26, $0xb8;
	[tilespmem:$0x1E800] =	vst v63  }
0x8c: {  	_ =	swait.ge [sflag:s31], $0x4000  }
0x8d: {  	[sflag:s31] =	ssyncset.done $0x0  }
.Ltmp3:
0x8e: {  	s16 =	sadd.s32 $0x1400, s15;
	[sflag:s31] =	ssyncadd.s32 $0xFFFFC000;
	(pc) =	sbr.rel @p1 .LBB2_8-.Ltmp3, $4  }
0x8f: {  	[tilespmem:s28], [sflag:$0x1] =	stream.indirect.gather [hbm4b:s6+s26], $0x80, s16, s26, $0xb8;
	[tilespmem:$0x1E800] =	vst v63  }
0x90: {  	_ =	swait.ge [sflag:s1], $0x4000  }
0x91: {  	[sflag:s1] =	ssyncset.done $0x0  }
0x92: {  	s15 =	sadd.s32 $0x2780, s15;
	[sflag:s1] =	ssyncadd.s32 $0xFFFFC000  }
0x93: {  	[spmem:s3] =	stream.indirect.scatter.add.f32 [tilespmem:s29], [sflag:$0x4], $0x80, s15, s26, $0xb8;
	[tilespmem:$0x1E800] =	vst v63  }
0x94: {  	_ =	swait.ge [sflag:s8], $0x4000  }
0x95: {  	[sflag:s8] =	ssyncset.done $0x0  }
0x96: {  	[sflag:s8] =	ssyncadd.s32 $0xFFFFC000  }
0x97: {  	[tilespmem:s29], [sflag:$0x2] =	stream.indirect.gather [hbm4b:s6+s26], $0x80, s2, s26, $0xb8;
	[tilespmem:$0x1E800] =	vst v63  }
0x98: {  	_ =	swait.ge [sflag:s30], $0x4000  }
0x99: {  	[sflag:s30] =	ssyncset.done $0x0  }
0x9a: {  	[sflag:s30] =	ssyncadd.s32 $0xFFFFC000  }
0x9b: {  	[spmem:s3] =	stream.indirect.scatter.add.f32 [tilespmem:s28], [sflag:$0x3], $0x80, s9, s26, $0xb8;
	[tilespmem:$0x1E800] =	vst v63  }
0x9c: {  	_ =	swait.ge [sflag:s1], $0x4000  }
0x9d: {  	[sflag:s1] =	ssyncset.done $0x0  }
0x9e: {  	[sflag:s1] =	ssyncadd.s32 $0xFFFFC000  }
0x9f: {  	[spmem:s3] =	stream.indirect.scatter.add.f32 [tilespmem:s29], [sflag:$0x4], $0x80, s12, s26, $0xb8;
	[tilespmem:$0x1E800] =	vst v63  }
0xa0: {  	_ =	swait.ge [sflag:s31], $0x4000  }
0xa1: {  	[sflag:s31] =	ssyncset.done $0x0  }
0xa2: {  	[sflag:s31] =	ssyncadd.s32 $0xFFFFC000  }
0xa3: {  	_ =	swait.ge [sflag:s8], $0x4000  }
0xa4: {  	[sflag:s8] =	ssyncset.done $0x0  }
0xa5: {  	[sflag:s8] =	ssyncadd.s32 $0xFFFFC000  }
0xa6: {  	[tilespmem:s4], [sflag:$0x5] =	stream.linear.gather [hbm4b:s23+s4], $0x1400, $0x38;
	[tilespmem:$0x1E800] =	vst v63  }
0xa7: {  	_ =	swait.ge [sflag:s24], $0x1400  }
0xa8: {  	[sflag:s24] =	ssyncset.done $0x0  }
0xa9: {  	s14 =	sadd.s32 $0x280, s10;
	[sflag:s24] =	ssyncadd.s32 $0xFFFFEC00  }
0xaa: {  	[tilespmem:s25], [sflag:$0x5] =	stream.linear.gather [hbm4b:s14+s4], $0x1400, $0x38;
	[tilespmem:$0x1E800] =	vst v63  }
0xab: {  	_ =	swait.ge [sflag:s24], $0x1400  }
0xac: {  	[sflag:s24] =	ssyncset.done $0x0  }
0xad: {  	[sflag:s24] =	ssyncadd.s32 $0xFFFFEC00  }
0xae: {  	[tilespmem:s28], [sflag:$0x1] =	stream.indirect.gather [hbm4b:s6+s26], $0x80, s4, s26, $0xb8;
	[tilespmem:$0x1E800] =	vst v63  }
0xaf: {  	_ = 	snop  }
0xb0: {  	[tilespmem:s29], [sflag:$0x2] =	stream.indirect.gather [hbm4b:s6+s26], $0x80, s26, s26, $0xb8;
	[tilespmem:$0x1E800] =	vst v63  }
0xb1: {  	_ =	swait.ge [sflag:s30], $0x4000  }
0xb2: {  	[sflag:s30] =	ssyncset.done $0x0  }
0xb3: {  	[sflag:s30] =	ssyncadd.s32 $0xFFFFC000  }
0xb4: {  	[spmem:s3] =	stream.indirect.scatter.add.f32 [tilespmem:s28], [sflag:$0x3], $0x80, s25, s26, $0xb8;
	[tilespmem:$0x1E800] =	vst v63  }
0xb5: {  	_ =	swait.ge [sflag:s31], $0x4000  }
0xb6: {  	[sflag:s31] =	ssyncset.done $0x0  }
0xb7: {  	[sflag:s31] =	ssyncadd.s32 $0xFFFFC000  }
0xb8: {  	[tilespmem:s28], [sflag:$0x1] =	stream.indirect.gather [hbm4b:s6+s26], $0x80, s0, s26, $0xb8;
	[tilespmem:$0x1E800] =	vst v63  }
0xb9: {  	_ =	swait.ge [sflag:s1], $0x4000  }
0xba: {  	[sflag:s1] =	ssyncset.done $0x0  }
0xbb: {  	[sflag:s1] =	ssyncadd.s32 $0xFFFFC000  }
0xbc: {  	[spmem:s3] =	stream.indirect.scatter.add.f32 [tilespmem:s29], [sflag:$0x4], $0x80, s7, s26, $0xb8;
	[tilespmem:$0x1E800] =	vst v63  }
0xbd: {  	_ =	swait.ge [sflag:s8], $0x4000  }
0xbe: {  	[sflag:s8] =	ssyncset.done $0x0  }
0xbf: {  	s16 =	simm.s32 $0x180;
	[sflag:s8] =	ssyncadd.s32 $0xFFFFC000  }
0xc0: {  	[tilespmem:s29], [sflag:$0x2] =	stream.indirect.gather [hbm4b:s6+s26], $0x80, s16, s26, $0xb8;
	[tilespmem:$0x1E800] =	vst v63  }
0xc1: {  	_ =	swait.ge [sflag:s30], $0x4000  }
0xc2: {  	[sflag:s30] =	ssyncset.done $0x0  }
0xc3: {  	s15 =	simm.s32 $0x1500;
	[sflag:s30] =	ssyncadd.s32 $0xFFFFC000  }
0xc4: {  	[spmem:s3] =	stream.indirect.scatter.add.f32 [tilespmem:s28], [sflag:$0x3], $0x80, s15, s26, $0xb8;
	[tilespmem:$0x1E800] =	vst v63  }
0xc5: {  	_ =	swait.ge [sflag:s31], $0x4000  }
0xc6: {  	[sflag:s31] =	ssyncset.done $0x0  }
0xc7: {  	s16 =	simm.s32 $0x200;
	[sflag:s31] =	ssyncadd.s32 $0xFFFFC000  }
0xc8: {  	[tilespmem:s28], [sflag:$0x1] =	stream.indirect.gather [hbm4b:s6+s26], $0x80, s16, s26, $0xb8;
	[tilespmem:$0x1E800] =	vst v63  }
0xc9: {  	_ =	swait.ge [sflag:s1], $0x4000  }
0xca: {  	[sflag:s1] =	ssyncset.done $0x0  }
0xcb: {  	s14 =	simm.s32 $0xFFFFBC00;
	s15 =	simm.s32 $0x1580;
	[sflag:s1] =	ssyncadd.s32 $0xFFFFC000  }
.LBB2_10:
0xcc: {  	[spmem:s3] =	stream.indirect.scatter.add.f32 [tilespmem:s29], [sflag:$0x4], $0x80, s15, s26, $0xb8;
	[tilespmem:$0x1E800] =	vst v63  }
0xcd: {  	s15 =	smov.u32 s14  }
0xce: {  	p1 =	sne.s32 s14, $0xFFFFFC00;
	s14 =	sadd.s32 $0x400, s14;
	_ =	swait.ge [sflag:s8], $0x4000  }
0xcf: {  	s15 =	sshra.s32 s15, $0x2;
	[sflag:s8] =	ssyncset.done $0x0  }
0xd0: {  	s16 =	sadd.s32 $0x1380, s15;
	[sflag:s8] =	ssyncadd.s32 $0xFFFFC000  }
0xd1: {  	[tilespmem:s29], [sflag:$0x2] =	stream.indirect.gather [hbm4b:s6+s26], $0x80, s16, s26, $0xb8;
	[tilespmem:$0x1E800] =	vst v63  }
0xd2: {  	_ =	swait.ge [sflag:s30], $0x4000  }
0xd3: {  	[sflag:s30] =	ssyncset.done $0x0  }
0xd4: {  	s16 =	sadd.s32 $0x2700, s15;
	[sflag:s30] =	ssyncadd.s32 $0xFFFFC000  }
0xd5: {  	[spmem:s3] =	stream.indirect.scatter.add.f32 [tilespmem:s28], [sflag:$0x3], $0x80, s16, s26, $0xb8;
	[tilespmem:$0x1E800] =	vst v63  }
0xd6: {  	_ =	swait.ge [sflag:s31], $0x4000  }
0xd7: {  	[sflag:s31] =	ssyncset.done $0x0  }
.Ltmp4:
0xd8: {  	s16 =	sadd.s32 $0x1400, s15;
	[sflag:s31] =	ssyncadd.s32 $0xFFFFC000;
	(pc) =	sbr.rel @p1 .LBB2_10-.Ltmp4, $4  }
0xd9: {  	[tilespmem:s28], [sflag:$0x1] =	stream.indirect.gather [hbm4b:s6+s26], $0x80, s16, s26, $0xb8;
	[tilespmem:$0x1E800] =	vst v63  }
0xda: {  	_ =	swait.ge [sflag:s1], $0x4000  }
0xdb: {  	[sflag:s1] =	ssyncset.done $0x0  }
0xdc: {  	s15 =	sadd.s32 $0x2780, s15;
	[sflag:s1] =	ssyncadd.s32 $0xFFFFC000  }
.Ltmp5:
0xdd: {  	_ = 	snop;
	(pc) =	sbr.rel .LBB2_11-.Ltmp5, $1  }
0xde: {  	_ =	sdelay $0x3  }
.LBB2_2:
0xdf: {  	[tilespmem:s28], [sflag:$0x1] =	stream.indirect.gather [hbm4b:s5+s26], $0x80, s4, s26, $0xb8;
	[tilespmem:$0x1E800] =	vst v63  }
0xe0: {  	s14 =	rddreg [dreg:$0x1]  }
0xe1: {  	[tilespmem:s29], [sflag:$0x5] =	stream.linear.gather [hbm4b:s14+s4], $0x2000, $0x38;
	[tilespmem:$0x1E800] =	vst v63  }
0xe2: {  	_ =	swait.ge [sflag:s24], $0x2000  }
0xe3: {  	[sflag:s24] =	ssyncset.done $0x0  }
0xe4: {  	[sflag:s24] =	ssyncadd.s32 $0xFFFFE000  }
0xe5: {  	[spmem:s11] =	stream.linear.scatter [tilespmem:s29], [sflag:$0x5], $0x2000, $0x38;
	[tilespmem:$0x1E800] =	vst v63  }
0xe6: {  	_ =	swait.ge [sflag:s24], $0x2000  }
0xe7: {  	[sflag:s24] =	ssyncset.done $0x0  }
0xe8: {  	s15 =	rddreg [dreg:$0x7];
	[sflag:s24] =	ssyncadd.s32 $0xFFFFE000  }
0xe9: {  	[spmem:s15] =	stream.linear.scatter [tilespmem:s29], [sflag:$0x5], $0x2000, $0x38;
	[tilespmem:$0x1E800] =	vst v63  }
0xea: {  	_ =	swait.ge [sflag:s24], $0x2000  }
0xeb: {  	[sflag:s24] =	ssyncset.done $0x0  }
0xec: {  	s16 =	rddreg [dreg:$0x8];
	[sflag:s24] =	ssyncadd.s32 $0xFFFFE000  }
0xed: {  	[spmem:s16] =	stream.linear.scatter [tilespmem:s29], [sflag:$0x5], $0x2000, $0x38;
	[tilespmem:$0x1E800] =	vst v63  }
0xee: {  	_ =	swait.ge [sflag:s24], $0x2000  }
0xef: {  	[sflag:s24] =	ssyncset.done $0x0  }
0xf0: {  	s15 =	rddreg [dreg:$0x9];
	[sflag:s24] =	ssyncadd.s32 $0xFFFFE000  }
0xf1: {  	[spmem:s15] =	stream.linear.scatter [tilespmem:s29], [sflag:$0x5], $0x2000, $0x38;
	[tilespmem:$0x1E800] =	vst v63  }
0xf2: {  	_ =	swait.ge [sflag:s24], $0x2000  }
0xf3: {  	[sflag:s24] =	ssyncset.done $0x0  }
0xf4: {  	s16 =	rddreg [dreg:$0xa];
	[sflag:s24] =	ssyncadd.s32 $0xFFFFE000  }
0xf5: {  	[spmem:s16] =	stream.linear.scatter [tilespmem:s29], [sflag:$0x5], $0x2000, $0x38;
	[tilespmem:$0x1E800] =	vst v63  }
0xf6: {  	_ =	swait.ge [sflag:s24], $0x2000  }
0xf7: {  	[sflag:s24] =	ssyncset.done $0x0  }
0xf8: {  	s15 =	rddreg [dreg:$0xb];
	[sflag:s24] =	ssyncadd.s32 $0xFFFFE000  }
0xf9: {  	[spmem:s15] =	stream.linear.scatter [tilespmem:s29], [sflag:$0x5], $0x2000, $0x38;
	[tilespmem:$0x1E800] =	vst v63  }
0xfa: {  	_ =	swait.ge [sflag:s24], $0x2000  }
0xfb: {  	[sflag:s24] =	ssyncset.done $0x0  }
0xfc: {  	[sflag:s24] =	ssyncadd.s32 $0xFFFFE000  }
0xfd: {  	[spmem:s17] =	stream.linear.scatter [tilespmem:s29], [sflag:$0x5], $0x2000, $0x38;
	[tilespmem:$0x1E800] =	vst v63  }
0xfe: {  	_ =	swait.ge [sflag:s24], $0x2000  }
0xff: {  	[sflag:s24] =	ssyncset.done $0x0  }
0x100: {  	[sflag:s24] =	ssyncadd.s32 $0xFFFFE000  }
0x101: {  	[spmem:s18] =	stream.linear.scatter [tilespmem:s29], [sflag:$0x5], $0x2000, $0x38;
	[tilespmem:$0x1E800] =	vst v63  }
0x102: {  	_ =	swait.ge [sflag:s24], $0x2000  }
0x103: {  	[sflag:s24] =	ssyncset.done $0x0  }
0x104: {  	[sflag:s24] =	ssyncadd.s32 $0xFFFFE000  }
0x105: {  	[spmem:s19] =	stream.linear.scatter [tilespmem:s29], [sflag:$0x5], $0x2000, $0x38;
	[tilespmem:$0x1E800] =	vst v63  }
0x106: {  	_ =	swait.ge [sflag:s24], $0x2000  }
0x107: {  	[sflag:s24] =	ssyncset.done $0x0  }
0x108: {  	[sflag:s24] =	ssyncadd.s32 $0xFFFFE000  }
0x109: {  	[spmem:s20] =	stream.linear.scatter [tilespmem:s29], [sflag:$0x5], $0x2000, $0x38;
	[tilespmem:$0x1E800] =	vst v63  }
0x10a: {  	_ =	swait.ge [sflag:s24], $0x2000  }
0x10b: {  	[sflag:s24] =	ssyncset.done $0x0  }
0x10c: {  	[sflag:s24] =	ssyncadd.s32 $0xFFFFE000  }
0x10d: {  	[bflag:$0x0] =	sbarrier.arrive $0xFFFF  }
0x10e: {  	[tilespmem:s29], [sflag:$0x2] =	stream.indirect.gather [hbm4b:s5+s26], $0x80, s26, s26, $0xb8;
	[tilespmem:$0x1E800] =	vst v63  }
0x10f: {  	_ =	swait.ge [sflag:s30], $0x4000  }
0x110: {  	[sflag:s30] =	ssyncset.done $0x0  }
0x111: {  	[sflag:s30] =	ssyncadd.s32 $0xFFFFC000  }
0x112: {  	[spmem:s3] =	stream.indirect.scatter.add.f32 [tilespmem:s28], [sflag:$0x3], $0x80, s25, s26, $0xb8;
	[tilespmem:$0x1E800] =	vst v63  }
0x113: {  	_ =	swait.ge [sflag:s31], $0x4000  }
0x114: {  	[sflag:s31] =	ssyncset.done $0x0  }
0x115: {  	[sflag:s31] =	ssyncadd.s32 $0xFFFFC000  }
0x116: {  	[tilespmem:s28], [sflag:$0x1] =	stream.indirect.gather [hbm4b:s5+s26], $0x80, s0, s26, $0xb8;
	[tilespmem:$0x1E800] =	vst v63  }
0x117: {  	_ =	swait.ge [sflag:s1], $0x4000  }
0x118: {  	[sflag:s1] =	ssyncset.done $0x0  }
0x119: {  	[sflag:s1] =	ssyncadd.s32 $0xFFFFC000  }
0x11a: {  	[spmem:s3] =	stream.indirect.scatter.add.f32 [tilespmem:s29], [sflag:$0x4], $0x80, s7, s26, $0xb8;
	[tilespmem:$0x1E800] =	vst v63  }
0x11b: {  	_ =	swait.ge [sflag:s8], $0x4000  }
0x11c: {  	[sflag:s8] =	ssyncset.done $0x0  }
0x11d: {  	s16 =	simm.s32 $0x180;
	[sflag:s8] =	ssyncadd.s32 $0xFFFFC000  }
0x11e: {  	[tilespmem:s29], [sflag:$0x2] =	stream.indirect.gather [hbm4b:s5+s26], $0x80, s16, s26, $0xb8;
	[tilespmem:$0x1E800] =	vst v63  }
0x11f: {  	_ =	swait.ge [sflag:s30], $0x4000  }
0x120: {  	[sflag:s30] =	ssyncset.done $0x0  }
0x121: {  	s15 =	simm.s32 $0x1500;
	[sflag:s30] =	ssyncadd.s32 $0xFFFFC000  }
0x122: {  	[spmem:s3] =	stream.indirect.scatter.add.f32 [tilespmem:s28], [sflag:$0x3], $0x80, s15, s26, $0xb8;
	[tilespmem:$0x1E800] =	vst v63  }
0x123: {  	_ =	swait.ge [sflag:s31], $0x4000  }
0x124: {  	[sflag:s31] =	ssyncset.done $0x0  }
0x125: {  	s16 =	simm.s32 $0x200;
	[sflag:s31] =	ssyncadd.s32 $0xFFFFC000  }
0x126: {  	[tilespmem:s28], [sflag:$0x1] =	stream.indirect.gather [hbm4b:s5+s26], $0x80, s16, s26, $0xb8;
	[tilespmem:$0x1E800] =	vst v63  }
0x127: {  	_ =	swait.ge [sflag:s1], $0x4000  }
0x128: {  	[sflag:s1] =	ssyncset.done $0x0  }
0x129: {  	s14 =	simm.s32 $0xFFFFBC00;
	s15 =	simm.s32 $0x1580;
	[sflag:s1] =	ssyncadd.s32 $0xFFFFC000  }
.LBB2_3:
0x12a: {  	[spmem:s3] =	stream.indirect.scatter.add.f32 [tilespmem:s29], [sflag:$0x4], $0x80, s15, s26, $0xb8;
	[tilespmem:$0x1E800] =	vst v63  }
0x12b: {  	s15 =	smov.u32 s14  }
0x12c: {  	p1 =	sne.s32 s14, $0xFFFFFC00;
	s14 =	sadd.s32 $0x400, s14;
	_ =	swait.ge [sflag:s8], $0x4000  }
0x12d: {  	s15 =	sshra.s32 s15, $0x2;
	[sflag:s8] =	ssyncset.done $0x0  }
0x12e: {  	s16 =	sadd.s32 $0x1380, s15;
	[sflag:s8] =	ssyncadd.s32 $0xFFFFC000  }
0x12f: {  	[tilespmem:s29], [sflag:$0x2] =	stream.indirect.gather [hbm4b:s5+s26], $0x80, s16, s26, $0xb8;
	[tilespmem:$0x1E800] =	vst v63  }
0x130: {  	_ =	swait.ge [sflag:s30], $0x4000  }
0x131: {  	[sflag:s30] =	ssyncset.done $0x0  }
0x132: {  	s16 =	sadd.s32 $0x2700, s15;
	[sflag:s30] =	ssyncadd.s32 $0xFFFFC000  }
0x133: {  	[spmem:s3] =	stream.indirect.scatter.add.f32 [tilespmem:s28], [sflag:$0x3], $0x80, s16, s26, $0xb8;
	[tilespmem:$0x1E800] =	vst v63  }
0x134: {  	_ =	swait.ge [sflag:s31], $0x4000  }
0x135: {  	[sflag:s31] =	ssyncset.done $0x0  }
.Ltmp6:
0x136: {  	s16 =	sadd.s32 $0x1400, s15;
	[sflag:s31] =	ssyncadd.s32 $0xFFFFC000;
	(pc) =	sbr.rel @p1 .LBB2_3-.Ltmp6, $4  }
0x137: {  	[tilespmem:s28], [sflag:$0x1] =	stream.indirect.gather [hbm4b:s5+s26], $0x80, s16, s26, $0xb8;
	[tilespmem:$0x1E800] =	vst v63  }
0x138: {  	_ =	swait.ge [sflag:s1], $0x4000  }
0x139: {  	[sflag:s1] =	ssyncset.done $0x0  }
0x13a: {  	s15 =	sadd.s32 $0x2780, s15;
	[sflag:s1] =	ssyncadd.s32 $0xFFFFC000  }
0x13b: {  	[spmem:s3] =	stream.indirect.scatter.add.f32 [tilespmem:s29], [sflag:$0x4], $0x80, s15, s26, $0xb8;
	[tilespmem:$0x1E800] =	vst v63  }
0x13c: {  	_ =	swait.ge [sflag:s8], $0x4000  }
0x13d: {  	[sflag:s8] =	ssyncset.done $0x0  }
0x13e: {  	[sflag:s8] =	ssyncadd.s32 $0xFFFFC000  }
0x13f: {  	[tilespmem:s29], [sflag:$0x2] =	stream.indirect.gather [hbm4b:s5+s26], $0x80, s2, s26, $0xb8;
	[tilespmem:$0x1E800] =	vst v63  }
0x140: {  	_ =	swait.ge [sflag:s30], $0x4000  }
0x141: {  	[sflag:s30] =	ssyncset.done $0x0  }
0x142: {  	[sflag:s30] =	ssyncadd.s32 $0xFFFFC000  }
0x143: {  	[spmem:s3] =	stream.indirect.scatter.add.f32 [tilespmem:s28], [sflag:$0x3], $0x80, s9, s26, $0xb8;
	[tilespmem:$0x1E800] =	vst v63  }
0x144: {  	_ =	swait.ge [sflag:s1], $0x4000  }
0x145: {  	[sflag:s1] =	ssyncset.done $0x0  }
0x146: {  	[sflag:s1] =	ssyncadd.s32 $0xFFFFC000  }
0x147: {  	[spmem:s3] =	stream.indirect.scatter.add.f32 [tilespmem:s29], [sflag:$0x4], $0x80, s12, s26, $0xb8;
	[tilespmem:$0x1E800] =	vst v63  }
0x148: {  	_ =	swait.ge [sflag:s31], $0x4000  }
0x149: {  	[sflag:s31] =	ssyncset.done $0x0  }
0x14a: {  	[sflag:s31] =	ssyncadd.s32 $0xFFFFC000  }
0x14b: {  	_ =	swait.ge [sflag:s8], $0x4000  }
0x14c: {  	[sflag:s8] =	ssyncset.done $0x0  }
0x14d: {  	[sflag:s8] =	ssyncadd.s32 $0xFFFFC000  }
0x14e: {  	[tilespmem:s4], [sflag:$0x5] =	stream.linear.gather [hbm4b:s23+s4], $0x1400, $0x38;
	[tilespmem:$0x1E800] =	vst v63  }
0x14f: {  	_ =	swait.ge [sflag:s24], $0x1400  }
0x150: {  	[sflag:s24] =	ssyncset.done $0x0  }
0x151: {  	s14 =	sadd.s32 $0x280, s10;
	[sflag:s24] =	ssyncadd.s32 $0xFFFFEC00  }
0x152: {  	[tilespmem:s25], [sflag:$0x5] =	stream.linear.gather [hbm4b:s14+s4], $0x1400, $0x38;
	[tilespmem:$0x1E800] =	vst v63  }
0x153: {  	_ =	swait.ge [sflag:s24], $0x1400  }
0x154: {  	[sflag:s24] =	ssyncset.done $0x0  }
0x155: {  	[sflag:s24] =	ssyncadd.s32 $0xFFFFEC00  }
0x156: {  	[tilespmem:s28], [sflag:$0x1] =	stream.indirect.gather [hbm4b:s5+s26], $0x80, s4, s26, $0xb8;
	[tilespmem:$0x1E800] =	vst v63  }
0x157: {  	_ = 	snop  }
0x158: {  	[tilespmem:s29], [sflag:$0x2] =	stream.indirect.gather [hbm4b:s5+s26], $0x80, s26, s26, $0xb8;
	[tilespmem:$0x1E800] =	vst v63  }
0x159: {  	_ =	swait.ge [sflag:s30], $0x4000  }
0x15a: {  	[sflag:s30] =	ssyncset.done $0x0  }
0x15b: {  	[sflag:s30] =	ssyncadd.s32 $0xFFFFC000  }
0x15c: {  	[spmem:s3] =	stream.indirect.scatter.add.f32 [tilespmem:s28], [sflag:$0x3], $0x80, s25, s26, $0xb8;
	[tilespmem:$0x1E800] =	vst v63  }
0x15d: {  	_ =	swait.ge [sflag:s31], $0x4000  }
0x15e: {  	[sflag:s31] =	ssyncset.done $0x0  }
0x15f: {  	[sflag:s31] =	ssyncadd.s32 $0xFFFFC000  }
0x160: {  	[tilespmem:s28], [sflag:$0x1] =	stream.indirect.gather [hbm4b:s5+s26], $0x80, s0, s26, $0xb8;
	[tilespmem:$0x1E800] =	vst v63  }
0x161: {  	_ =	swait.ge [sflag:s1], $0x4000  }
0x162: {  	[sflag:s1] =	ssyncset.done $0x0  }
0x163: {  	[sflag:s1] =	ssyncadd.s32 $0xFFFFC000  }
0x164: {  	[spmem:s3] =	stream.indirect.scatter.add.f32 [tilespmem:s29], [sflag:$0x4], $0x80, s7, s26, $0xb8;
	[tilespmem:$0x1E800] =	vst v63  }
0x165: {  	_ =	swait.ge [sflag:s8], $0x4000  }
0x166: {  	[sflag:s8] =	ssyncset.done $0x0  }
0x167: {  	s16 =	simm.s32 $0x180;
	[sflag:s8] =	ssyncadd.s32 $0xFFFFC000  }
0x168: {  	[tilespmem:s29], [sflag:$0x2] =	stream.indirect.gather [hbm4b:s5+s26], $0x80, s16, s26, $0xb8;
	[tilespmem:$0x1E800] =	vst v63  }
0x169: {  	_ =	swait.ge [sflag:s30], $0x4000  }
0x16a: {  	[sflag:s30] =	ssyncset.done $0x0  }
0x16b: {  	s15 =	simm.s32 $0x1500;
	[sflag:s30] =	ssyncadd.s32 $0xFFFFC000  }
0x16c: {  	[spmem:s3] =	stream.indirect.scatter.add.f32 [tilespmem:s28], [sflag:$0x3], $0x80, s15, s26, $0xb8;
	[tilespmem:$0x1E800] =	vst v63  }
0x16d: {  	_ =	swait.ge [sflag:s31], $0x4000  }
0x16e: {  	[sflag:s31] =	ssyncset.done $0x0  }
0x16f: {  	s16 =	simm.s32 $0x200;
	[sflag:s31] =	ssyncadd.s32 $0xFFFFC000  }
0x170: {  	[tilespmem:s28], [sflag:$0x1] =	stream.indirect.gather [hbm4b:s5+s26], $0x80, s16, s26, $0xb8;
	[tilespmem:$0x1E800] =	vst v63  }
0x171: {  	_ =	swait.ge [sflag:s1], $0x4000  }
0x172: {  	[sflag:s1] =	ssyncset.done $0x0  }
0x173: {  	s14 =	simm.s32 $0xFFFFBC00;
	s15 =	simm.s32 $0x1580;
	[sflag:s1] =	ssyncadd.s32 $0xFFFFC000  }
.LBB2_5:
0x174: {  	[spmem:s3] =	stream.indirect.scatter.add.f32 [tilespmem:s29], [sflag:$0x4], $0x80, s15, s26, $0xb8;
	[tilespmem:$0x1E800] =	vst v63  }
0x175: {  	s15 =	smov.u32 s14  }
0x176: {  	p1 =	seq.s32 s14, $0xFFFFFC00;
	s14 =	sadd.s32 $0x400, s14;
	_ =	swait.ge [sflag:s8], $0x4000  }
0x177: {  	s15 =	sshra.s32 s15, $0x2;
	[sflag:s8] =	ssyncset.done $0x0  }
0x178: {  	s16 =	sadd.s32 $0x1380, s15;
	[sflag:s8] =	ssyncadd.s32 $0xFFFFC000  }
0x179: {  	[tilespmem:s29], [sflag:$0x2] =	stream.indirect.gather [hbm4b:s5+s26], $0x80, s16, s26, $0xb8;
	[tilespmem:$0x1E800] =	vst v63  }
0x17a: {  	_ =	swait.ge [sflag:s30], $0x4000  }
0x17b: {  	[sflag:s30] =	ssyncset.done $0x0  }
0x17c: {  	s16 =	sadd.s32 $0x2700, s15;
	[sflag:s30] =	ssyncadd.s32 $0xFFFFC000  }
0x17d: {  	[spmem:s3] =	stream.indirect.scatter.add.f32 [tilespmem:s28], [sflag:$0x3], $0x80, s16, s26, $0xb8;
	[tilespmem:$0x1E800] =	vst v63  }
0x17e: {  	_ =	swait.ge [sflag:s31], $0x4000  }
0x17f: {  	[sflag:s31] =	ssyncset.done $0x0  }
.Ltmp7:
0x180: {  	s16 =	sadd.s32 $0x1400, s15;
	[sflag:s31] =	ssyncadd.s32 $0xFFFFC000;
	(pc) =	sbr.rel @!p1 .LBB2_5-.Ltmp7, $4  }
0x181: {  	[tilespmem:s28], [sflag:$0x1] =	stream.indirect.gather [hbm4b:s5+s26], $0x80, s16, s26, $0xb8;
	[tilespmem:$0x1E800] =	vst v63  }
0x182: {  	_ =	swait.ge [sflag:s1], $0x4000  }
0x183: {  	[sflag:s1] =	ssyncset.done $0x0  }
0x184: {  	s15 =	sadd.s32 $0x2780, s15;
	[sflag:s1] =	ssyncadd.s32 $0xFFFFC000  }
0x185: {  	[spmem:s3] =	stream.indirect.scatter.add.f32 [tilespmem:s29], [sflag:$0x4], $0x80, s15, s26, $0xb8;
	[tilespmem:$0x1E800] =	vst v63  }
0x186: {  	_ =	swait.ge [sflag:s8], $0x4000  }
0x187: {  	[sflag:s8] =	ssyncset.done $0x0  }
0x188: {  	[sflag:s8] =	ssyncadd.s32 $0xFFFFC000  }
0x189: {  	[tilespmem:s29], [sflag:$0x2] =	stream.indirect.gather [hbm4b:s5+s26], $0x80, s2, s26, $0xb8;
	[tilespmem:$0x1E800] =	vst v63  }
0x18a: {  	_ =	swait.ge [sflag:s30], $0x4000  }
0x18b: {  	[sflag:s30] =	ssyncset.done $0x0  }
0x18c: {  	[sflag:s30] =	ssyncadd.s32 $0xFFFFC000  }
0x18d: {  	[spmem:s3] =	stream.indirect.scatter.add.f32 [tilespmem:s28], [sflag:$0x3], $0x80, s9, s26, $0xb8;
	[tilespmem:$0x1E800] =	vst v63  }
.Ltmp8:
0x18e: {  	_ = 	snop;
	(pc) =	sbr.rel .LBB2_12-.Ltmp8, $4  }
0x18f: {  	_ =	swait.ge [sflag:s1], $0x4000  }
0x190: {  	[sflag:s1] =	ssyncset.done $0x0  }
0x191: {  	s14 =	rddreg [dreg:$0x4];
	[sflag:s1] =	ssyncadd.s32 $0xFFFFC000  }
0x192: {  	[spmem:s3] =	stream.indirect.scatter.add.f32 [tilespmem:s29], [sflag:$0x4], $0x80, s12, s26, $0xb8;
	[tilespmem:$0x1E800] =	vst v63  }
.LBB2_13:
0x193: {  	_ =	sfence.sel $0x180000  }
0x194: {  	[bflag:$0x0] =	sbarrier.arrive $0xFFFF  }
0x195: {  	_ =	strace $0x90000047  }
0x196: {  	s0 =	stileid.u32;
	[bflag:$0x2] =	sbarrier.arrive $0xFFFF  }
0x197: {  	p0 =	sne.s32 s0, $0x0;
	s0 =	rddreg [dreg:$0x3]  }
0x198: {  	s0 =	sadd.s32 @!p0 $0x100000, s0  }
0x199: {  	[sflag:s0] =	ssyncadd.tile.s32 @!p0 $0x1;
	_ =	shalt  }
.Lfunc_end2:
_tile_overlayer_lowered:
.L_overlay_start_2:
0x19a: {  	(tag) =	ssettag $0x2  }
0x19b: {  	s0 =	rddreg [dreg:$0x0];
	s2 =	stileid.u32  }
0x19c: {  	s1 =	rddreg [dreg:$0x1];
	p0 =	sne.s32 s2, $0x0  }
0x19d: {  	s3 =	rddreg [dreg:$0x2];
	[bflag:$0x3] =	sbarrier.arrive $0xFFFF;
	s2 =	simm.s32 @!p0 $0x1C05  }
0x19e: {  	[timem:s3], [sflag:s2] =	dma.local @!p0 [hbm:s0], s1  }
0x19f: {  	s0 =	simm.s32 @!p0 $0x5  }
0x1a0: {  	_ =	swait.ge @!p0 [sflag:s0], s1  }
0x1a1: {  	s1 =	ssub.s32 @!p0 $0x0, s1;
	[sflag:s0] =	ssyncset.done @!p0 $0x0  }
0x1a2: {  	[sflag:s0] =	ssyncadd.s32 @!p0 s1  }
0x1a3: {  	[bflag:$0x3] =	sbarrier.arrive $0xFFFF  }
0x1a4: {  	_ =	shalt  }

</sc_bundles>
